<compile_context>
chip_gen: v7x
topology: tpu7x:2x2x1
jax: 0.10.2.dev20260603
libtpu: 0.0.44.dev20260713+nightly
codegen_flags: <defaults>
</compile_context>

<pallas_src>
import functools

import jax
import jax.numpy as jnp
from jax import lax
from jax.experimental import pallas as pl
from jax.experimental.pallas import tpu as pltpu
from jax.experimental.pallas import tpu_sc as plsc

N = 10000
E = 320000
D_IN = 128
H = 512
D_OUT = 128

NC = 2
NS = 16
NW = NC * NS

K = 128
CH = 79
EPT = CH * K
E_PAD = NW * EPT
NP = 10240
RS = NP // NS
SK = 128
RB = RS // SK

_MESH = plsc.VectorSubcoreMesh(
    core_axis_name="c", subcore_axis_name="s", num_cores=NC, num_subcores=NS
)

_F32 = jnp.float32



def _deg_body(dstm, ones_h, z1, degp, acc, dst_all, ones_v, stage, sem):
    del sem
    cid = lax.axis_index("c")
    sid = lax.axis_index("s")
    wid = sid * NC + cid
    off = pl.multiple_of(sid * RS, 8)
    pltpu.sync_copy(dstm.at[wid], dst_all)
    pltpu.sync_copy(ones_h, ones_v)
    pltpu.sync_copy(z1, stage)
    pltpu.sync_copy(stage, acc.at[pl.ds(off, RS)])
    plsc.subcore_barrier()

    @pl.loop(0, CH)
    def _chunk(c):
        pltpu.sync_copy(ones_v, acc.at[dst_all.at[c]], add=True)

    plsc.subcore_barrier()
    pltpu.sync_copy(acc.at[pl.ds(off, RS)], stage)
    pltpu.sync_copy(stage,
                    degp.at[pl.ds(pl.multiple_of(cid * NP + off, 8), RS)])


_DEG = pl.kernel(
    _deg_body,
    out_type=jax.ShapeDtypeStruct((NC * NP,), _F32),
    mesh=_MESH,
    scratch_types=[
        pltpu.VMEM_SHARED((NP,), _F32),
        pltpu.VMEM((CH, K), jnp.int32),
        pltpu.VMEM((K,), _F32),
        pltpu.VMEM((RS,), _F32),
        pltpu.SemaphoreType.DMA,
    ],
)


def _agg_body(nblk, *refs):
    tabs = refs[:nblk]
    srcm, dstm, z2 = refs[nblk:nblk + 3]
    outs = refs[nblk + 3:2 * nblk + 3]
    acc, src_all, dst_all, r0, sem0 = refs[2 * nblk + 3:]
    cid = lax.axis_index("c")
    sid = lax.axis_index("s")
    wid = sid * NC + cid
    off = pl.multiple_of(sid * RS, 8)
    pltpu.sync_copy(srcm.at[wid], src_all)
    pltpu.sync_copy(dstm.at[wid], dst_all)
    for b in range(nblk):
        tab = tabs[b]
        pltpu.sync_copy(z2, r0)
        for j in range(RB):
            pltpu.sync_copy(
                r0, acc.at[pl.ds(pl.multiple_of(off + j * SK, 8), SK)])
        plsc.subcore_barrier()

        @pl.loop(0, CH)
        def _chunk(c):
            pltpu.async_copy(tab.at[src_all.at[c]], r0, sem0).wait()
            pltpu.sync_copy(r0, acc.at[dst_all.at[c]], add=True)

        plsc.subcore_barrier()
        for j in range(RB):
            joff = pl.multiple_of(off + j * SK, 8)
            pltpu.sync_copy(acc.at[pl.ds(joff, SK)], r0)
            pltpu.sync_copy(r0, outs[b].at[cid, pl.ds(joff, SK)])


def _make_agg(nblk):
    return pl.kernel(
        functools.partial(_agg_body, nblk),
        out_type=[jax.ShapeDtypeStruct((NC, NP, 128), _F32)] * nblk,
        mesh=_MESH,
        scratch_types=[
            pltpu.VMEM_SHARED((NP, 128), _F32),
            pltpu.VMEM((CH, K), jnp.int32),
            pltpu.VMEM((CH, K), jnp.int32),
            pltpu.VMEM((K, 128), _F32),
            pltpu.SemaphoreType.DMA,
        ],
    )


_AGG1 = _make_agg(1)
_AGG4 = _make_agg(4)



_GRID = NP // K


def _dinv_block(degp_t_ref):
    deg = degp_t_ref[:, 0:1] + degp_t_ref[:, 1:2] + 1.0
    return lax.rsqrt(deg)


def _tc1_body(degp_t, x, o):
    o[...] = x[...] * _dinv_block(degp_t)


def _tc2_body(degp_t, p, xs, w1, b1, o0, o1, o2, o3):
    dinv = _dinv_block(degp_t)
    y1 = (p[0] + p[1] + xs[...]) * dinv
    h1 = jax.nn.relu(
        jnp.dot(y1, w1[...], preferred_element_type=_F32) + b1[...])
    hs = h1 * dinv
    o0[...] = hs[:, 0:128]
    o1[...] = hs[:, 128:256]
    o2[...] = hs[:, 256:384]
    o3[...] = hs[:, 384:512]


def _tc3_body(degp_t, q0, q1, q2, q3, t0, t1, t2, t3, w2, b2, w3, o):
    dinv = _dinv_block(degp_t)
    y2 = jnp.concatenate(
        [(q0[0] + q0[1] + t0[...]) * dinv,
         (q1[0] + q1[1] + t1[...]) * dinv,
         (q2[0] + q2[1] + t2[...]) * dinv,
         (q3[0] + q3[1] + t3[...]) * dinv], axis=1)
    h2 = jax.nn.relu(
        jnp.dot(y2, w2[...], preferred_element_type=_F32) + b2[...])
    g = jnp.dot(h2, w3[...], preferred_element_type=_F32)
    o[...] = g * dinv


def _tc4_body(degp_t, p, gs, b3, o):
    dinv = _dinv_block(degp_t)
    o[...] = (p[0] + p[1] + gs[...]) * dinv + b3[...]


def _row_spec(shape_prefix=()):
    nd = len(shape_prefix)
    return pl.BlockSpec(shape_prefix + (K, 128),
                        lambda i, nd=nd: (0,) * nd + (i, 0))


_DEGP_SPEC = pl.BlockSpec((K, NC), lambda i: (i, 0))


def _full_spec(shape):
    nd = len(shape)
    return pl.BlockSpec(shape, lambda i, nd=nd: (0,) * nd)


def _tc1(degp_t, x_pad):
    return pl.pallas_call(
        _tc1_body,
        grid=(_GRID,),
        in_specs=[_DEGP_SPEC, _row_spec()],
        out_specs=_row_spec(),
        out_shape=jax.ShapeDtypeStruct((NP, 128), _F32),
    )(degp_t, x_pad)


def _tc2(degp_t, p1, xs, w1, b1):
    return pl.pallas_call(
        _tc2_body,
        grid=(_GRID,),
        in_specs=[_DEGP_SPEC, _row_spec((NC,)), _row_spec(),
                  _full_spec((D_IN, H)), _full_spec((1, H))],
        out_specs=[_row_spec()] * 4,
        out_shape=[jax.ShapeDtypeStruct((NP, 128), _F32)] * 4,
    )(degp_t, p1, xs, w1, b1)


def _tc3(degp_t, p2, h1s4, w2, b2, w3):
    return pl.pallas_call(
        _tc3_body,
        grid=(_GRID,),
        in_specs=[_DEGP_SPEC] + [_row_spec((NC,))] * 4 + [_row_spec()] * 4 +
                 [_full_spec((H, H)), _full_spec((1, H)),
                  _full_spec((H, D_OUT))],
        out_specs=_row_spec(),
        out_shape=jax.ShapeDtypeStruct((NP, 128), _F32),
    )(degp_t, *p2, *h1s4, w2, b2, w3)


def _tc4(degp_t, p3, gs, b3):
    return pl.pallas_call(
        _tc4_body,
        grid=((N + K - 1) // K,),
        in_specs=[_DEGP_SPEC, _row_spec((NC,)), _row_spec(),
                  _full_spec((1, D_OUT))],
        out_specs=_row_spec(),
        out_shape=jax.ShapeDtypeStruct((N, 128), _F32),
    )(degp_t, p3, gs, b3)



def kernel(x, edge_index, W1, b1, W2, b2, W3, b3):
    src = edge_index[0]
    dst = edge_index[1]
    pad_idx = jnp.full((E_PAD - E,), N, jnp.int32)
    srcm = jnp.concatenate([src, pad_idx]).reshape(NW, CH, K)
    dstm = jnp.concatenate([dst, pad_idx]).reshape(NW, CH, K)
    ones_k = jnp.ones((K,), _F32)
    z1 = jnp.zeros((RS,), _F32)
    z2 = jnp.zeros((SK, 128), _F32)
    x_pad = jnp.pad(x, ((0, NP - N), (0, 0)))

    degp = _DEG(dstm, ones_k, z1)
    degp_t = degp.reshape(NC, NP).T

    xs = _tc1(degp_t, x_pad)
    p1 = _AGG1(xs, srcm, dstm, z2)[0]
    h1s4 = _tc2(degp_t, p1, xs, W1, b1.reshape(1, H))
    p2 = _AGG4(*h1s4, srcm, dstm, z2)
    gs = _tc3(degp_t, p2, h1s4, W2, b2.reshape(1, H), W3)
    p3 = _AGG1(gs, srcm, dstm, z2)[0]
    return _tc4(degp_t, p3, gs, b3.reshape(1, D_OUT))

# --- scband reference (transcript-rebuilt; emitter-appended) ---
"""Pipeline reference for scband-gcnencoder-77318001262841 (READ-ONLY COPY).

The authoritative reference and input builder live on the scoring server;
editing this copy changes nothing except your own understanding.
"""

import jax, jax.numpy as jnp
import numpy as np

N = 10000
E = 320000
D_IN = 128
H = 512
D_OUT = 128


def setup_inputs(seed: int = 0) -> dict:
    key = jax.random.key(seed)
    ks = jax.random.split(key, 9)
    x = jax.random.normal(ks[0], (N, D_IN), dtype=jnp.float32)
    edge_index = jax.random.randint(ks[1], (2, E), 0, N, dtype=jnp.int32)
    W1 = jax.random.normal(ks[2], (D_IN, H), dtype=jnp.float32) * (1.0 / np.sqrt(D_IN))
    b1 = jnp.zeros((H,), dtype=jnp.float32)
    W2 = jax.random.normal(ks[3], (H, H), dtype=jnp.float32) * (1.0 / np.sqrt(H))
    b2 = jnp.zeros((H,), dtype=jnp.float32)
    W3 = jax.random.normal(ks[4], (H, D_OUT), dtype=jnp.float32) * (1.0 / np.sqrt(H))
    b3 = jnp.zeros((D_OUT,), dtype=jnp.float32)
    return {"x": x, "edge_index": edge_index, "W1": W1, "b1": b1, "W2": W2, "b2": b2, "W3": W3, "b3": b3}


def _gcn_conv(x, src, dst, norm, W, b, n):
    # linear transform then symmetric-normalized scatter-add aggregation
    h = x @ W
    msgs = h[src] * norm[:, None]
    out = jax.ops.segment_sum(msgs, dst, num_segments=n)
    return out + b


def reference(x, edge_index, W1, b1, W2, b2, W3, b3):
    src = edge_index[0]
    dst = edge_index[1]
    loop = jnp.arange(N, dtype=src.dtype)
    src_f = jnp.concatenate([src, loop])
    dst_f = jnp.concatenate([dst, loop])
    # gcn_norm with added self-loops (edge_weight = 1)
    deg = jax.ops.segment_sum(jnp.ones((E + N,), dtype=jnp.float32), dst_f, num_segments=N)
    dinv = jnp.where(deg > 0, 1.0 / jnp.sqrt(deg), 0.0)
    norm = dinv[src_f] * dinv[dst_f]
    h = jax.nn.relu(_gcn_conv(x, src_f, dst_f, norm, W1, b1, N))
    h = jax.nn.relu(_gcn_conv(h, src_f, dst_f, norm, W2, b2, N))
    return _gcn_conv(h, src_f, dst_f, norm, W3, b3, N)

if __name__ == "__main__":
    import jax
    _d = setup_inputs()
    print(jax.jit(kernel)(*tuple(_d.values())))

</pallas_src>

<mosaic_0001>
#map = affine_map<(d0, d1) -> (0, 0, 0)>
#map1 = affine_map<(d0, d1) -> (0)>
module attributes {stable_mosaic.version = 14 : i64} {
  func.func @_deg_body(%arg0: i32, %arg1: i32, %arg2: memref<32x79x128xi32, #tpu.memory_space<hbm>>, %arg3: memref<128xf32, #tpu.memory_space<hbm>>, %arg4: memref<640xf32, #tpu.memory_space<hbm>>, %arg5: memref<20480xf32, #tpu.memory_space<hbm>>, %arg6: memref<10240xf32, #tpu.memory_space<vmem_shared>>, %arg7: memref<79x128xi32, #tpu.memory_space<vmem>>, %arg8: memref<128xf32, #tpu.memory_space<vmem>>, %arg9: memref<640xf32, #tpu.memory_space<vmem>>, %arg10: memref<!tpu.dma_semaphore, #tpu.memory_space<semaphore_mem>>) attributes {dimension_semantics = [#tpu.dimension_semantics<core_parallel>, #tpu.dimension_semantics<subcore_parallel>], iteration_bounds = array<i64: 2, 16>, scalar_prefetch = 0 : i64, scratch_operands = 5 : i64, tpu.core_type = #tpu.core_type<sc_vector_subcore>, window_params = [{transform_indices = #map}, {transform_indices = #map1}, {transform_indices = #map1}, {transform_indices = #map1}]} {
    %mul3A = arith.constant 2 : i32
    %mul3A_0 = arith.muli %arg1, %mul3A : i32
    %add3A = arith.addi %mul3A_0, %arg0 : i32
    %mul3A_1 = arith.constant 640 : i32
    %mul3A_2 = arith.muli %arg1, %mul3A_1 : i32
    %multiple_of3A = tpu.assume_multiple %mul3A_2, 8 : i32
    "tpu.region"() ({
      %run_scoped3A = tpu.sem_alloc : memref<!tpu.dma_semaphore, #tpu.memory_space<semaphore_mem>>
      %dma_start3A = arith.constant 0 : i32
      %dma_start3A_12 = arith.constant 0 : i32
      %dma_start3A_13 = tpu.memref_slice %arg2[%add3A, %dma_start3A, %dma_start3A_12] : memref<32x79x128xi32, #tpu.memory_space<hbm>> -> memref<1x79x128xi32, #tpu.memory_space<hbm>>
      %dma_start3A_14 = tpu.memref_squeeze %dma_start3A_13 : memref<1x79x128xi32, #tpu.memory_space<hbm>> -> memref<79x128xi32, #tpu.memory_space<hbm>>
      %dma_start3A_15 = arith.constant 0 : i32
      %dma_start3A_16 = arith.constant 0 : i32
      %dma_start3A_17 = tpu.memref_slice %arg2[%add3A, %dma_start3A_15, %dma_start3A_16] : memref<32x79x128xi32, #tpu.memory_space<hbm>> -> memref<1x79x128xi32, #tpu.memory_space<hbm>>
      %dma_start3A_18 = tpu.memref_squeeze %dma_start3A_17 : memref<1x79x128xi32, #tpu.memory_space<hbm>> -> memref<79x128xi32, #tpu.memory_space<hbm>>
      tpu.enqueue_dma source(%dma_start3A_18 : memref<79x128xi32, #tpu.memory_space<hbm>>) target(%arg7 : memref<79x128xi32, #tpu.memory_space<vmem>>) target_semaphore(%run_scoped3A : memref<!tpu.dma_semaphore, #tpu.memory_space<semaphore_mem>>)
      %dma_wait3A = arith.constant 0 : i32
      %dma_wait3A_19 = arith.constant 0 : i32
      %dma_wait3A_20 = tpu.memref_slice %arg2[%add3A, %dma_wait3A, %dma_wait3A_19] : memref<32x79x128xi32, #tpu.memory_space<hbm>> -> memref<1x79x128xi32, #tpu.memory_space<hbm>>
      %dma_wait3A_21 = tpu.memref_squeeze %dma_wait3A_20 : memref<1x79x128xi32, #tpu.memory_space<hbm>> -> memref<79x128xi32, #tpu.memory_space<hbm>>
      %dma_wait3A_22 = arith.constant 0 : i32
      %dma_wait3A_23 = arith.constant 0 : i32
      %dma_wait3A_24 = tpu.memref_slice %arg2[%add3A, %dma_wait3A_22, %dma_wait3A_23] : memref<32x79x128xi32, #tpu.memory_space<hbm>> -> memref<1x79x128xi32, #tpu.memory_space<hbm>>
      %dma_wait3A_25 = tpu.memref_squeeze %dma_wait3A_24 : memref<1x79x128xi32, #tpu.memory_space<hbm>> -> memref<79x128xi32, #tpu.memory_space<hbm>>
      tpu.wait_dma2 semaphore(%run_scoped3A : memref<!tpu.dma_semaphore, #tpu.memory_space<semaphore_mem>>) src(%dma_wait3A_25 : memref<79x128xi32, #tpu.memory_space<hbm>>) dst(%arg7 : memref<79x128xi32, #tpu.memory_space<vmem>>)
      tpu.yield
    }) : () -> ()
    "tpu.region"() ({
      %run_scoped3A = tpu.sem_alloc : memref<!tpu.dma_semaphore, #tpu.memory_space<semaphore_mem>>
      tpu.enqueue_dma source(%arg3 : memref<128xf32, #tpu.memory_space<hbm>>) target(%arg8 : memref<128xf32, #tpu.memory_space<vmem>>) target_semaphore(%run_scoped3A : memref<!tpu.dma_semaphore, #tpu.memory_space<semaphore_mem>>)
      tpu.wait_dma2 semaphore(%run_scoped3A : memref<!tpu.dma_semaphore, #tpu.memory_space<semaphore_mem>>) src(%arg3 : memref<128xf32, #tpu.memory_space<hbm>>) dst(%arg8 : memref<128xf32, #tpu.memory_space<vmem>>)
      tpu.yield
    }) : () -> ()
    "tpu.region"() ({
      %run_scoped3A = tpu.sem_alloc : memref<!tpu.dma_semaphore, #tpu.memory_space<semaphore_mem>>
      tpu.enqueue_dma source(%arg4 : memref<640xf32, #tpu.memory_space<hbm>>) target(%arg9 : memref<640xf32, #tpu.memory_space<vmem>>) target_semaphore(%run_scoped3A : memref<!tpu.dma_semaphore, #tpu.memory_space<semaphore_mem>>)
      tpu.wait_dma2 semaphore(%run_scoped3A : memref<!tpu.dma_semaphore, #tpu.memory_space<semaphore_mem>>) src(%arg4 : memref<640xf32, #tpu.memory_space<hbm>>) dst(%arg9 : memref<640xf32, #tpu.memory_space<vmem>>)
      tpu.yield
    }) : () -> ()
    "tpu.region"() ({
      %run_scoped3A = tpu.sem_alloc : memref<!tpu.dma_semaphore, #tpu.memory_space<semaphore_mem>>
      %dma_start3A = tpu.memref_slice %arg6[%multiple_of3A] : memref<10240xf32, #tpu.memory_space<vmem_shared>> -> memref<640xf32, #tpu.memory_space<vmem_shared>>
      %dma_start3A_12 = tpu.memref_slice %arg6[%multiple_of3A] : memref<10240xf32, #tpu.memory_space<vmem_shared>> -> memref<640xf32, #tpu.memory_space<vmem_shared>>
      tpu.enqueue_dma source(%arg9 : memref<640xf32, #tpu.memory_space<vmem>>) target(%dma_start3A_12 : memref<640xf32, #tpu.memory_space<vmem_shared>>) target_semaphore(%run_scoped3A : memref<!tpu.dma_semaphore, #tpu.memory_space<semaphore_mem>>)
      %dma_wait3A = tpu.memref_slice %arg6[%multiple_of3A] : memref<10240xf32, #tpu.memory_space<vmem_shared>> -> memref<640xf32, #tpu.memory_space<vmem_shared>>
      %dma_wait3A_13 = tpu.memref_slice %arg6[%multiple_of3A] : memref<10240xf32, #tpu.memory_space<vmem_shared>> -> memref<640xf32, #tpu.memory_space<vmem_shared>>
      tpu.wait_dma2 semaphore(%run_scoped3A : memref<!tpu.dma_semaphore, #tpu.memory_space<semaphore_mem>>) src(%arg9 : memref<640xf32, #tpu.memory_space<vmem>>) dst(%dma_wait3A_13 : memref<640xf32, #tpu.memory_space<vmem_shared>>)
      tpu.yield
    }) : () -> ()
    %barrier3A = arith.constant 0 : index
    tpu.barrier barrier_id(%barrier3A)
    %scan3A = arith.constant 0 : i32
    %scan3A_3 = arith.constant 79 : i32
    %scan3A_4 = arith.addi %scan3A, %scan3A_3 : i32
    %scan3A_5 = arith.constant 1 : i32
    scf.for %scan3A_12 = %scan3A to %scan3A_4 step %scan3A_5  : i32 {
      %mul3A_13 = arith.constant 1 : i32
      %mul3A_14 = arith.muli %scan3A_12, %mul3A_13 : i32
      %add3A_15 = arith.constant 0 : i32
      %add3A_16 = arith.addi %add3A_15, %mul3A_14 : i32
      "tpu.region"() ({
        %run_scoped3A = tpu.sem_alloc : memref<!tpu.dma_semaphore, #tpu.memory_space<semaphore_mem>>
        %dma_start3A = arith.constant 0 : i32
        %dma_start3A_17 = tpu.memref_slice %arg7[%add3A_16, %dma_start3A] : memref<79x128xi32, #tpu.memory_space<vmem>> -> memref<1x128xi32, #tpu.memory_space<vmem>>
        %dma_start3A_18 = tpu.memref_squeeze %dma_start3A_17 : memref<1x128xi32, #tpu.memory_space<vmem>> -> memref<128xi32, #tpu.memory_space<vmem>>
        %dma_start3A_19 = arith.constant 0 : i32
        %dma_start3A_20 = tpu.memref_slice %arg6[%dma_start3A_19] : memref<10240xf32, #tpu.memory_space<vmem_shared>> -> memref<10240xf32, #tpu.memory_space<vmem_shared>>
        tpu.enqueue_indirect_dma source(%arg8 : memref<128xf32, #tpu.memory_space<vmem>>) target(%dma_start3A_20 : memref<10240xf32, #tpu.memory_space<vmem_shared>>) offsets(%dma_start3A_18 : memref<128xi32, #tpu.memory_space<vmem>>) semaphore(%run_scoped3A : memref<!tpu.dma_semaphore, #tpu.memory_space<semaphore_mem>>) {add = true}
        %dma_wait3A = arith.constant 0 : i32
        %dma_wait3A_21 = tpu.memref_slice %arg7[%add3A_16, %dma_wait3A] : memref<79x128xi32, #tpu.memory_space<vmem>> -> memref<1x128xi32, #tpu.memory_space<vmem>>
        %dma_wait3A_22 = tpu.memref_squeeze %dma_wait3A_21 : memref<1x128xi32, #tpu.memory_space<vmem>> -> memref<128xi32, #tpu.memory_space<vmem>>
        %dma_wait3A_23 = arith.constant 0 : i32
        %dma_wait3A_24 = tpu.memref_slice %arg6[%dma_wait3A_23] : memref<10240xf32, #tpu.memory_space<vmem_shared>> -> memref<10240xf32, #tpu.memory_space<vmem_shared>>
        tpu.wait_indirect_dma semaphore(%run_scoped3A : memref<!tpu.dma_semaphore, #tpu.memory_space<semaphore_mem>>) src(%arg8 : memref<128xf32, #tpu.memory_space<vmem>>) dst(%dma_wait3A_24 : memref<10240xf32, #tpu.memory_space<vmem_shared>>)
        tpu.yield
      }) : () -> ()
    }
    %scan3A_6 = arith.constant 79 : i32
    %barrier3A_7 = arith.constant 0 : index
    tpu.barrier barrier_id(%barrier3A_7)
    "tpu.region"() ({
      %run_scoped3A = tpu.sem_alloc : memref<!tpu.dma_semaphore, #tpu.memory_space<semaphore_mem>>
      %dma_start3A = tpu.memref_slice %arg6[%multiple_of3A] : memref<10240xf32, #tpu.memory_space<vmem_shared>> -> memref<640xf32, #tpu.memory_space<vmem_shared>>
      %dma_start3A_12 = tpu.memref_slice %arg6[%multiple_of3A] : memref<10240xf32, #tpu.memory_space<vmem_shared>> -> memref<640xf32, #tpu.memory_space<vmem_shared>>
      tpu.enqueue_dma source(%dma_start3A_12 : memref<640xf32, #tpu.memory_space<vmem_shared>>) target(%arg9 : memref<640xf32, #tpu.memory_space<vmem>>) target_semaphore(%run_scoped3A : memref<!tpu.dma_semaphore, #tpu.memory_space<semaphore_mem>>)
      %dma_wait3A = tpu.memref_slice %arg6[%multiple_of3A] : memref<10240xf32, #tpu.memory_space<vmem_shared>> -> memref<640xf32, #tpu.memory_space<vmem_shared>>
      %dma_wait3A_13 = tpu.memref_slice %arg6[%multiple_of3A] : memref<10240xf32, #tpu.memory_space<vmem_shared>> -> memref<640xf32, #tpu.memory_space<vmem_shared>>
      tpu.wait_dma2 semaphore(%run_scoped3A : memref<!tpu.dma_semaphore, #tpu.memory_space<semaphore_mem>>) src(%dma_wait3A_13 : memref<640xf32, #tpu.memory_space<vmem_shared>>) dst(%arg9 : memref<640xf32, #tpu.memory_space<vmem>>)
      tpu.yield
    }) : () -> ()
    %mul3A_8 = arith.constant 10240 : i32
    %mul3A_9 = arith.muli %arg0, %mul3A_8 : i32
    %add3A_10 = arith.addi %mul3A_9, %multiple_of3A : i32
    %multiple_of3A_11 = tpu.assume_multiple %add3A_10, 8 : i32
    "tpu.region"() ({
      %run_scoped3A = tpu.sem_alloc : memref<!tpu.dma_semaphore, #tpu.memory_space<semaphore_mem>>
      %dma_start3A = tpu.memref_slice %arg5[%multiple_of3A_11] : memref<20480xf32, #tpu.memory_space<hbm>> -> memref<640xf32, #tpu.memory_space<hbm>>
      %dma_start3A_12 = tpu.memref_slice %arg5[%multiple_of3A_11] : memref<20480xf32, #tpu.memory_space<hbm>> -> memref<640xf32, #tpu.memory_space<hbm>>
      tpu.enqueue_dma source(%arg9 : memref<640xf32, #tpu.memory_space<vmem>>) target(%dma_start3A_12 : memref<640xf32, #tpu.memory_space<hbm>>) target_semaphore(%run_scoped3A : memref<!tpu.dma_semaphore, #tpu.memory_space<semaphore_mem>>)
      %dma_wait3A = tpu.memref_slice %arg5[%multiple_of3A_11] : memref<20480xf32, #tpu.memory_space<hbm>> -> memref<640xf32, #tpu.memory_space<hbm>>
      %dma_wait3A_13 = tpu.memref_slice %arg5[%multiple_of3A_11] : memref<20480xf32, #tpu.memory_space<hbm>> -> memref<640xf32, #tpu.memory_space<hbm>>
      tpu.wait_dma2 semaphore(%run_scoped3A : memref<!tpu.dma_semaphore, #tpu.memory_space<semaphore_mem>>) src(%arg9 : memref<640xf32, #tpu.memory_space<vmem>>) dst(%dma_wait3A_13 : memref<640xf32, #tpu.memory_space<hbm>>)
      tpu.yield
    }) : () -> ()
    return
  }
}

#map = affine_map<(d0, d1) -> (0, 0)>
#map1 = affine_map<(d0, d1) -> (0, 0, 0)>
module attributes {stable_mosaic.version = 14 : i64} {
  func.func @_agg_body(%arg0: i32, %arg1: i32, %arg2: memref<10240x128xf32, #tpu.memory_space<hbm>>, %arg3: memref<32x79x128xi32, #tpu.memory_space<hbm>>, %arg4: memref<32x79x128xi32, #tpu.memory_space<hbm>>, %arg5: memref<128x128xf32, #tpu.memory_space<hbm>>, %arg6: memref<2x10240x128xf32, #tpu.memory_space<hbm>>, %arg7: memref<10240x128xf32, #tpu.memory_space<vmem_shared>>, %arg8: memref<79x128xi32, #tpu.memory_space<vmem>>, %arg9: memref<79x128xi32, #tpu.memory_space<vmem>>, %arg10: memref<128x128xf32, #tpu.memory_space<vmem>>, %arg11: memref<!tpu.dma_semaphore, #tpu.memory_space<semaphore_mem>>) attributes {dimension_semantics = [#tpu.dimension_semantics<core_parallel>, #tpu.dimension_semantics<subcore_parallel>], iteration_bounds = array<i64: 2, 16>, scalar_prefetch = 0 : i64, scratch_operands = 5 : i64, tpu.core_type = #tpu.core_type<sc_vector_subcore>, window_params = [{transform_indices = #map}, {transform_indices = #map1}, {transform_indices = #map1}, {transform_indices = #map}, {transform_indices = #map1}]} {
    %mul3A = arith.constant 2 : i32
    %mul3A_0 = arith.muli %arg1, %mul3A : i32
    %add3A = arith.addi %mul3A_0, %arg0 : i32
    %mul3A_1 = arith.constant 640 : i32
    %mul3A_2 = arith.muli %arg1, %mul3A_1 : i32
    %multiple_of3A = tpu.assume_multiple %mul3A_2, 8 : i32
    "tpu.region"() ({
      %run_scoped3A = tpu.sem_alloc : memref<!tpu.dma_semaphore, #tpu.memory_space<semaphore_mem>>
      %dma_start3A = arith.constant 0 : i32
      %dma_start3A_38 = arith.constant 0 : i32
      %dma_start3A_39 = tpu.memref_slice %arg3[%add3A, %dma_start3A, %dma_start3A_38] : memref<32x79x128xi32, #tpu.memory_space<hbm>> -> memref<1x79x128xi32, #tpu.memory_space<hbm>>
      %dma_start3A_40 = tpu.memref_squeeze %dma_start3A_39 : memref<1x79x128xi32, #tpu.memory_space<hbm>> -> memref<79x128xi32, #tpu.memory_space<hbm>>
      %dma_start3A_41 = arith.constant 0 : i32
      %dma_start3A_42 = arith.constant 0 : i32
      %dma_start3A_43 = tpu.memref_slice %arg3[%add3A, %dma_start3A_41, %dma_start3A_42] : memref<32x79x128xi32, #tpu.memory_space<hbm>> -> memref<1x79x128xi32, #tpu.memory_space<hbm>>
      %dma_start3A_44 = tpu.memref_squeeze %dma_start3A_43 : memref<1x79x128xi32, #tpu.memory_space<hbm>> -> memref<79x128xi32, #tpu.memory_space<hbm>>
      tpu.enqueue_dma source(%dma_start3A_44 : memref<79x128xi32, #tpu.memory_space<hbm>>) target(%arg8 : memref<79x128xi32, #tpu.memory_space<vmem>>) target_semaphore(%run_scoped3A : memref<!tpu.dma_semaphore, #tpu.memory_space<semaphore_mem>>)
      %dma_wait3A = arith.constant 0 : i32
      %dma_wait3A_45 = arith.constant 0 : i32
      %dma_wait3A_46 = tpu.memref_slice %arg3[%add3A, %dma_wait3A, %dma_wait3A_45] : memref<32x79x128xi32, #tpu.memory_space<hbm>> -> memref<1x79x128xi32, #tpu.memory_space<hbm>>
      %dma_wait3A_47 = tpu.memref_squeeze %dma_wait3A_46 : memref<1x79x128xi32, #tpu.memory_space<hbm>> -> memref<79x128xi32, #tpu.memory_space<hbm>>
      %dma_wait3A_48 = arith.constant 0 : i32
      %dma_wait3A_49 = arith.constant 0 : i32
      %dma_wait3A_50 = tpu.memref_slice %arg3[%add3A, %dma_wait3A_48, %dma_wait3A_49] : memref<32x79x128xi32, #tpu.memory_space<hbm>> -> memref<1x79x128xi32, #tpu.memory_space<hbm>>
      %dma_wait3A_51 = tpu.memref_squeeze %dma_wait3A_50 : memref<1x79x128xi32, #tpu.memory_space<hbm>> -> memref<79x128xi32, #tpu.memory_space<hbm>>
      tpu.wait_dma2 semaphore(%run_scoped3A : memref<!tpu.dma_semaphore, #tpu.memory_space<semaphore_mem>>) src(%dma_wait3A_51 : memref<79x128xi32, #tpu.memory_space<hbm>>) dst(%arg8 : memref<79x128xi32, #tpu.memory_space<vmem>>)
      tpu.yield
    }) : () -> ()
    "tpu.region"() ({
      %run_scoped3A = tpu.sem_alloc : memref<!tpu.dma_semaphore, #tpu.memory_space<semaphore_mem>>
      %dma_start3A = arith.constant 0 : i32
      %dma_start3A_38 = arith.constant 0 : i32
      %dma_start3A_39 = tpu.memref_slice %arg4[%add3A, %dma_start3A, %dma_start3A_38] : memref<32x79x128xi32, #tpu.memory_space<hbm>> -> memref<1x79x128xi32, #tpu.memory_space<hbm>>
      %dma_start3A_40 = tpu.memref_squeeze %dma_start3A_39 : memref<1x79x128xi32, #tpu.memory_space<hbm>> -> memref<79x128xi32, #tpu.memory_space<hbm>>
      %dma_start3A_41 = arith.constant 0 : i32
      %dma_start3A_42 = arith.constant 0 : i32
      %dma_start3A_43 = tpu.memref_slice %arg4[%add3A, %dma_start3A_41, %dma_start3A_42] : memref<32x79x128xi32, #tpu.memory_space<hbm>> -> memref<1x79x128xi32, #tpu.memory_space<hbm>>
      %dma_start3A_44 = tpu.memref_squeeze %dma_start3A_43 : memref<1x79x128xi32, #tpu.memory_space<hbm>> -> memref<79x128xi32, #tpu.memory_space<hbm>>
      tpu.enqueue_dma source(%dma_start3A_44 : memref<79x128xi32, #tpu.memory_space<hbm>>) target(%arg9 : memref<79x128xi32, #tpu.memory_space<vmem>>) target_semaphore(%run_scoped3A : memref<!tpu.dma_semaphore, #tpu.memory_space<semaphore_mem>>)
      %dma_wait3A = arith.constant 0 : i32
      %dma_wait3A_45 = arith.constant 0 : i32
      %dma_wait3A_46 = tpu.memref_slice %arg4[%add3A, %dma_wait3A, %dma_wait3A_45] : memref<32x79x128xi32, #tpu.memory_space<hbm>> -> memref<1x79x128xi32, #tpu.memory_space<hbm>>
      %dma_wait3A_47 = tpu.memref_squeeze %dma_wait3A_46 : memref<1x79x128xi32, #tpu.memory_space<hbm>> -> memref<79x128xi32, #tpu.memory_space<hbm>>
      %dma_wait3A_48 = arith.constant 0 : i32
      %dma_wait3A_49 = arith.constant 0 : i32
      %dma_wait3A_50 = tpu.memref_slice %arg4[%add3A, %dma_wait3A_48, %dma_wait3A_49] : memref<32x79x128xi32, #tpu.memory_space<hbm>> -> memref<1x79x128xi32, #tpu.memory_space<hbm>>
      %dma_wait3A_51 = tpu.memref_squeeze %dma_wait3A_50 : memref<1x79x128xi32, #tpu.memory_space<hbm>> -> memref<79x128xi32, #tpu.memory_space<hbm>>
      tpu.wait_dma2 semaphore(%run_scoped3A : memref<!tpu.dma_semaphore, #tpu.memory_space<semaphore_mem>>) src(%dma_wait3A_51 : memref<79x128xi32, #tpu.memory_space<hbm>>) dst(%arg9 : memref<79x128xi32, #tpu.memory_space<vmem>>)
      tpu.yield
    }) : () -> ()
    "tpu.region"() ({
      %run_scoped3A = tpu.sem_alloc : memref<!tpu.dma_semaphore, #tpu.memory_space<semaphore_mem>>
      tpu.enqueue_dma source(%arg5 : memref<128x128xf32, #tpu.memory_space<hbm>>) target(%arg10 : memref<128x128xf32, #tpu.memory_space<vmem>>) target_semaphore(%run_scoped3A : memref<!tpu.dma_semaphore, #tpu.memory_space<semaphore_mem>>)
      tpu.wait_dma2 semaphore(%run_scoped3A : memref<!tpu.dma_semaphore, #tpu.memory_space<semaphore_mem>>) src(%arg5 : memref<128x128xf32, #tpu.memory_space<hbm>>) dst(%arg10 : memref<128x128xf32, #tpu.memory_space<vmem>>)
      tpu.yield
    }) : () -> ()
    %add3A_3 = arith.constant 0 : i32
    %add3A_4 = arith.addi %multiple_of3A, %add3A_3 : i32
    %multiple_of3A_5 = tpu.assume_multiple %add3A_4, 8 : i32
    "tpu.region"() ({
      %run_scoped3A = tpu.sem_alloc : memref<!tpu.dma_semaphore, #tpu.memory_space<semaphore_mem>>
      %dma_start3A = arith.constant 0 : i32
      %dma_start3A_38 = tpu.memref_slice %arg7[%multiple_of3A_5, %dma_start3A] : memref<10240x128xf32, #tpu.memory_space<vmem_shared>> -> memref<128x128xf32, #tpu.memory_space<vmem_shared>>
      %dma_start3A_39 = arith.constant 0 : i32
      %dma_start3A_40 = tpu.memref_slice %arg7[%multiple_of3A_5, %dma_start3A_39] : memref<10240x128xf32, #tpu.memory_space<vmem_shared>> -> memref<128x128xf32, #tpu.memory_space<vmem_shared>>
      tpu.enqueue_dma source(%arg10 : memref<128x128xf32, #tpu.memory_space<vmem>>) target(%dma_start3A_40 : memref<128x128xf32, #tpu.memory_space<vmem_shared>>) target_semaphore(%run_scoped3A : memref<!tpu.dma_semaphore, #tpu.memory_space<semaphore_mem>>)
      %dma_wait3A = arith.constant 0 : i32
      %dma_wait3A_41 = tpu.memref_slice %arg7[%multiple_of3A_5, %dma_wait3A] : memref<10240x128xf32, #tpu.memory_space<vmem_shared>> -> memref<128x128xf32, #tpu.memory_space<vmem_shared>>
      %dma_wait3A_42 = arith.constant 0 : i32
      %dma_wait3A_43 = tpu.memref_slice %arg7[%multiple_of3A_5, %dma_wait3A_42] : memref<10240x128xf32, #tpu.memory_space<vmem_shared>> -> memref<128x128xf32, #tpu.memory_space<vmem_shared>>
      tpu.wait_dma2 semaphore(%run_scoped3A : memref<!tpu.dma_semaphore, #tpu.memory_space<semaphore_mem>>) src(%arg10 : memref<128x128xf32, #tpu.memory_space<vmem>>) dst(%dma_wait3A_43 : memref<128x128xf32, #tpu.memory_space<vmem_shared>>)
      tpu.yield
    }) : () -> ()
    %add3A_6 = arith.constant 128 : i32
    %add3A_7 = arith.addi %multiple_of3A, %add3A_6 : i32
    %multiple_of3A_8 = tpu.assume_multiple %add3A_7, 8 : i32
    "tpu.region"() ({
      %run_scoped3A = tpu.sem_alloc : memref<!tpu.dma_semaphore, #tpu.memory_space<semaphore_mem>>
      %dma_start3A = arith.constant 0 : i32
      %dma_start3A_38 = tpu.memref_slice %arg7[%multiple_of3A_8, %dma_start3A] : memref<10240x128xf32, #tpu.memory_space<vmem_shared>> -> memref<128x128xf32, #tpu.memory_space<vmem_shared>>
      %dma_start3A_39 = arith.constant 0 : i32
      %dma_start3A_40 = tpu.memref_slice %arg7[%multiple_of3A_8, %dma_start3A_39] : memref<10240x128xf32, #tpu.memory_space<vmem_shared>> -> memref<128x128xf32, #tpu.memory_space<vmem_shared>>
      tpu.enqueue_dma source(%arg10 : memref<128x128xf32, #tpu.memory_space<vmem>>) target(%dma_start3A_40 : memref<128x128xf32, #tpu.memory_space<vmem_shared>>) target_semaphore(%run_scoped3A : memref<!tpu.dma_semaphore, #tpu.memory_space<semaphore_mem>>)
      %dma_wait3A = arith.constant 0 : i32
      %dma_wait3A_41 = tpu.memref_slice %arg7[%multiple_of3A_8, %dma_wait3A] : memref<10240x128xf32, #tpu.memory_space<vmem_shared>> -> memref<128x128xf32, #tpu.memory_space<vmem_shared>>
      %dma_wait3A_42 = arith.constant 0 : i32
      %dma_wait3A_43 = tpu.memref_slice %arg7[%multiple_of3A_8, %dma_wait3A_42] : memref<10240x128xf32, #tpu.memory_space<vmem_shared>> -> memref<128x128xf32, #tpu.memory_space<vmem_shared>>
      tpu.wait_dma2 semaphore(%run_scoped3A : memref<!tpu.dma_semaphore, #tpu.memory_space<semaphore_mem>>) src(%arg10 : memref<128x128xf32, #tpu.memory_space<vmem>>) dst(%dma_wait3A_43 : memref<128x128xf32, #tpu.memory_space<vmem_shared>>)
      tpu.yield
    }) : () -> ()
    %add3A_9 = arith.constant 256 : i32
    %add3A_10 = arith.addi %multiple_of3A, %add3A_9 : i32
    %multiple_of3A_11 = tpu.assume_multiple %add3A_10, 8 : i32
    "tpu.region"() ({
      %run_scoped3A = tpu.sem_alloc : memref<!tpu.dma_semaphore, #tpu.memory_space<semaphore_mem>>
      %dma_start3A = arith.constant 0 : i32
      %dma_start3A_38 = tpu.memref_slice %arg7[%multiple_of3A_11, %dma_start3A] : memref<10240x128xf32, #tpu.memory_space<vmem_shared>> -> memref<128x128xf32, #tpu.memory_space<vmem_shared>>
      %dma_start3A_39 = arith.constant 0 : i32
      %dma_start3A_40 = tpu.memref_slice %arg7[%multiple_of3A_11, %dma_start3A_39] : memref<10240x128xf32, #tpu.memory_space<vmem_shared>> -> memref<128x128xf32, #tpu.memory_space<vmem_shared>>
      tpu.enqueue_dma source(%arg10 : memref<128x128xf32, #tpu.memory_space<vmem>>) target(%dma_start3A_40 : memref<128x128xf32, #tpu.memory_space<vmem_shared>>) target_semaphore(%run_scoped3A : memref<!tpu.dma_semaphore, #tpu.memory_space<semaphore_mem>>)
      %dma_wait3A = arith.constant 0 : i32
      %dma_wait3A_41 = tpu.memref_slice %arg7[%multiple_of3A_11, %dma_wait3A] : memref<10240x128xf32, #tpu.memory_space<vmem_shared>> -> memref<128x128xf32, #tpu.memory_space<vmem_shared>>
      %dma_wait3A_42 = arith.constant 0 : i32
      %dma_wait3A_43 = tpu.memref_slice %arg7[%multiple_of3A_11, %dma_wait3A_42] : memref<10240x128xf32, #tpu.memory_space<vmem_shared>> -> memref<128x128xf32, #tpu.memory_space<vmem_shared>>
      tpu.wait_dma2 semaphore(%run_scoped3A : memref<!tpu.dma_semaphore, #tpu.memory_space<semaphore_mem>>) src(%arg10 : memref<128x128xf32, #tpu.memory_space<vmem>>) dst(%dma_wait3A_43 : memref<128x128xf32, #tpu.memory_space<vmem_shared>>)
      tpu.yield
    }) : () -> ()
    %add3A_12 = arith.constant 384 : i32
    %add3A_13 = arith.addi %multiple_of3A, %add3A_12 : i32
    %multiple_of3A_14 = tpu.assume_multiple %add3A_13, 8 : i32
    "tpu.region"() ({
      %run_scoped3A = tpu.sem_alloc : memref<!tpu.dma_semaphore, #tpu.memory_space<semaphore_mem>>
      %dma_start3A = arith.constant 0 : i32
      %dma_start3A_38 = tpu.memref_slice %arg7[%multiple_of3A_14, %dma_start3A] : memref<10240x128xf32, #tpu.memory_space<vmem_shared>> -> memref<128x128xf32, #tpu.memory_space<vmem_shared>>
      %dma_start3A_39 = arith.constant 0 : i32
      %dma_start3A_40 = tpu.memref_slice %arg7[%multiple_of3A_14, %dma_start3A_39] : memref<10240x128xf32, #tpu.memory_space<vmem_shared>> -> memref<128x128xf32, #tpu.memory_space<vmem_shared>>
      tpu.enqueue_dma source(%arg10 : memref<128x128xf32, #tpu.memory_space<vmem>>) target(%dma_start3A_40 : memref<128x128xf32, #tpu.memory_space<vmem_shared>>) target_semaphore(%run_scoped3A : memref<!tpu.dma_semaphore, #tpu.memory_space<semaphore_mem>>)
      %dma_wait3A = arith.constant 0 : i32
      %dma_wait3A_41 = tpu.memref_slice %arg7[%multiple_of3A_14, %dma_wait3A] : memref<10240x128xf32, #tpu.memory_space<vmem_shared>> -> memref<128x128xf32, #tpu.memory_space<vmem_shared>>
      %dma_wait3A_42 = arith.constant 0 : i32
      %dma_wait3A_43 = tpu.memref_slice %arg7[%multiple_of3A_14, %dma_wait3A_42] : memref<10240x128xf32, #tpu.memory_space<vmem_shared>> -> memref<128x128xf32, #tpu.memory_space<vmem_shared>>
      tpu.wait_dma2 semaphore(%run_scoped3A : memref<!tpu.dma_semaphore, #tpu.memory_space<semaphore_mem>>) src(%arg10 : memref<128x128xf32, #tpu.memory_space<vmem>>) dst(%dma_wait3A_43 : memref<128x128xf32, #tpu.memory_space<vmem_shared>>)
      tpu.yield
    }) : () -> ()
    %add3A_15 = arith.constant 512 : i32
    %add3A_16 = arith.addi %multiple_of3A, %add3A_15 : i32
    %multiple_of3A_17 = tpu.assume_multiple %add3A_16, 8 : i32
    "tpu.region"() ({
      %run_scoped3A = tpu.sem_alloc : memref<!tpu.dma_semaphore, #tpu.memory_space<semaphore_mem>>
      %dma_start3A = arith.constant 0 : i32
      %dma_start3A_38 = tpu.memref_slice %arg7[%multiple_of3A_17, %dma_start3A] : memref<10240x128xf32, #tpu.memory_space<vmem_shared>> -> memref<128x128xf32, #tpu.memory_space<vmem_shared>>
      %dma_start3A_39 = arith.constant 0 : i32
      %dma_start3A_40 = tpu.memref_slice %arg7[%multiple_of3A_17, %dma_start3A_39] : memref<10240x128xf32, #tpu.memory_space<vmem_shared>> -> memref<128x128xf32, #tpu.memory_space<vmem_shared>>
      tpu.enqueue_dma source(%arg10 : memref<128x128xf32, #tpu.memory_space<vmem>>) target(%dma_start3A_40 : memref<128x128xf32, #tpu.memory_space<vmem_shared>>) target_semaphore(%run_scoped3A : memref<!tpu.dma_semaphore, #tpu.memory_space<semaphore_mem>>)
      %dma_wait3A = arith.constant 0 : i32
      %dma_wait3A_41 = tpu.memref_slice %arg7[%multiple_of3A_17, %dma_wait3A] : memref<10240x128xf32, #tpu.memory_space<vmem_shared>> -> memref<128x128xf32, #tpu.memory_space<vmem_shared>>
      %dma_wait3A_42 = arith.constant 0 : i32
      %dma_wait3A_43 = tpu.memref_slice %arg7[%multiple_of3A_17, %dma_wait3A_42] : memref<10240x128xf32, #tpu.memory_space<vmem_shared>> -> memref<128x128xf32, #tpu.memory_space<vmem_shared>>
      tpu.wait_dma2 semaphore(%run_scoped3A : memref<!tpu.dma_semaphore, #tpu.memory_space<semaphore_mem>>) src(%arg10 : memref<128x128xf32, #tpu.memory_space<vmem>>) dst(%dma_wait3A_43 : memref<128x128xf32, #tpu.memory_space<vmem_shared>>)
      tpu.yield
    }) : () -> ()
    %barrier3A = arith.constant 0 : index
    tpu.barrier barrier_id(%barrier3A)
    %scan3A = arith.constant 0 : i32
    %scan3A_18 = arith.constant 79 : i32
    %scan3A_19 = arith.addi %scan3A, %scan3A_18 : i32
    %scan3A_20 = arith.constant 1 : i32
    scf.for %scan3A_38 = %scan3A to %scan3A_19 step %scan3A_20  : i32 {
      %mul3A_39 = arith.constant 1 : i32
      %mul3A_40 = arith.muli %scan3A_38, %mul3A_39 : i32
      %add3A_41 = arith.constant 0 : i32
      %add3A_42 = arith.addi %add3A_41, %mul3A_40 : i32
      %dma_start3A = arith.constant 0 : i32
      %dma_start3A_43 = tpu.memref_slice %arg8[%add3A_42, %dma_start3A] : memref<79x128xi32, #tpu.memory_space<vmem>> -> memref<1x128xi32, #tpu.memory_space<vmem>>
      %dma_start3A_44 = tpu.memref_squeeze %dma_start3A_43 : memref<1x128xi32, #tpu.memory_space<vmem>> -> memref<128xi32, #tpu.memory_space<vmem>>
      %dma_start3A_45 = arith.constant 0 : i32
      %dma_start3A_46 = arith.constant 0 : i32
      %dma_start3A_47 = tpu.memref_slice %arg2[%dma_start3A_45, %dma_start3A_46] : memref<10240x128xf32, #tpu.memory_space<hbm>> -> memref<10240x128xf32, #tpu.memory_space<hbm>>
      tpu.enqueue_indirect_dma source(%dma_start3A_47 : memref<10240x128xf32, #tpu.memory_space<hbm>>) target(%arg10 : memref<128x128xf32, #tpu.memory_space<vmem>>) offsets(%dma_start3A_44 : memref<128xi32, #tpu.memory_space<vmem>>) semaphore(%arg11 : memref<!tpu.dma_semaphore, #tpu.memory_space<semaphore_mem>>)
      %dma_wait3A = arith.constant 0 : i32
      %dma_wait3A_48 = tpu.memref_slice %arg8[%add3A_42, %dma_wait3A] : memref<79x128xi32, #tpu.memory_space<vmem>> -> memref<1x128xi32, #tpu.memory_space<vmem>>
      %dma_wait3A_49 = tpu.memref_squeeze %dma_wait3A_48 : memref<1x128xi32, #tpu.memory_space<vmem>> -> memref<128xi32, #tpu.memory_space<vmem>>
      %dma_wait3A_50 = arith.constant 0 : i32
      %dma_wait3A_51 = arith.constant 0 : i32
      %dma_wait3A_52 = tpu.memref_slice %arg2[%dma_wait3A_50, %dma_wait3A_51] : memref<10240x128xf32, #tpu.memory_space<hbm>> -> memref<10240x128xf32, #tpu.memory_space<hbm>>
      tpu.wait_indirect_dma semaphore(%arg11 : memref<!tpu.dma_semaphore, #tpu.memory_space<semaphore_mem>>) src(%dma_wait3A_52 : memref<10240x128xf32, #tpu.memory_space<hbm>>) dst(%arg10 : memref<128x128xf32, #tpu.memory_space<vmem>>)
      "tpu.region"() ({
        %run_scoped3A = tpu.sem_alloc : memref<!tpu.dma_semaphore, #tpu.memory_space<semaphore_mem>>
        %dma_start3A_53 = arith.constant 0 : i32
        %dma_start3A_54 = tpu.memref_slice %arg9[%add3A_42, %dma_start3A_53] : memref<79x128xi32, #tpu.memory_space<vmem>> -> memref<1x128xi32, #tpu.memory_space<vmem>>
        %dma_start3A_55 = tpu.memref_squeeze %dma_start3A_54 : memref<1x128xi32, #tpu.memory_space<vmem>> -> memref<128xi32, #tpu.memory_space<vmem>>
        %dma_start3A_56 = arith.constant 0 : i32
        %dma_start3A_57 = arith.constant 0 : i32
        %dma_start3A_58 = tpu.memref_slice %arg7[%dma_start3A_56, %dma_start3A_57] : memref<10240x128xf32, #tpu.memory_space<vmem_shared>> -> memref<10240x128xf32, #tpu.memory_space<vmem_shared>>
        tpu.enqueue_indirect_dma source(%arg10 : memref<128x128xf32, #tpu.memory_space<vmem>>) target(%dma_start3A_58 : memref<10240x128xf32, #tpu.memory_space<vmem_shared>>) offsets(%dma_start3A_55 : memref<128xi32, #tpu.memory_space<vmem>>) semaphore(%run_scoped3A : memref<!tpu.dma_semaphore, #tpu.memory_space<semaphore_mem>>) {add = true}
        %dma_wait3A_59 = arith.constant 0 : i32
        %dma_wait3A_60 = tpu.memref_slice %arg9[%add3A_42, %dma_wait3A_59] : memref<79x128xi32, #tpu.memory_space<vmem>> -> memref<1x128xi32, #tpu.memory_space<vmem>>
        %dma_wait3A_61 = tpu.memref_squeeze %dma_wait3A_60 : memref<1x128xi32, #tpu.memory_space<vmem>> -> memref<128xi32, #tpu.memory_space<vmem>>
        %dma_wait3A_62 = arith.constant 0 : i32
        %dma_wait3A_63 = arith.constant 0 : i32
        %dma_wait3A_64 = tpu.memref_slice %arg7[%dma_wait3A_62, %dma_wait3A_63] : memref<10240x128xf32, #tpu.memory_space<vmem_shared>> -> memref<10240x128xf32, #tpu.memory_space<vmem_shared>>
        tpu.wait_indirect_dma semaphore(%run_scoped3A : memref<!tpu.dma_semaphore, #tpu.memory_space<semaphore_mem>>) src(%arg10 : memref<128x128xf32, #tpu.memory_space<vmem>>) dst(%dma_wait3A_64 : memref<10240x128xf32, #tpu.memory_space<vmem_shared>>)
        tpu.yield
      }) : () -> ()
    }
    %scan3A_21 = arith.constant 79 : i32
    %barrier3A_22 = arith.constant 0 : index
    tpu.barrier barrier_id(%barrier3A_22)
    %add3A_23 = arith.constant 0 : i32
    %add3A_24 = arith.addi %multiple_of3A, %add3A_23 : i32
    %multiple_of3A_25 = tpu.assume_multiple %add3A_24, 8 : i32
    "tpu.region"() ({
      %run_scoped3A = tpu.sem_alloc : memref<!tpu.dma_semaphore, #tpu.memory_space<semaphore_mem>>
      %dma_start3A = arith.constant 0 : i32
      %dma_start3A_38 = tpu.memref_slice %arg7[%multiple_of3A_25, %dma_start3A] : memref<10240x128xf32, #tpu.memory_space<vmem_shared>> -> memref<128x128xf32, #tpu.memory_space<vmem_shared>>
      %dma_start3A_39 = arith.constant 0 : i32
      %dma_start3A_40 = tpu.memref_slice %arg7[%multiple_of3A_25, %dma_start3A_39] : memref<10240x128xf32, #tpu.memory_space<vmem_shared>> -> memref<128x128xf32, #tpu.memory_space<vmem_shared>>
      tpu.enqueue_dma source(%dma_start3A_40 : memref<128x128xf32, #tpu.memory_space<vmem_shared>>) target(%arg10 : memref<128x128xf32, #tpu.memory_space<vmem>>) target_semaphore(%run_scoped3A : memref<!tpu.dma_semaphore, #tpu.memory_space<semaphore_mem>>)
      %dma_wait3A = arith.constant 0 : i32
      %dma_wait3A_41 = tpu.memref_slice %arg7[%multiple_of3A_25, %dma_wait3A] : memref<10240x128xf32, #tpu.memory_space<vmem_shared>> -> memref<128x128xf32, #tpu.memory_space<vmem_shared>>
      %dma_wait3A_42 = arith.constant 0 : i32
      %dma_wait3A_43 = tpu.memref_slice %arg7[%multiple_of3A_25, %dma_wait3A_42] : memref<10240x128xf32, #tpu.memory_space<vmem_shared>> -> memref<128x128xf32, #tpu.memory_space<vmem_shared>>
      tpu.wait_dma2 semaphore(%run_scoped3A : memref<!tpu.dma_semaphore, #tpu.memory_space<semaphore_mem>>) src(%dma_wait3A_43 : memref<128x128xf32, #tpu.memory_space<vmem_shared>>) dst(%arg10 : memref<128x128xf32, #tpu.memory_space<vmem>>)
      tpu.yield
    }) : () -> ()
    "tpu.region"() ({
      %run_scoped3A = tpu.sem_alloc : memref<!tpu.dma_semaphore, #tpu.memory_space<semaphore_mem>>
      %dma_start3A = arith.constant 0 : i32
      %dma_start3A_38 = tpu.memref_slice %arg6[%arg0, %multiple_of3A_25, %dma_start3A] : memref<2x10240x128xf32, #tpu.memory_space<hbm>> -> memref<1x128x128xf32, #tpu.memory_space<hbm>>
      %dma_start3A_39 = tpu.memref_squeeze %dma_start3A_38 : memref<1x128x128xf32, #tpu.memory_space<hbm>> -> memref<128x128xf32, #tpu.memory_space<hbm>>
      %dma_start3A_40 = arith.constant 0 : i32
      %dma_start3A_41 = tpu.memref_slice %arg6[%arg0, %multiple_of3A_25, %dma_start3A_40] : memref<2x10240x128xf32, #tpu.memory_space<hbm>> -> memref<1x128x128xf32, #tpu.memory_space<hbm>>
      %dma_start3A_42 = tpu.memref_squeeze %dma_start3A_41 : memref<1x128x128xf32, #tpu.memory_space<hbm>> -> memref<128x128xf32, #tpu.memory_space<hbm>>
      tpu.enqueue_dma source(%arg10 : memref<128x128xf32, #tpu.memory_space<vmem>>) target(%dma_start3A_42 : memref<128x128xf32, #tpu.memory_space<hbm>>) target_semaphore(%run_scoped3A : memref<!tpu.dma_semaphore, #tpu.memory_space<semaphore_mem>>)
      %dma_wait3A = arith.constant 0 : i32
      %dma_wait3A_43 = tpu.memref_slice %arg6[%arg0, %multiple_of3A_25, %dma_wait3A] : memref<2x10240x128xf32, #tpu.memory_space<hbm>> -> memref<1x128x128xf32, #tpu.memory_space<hbm>>
      %dma_wait3A_44 = tpu.memref_squeeze %dma_wait3A_43 : memref<1x128x128xf32, #tpu.memory_space<hbm>> -> memref<128x128xf32, #tpu.memory_space<hbm>>
      %dma_wait3A_45 = arith.constant 0 : i32
      %dma_wait3A_46 = tpu.memref_slice %arg6[%arg0, %multiple_of3A_25, %dma_wait3A_45] : memref<2x10240x128xf32, #tpu.memory_space<hbm>> -> memref<1x128x128xf32, #tpu.memory_space<hbm>>
      %dma_wait3A_47 = tpu.memref_squeeze %dma_wait3A_46 : memref<1x128x128xf32, #tpu.memory_space<hbm>> -> memref<128x128xf32, #tpu.memory_space<hbm>>
      tpu.wait_dma2 semaphore(%run_scoped3A : memref<!tpu.dma_semaphore, #tpu.memory_space<semaphore_mem>>) src(%arg10 : memref<128x128xf32, #tpu.memory_space<vmem>>) dst(%dma_wait3A_47 : memref<128x128xf32, #tpu.memory_space<hbm>>)
      tpu.yield
    }) : () -> ()
    %add3A_26 = arith.constant 128 : i32
    %add3A_27 = arith.addi %multiple_of3A, %add3A_26 : i32
    %multiple_of3A_28 = tpu.assume_multiple %add3A_27, 8 : i32
    "tpu.region"() ({
      %run_scoped3A = tpu.sem_alloc : memref<!tpu.dma_semaphore, #tpu.memory_space<semaphore_mem>>
      %dma_start3A = arith.constant 0 : i32
      %dma_start3A_38 = tpu.memref_slice %arg7[%multiple_of3A_28, %dma_start3A] : memref<10240x128xf32, #tpu.memory_space<vmem_shared>> -> memref<128x128xf32, #tpu.memory_space<vmem_shared>>
      %dma_start3A_39 = arith.constant 0 : i32
      %dma_start3A_40 = tpu.memref_slice %arg7[%multiple_of3A_28, %dma_start3A_39] : memref<10240x128xf32, #tpu.memory_space<vmem_shared>> -> memref<128x128xf32, #tpu.memory_space<vmem_shared>>
      tpu.enqueue_dma source(%dma_start3A_40 : memref<128x128xf32, #tpu.memory_space<vmem_shared>>) target(%arg10 : memref<128x128xf32, #tpu.memory_space<vmem>>) target_semaphore(%run_scoped3A : memref<!tpu.dma_semaphore, #tpu.memory_space<semaphore_mem>>)
      %dma_wait3A = arith.constant 0 : i32
      %dma_wait3A_41 = tpu.memref_slice %arg7[%multiple_of3A_28, %dma_wait3A] : memref<10240x128xf32, #tpu.memory_space<vmem_shared>> -> memref<128x128xf32, #tpu.memory_space<vmem_shared>>
      %dma_wait3A_42 = arith.constant 0 : i32
      %dma_wait3A_43 = tpu.memref_slice %arg7[%multiple_of3A_28, %dma_wait3A_42] : memref<10240x128xf32, #tpu.memory_space<vmem_shared>> -> memref<128x128xf32, #tpu.memory_space<vmem_shared>>
      tpu.wait_dma2 semaphore(%run_scoped3A : memref<!tpu.dma_semaphore, #tpu.memory_space<semaphore_mem>>) src(%dma_wait3A_43 : memref<128x128xf32, #tpu.memory_space<vmem_shared>>) dst(%arg10 : memref<128x128xf32, #tpu.memory_space<vmem>>)
      tpu.yield
    }) : () -> ()
    "tpu.region"() ({
      %run_scoped3A = tpu.sem_alloc : memref<!tpu.dma_semaphore, #tpu.memory_space<semaphore_mem>>
      %dma_start3A = arith.constant 0 : i32
      %dma_start3A_38 = tpu.memref_slice %arg6[%arg0, %multiple_of3A_28, %dma_start3A] : memref<2x10240x128xf32, #tpu.memory_space<hbm>> -> memref<1x128x128xf32, #tpu.memory_space<hbm>>
      %dma_start3A_39 = tpu.memref_squeeze %dma_start3A_38 : memref<1x128x128xf32, #tpu.memory_space<hbm>> -> memref<128x128xf32, #tpu.memory_space<hbm>>
      %dma_start3A_40 = arith.constant 0 : i32
      %dma_start3A_41 = tpu.memref_slice %arg6[%arg0, %multiple_of3A_28, %dma_start3A_40] : memref<2x10240x128xf32, #tpu.memory_space<hbm>> -> memref<1x128x128xf32, #tpu.memory_space<hbm>>
      %dma_start3A_42 = tpu.memref_squeeze %dma_start3A_41 : memref<1x128x128xf32, #tpu.memory_space<hbm>> -> memref<128x128xf32, #tpu.memory_space<hbm>>
      tpu.enqueue_dma source(%arg10 : memref<128x128xf32, #tpu.memory_space<vmem>>) target(%dma_start3A_42 : memref<128x128xf32, #tpu.memory_space<hbm>>) target_semaphore(%run_scoped3A : memref<!tpu.dma_semaphore, #tpu.memory_space<semaphore_mem>>)
      %dma_wait3A = arith.constant 0 : i32
      %dma_wait3A_43 = tpu.memref_slice %arg6[%arg0, %multiple_of3A_28, %dma_wait3A] : memref<2x10240x128xf32, #tpu.memory_space<hbm>> -> memref<1x128x128xf32, #tpu.memory_space<hbm>>
      %dma_wait3A_44 = tpu.memref_squeeze %dma_wait3A_43 : memref<1x128x128xf32, #tpu.memory_space<hbm>> -> memref<128x128xf32, #tpu.memory_space<hbm>>
      %dma_wait3A_45 = arith.constant 0 : i32
      %dma_wait3A_46 = tpu.memref_slice %arg6[%arg0, %multiple_of3A_28, %dma_wait3A_45] : memref<2x10240x128xf32, #tpu.memory_space<hbm>> -> memref<1x128x128xf32, #tpu.memory_space<hbm>>
      %dma_wait3A_47 = tpu.memref_squeeze %dma_wait3A_46 : memref<1x128x128xf32, #tpu.memory_space<hbm>> -> memref<128x128xf32, #tpu.memory_space<hbm>>
      tpu.wait_dma2 semaphore(%run_scoped3A : memref<!tpu.dma_semaphore, #tpu.memory_space<semaphore_mem>>) src(%arg10 : memref<128x128xf32, #tpu.memory_space<vmem>>) dst(%dma_wait3A_47 : memref<128x128xf32, #tpu.memory_space<hbm>>)
      tpu.yield
    }) : () -> ()
    %add3A_29 = arith.constant 256 : i32
    %add3A_30 = arith.addi %multiple_of3A, %add3A_29 : i32
    %multiple_of3A_31 = tpu.assume_multiple %add3A_30, 8 : i32
    "tpu.region"() ({
      %run_scoped3A = tpu.sem_alloc : memref<!tpu.dma_semaphore, #tpu.memory_space<semaphore_mem>>
      %dma_start3A = arith.constant 0 : i32
      %dma_start3A_38 = tpu.memref_slice %arg7[%multiple_of3A_31, %dma_start3A] : memref<10240x128xf32, #tpu.memory_space<vmem_shared>> -> memref<128x128xf32, #tpu.memory_space<vmem_shared>>
      %dma_start3A_39 = arith.constant 0 : i32
      %dma_start3A_40 = tpu.memref_slice %arg7[%multiple_of3A_31, %dma_start3A_39] : memref<10240x128xf32, #tpu.memory_space<vmem_shared>> -> memref<128x128xf32, #tpu.memory_space<vmem_shared>>
      tpu.enqueue_dma source(%dma_start3A_40 : memref<128x128xf32, #tpu.memory_space<vmem_shared>>) target(%arg10 : memref<128x128xf32, #tpu.memory_space<vmem>>) target_semaphore(%run_scoped3A : memref<!tpu.dma_semaphore, #tpu.memory_space<semaphore_mem>>)
      %dma_wait3A = arith.constant 0 : i32
      %dma_wait3A_41 = tpu.memref_slice %arg7[%multiple_of3A_31, %dma_wait3A] : memref<10240x128xf32, #tpu.memory_space<vmem_shared>> -> memref<128x128xf32, #tpu.memory_space<vmem_shared>>
      %dma_wait3A_42 = arith.constant 0 : i32
      %dma_wait3A_43 = tpu.memref_slice %arg7[%multiple_of3A_31, %dma_wait3A_42] : memref<10240x128xf32, #tpu.memory_space<vmem_shared>> -> memref<128x128xf32, #tpu.memory_space<vmem_shared>>
      tpu.wait_dma2 semaphore(%run_scoped3A : memref<!tpu.dma_semaphore, #tpu.memory_space<semaphore_mem>>) src(%dma_wait3A_43 : memref<128x128xf32, #tpu.memory_space<vmem_shared>>) dst(%arg10 : memref<128x128xf32, #tpu.memory_space<vmem>>)
      tpu.yield
    }) : () -> ()
    "tpu.region"() ({
      %run_scoped3A = tpu.sem_alloc : memref<!tpu.dma_semaphore, #tpu.memory_space<semaphore_mem>>
      %dma_start3A = arith.constant 0 : i32
      %dma_start3A_38 = tpu.memref_slice %arg6[%arg0, %multiple_of3A_31, %dma_start3A] : memref<2x10240x128xf32, #tpu.memory_space<hbm>> -> memref<1x128x128xf32, #tpu.memory_space<hbm>>
      %dma_start3A_39 = tpu.memref_squeeze %dma_start3A_38 : memref<1x128x128xf32, #tpu.memory_space<hbm>> -> memref<128x128xf32, #tpu.memory_space<hbm>>
      %dma_start3A_40 = arith.constant 0 : i32
      %dma_start3A_41 = tpu.memref_slice %arg6[%arg0, %multiple_of3A_31, %dma_start3A_40] : memref<2x10240x128xf32, #tpu.memory_space<hbm>> -> memref<1x128x128xf32, #tpu.memory_space<hbm>>
      %dma_start3A_42 = tpu.memref_squeeze %dma_start3A_41 : memref<1x128x128xf32, #tpu.memory_space<hbm>> -> memref<128x128xf32, #tpu.memory_space<hbm>>
      tpu.enqueue_dma source(%arg10 : memref<128x128xf32, #tpu.memory_space<vmem>>) target(%dma_start3A_42 : memref<128x128xf32, #tpu.memory_space<hbm>>) target_semaphore(%run_scoped3A : memref<!tpu.dma_semaphore, #tpu.memory_space<semaphore_mem>>)
      %dma_wait3A = arith.constant 0 : i32
      %dma_wait3A_43 = tpu.memref_slice %arg6[%arg0, %multiple_of3A_31, %dma_wait3A] : memref<2x10240x128xf32, #tpu.memory_space<hbm>> -> memref<1x128x128xf32, #tpu.memory_space<hbm>>
      %dma_wait3A_44 = tpu.memref_squeeze %dma_wait3A_43 : memref<1x128x128xf32, #tpu.memory_space<hbm>> -> memref<128x128xf32, #tpu.memory_space<hbm>>
      %dma_wait3A_45 = arith.constant 0 : i32
      %dma_wait3A_46 = tpu.memref_slice %arg6[%arg0, %multiple_of3A_31, %dma_wait3A_45] : memref<2x10240x128xf32, #tpu.memory_space<hbm>> -> memref<1x128x128xf32, #tpu.memory_space<hbm>>
      %dma_wait3A_47 = tpu.memref_squeeze %dma_wait3A_46 : memref<1x128x128xf32, #tpu.memory_space<hbm>> -> memref<128x128xf32, #tpu.memory_space<hbm>>
      tpu.wait_dma2 semaphore(%run_scoped3A : memref<!tpu.dma_semaphore, #tpu.memory_space<semaphore_mem>>) src(%arg10 : memref<128x128xf32, #tpu.memory_space<vmem>>) dst(%dma_wait3A_47 : memref<128x128xf32, #tpu.memory_space<hbm>>)
      tpu.yield
    }) : () -> ()
    %add3A_32 = arith.constant 384 : i32
    %add3A_33 = arith.addi %multiple_of3A, %add3A_32 : i32
    %multiple_of3A_34 = tpu.assume_multiple %add3A_33, 8 : i32
    "tpu.region"() ({
      %run_scoped3A = tpu.sem_alloc : memref<!tpu.dma_semaphore, #tpu.memory_space<semaphore_mem>>
      %dma_start3A = arith.constant 0 : i32
      %dma_start3A_38 = tpu.memref_slice %arg7[%multiple_of3A_34, %dma_start3A] : memref<10240x128xf32, #tpu.memory_space<vmem_shared>> -> memref<128x128xf32, #tpu.memory_space<vmem_shared>>
      %dma_start3A_39 = arith.constant 0 : i32
      %dma_start3A_40 = tpu.memref_slice %arg7[%multiple_of3A_34, %dma_start3A_39] : memref<10240x128xf32, #tpu.memory_space<vmem_shared>> -> memref<128x128xf32, #tpu.memory_space<vmem_shared>>
      tpu.enqueue_dma source(%dma_start3A_40 : memref<128x128xf32, #tpu.memory_space<vmem_shared>>) target(%arg10 : memref<128x128xf32, #tpu.memory_space<vmem>>) target_semaphore(%run_scoped3A : memref<!tpu.dma_semaphore, #tpu.memory_space<semaphore_mem>>)
      %dma_wait3A = arith.constant 0 : i32
      %dma_wait3A_41 = tpu.memref_slice %arg7[%multiple_of3A_34, %dma_wait3A] : memref<10240x128xf32, #tpu.memory_space<vmem_shared>> -> memref<128x128xf32, #tpu.memory_space<vmem_shared>>
      %dma_wait3A_42 = arith.constant 0 : i32
      %dma_wait3A_43 = tpu.memref_slice %arg7[%multiple_of3A_34, %dma_wait3A_42] : memref<10240x128xf32, #tpu.memory_space<vmem_shared>> -> memref<128x128xf32, #tpu.memory_space<vmem_shared>>
      tpu.wait_dma2 semaphore(%run_scoped3A : memref<!tpu.dma_semaphore, #tpu.memory_space<semaphore_mem>>) src(%dma_wait3A_43 : memref<128x128xf32, #tpu.memory_space<vmem_shared>>) dst(%arg10 : memref<128x128xf32, #tpu.memory_space<vmem>>)
      tpu.yield
    }) : () -> ()
    "tpu.region"() ({
      %run_scoped3A = tpu.sem_alloc : memref<!tpu.dma_semaphore, #tpu.memory_space<semaphore_mem>>
      %dma_start3A = arith.constant 0 : i32
      %dma_start3A_38 = tpu.memref_slice %arg6[%arg0, %multiple_of3A_34, %dma_start3A] : memref<2x10240x128xf32, #tpu.memory_space<hbm>> -> memref<1x128x128xf32, #tpu.memory_space<hbm>>
      %dma_start3A_39 = tpu.memref_squeeze %dma_start3A_38 : memref<1x128x128xf32, #tpu.memory_space<hbm>> -> memref<128x128xf32, #tpu.memory_space<hbm>>
      %dma_start3A_40 = arith.constant 0 : i32
      %dma_start3A_41 = tpu.memref_slice %arg6[%arg0, %multiple_of3A_34, %dma_start3A_40] : memref<2x10240x128xf32, #tpu.memory_space<hbm>> -> memref<1x128x128xf32, #tpu.memory_space<hbm>>
      %dma_start3A_42 = tpu.memref_squeeze %dma_start3A_41 : memref<1x128x128xf32, #tpu.memory_space<hbm>> -> memref<128x128xf32, #tpu.memory_space<hbm>>
      tpu.enqueue_dma source(%arg10 : memref<128x128xf32, #tpu.memory_space<vmem>>) target(%dma_start3A_42 : memref<128x128xf32, #tpu.memory_space<hbm>>) target_semaphore(%run_scoped3A : memref<!tpu.dma_semaphore, #tpu.memory_space<semaphore_mem>>)
      %dma_wait3A = arith.constant 0 : i32
      %dma_wait3A_43 = tpu.memref_slice %arg6[%arg0, %multiple_of3A_34, %dma_wait3A] : memref<2x10240x128xf32, #tpu.memory_space<hbm>> -> memref<1x128x128xf32, #tpu.memory_space<hbm>>
      %dma_wait3A_44 = tpu.memref_squeeze %dma_wait3A_43 : memref<1x128x128xf32, #tpu.memory_space<hbm>> -> memref<128x128xf32, #tpu.memory_space<hbm>>
      %dma_wait3A_45 = arith.constant 0 : i32
      %dma_wait3A_46 = tpu.memref_slice %arg6[%arg0, %multiple_of3A_34, %dma_wait3A_45] : memref<2x10240x128xf32, #tpu.memory_space<hbm>> -> memref<1x128x128xf32, #tpu.memory_space<hbm>>
      %dma_wait3A_47 = tpu.memref_squeeze %dma_wait3A_46 : memref<1x128x128xf32, #tpu.memory_space<hbm>> -> memref<128x128xf32, #tpu.memory_space<hbm>>
      tpu.wait_dma2 semaphore(%run_scoped3A : memref<!tpu.dma_semaphore, #tpu.memory_space<semaphore_mem>>) src(%arg10 : memref<128x128xf32, #tpu.memory_space<vmem>>) dst(%dma_wait3A_47 : memref<128x128xf32, #tpu.memory_space<hbm>>)
      tpu.yield
    }) : () -> ()
    %add3A_35 = arith.constant 512 : i32
    %add3A_36 = arith.addi %multiple_of3A, %add3A_35 : i32
    %multiple_of3A_37 = tpu.assume_multiple %add3A_36, 8 : i32
    "tpu.region"() ({
      %run_scoped3A = tpu.sem_alloc : memref<!tpu.dma_semaphore, #tpu.memory_space<semaphore_mem>>
      %dma_start3A = arith.constant 0 : i32
      %dma_start3A_38 = tpu.memref_slice %arg7[%multiple_of3A_37, %dma_start3A] : memref<10240x128xf32, #tpu.memory_space<vmem_shared>> -> memref<128x128xf32, #tpu.memory_space<vmem_shared>>
      %dma_start3A_39 = arith.constant 0 : i32
      %dma_start3A_40 = tpu.memref_slice %arg7[%multiple_of3A_37, %dma_start3A_39] : memref<10240x128xf32, #tpu.memory_space<vmem_shared>> -> memref<128x128xf32, #tpu.memory_space<vmem_shared>>
      tpu.enqueue_dma source(%dma_start3A_40 : memref<128x128xf32, #tpu.memory_space<vmem_shared>>) target(%arg10 : memref<128x128xf32, #tpu.memory_space<vmem>>) target_semaphore(%run_scoped3A : memref<!tpu.dma_semaphore, #tpu.memory_space<semaphore_mem>>)
      %dma_wait3A = arith.constant 0 : i32
      %dma_wait3A_41 = tpu.memref_slice %arg7[%multiple_of3A_37, %dma_wait3A] : memref<10240x128xf32, #tpu.memory_space<vmem_shared>> -> memref<128x128xf32, #tpu.memory_space<vmem_shared>>
      %dma_wait3A_42 = arith.constant 0 : i32
      %dma_wait3A_43 = tpu.memref_slice %arg7[%multiple_of3A_37, %dma_wait3A_42] : memref<10240x128xf32, #tpu.memory_space<vmem_shared>> -> memref<128x128xf32, #tpu.memory_space<vmem_shared>>
      tpu.wait_dma2 semaphore(%run_scoped3A : memref<!tpu.dma_semaphore, #tpu.memory_space<semaphore_mem>>) src(%dma_wait3A_43 : memref<128x128xf32, #tpu.memory_space<vmem_shared>>) dst(%arg10 : memref<128x128xf32, #tpu.memory_space<vmem>>)
      tpu.yield
    }) : () -> ()
    "tpu.region"() ({
      %run_scoped3A = tpu.sem_alloc : memref<!tpu.dma_semaphore, #tpu.memory_space<semaphore_mem>>
      %dma_start3A = arith.constant 0 : i32
      %dma_start3A_38 = tpu.memref_slice %arg6[%arg0, %multiple_of3A_37, %dma_start3A] : memref<2x10240x128xf32, #tpu.memory_space<hbm>> -> memref<1x128x128xf32, #tpu.memory_space<hbm>>
      %dma_start3A_39 = tpu.memref_squeeze %dma_start3A_38 : memref<1x128x128xf32, #tpu.memory_space<hbm>> -> memref<128x128xf32, #tpu.memory_space<hbm>>
      %dma_start3A_40 = arith.constant 0 : i32
      %dma_start3A_41 = tpu.memref_slice %arg6[%arg0, %multiple_of3A_37, %dma_start3A_40] : memref<2x10240x128xf32, #tpu.memory_space<hbm>> -> memref<1x128x128xf32, #tpu.memory_space<hbm>>
      %dma_start3A_42 = tpu.memref_squeeze %dma_start3A_41 : memref<1x128x128xf32, #tpu.memory_space<hbm>> -> memref<128x128xf32, #tpu.memory_space<hbm>>
      tpu.enqueue_dma source(%arg10 : memref<128x128xf32, #tpu.memory_space<vmem>>) target(%dma_start3A_42 : memref<128x128xf32, #tpu.memory_space<hbm>>) target_semaphore(%run_scoped3A : memref<!tpu.dma_semaphore, #tpu.memory_space<semaphore_mem>>)
      %dma_wait3A = arith.constant 0 : i32
      %dma_wait3A_43 = tpu.memref_slice %arg6[%arg0, %multiple_of3A_37, %dma_wait3A] : memref<2x10240x128xf32, #tpu.memory_space<hbm>> -> memref<1x128x128xf32, #tpu.memory_space<hbm>>
      %dma_wait3A_44 = tpu.memref_squeeze %dma_wait3A_43 : memref<1x128x128xf32, #tpu.memory_space<hbm>> -> memref<128x128xf32, #tpu.memory_space<hbm>>
      %dma_wait3A_45 = arith.constant 0 : i32
      %dma_wait3A_46 = tpu.memref_slice %arg6[%arg0, %multiple_of3A_37, %dma_wait3A_45] : memref<2x10240x128xf32, #tpu.memory_space<hbm>> -> memref<1x128x128xf32, #tpu.memory_space<hbm>>
      %dma_wait3A_47 = tpu.memref_squeeze %dma_wait3A_46 : memref<1x128x128xf32, #tpu.memory_space<hbm>> -> memref<128x128xf32, #tpu.memory_space<hbm>>
      tpu.wait_dma2 semaphore(%run_scoped3A : memref<!tpu.dma_semaphore, #tpu.memory_space<semaphore_mem>>) src(%arg10 : memref<128x128xf32, #tpu.memory_space<vmem>>) dst(%dma_wait3A_47 : memref<128x128xf32, #tpu.memory_space<hbm>>)
      tpu.yield
    }) : () -> ()
    return
  }
}

#map = affine_map<(d0, d1) -> (0, 0)>
#map1 = affine_map<(d0, d1) -> (0, 0, 0)>
module attributes {stable_mosaic.version = 14 : i64} {
  func.func @_agg_body(%arg0: i32, %arg1: i32, %arg2: memref<10240x128xf32, #tpu.memory_space<hbm>>, %arg3: memref<10240x128xf32, #tpu.memory_space<hbm>>, %arg4: memref<10240x128xf32, #tpu.memory_space<hbm>>, %arg5: memref<10240x128xf32, #tpu.memory_space<hbm>>, %arg6: memref<32x79x128xi32, #tpu.memory_space<hbm>>, %arg7: memref<32x79x128xi32, #tpu.memory_space<hbm>>, %arg8: memref<128x128xf32, #tpu.memory_space<hbm>>, %arg9: memref<2x10240x128xf32, #tpu.memory_space<hbm>>, %arg10: memref<2x10240x128xf32, #tpu.memory_space<hbm>>, %arg11: memref<2x10240x128xf32, #tpu.memory_space<hbm>>, %arg12: memref<2x10240x128xf32, #tpu.memory_space<hbm>>, %arg13: memref<10240x128xf32, #tpu.memory_space<vmem_shared>>, %arg14: memref<79x128xi32, #tpu.memory_space<vmem>>, %arg15: memref<79x128xi32, #tpu.memory_space<vmem>>, %arg16: memref<128x128xf32, #tpu.memory_space<vmem>>, %arg17: memref<!tpu.dma_semaphore, #tpu.memory_space<semaphore_mem>>) attributes {dimension_semantics = [#tpu.dimension_semantics<core_parallel>, #tpu.dimension_semantics<subcore_parallel>], iteration_bounds = array<i64: 2, 16>, scalar_prefetch = 0 : i64, scratch_operands = 5 : i64, tpu.core_type = #tpu.core_type<sc_vector_subcore>, window_params = [{transform_indices = #map}, {transform_indices = #map}, {transform_indices = #map}, {transform_indices = #map}, {transform_indices = #map1}, {transform_indices = #map1}, {transform_indices = #map}, {transform_indices = #map1}, {transform_indices = #map1}, {transform_indices = #map1}, {transform_indices = #map1}]} {
    %mul3A = arith.constant 2 : i32
    %mul3A_0 = arith.muli %arg1, %mul3A : i32
    %add3A = arith.addi %mul3A_0, %arg0 : i32
    %mul3A_1 = arith.constant 640 : i32
    %mul3A_2 = arith.muli %arg1, %mul3A_1 : i32
    %multiple_of3A = tpu.assume_multiple %mul3A_2, 8 : i32
    "tpu.region"() ({
      %run_scoped3A = tpu.sem_alloc : memref<!tpu.dma_semaphore, #tpu.memory_space<semaphore_mem>>
      %dma_start3A = arith.constant 0 : i32
      %dma_start3A_149 = arith.constant 0 : i32
      %dma_start3A_150 = tpu.memref_slice %arg6[%add3A, %dma_start3A, %dma_start3A_149] : memref<32x79x128xi32, #tpu.memory_space<hbm>> -> memref<1x79x128xi32, #tpu.memory_space<hbm>>
      %dma_start3A_151 = tpu.memref_squeeze %dma_start3A_150 : memref<1x79x128xi32, #tpu.memory_space<hbm>> -> memref<79x128xi32, #tpu.memory_space<hbm>>
      %dma_start3A_152 = arith.constant 0 : i32
      %dma_start3A_153 = arith.constant 0 : i32
      %dma_start3A_154 = tpu.memref_slice %arg6[%add3A, %dma_start3A_152, %dma_start3A_153] : memref<32x79x128xi32, #tpu.memory_space<hbm>> -> memref<1x79x128xi32, #tpu.memory_space<hbm>>
      %dma_start3A_155 = tpu.memref_squeeze %dma_start3A_154 : memref<1x79x128xi32, #tpu.memory_space<hbm>> -> memref<79x128xi32, #tpu.memory_space<hbm>>
      tpu.enqueue_dma source(%dma_start3A_155 : memref<79x128xi32, #tpu.memory_space<hbm>>) target(%arg14 : memref<79x128xi32, #tpu.memory_space<vmem>>) target_semaphore(%run_scoped3A : memref<!tpu.dma_semaphore, #tpu.memory_space<semaphore_mem>>)
      %dma_wait3A = arith.constant 0 : i32
      %dma_wait3A_156 = arith.constant 0 : i32
      %dma_wait3A_157 = tpu.memref_slice %arg6[%add3A, %dma_wait3A, %dma_wait3A_156] : memref<32x79x128xi32, #tpu.memory_space<hbm>> -> memref<1x79x128xi32, #tpu.memory_space<hbm>>
      %dma_wait3A_158 = tpu.memref_squeeze %dma_wait3A_157 : memref<1x79x128xi32, #tpu.memory_space<hbm>> -> memref<79x128xi32, #tpu.memory_space<hbm>>
      %dma_wait3A_159 = arith.constant 0 : i32
      %dma_wait3A_160 = arith.constant 0 : i32
      %dma_wait3A_161 = tpu.memref_slice %arg6[%add3A, %dma_wait3A_159, %dma_wait3A_160] : memref<32x79x128xi32, #tpu.memory_space<hbm>> -> memref<1x79x128xi32, #tpu.memory_space<hbm>>
      %dma_wait3A_162 = tpu.memref_squeeze %dma_wait3A_161 : memref<1x79x128xi32, #tpu.memory_space<hbm>> -> memref<79x128xi32, #tpu.memory_space<hbm>>
      tpu.wait_dma2 semaphore(%run_scoped3A : memref<!tpu.dma_semaphore, #tpu.memory_space<semaphore_mem>>) src(%dma_wait3A_162 : memref<79x128xi32, #tpu.memory_space<hbm>>) dst(%arg14 : memref<79x128xi32, #tpu.memory_space<vmem>>)
      tpu.yield
    }) : () -> ()
    "tpu.region"() ({
      %run_scoped3A = tpu.sem_alloc : memref<!tpu.dma_semaphore, #tpu.memory_space<semaphore_mem>>
      %dma_start3A = arith.constant 0 : i32
      %dma_start3A_149 = arith.constant 0 : i32
      %dma_start3A_150 = tpu.memref_slice %arg7[%add3A, %dma_start3A, %dma_start3A_149] : memref<32x79x128xi32, #tpu.memory_space<hbm>> -> memref<1x79x128xi32, #tpu.memory_space<hbm>>
      %dma_start3A_151 = tpu.memref_squeeze %dma_start3A_150 : memref<1x79x128xi32, #tpu.memory_space<hbm>> -> memref<79x128xi32, #tpu.memory_space<hbm>>
      %dma_start3A_152 = arith.constant 0 : i32
      %dma_start3A_153 = arith.constant 0 : i32
      %dma_start3A_154 = tpu.memref_slice %arg7[%add3A, %dma_start3A_152, %dma_start3A_153] : memref<32x79x128xi32, #tpu.memory_space<hbm>> -> memref<1x79x128xi32, #tpu.memory_space<hbm>>
      %dma_start3A_155 = tpu.memref_squeeze %dma_start3A_154 : memref<1x79x128xi32, #tpu.memory_space<hbm>> -> memref<79x128xi32, #tpu.memory_space<hbm>>
      tpu.enqueue_dma source(%dma_start3A_155 : memref<79x128xi32, #tpu.memory_space<hbm>>) target(%arg15 : memref<79x128xi32, #tpu.memory_space<vmem>>) target_semaphore(%run_scoped3A : memref<!tpu.dma_semaphore, #tpu.memory_space<semaphore_mem>>)
      %dma_wait3A = arith.constant 0 : i32
      %dma_wait3A_156 = arith.constant 0 : i32
      %dma_wait3A_157 = tpu.memref_slice %arg7[%add3A, %dma_wait3A, %dma_wait3A_156] : memref<32x79x128xi32, #tpu.memory_space<hbm>> -> memref<1x79x128xi32, #tpu.memory_space<hbm>>
      %dma_wait3A_158 = tpu.memref_squeeze %dma_wait3A_157 : memref<1x79x128xi32, #tpu.memory_space<hbm>> -> memref<79x128xi32, #tpu.memory_space<hbm>>
      %dma_wait3A_159 = arith.constant 0 : i32
      %dma_wait3A_160 = arith.constant 0 : i32
      %dma_wait3A_161 = tpu.memref_slice %arg7[%add3A, %dma_wait3A_159, %dma_wait3A_160] : memref<32x79x128xi32, #tpu.memory_space<hbm>> -> memref<1x79x128xi32, #tpu.memory_space<hbm>>
      %dma_wait3A_162 = tpu.memref_squeeze %dma_wait3A_161 : memref<1x79x128xi32, #tpu.memory_space<hbm>> -> memref<79x128xi32, #tpu.memory_space<hbm>>
      tpu.wait_dma2 semaphore(%run_scoped3A : memref<!tpu.dma_semaphore, #tpu.memory_space<semaphore_mem>>) src(%dma_wait3A_162 : memref<79x128xi32, #tpu.memory_space<hbm>>) dst(%arg15 : memref<79x128xi32, #tpu.memory_space<vmem>>)
      tpu.yield
    }) : () -> ()
    "tpu.region"() ({
      %run_scoped3A = tpu.sem_alloc : memref<!tpu.dma_semaphore, #tpu.memory_space<semaphore_mem>>
      tpu.enqueue_dma source(%arg8 : memref<128x128xf32, #tpu.memory_space<hbm>>) target(%arg16 : memref<128x128xf32, #tpu.memory_space<vmem>>) target_semaphore(%run_scoped3A : memref<!tpu.dma_semaphore, #tpu.memory_space<semaphore_mem>>)
      tpu.wait_dma2 semaphore(%run_scoped3A : memref<!tpu.dma_semaphore, #tpu.memory_space<semaphore_mem>>) src(%arg8 : memref<128x128xf32, #tpu.memory_space<hbm>>) dst(%arg16 : memref<128x128xf32, #tpu.memory_space<vmem>>)
      tpu.yield
    }) : () -> ()
    %add3A_3 = arith.constant 0 : i32
    %add3A_4 = arith.addi %multiple_of3A, %add3A_3 : i32
    %multiple_of3A_5 = tpu.assume_multiple %add3A_4, 8 : i32
    "tpu.region"() ({
      %run_scoped3A = tpu.sem_alloc : memref<!tpu.dma_semaphore, #tpu.memory_space<semaphore_mem>>
      %dma_start3A = arith.constant 0 : i32
      %dma_start3A_149 = tpu.memref_slice %arg13[%multiple_of3A_5, %dma_start3A] : memref<10240x128xf32, #tpu.memory_space<vmem_shared>> -> memref<128x128xf32, #tpu.memory_space<vmem_shared>>
      %dma_start3A_150 = arith.constant 0 : i32
      %dma_start3A_151 = tpu.memref_slice %arg13[%multiple_of3A_5, %dma_start3A_150] : memref<10240x128xf32, #tpu.memory_space<vmem_shared>> -> memref<128x128xf32, #tpu.memory_space<vmem_shared>>
      tpu.enqueue_dma source(%arg16 : memref<128x128xf32, #tpu.memory_space<vmem>>) target(%dma_start3A_151 : memref<128x128xf32, #tpu.memory_space<vmem_shared>>) target_semaphore(%run_scoped3A : memref<!tpu.dma_semaphore, #tpu.memory_space<semaphore_mem>>)
      %dma_wait3A = arith.constant 0 : i32
      %dma_wait3A_152 = tpu.memref_slice %arg13[%multiple_of3A_5, %dma_wait3A] : memref<10240x128xf32, #tpu.memory_space<vmem_shared>> -> memref<128x128xf32, #tpu.memory_space<vmem_shared>>
      %dma_wait3A_153 = arith.constant 0 : i32
      %dma_wait3A_154 = tpu.memref_slice %arg13[%multiple_of3A_5, %dma_wait3A_153] : memref<10240x128xf32, #tpu.memory_space<vmem_shared>> -> memref<128x128xf32, #tpu.memory_space<vmem_shared>>
      tpu.wait_dma2 semaphore(%run_scoped3A : memref<!tpu.dma_semaphore, #tpu.memory_space<semaphore_mem>>) src(%arg16 : memref<128x128xf32, #tpu.memory_space<vmem>>) dst(%dma_wait3A_154 : memref<128x128xf32, #tpu.memory_space<vmem_shared>>)
      tpu.yield
    }) : () -> ()
    %add3A_6 = arith.constant 128 : i32
    %add3A_7 = arith.addi %multiple_of3A, %add3A_6 : i32
    %multiple_of3A_8 = tpu.assume_multiple %add3A_7, 8 : i32
    "tpu.region"() ({
      %run_scoped3A = tpu.sem_alloc : memref<!tpu.dma_semaphore, #tpu.memory_space<semaphore_mem>>
      %dma_start3A = arith.constant 0 : i32
      %dma_start3A_149 = tpu.memref_slice %arg13[%multiple_of3A_8, %dma_start3A] : memref<10240x128xf32, #tpu.memory_space<vmem_shared>> -> memref<128x128xf32, #tpu.memory_space<vmem_shared>>
      %dma_start3A_150 = arith.constant 0 : i32
      %dma_start3A_151 = tpu.memref_slice %arg13[%multiple_of3A_8, %dma_start3A_150] : memref<10240x128xf32, #tpu.memory_space<vmem_shared>> -> memref<128x128xf32, #tpu.memory_space<vmem_shared>>
      tpu.enqueue_dma source(%arg16 : memref<128x128xf32, #tpu.memory_space<vmem>>) target(%dma_start3A_151 : memref<128x128xf32, #tpu.memory_space<vmem_shared>>) target_semaphore(%run_scoped3A : memref<!tpu.dma_semaphore, #tpu.memory_space<semaphore_mem>>)
      %dma_wait3A = arith.constant 0 : i32
      %dma_wait3A_152 = tpu.memref_slice %arg13[%multiple_of3A_8, %dma_wait3A] : memref<10240x128xf32, #tpu.memory_space<vmem_shared>> -> memref<128x128xf32, #tpu.memory_space<vmem_shared>>
      %dma_wait3A_153 = arith.constant 0 : i32
      %dma_wait3A_154 = tpu.memref_slice %arg13[%multiple_of3A_8, %dma_wait3A_153] : memref<10240x128xf32, #tpu.memory_space<vmem_shared>> -> memref<128x128xf32, #tpu.memory_space<vmem_shared>>
      tpu.wait_dma2 semaphore(%run_scoped3A : memref<!tpu.dma_semaphore, #tpu.memory_space<semaphore_mem>>) src(%arg16 : memref<128x128xf32, #tpu.memory_space<vmem>>) dst(%dma_wait3A_154 : memref<128x128xf32, #tpu.memory_space<vmem_shared>>)
      tpu.yield
    }) : () -> ()
    %add3A_9 = arith.constant 256 : i32
    %add3A_10 = arith.addi %multiple_of3A, %add3A_9 : i32
    %multiple_of3A_11 = tpu.assume_multiple %add3A_10, 8 : i32
    "tpu.region"() ({
      %run_scoped3A = tpu.sem_alloc : memref<!tpu.dma_semaphore, #tpu.memory_space<semaphore_mem>>
      %dma_start3A = arith.constant 0 : i32
      %dma_start3A_149 = tpu.memref_slice %arg13[%multiple_of3A_11, %dma_start3A] : memref<10240x128xf32, #tpu.memory_space<vmem_shared>> -> memref<128x128xf32, #tpu.memory_space<vmem_shared>>
      %dma_start3A_150 = arith.constant 0 : i32
      %dma_start3A_151 = tpu.memref_slice %arg13[%multiple_of3A_11, %dma_start3A_150] : memref<10240x128xf32, #tpu.memory_space<vmem_shared>> -> memref<128x128xf32, #tpu.memory_space<vmem_shared>>
      tpu.enqueue_dma source(%arg16 : memref<128x128xf32, #tpu.memory_space<vmem>>) target(%dma_start3A_151 : memref<128x128xf32, #tpu.memory_space<vmem_shared>>) target_semaphore(%run_scoped3A : memref<!tpu.dma_semaphore, #tpu.memory_space<semaphore_mem>>)
      %dma_wait3A = arith.constant 0 : i32
      %dma_wait3A_152 = tpu.memref_slice %arg13[%multiple_of3A_11, %dma_wait3A] : memref<10240x128xf32, #tpu.memory_space<vmem_shared>> -> memref<128x128xf32, #tpu.memory_space<vmem_shared>>
      %dma_wait3A_153 = arith.constant 0 : i32
      %dma_wait3A_154 = tpu.memref_slice %arg13[%multiple_of3A_11, %dma_wait3A_153] : memref<10240x128xf32, #tpu.memory_space<vmem_shared>> -> memref<128x128xf32, #tpu.memory_space<vmem_shared>>
      tpu.wait_dma2 semaphore(%run_scoped3A : memref<!tpu.dma_semaphore, #tpu.memory_space<semaphore_mem>>) src(%arg16 : memref<128x128xf32, #tpu.memory_space<vmem>>) dst(%dma_wait3A_154 : memref<128x128xf32, #tpu.memory_space<vmem_shared>>)
      tpu.yield
    }) : () -> ()
    %add3A_12 = arith.constant 384 : i32
    %add3A_13 = arith.addi %multiple_of3A, %add3A_12 : i32
    %multiple_of3A_14 = tpu.assume_multiple %add3A_13, 8 : i32
    "tpu.region"() ({
      %run_scoped3A = tpu.sem_alloc : memref<!tpu.dma_semaphore, #tpu.memory_space<semaphore_mem>>
      %dma_start3A = arith.constant 0 : i32
      %dma_start3A_149 = tpu.memref_slice %arg13[%multiple_of3A_14, %dma_start3A] : memref<10240x128xf32, #tpu.memory_space<vmem_shared>> -> memref<128x128xf32, #tpu.memory_space<vmem_shared>>
      %dma_start3A_150 = arith.constant 0 : i32
      %dma_start3A_151 = tpu.memref_slice %arg13[%multiple_of3A_14, %dma_start3A_150] : memref<10240x128xf32, #tpu.memory_space<vmem_shared>> -> memref<128x128xf32, #tpu.memory_space<vmem_shared>>
      tpu.enqueue_dma source(%arg16 : memref<128x128xf32, #tpu.memory_space<vmem>>) target(%dma_start3A_151 : memref<128x128xf32, #tpu.memory_space<vmem_shared>>) target_semaphore(%run_scoped3A : memref<!tpu.dma_semaphore, #tpu.memory_space<semaphore_mem>>)
      %dma_wait3A = arith.constant 0 : i32
      %dma_wait3A_152 = tpu.memref_slice %arg13[%multiple_of3A_14, %dma_wait3A] : memref<10240x128xf32, #tpu.memory_space<vmem_shared>> -> memref<128x128xf32, #tpu.memory_space<vmem_shared>>
      %dma_wait3A_153 = arith.constant 0 : i32
      %dma_wait3A_154 = tpu.memref_slice %arg13[%multiple_of3A_14, %dma_wait3A_153] : memref<10240x128xf32, #tpu.memory_space<vmem_shared>> -> memref<128x128xf32, #tpu.memory_space<vmem_shared>>
      tpu.wait_dma2 semaphore(%run_scoped3A : memref<!tpu.dma_semaphore, #tpu.memory_space<semaphore_mem>>) src(%arg16 : memref<128x128xf32, #tpu.memory_space<vmem>>) dst(%dma_wait3A_154 : memref<128x128xf32, #tpu.memory_space<vmem_shared>>)
      tpu.yield
    }) : () -> ()
    %add3A_15 = arith.constant 512 : i32
    %add3A_16 = arith.addi %multiple_of3A, %add3A_15 : i32
    %multiple_of3A_17 = tpu.assume_multiple %add3A_16, 8 : i32
    "tpu.region"() ({
      %run_scoped3A = tpu.sem_alloc : memref<!tpu.dma_semaphore, #tpu.memory_space<semaphore_mem>>
      %dma_start3A = arith.constant 0 : i32
      %dma_start3A_149 = tpu.memref_slice %arg13[%multiple_of3A_17, %dma_start3A] : memref<10240x128xf32, #tpu.memory_space<vmem_shared>> -> memref<128x128xf32, #tpu.memory_space<vmem_shared>>
      %dma_start3A_150 = arith.constant 0 : i32
      %dma_start3A_151 = tpu.memref_slice %arg13[%multiple_of3A_17, %dma_start3A_150] : memref<10240x128xf32, #tpu.memory_space<vmem_shared>> -> memref<128x128xf32, #tpu.memory_space<vmem_shared>>
      tpu.enqueue_dma source(%arg16 : memref<128x128xf32, #tpu.memory_space<vmem>>) target(%dma_start3A_151 : memref<128x128xf32, #tpu.memory_space<vmem_shared>>) target_semaphore(%run_scoped3A : memref<!tpu.dma_semaphore, #tpu.memory_space<semaphore_mem>>)
      %dma_wait3A = arith.constant 0 : i32
      %dma_wait3A_152 = tpu.memref_slice %arg13[%multiple_of3A_17, %dma_wait3A] : memref<10240x128xf32, #tpu.memory_space<vmem_shared>> -> memref<128x128xf32, #tpu.memory_space<vmem_shared>>
      %dma_wait3A_153 = arith.constant 0 : i32
      %dma_wait3A_154 = tpu.memref_slice %arg13[%multiple_of3A_17, %dma_wait3A_153] : memref<10240x128xf32, #tpu.memory_space<vmem_shared>> -> memref<128x128xf32, #tpu.memory_space<vmem_shared>>
      tpu.wait_dma2 semaphore(%run_scoped3A : memref<!tpu.dma_semaphore, #tpu.memory_space<semaphore_mem>>) src(%arg16 : memref<128x128xf32, #tpu.memory_space<vmem>>) dst(%dma_wait3A_154 : memref<128x128xf32, #tpu.memory_space<vmem_shared>>)
      tpu.yield
    }) : () -> ()
    %barrier3A = arith.constant 0 : index
    tpu.barrier barrier_id(%barrier3A)
    %scan3A = arith.constant 0 : i32
    %scan3A_18 = arith.constant 79 : i32
    %scan3A_19 = arith.addi %scan3A, %scan3A_18 : i32
    %scan3A_20 = arith.constant 1 : i32
    scf.for %scan3A_149 = %scan3A to %scan3A_19 step %scan3A_20  : i32 {
      %mul3A_150 = arith.constant 1 : i32
      %mul3A_151 = arith.muli %scan3A_149, %mul3A_150 : i32
      %add3A_152 = arith.constant 0 : i32
      %add3A_153 = arith.addi %add3A_152, %mul3A_151 : i32
      %dma_start3A = arith.constant 0 : i32
      %dma_start3A_154 = tpu.memref_slice %arg14[%add3A_153, %dma_start3A] : memref<79x128xi32, #tpu.memory_space<vmem>> -> memref<1x128xi32, #tpu.memory_space<vmem>>
      %dma_start3A_155 = tpu.memref_squeeze %dma_start3A_154 : memref<1x128xi32, #tpu.memory_space<vmem>> -> memref<128xi32, #tpu.memory_space<vmem>>
      %dma_start3A_156 = arith.constant 0 : i32
      %dma_start3A_157 = arith.constant 0 : i32
      %dma_start3A_158 = tpu.memref_slice %arg2[%dma_start3A_156, %dma_start3A_157] : memref<10240x128xf32, #tpu.memory_space<hbm>> -> memref<10240x128xf32, #tpu.memory_space<hbm>>
      tpu.enqueue_indirect_dma source(%dma_start3A_158 : memref<10240x128xf32, #tpu.memory_space<hbm>>) target(%arg16 : memref<128x128xf32, #tpu.memory_space<vmem>>) offsets(%dma_start3A_155 : memref<128xi32, #tpu.memory_space<vmem>>) semaphore(%arg17 : memref<!tpu.dma_semaphore, #tpu.memory_space<semaphore_mem>>)
      %dma_wait3A = arith.constant 0 : i32
      %dma_wait3A_159 = tpu.memref_slice %arg14[%add3A_153, %dma_wait3A] : memref<79x128xi32, #tpu.memory_space<vmem>> -> memref<1x128xi32, #tpu.memory_space<vmem>>
      %dma_wait3A_160 = tpu.memref_squeeze %dma_wait3A_159 : memref<1x128xi32, #tpu.memory_space<vmem>> -> memref<128xi32, #tpu.memory_space<vmem>>
      %dma_wait3A_161 = arith.constant 0 : i32
      %dma_wait3A_162 = arith.constant 0 : i32
      %dma_wait3A_163 = tpu.memref_slice %arg2[%dma_wait3A_161, %dma_wait3A_162] : memref<10240x128xf32, #tpu.memory_space<hbm>> -> memref<10240x128xf32, #tpu.memory_space<hbm>>
      tpu.wait_indirect_dma semaphore(%arg17 : memref<!tpu.dma_semaphore, #tpu.memory_space<semaphore_mem>>) src(%dma_wait3A_163 : memref<10240x128xf32, #tpu.memory_space<hbm>>) dst(%arg16 : memref<128x128xf32, #tpu.memory_space<vmem>>)
      "tpu.region"() ({
        %run_scoped3A = tpu.sem_alloc : memref<!tpu.dma_semaphore, #tpu.memory_space<semaphore_mem>>
        %dma_start3A_164 = arith.constant 0 : i32
        %dma_start3A_165 = tpu.memref_slice %arg15[%add3A_153, %dma_start3A_164] : memref<79x128xi32, #tpu.memory_space<vmem>> -> memref<1x128xi32, #tpu.memory_space<vmem>>
        %dma_start3A_166 = tpu.memref_squeeze %dma_start3A_165 : memref<1x128xi32, #tpu.memory_space<vmem>> -> memref<128xi32, #tpu.memory_space<vmem>>
        %dma_start3A_167 = arith.constant 0 : i32
        %dma_start3A_168 = arith.constant 0 : i32
        %dma_start3A_169 = tpu.memref_slice %arg13[%dma_start3A_167, %dma_start3A_168] : memref<10240x128xf32, #tpu.memory_space<vmem_shared>> -> memref<10240x128xf32, #tpu.memory_space<vmem_shared>>
        tpu.enqueue_indirect_dma source(%arg16 : memref<128x128xf32, #tpu.memory_space<vmem>>) target(%dma_start3A_169 : memref<10240x128xf32, #tpu.memory_space<vmem_shared>>) offsets(%dma_start3A_166 : memref<128xi32, #tpu.memory_space<vmem>>) semaphore(%run_scoped3A : memref<!tpu.dma_semaphore, #tpu.memory_space<semaphore_mem>>) {add = true}
        %dma_wait3A_170 = arith.constant 0 : i32
        %dma_wait3A_171 = tpu.memref_slice %arg15[%add3A_153, %dma_wait3A_170] : memref<79x128xi32, #tpu.memory_space<vmem>> -> memref<1x128xi32, #tpu.memory_space<vmem>>
        %dma_wait3A_172 = tpu.memref_squeeze %dma_wait3A_171 : memref<1x128xi32, #tpu.memory_space<vmem>> -> memref<128xi32, #tpu.memory_space<vmem>>
        %dma_wait3A_173 = arith.constant 0 : i32
        %dma_wait3A_174 = arith.constant 0 : i32
        %dma_wait3A_175 = tpu.memref_slice %arg13[%dma_wait3A_173, %dma_wait3A_174] : memref<10240x128xf32, #tpu.memory_space<vmem_shared>> -> memref<10240x128xf32, #tpu.memory_space<vmem_shared>>
        tpu.wait_indirect_dma semaphore(%run_scoped3A : memref<!tpu.dma_semaphore, #tpu.memory_space<semaphore_mem>>) src(%arg16 : memref<128x128xf32, #tpu.memory_space<vmem>>) dst(%dma_wait3A_175 : memref<10240x128xf32, #tpu.memory_space<vmem_shared>>)
        tpu.yield
      }) : () -> ()
    }
    %scan3A_21 = arith.constant 79 : i32
    %barrier3A_22 = arith.constant 0 : index
    tpu.barrier barrier_id(%barrier3A_22)
    %add3A_23 = arith.constant 0 : i32
    %add3A_24 = arith.addi %multiple_of3A, %add3A_23 : i32
    %multiple_of3A_25 = tpu.assume_multiple %add3A_24, 8 : i32
    "tpu.region"() ({
      %run_scoped3A = tpu.sem_alloc : memref<!tpu.dma_semaphore, #tpu.memory_space<semaphore_mem>>
      %dma_start3A = arith.constant 0 : i32
      %dma_start3A_149 = tpu.memref_slice %arg13[%multiple_of3A_25, %dma_start3A] : memref<10240x128xf32, #tpu.memory_space<vmem_shared>> -> memref<128x128xf32, #tpu.memory_space<vmem_shared>>
      %dma_start3A_150 = arith.constant 0 : i32
      %dma_start3A_151 = tpu.memref_slice %arg13[%multiple_of3A_25, %dma_start3A_150] : memref<10240x128xf32, #tpu.memory_space<vmem_shared>> -> memref<128x128xf32, #tpu.memory_space<vmem_shared>>
      tpu.enqueue_dma source(%dma_start3A_151 : memref<128x128xf32, #tpu.memory_space<vmem_shared>>) target(%arg16 : memref<128x128xf32, #tpu.memory_space<vmem>>) target_semaphore(%run_scoped3A : memref<!tpu.dma_semaphore, #tpu.memory_space<semaphore_mem>>)
      %dma_wait3A = arith.constant 0 : i32
      %dma_wait3A_152 = tpu.memref_slice %arg13[%multiple_of3A_25, %dma_wait3A] : memref<10240x128xf32, #tpu.memory_space<vmem_shared>> -> memref<128x128xf32, #tpu.memory_space<vmem_shared>>
      %dma_wait3A_153 = arith.constant 0 : i32
      %dma_wait3A_154 = tpu.memref_slice %arg13[%multiple_of3A_25, %dma_wait3A_153] : memref<10240x128xf32, #tpu.memory_space<vmem_shared>> -> memref<128x128xf32, #tpu.memory_space<vmem_shared>>
      tpu.wait_dma2 semaphore(%run_scoped3A : memref<!tpu.dma_semaphore, #tpu.memory_space<semaphore_mem>>) src(%dma_wait3A_154 : memref<128x128xf32, #tpu.memory_space<vmem_shared>>) dst(%arg16 : memref<128x128xf32, #tpu.memory_space<vmem>>)
      tpu.yield
    }) : () -> ()
    "tpu.region"() ({
      %run_scoped3A = tpu.sem_alloc : memref<!tpu.dma_semaphore, #tpu.memory_space<semaphore_mem>>
      %dma_start3A = arith.constant 0 : i32
      %dma_start3A_149 = tpu.memref_slice %arg9[%arg0, %multiple_of3A_25, %dma_start3A] : memref<2x10240x128xf32, #tpu.memory_space<hbm>> -> memref<1x128x128xf32, #tpu.memory_space<hbm>>
      %dma_start3A_150 = tpu.memref_squeeze %dma_start3A_149 : memref<1x128x128xf32, #tpu.memory_space<hbm>> -> memref<128x128xf32, #tpu.memory_space<hbm>>
      %dma_start3A_151 = arith.constant 0 : i32
      %dma_start3A_152 = tpu.memref_slice %arg9[%arg0, %multiple_of3A_25, %dma_start3A_151] : memref<2x10240x128xf32, #tpu.memory_space<hbm>> -> memref<1x128x128xf32, #tpu.memory_space<hbm>>
      %dma_start3A_153 = tpu.memref_squeeze %dma_start3A_152 : memref<1x128x128xf32, #tpu.memory_space<hbm>> -> memref<128x128xf32, #tpu.memory_space<hbm>>
      tpu.enqueue_dma source(%arg16 : memref<128x128xf32, #tpu.memory_space<vmem>>) target(%dma_start3A_153 : memref<128x128xf32, #tpu.memory_space<hbm>>) target_semaphore(%run_scoped3A : memref<!tpu.dma_semaphore, #tpu.memory_space<semaphore_mem>>)
      %dma_wait3A = arith.constant 0 : i32
      %dma_wait3A_154 = tpu.memref_slice %arg9[%arg0, %multiple_of3A_25, %dma_wait3A] : memref<2x10240x128xf32, #tpu.memory_space<hbm>> -> memref<1x128x128xf32, #tpu.memory_space<hbm>>
      %dma_wait3A_155 = tpu.memref_squeeze %dma_wait3A_154 : memref<1x128x128xf32, #tpu.memory_space<hbm>> -> memref<128x128xf32, #tpu.memory_space<hbm>>
      %dma_wait3A_156 = arith.constant 0 : i32
      %dma_wait3A_157 = tpu.memref_slice %arg9[%arg0, %multiple_of3A_25, %dma_wait3A_156] : memref<2x10240x128xf32, #tpu.memory_space<hbm>> -> memref<1x128x128xf32, #tpu.memory_space<hbm>>
      %dma_wait3A_158 = tpu.memref_squeeze %dma_wait3A_157 : memref<1x128x128xf32, #tpu.memory_space<hbm>> -> memref<128x128xf32, #tpu.memory_space<hbm>>
      tpu.wait_dma2 semaphore(%run_scoped3A : memref<!tpu.dma_semaphore, #tpu.memory_space<semaphore_mem>>) src(%arg16 : memref<128x128xf32, #tpu.memory_space<vmem>>) dst(%dma_wait3A_158 : memref<128x128xf32, #tpu.memory_space<hbm>>)
      tpu.yield
    }) : () -> ()
    %add3A_26 = arith.constant 128 : i32
    %add3A_27 = arith.addi %multiple_of3A, %add3A_26 : i32
    %multiple_of3A_28 = tpu.assume_multiple %add3A_27, 8 : i32
    "tpu.region"() ({
      %run_scoped3A = tpu.sem_alloc : memref<!tpu.dma_semaphore, #tpu.memory_space<semaphore_mem>>
      %dma_start3A = arith.constant 0 : i32
      %dma_start3A_149 = tpu.memref_slice %arg13[%multiple_of3A_28, %dma_start3A] : memref<10240x128xf32, #tpu.memory_space<vmem_shared>> -> memref<128x128xf32, #tpu.memory_space<vmem_shared>>
      %dma_start3A_150 = arith.constant 0 : i32
      %dma_start3A_151 = tpu.memref_slice %arg13[%multiple_of3A_28, %dma_start3A_150] : memref<10240x128xf32, #tpu.memory_space<vmem_shared>> -> memref<128x128xf32, #tpu.memory_space<vmem_shared>>
      tpu.enqueue_dma source(%dma_start3A_151 : memref<128x128xf32, #tpu.memory_space<vmem_shared>>) target(%arg16 : memref<128x128xf32, #tpu.memory_space<vmem>>) target_semaphore(%run_scoped3A : memref<!tpu.dma_semaphore, #tpu.memory_space<semaphore_mem>>)
      %dma_wait3A = arith.constant 0 : i32
      %dma_wait3A_152 = tpu.memref_slice %arg13[%multiple_of3A_28, %dma_wait3A] : memref<10240x128xf32, #tpu.memory_space<vmem_shared>> -> memref<128x128xf32, #tpu.memory_space<vmem_shared>>
      %dma_wait3A_153 = arith.constant 0 : i32
      %dma_wait3A_154 = tpu.memref_slice %arg13[%multiple_of3A_28, %dma_wait3A_153] : memref<10240x128xf32, #tpu.memory_space<vmem_shared>> -> memref<128x128xf32, #tpu.memory_space<vmem_shared>>
      tpu.wait_dma2 semaphore(%run_scoped3A : memref<!tpu.dma_semaphore, #tpu.memory_space<semaphore_mem>>) src(%dma_wait3A_154 : memref<128x128xf32, #tpu.memory_space<vmem_shared>>) dst(%arg16 : memref<128x128xf32, #tpu.memory_space<vmem>>)
      tpu.yield
    }) : () -> ()
    "tpu.region"() ({
      %run_scoped3A = tpu.sem_alloc : memref<!tpu.dma_semaphore, #tpu.memory_space<semaphore_mem>>
      %dma_start3A = arith.constant 0 : i32
      %dma_start3A_149 = tpu.memref_slice %arg9[%arg0, %multiple_of3A_28, %dma_start3A] : memref<2x10240x128xf32, #tpu.memory_space<hbm>> -> memref<1x128x128xf32, #tpu.memory_space<hbm>>
      %dma_start3A_150 = tpu.memref_squeeze %dma_start3A_149 : memref<1x128x128xf32, #tpu.memory_space<hbm>> -> memref<128x128xf32, #tpu.memory_space<hbm>>
      %dma_start3A_151 = arith.constant 0 : i32
      %dma_start3A_152 = tpu.memref_slice %arg9[%arg0, %multiple_of3A_28, %dma_start3A_151] : memref<2x10240x128xf32, #tpu.memory_space<hbm>> -> memref<1x128x128xf32, #tpu.memory_space<hbm>>
      %dma_start3A_153 = tpu.memref_squeeze %dma_start3A_152 : memref<1x128x128xf32, #tpu.memory_space<hbm>> -> memref<128x128xf32, #tpu.memory_space<hbm>>
      tpu.enqueue_dma source(%arg16 : memref<128x128xf32, #tpu.memory_space<vmem>>) target(%dma_start3A_153 : memref<128x128xf32, #tpu.memory_space<hbm>>) target_semaphore(%run_scoped3A : memref<!tpu.dma_semaphore, #tpu.memory_space<semaphore_mem>>)
      %dma_wait3A = arith.constant 0 : i32
      %dma_wait3A_154 = tpu.memref_slice %arg9[%arg0, %multiple_of3A_28, %dma_wait3A] : memref<2x10240x128xf32, #tpu.memory_space<hbm>> -> memref<1x128x128xf32, #tpu.memory_space<hbm>>
      %dma_wait3A_155 = tpu.memref_squeeze %dma_wait3A_154 : memref<1x128x128xf32, #tpu.memory_space<hbm>> -> memref<128x128xf32, #tpu.memory_space<hbm>>
      %dma_wait3A_156 = arith.constant 0 : i32
      %dma_wait3A_157 = tpu.memref_slice %arg9[%arg0, %multiple_of3A_28, %dma_wait3A_156] : memref<2x10240x128xf32, #tpu.memory_space<hbm>> -> memref<1x128x128xf32, #tpu.memory_space<hbm>>
      %dma_wait3A_158 = tpu.memref_squeeze %dma_wait3A_157 : memref<1x128x128xf32, #tpu.memory_space<hbm>> -> memref<128x128xf32, #tpu.memory_space<hbm>>
      tpu.wait_dma2 semaphore(%run_scoped3A : memref<!tpu.dma_semaphore, #tpu.memory_space<semaphore_mem>>) src(%arg16 : memref<128x128xf32, #tpu.memory_space<vmem>>) dst(%dma_wait3A_158 : memref<128x128xf32, #tpu.memory_space<hbm>>)
      tpu.yield
    }) : () -> ()
    %add3A_29 = arith.constant 256 : i32
    %add3A_30 = arith.addi %multiple_of3A, %add3A_29 : i32
    %multiple_of3A_31 = tpu.assume_multiple %add3A_30, 8 : i32
    "tpu.region"() ({
      %run_scoped3A = tpu.sem_alloc : memref<!tpu.dma_semaphore, #tpu.memory_space<semaphore_mem>>
      %dma_start3A = arith.constant 0 : i32
      %dma_start3A_149 = tpu.memref_slice %arg13[%multiple_of3A_31, %dma_start3A] : memref<10240x128xf32, #tpu.memory_space<vmem_shared>> -> memref<128x128xf32, #tpu.memory_space<vmem_shared>>
      %dma_start3A_150 = arith.constant 0 : i32
      %dma_start3A_151 = tpu.memref_slice %arg13[%multiple_of3A_31, %dma_start3A_150] : memref<10240x128xf32, #tpu.memory_space<vmem_shared>> -> memref<128x128xf32, #tpu.memory_space<vmem_shared>>
      tpu.enqueue_dma source(%dma_start3A_151 : memref<128x128xf32, #tpu.memory_space<vmem_shared>>) target(%arg16 : memref<128x128xf32, #tpu.memory_space<vmem>>) target_semaphore(%run_scoped3A : memref<!tpu.dma_semaphore, #tpu.memory_space<semaphore_mem>>)
      %dma_wait3A = arith.constant 0 : i32
      %dma_wait3A_152 = tpu.memref_slice %arg13[%multiple_of3A_31, %dma_wait3A] : memref<10240x128xf32, #tpu.memory_space<vmem_shared>> -> memref<128x128xf32, #tpu.memory_space<vmem_shared>>
      %dma_wait3A_153 = arith.constant 0 : i32
      %dma_wait3A_154 = tpu.memref_slice %arg13[%multiple_of3A_31, %dma_wait3A_153] : memref<10240x128xf32, #tpu.memory_space<vmem_shared>> -> memref<128x128xf32, #tpu.memory_space<vmem_shared>>
      tpu.wait_dma2 semaphore(%run_scoped3A : memref<!tpu.dma_semaphore, #tpu.memory_space<semaphore_mem>>) src(%dma_wait3A_154 : memref<128x128xf32, #tpu.memory_space<vmem_shared>>) dst(%arg16 : memref<128x128xf32, #tpu.memory_space<vmem>>)
      tpu.yield
    }) : () -> ()
    "tpu.region"() ({
      %run_scoped3A = tpu.sem_alloc : memref<!tpu.dma_semaphore, #tpu.memory_space<semaphore_mem>>
      %dma_start3A = arith.constant 0 : i32
      %dma_start3A_149 = tpu.memref_slice %arg9[%arg0, %multiple_of3A_31, %dma_start3A] : memref<2x10240x128xf32, #tpu.memory_space<hbm>> -> memref<1x128x128xf32, #tpu.memory_space<hbm>>
      %dma_start3A_150 = tpu.memref_squeeze %dma_start3A_149 : memref<1x128x128xf32, #tpu.memory_space<hbm>> -> memref<128x128xf32, #tpu.memory_space<hbm>>
      %dma_start3A_151 = arith.constant 0 : i32
      %dma_start3A_152 = tpu.memref_slice %arg9[%arg0, %multiple_of3A_31, %dma_start3A_151] : memref<2x10240x128xf32, #tpu.memory_space<hbm>> -> memref<1x128x128xf32, #tpu.memory_space<hbm>>
      %dma_start3A_153 = tpu.memref_squeeze %dma_start3A_152 : memref<1x128x128xf32, #tpu.memory_space<hbm>> -> memref<128x128xf32, #tpu.memory_space<hbm>>
      tpu.enqueue_dma source(%arg16 : memref<128x128xf32, #tpu.memory_space<vmem>>) target(%dma_start3A_153 : memref<128x128xf32, #tpu.memory_space<hbm>>) target_semaphore(%run_scoped3A : memref<!tpu.dma_semaphore, #tpu.memory_space<semaphore_mem>>)
      %dma_wait3A = arith.constant 0 : i32
      %dma_wait3A_154 = tpu.memref_slice %arg9[%arg0, %multiple_of3A_31, %dma_wait3A] : memref<2x10240x128xf32, #tpu.memory_space<hbm>> -> memref<1x128x128xf32, #tpu.memory_space<hbm>>
      %dma_wait3A_155 = tpu.memref_squeeze %dma_wait3A_154 : memref<1x128x128xf32, #tpu.memory_space<hbm>> -> memref<128x128xf32, #tpu.memory_space<hbm>>
      %dma_wait3A_156 = arith.constant 0 : i32
      %dma_wait3A_157 = tpu.memref_slice %arg9[%arg0, %multiple_of3A_31, %dma_wait3A_156] : memref<2x10240x128xf32, #tpu.memory_space<hbm>> -> memref<1x128x128xf32, #tpu.memory_space<hbm>>
      %dma_wait3A_158 = tpu.memref_squeeze %dma_wait3A_157 : memref<1x128x128xf32, #tpu.memory_space<hbm>> -> memref<128x128xf32, #tpu.memory_space<hbm>>
      tpu.wait_dma2 semaphore(%run_scoped3A : memref<!tpu.dma_semaphore, #tpu.memory_space<semaphore_mem>>) src(%arg16 : memref<128x128xf32, #tpu.memory_space<vmem>>) dst(%dma_wait3A_158 : memref<128x128xf32, #tpu.memory_space<hbm>>)
      tpu.yield
    }) : () -> ()
    %add3A_32 = arith.constant 384 : i32
    %add3A_33 = arith.addi %multiple_of3A, %add3A_32 : i32
    %multiple_of3A_34 = tpu.assume_multiple %add3A_33, 8 : i32
    "tpu.region"() ({
      %run_scoped3A = tpu.sem_alloc : memref<!tpu.dma_semaphore, #tpu.memory_space<semaphore_mem>>
      %dma_start3A = arith.constant 0 : i32
      %dma_start3A_149 = tpu.memref_slice %arg13[%multiple_of3A_34, %dma_start3A] : memref<10240x128xf32, #tpu.memory_space<vmem_shared>> -> memref<128x128xf32, #tpu.memory_space<vmem_shared>>
      %dma_start3A_150 = arith.constant 0 : i32
      %dma_start3A_151 = tpu.memref_slice %arg13[%multiple_of3A_34, %dma_start3A_150] : memref<10240x128xf32, #tpu.memory_space<vmem_shared>> -> memref<128x128xf32, #tpu.memory_space<vmem_shared>>
      tpu.enqueue_dma source(%dma_start3A_151 : memref<128x128xf32, #tpu.memory_space<vmem_shared>>) target(%arg16 : memref<128x128xf32, #tpu.memory_space<vmem>>) target_semaphore(%run_scoped3A : memref<!tpu.dma_semaphore, #tpu.memory_space<semaphore_mem>>)
      %dma_wait3A = arith.constant 0 : i32
      %dma_wait3A_152 = tpu.memref_slice %arg13[%multiple_of3A_34, %dma_wait3A] : memref<10240x128xf32, #tpu.memory_space<vmem_shared>> -> memref<128x128xf32, #tpu.memory_space<vmem_shared>>
      %dma_wait3A_153 = arith.constant 0 : i32
      %dma_wait3A_154 = tpu.memref_slice %arg13[%multiple_of3A_34, %dma_wait3A_153] : memref<10240x128xf32, #tpu.memory_space<vmem_shared>> -> memref<128x128xf32, #tpu.memory_space<vmem_shared>>
      tpu.wait_dma2 semaphore(%run_scoped3A : memref<!tpu.dma_semaphore, #tpu.memory_space<semaphore_mem>>) src(%dma_wait3A_154 : memref<128x128xf32, #tpu.memory_space<vmem_shared>>) dst(%arg16 : memref<128x128xf32, #tpu.memory_space<vmem>>)
      tpu.yield
    }) : () -> ()
    "tpu.region"() ({
      %run_scoped3A = tpu.sem_alloc : memref<!tpu.dma_semaphore, #tpu.memory_space<semaphore_mem>>
      %dma_start3A = arith.constant 0 : i32
      %dma_start3A_149 = tpu.memref_slice %arg9[%arg0, %multiple_of3A_34, %dma_start3A] : memref<2x10240x128xf32, #tpu.memory_space<hbm>> -> memref<1x128x128xf32, #tpu.memory_space<hbm>>
      %dma_start3A_150 = tpu.memref_squeeze %dma_start3A_149 : memref<1x128x128xf32, #tpu.memory_space<hbm>> -> memref<128x128xf32, #tpu.memory_space<hbm>>
      %dma_start3A_151 = arith.constant 0 : i32
      %dma_start3A_152 = tpu.memref_slice %arg9[%arg0, %multiple_of3A_34, %dma_start3A_151] : memref<2x10240x128xf32, #tpu.memory_space<hbm>> -> memref<1x128x128xf32, #tpu.memory_space<hbm>>
      %dma_start3A_153 = tpu.memref_squeeze %dma_start3A_152 : memref<1x128x128xf32, #tpu.memory_space<hbm>> -> memref<128x128xf32, #tpu.memory_space<hbm>>
      tpu.enqueue_dma source(%arg16 : memref<128x128xf32, #tpu.memory_space<vmem>>) target(%dma_start3A_153 : memref<128x128xf32, #tpu.memory_space<hbm>>) target_semaphore(%run_scoped3A : memref<!tpu.dma_semaphore, #tpu.memory_space<semaphore_mem>>)
      %dma_wait3A = arith.constant 0 : i32
      %dma_wait3A_154 = tpu.memref_slice %arg9[%arg0, %multiple_of3A_34, %dma_wait3A] : memref<2x10240x128xf32, #tpu.memory_space<hbm>> -> memref<1x128x128xf32, #tpu.memory_space<hbm>>
      %dma_wait3A_155 = tpu.memref_squeeze %dma_wait3A_154 : memref<1x128x128xf32, #tpu.memory_space<hbm>> -> memref<128x128xf32, #tpu.memory_space<hbm>>
      %dma_wait3A_156 = arith.constant 0 : i32
      %dma_wait3A_157 = tpu.memref_slice %arg9[%arg0, %multiple_of3A_34, %dma_wait3A_156] : memref<2x10240x128xf32, #tpu.memory_space<hbm>> -> memref<1x128x128xf32, #tpu.memory_space<hbm>>
      %dma_wait3A_158 = tpu.memref_squeeze %dma_wait3A_157 : memref<1x128x128xf32, #tpu.memory_space<hbm>> -> memref<128x128xf32, #tpu.memory_space<hbm>>
      tpu.wait_dma2 semaphore(%run_scoped3A : memref<!tpu.dma_semaphore, #tpu.memory_space<semaphore_mem>>) src(%arg16 : memref<128x128xf32, #tpu.memory_space<vmem>>) dst(%dma_wait3A_158 : memref<128x128xf32, #tpu.memory_space<hbm>>)
      tpu.yield
    }) : () -> ()
    %add3A_35 = arith.constant 512 : i32
    %add3A_36 = arith.addi %multiple_of3A, %add3A_35 : i32
    %multiple_of3A_37 = tpu.assume_multiple %add3A_36, 8 : i32
    "tpu.region"() ({
      %run_scoped3A = tpu.sem_alloc : memref<!tpu.dma_semaphore, #tpu.memory_space<semaphore_mem>>
      %dma_start3A = arith.constant 0 : i32
      %dma_start3A_149 = tpu.memref_slice %arg13[%multiple_of3A_37, %dma_start3A] : memref<10240x128xf32, #tpu.memory_space<vmem_shared>> -> memref<128x128xf32, #tpu.memory_space<vmem_shared>>
      %dma_start3A_150 = arith.constant 0 : i32
      %dma_start3A_151 = tpu.memref_slice %arg13[%multiple_of3A_37, %dma_start3A_150] : memref<10240x128xf32, #tpu.memory_space<vmem_shared>> -> memref<128x128xf32, #tpu.memory_space<vmem_shared>>
      tpu.enqueue_dma source(%dma_start3A_151 : memref<128x128xf32, #tpu.memory_space<vmem_shared>>) target(%arg16 : memref<128x128xf32, #tpu.memory_space<vmem>>) target_semaphore(%run_scoped3A : memref<!tpu.dma_semaphore, #tpu.memory_space<semaphore_mem>>)
      %dma_wait3A = arith.constant 0 : i32
      %dma_wait3A_152 = tpu.memref_slice %arg13[%multiple_of3A_37, %dma_wait3A] : memref<10240x128xf32, #tpu.memory_space<vmem_shared>> -> memref<128x128xf32, #tpu.memory_space<vmem_shared>>
      %dma_wait3A_153 = arith.constant 0 : i32
      %dma_wait3A_154 = tpu.memref_slice %arg13[%multiple_of3A_37, %dma_wait3A_153] : memref<10240x128xf32, #tpu.memory_space<vmem_shared>> -> memref<128x128xf32, #tpu.memory_space<vmem_shared>>
      tpu.wait_dma2 semaphore(%run_scoped3A : memref<!tpu.dma_semaphore, #tpu.memory_space<semaphore_mem>>) src(%dma_wait3A_154 : memref<128x128xf32, #tpu.memory_space<vmem_shared>>) dst(%arg16 : memref<128x128xf32, #tpu.memory_space<vmem>>)
      tpu.yield
    }) : () -> ()
    "tpu.region"() ({
      %run_scoped3A = tpu.sem_alloc : memref<!tpu.dma_semaphore, #tpu.memory_space<semaphore_mem>>
      %dma_start3A = arith.constant 0 : i32
      %dma_start3A_149 = tpu.memref_slice %arg9[%arg0, %multiple_of3A_37, %dma_start3A] : memref<2x10240x128xf32, #tpu.memory_space<hbm>> -> memref<1x128x128xf32, #tpu.memory_space<hbm>>
      %dma_start3A_150 = tpu.memref_squeeze %dma_start3A_149 : memref<1x128x128xf32, #tpu.memory_space<hbm>> -> memref<128x128xf32, #tpu.memory_space<hbm>>
      %dma_start3A_151 = arith.constant 0 : i32
      %dma_start3A_152 = tpu.memref_slice %arg9[%arg0, %multiple_of3A_37, %dma_start3A_151] : memref<2x10240x128xf32, #tpu.memory_space<hbm>> -> memref<1x128x128xf32, #tpu.memory_space<hbm>>
      %dma_start3A_153 = tpu.memref_squeeze %dma_start3A_152 : memref<1x128x128xf32, #tpu.memory_space<hbm>> -> memref<128x128xf32, #tpu.memory_space<hbm>>
      tpu.enqueue_dma source(%arg16 : memref<128x128xf32, #tpu.memory_space<vmem>>) target(%dma_start3A_153 : memref<128x128xf32, #tpu.memory_space<hbm>>) target_semaphore(%run_scoped3A : memref<!tpu.dma_semaphore, #tpu.memory_space<semaphore_mem>>)
      %dma_wait3A = arith.constant 0 : i32
      %dma_wait3A_154 = tpu.memref_slice %arg9[%arg0, %multiple_of3A_37, %dma_wait3A] : memref<2x10240x128xf32, #tpu.memory_space<hbm>> -> memref<1x128x128xf32, #tpu.memory_space<hbm>>
      %dma_wait3A_155 = tpu.memref_squeeze %dma_wait3A_154 : memref<1x128x128xf32, #tpu.memory_space<hbm>> -> memref<128x128xf32, #tpu.memory_space<hbm>>
      %dma_wait3A_156 = arith.constant 0 : i32
      %dma_wait3A_157 = tpu.memref_slice %arg9[%arg0, %multiple_of3A_37, %dma_wait3A_156] : memref<2x10240x128xf32, #tpu.memory_space<hbm>> -> memref<1x128x128xf32, #tpu.memory_space<hbm>>
      %dma_wait3A_158 = tpu.memref_squeeze %dma_wait3A_157 : memref<1x128x128xf32, #tpu.memory_space<hbm>> -> memref<128x128xf32, #tpu.memory_space<hbm>>
      tpu.wait_dma2 semaphore(%run_scoped3A : memref<!tpu.dma_semaphore, #tpu.memory_space<semaphore_mem>>) src(%arg16 : memref<128x128xf32, #tpu.memory_space<vmem>>) dst(%dma_wait3A_158 : memref<128x128xf32, #tpu.memory_space<hbm>>)
      tpu.yield
    }) : () -> ()
    "tpu.region"() ({
      %run_scoped3A = tpu.sem_alloc : memref<!tpu.dma_semaphore, #tpu.memory_space<semaphore_mem>>
      tpu.enqueue_dma source(%arg8 : memref<128x128xf32, #tpu.memory_space<hbm>>) target(%arg16 : memref<128x128xf32, #tpu.memory_space<vmem>>) target_semaphore(%run_scoped3A : memref<!tpu.dma_semaphore, #tpu.memory_space<semaphore_mem>>)
      tpu.wait_dma2 semaphore(%run_scoped3A : memref<!tpu.dma_semaphore, #tpu.memory_space<semaphore_mem>>) src(%arg8 : memref<128x128xf32, #tpu.memory_space<hbm>>) dst(%arg16 : memref<128x128xf32, #tpu.memory_space<vmem>>)
      tpu.yield
    }) : () -> ()
    %add3A_38 = arith.constant 0 : i32
    %add3A_39 = arith.addi %multiple_of3A, %add3A_38 : i32
    %multiple_of3A_40 = tpu.assume_multiple %add3A_39, 8 : i32
    "tpu.region"() ({
      %run_scoped3A = tpu.sem_alloc : memref<!tpu.dma_semaphore, #tpu.memory_space<semaphore_mem>>
      %dma_start3A = arith.constant 0 : i32
      %dma_start3A_149 = tpu.memref_slice %arg13[%multiple_of3A_40, %dma_start3A] : memref<10240x128xf32, #tpu.memory_space<vmem_shared>> -> memref<128x128xf32, #tpu.memory_space<vmem_shared>>
      %dma_start3A_150 = arith.constant 0 : i32
      %dma_start3A_151 = tpu.memref_slice %arg13[%multiple_of3A_40, %dma_start3A_150] : memref<10240x128xf32, #tpu.memory_space<vmem_shared>> -> memref<128x128xf32, #tpu.memory_space<vmem_shared>>
      tpu.enqueue_dma source(%arg16 : memref<128x128xf32, #tpu.memory_space<vmem>>) target(%dma_start3A_151 : memref<128x128xf32, #tpu.memory_space<vmem_shared>>) target_semaphore(%run_scoped3A : memref<!tpu.dma_semaphore, #tpu.memory_space<semaphore_mem>>)
      %dma_wait3A = arith.constant 0 : i32
      %dma_wait3A_152 = tpu.memref_slice %arg13[%multiple_of3A_40, %dma_wait3A] : memref<10240x128xf32, #tpu.memory_space<vmem_shared>> -> memref<128x128xf32, #tpu.memory_space<vmem_shared>>
      %dma_wait3A_153 = arith.constant 0 : i32
      %dma_wait3A_154 = tpu.memref_slice %arg13[%multiple_of3A_40, %dma_wait3A_153] : memref<10240x128xf32, #tpu.memory_space<vmem_shared>> -> memref<128x128xf32, #tpu.memory_space<vmem_shared>>
      tpu.wait_dma2 semaphore(%run_scoped3A : memref<!tpu.dma_semaphore, #tpu.memory_space<semaphore_mem>>) src(%arg16 : memref<128x128xf32, #tpu.memory_space<vmem>>) dst(%dma_wait3A_154 : memref<128x128xf32, #tpu.memory_space<vmem_shared>>)
      tpu.yield
    }) : () -> ()
    %add3A_41 = arith.constant 128 : i32
    %add3A_42 = arith.addi %multiple_of3A, %add3A_41 : i32
    %multiple_of3A_43 = tpu.assume_multiple %add3A_42, 8 : i32
    "tpu.region"() ({
      %run_scoped3A = tpu.sem_alloc : memref<!tpu.dma_semaphore, #tpu.memory_space<semaphore_mem>>
      %dma_start3A = arith.constant 0 : i32
      %dma_start3A_149 = tpu.memref_slice %arg13[%multiple_of3A_43, %dma_start3A] : memref<10240x128xf32, #tpu.memory_space<vmem_shared>> -> memref<128x128xf32, #tpu.memory_space<vmem_shared>>
      %dma_start3A_150 = arith.constant 0 : i32
      %dma_start3A_151 = tpu.memref_slice %arg13[%multiple_of3A_43, %dma_start3A_150] : memref<10240x128xf32, #tpu.memory_space<vmem_shared>> -> memref<128x128xf32, #tpu.memory_space<vmem_shared>>
      tpu.enqueue_dma source(%arg16 : memref<128x128xf32, #tpu.memory_space<vmem>>) target(%dma_start3A_151 : memref<128x128xf32, #tpu.memory_space<vmem_shared>>) target_semaphore(%run_scoped3A : memref<!tpu.dma_semaphore, #tpu.memory_space<semaphore_mem>>)
      %dma_wait3A = arith.constant 0 : i32
      %dma_wait3A_152 = tpu.memref_slice %arg13[%multiple_of3A_43, %dma_wait3A] : memref<10240x128xf32, #tpu.memory_space<vmem_shared>> -> memref<128x128xf32, #tpu.memory_space<vmem_shared>>
      %dma_wait3A_153 = arith.constant 0 : i32
      %dma_wait3A_154 = tpu.memref_slice %arg13[%multiple_of3A_43, %dma_wait3A_153] : memref<10240x128xf32, #tpu.memory_space<vmem_shared>> -> memref<128x128xf32, #tpu.memory_space<vmem_shared>>
      tpu.wait_dma2 semaphore(%run_scoped3A : memref<!tpu.dma_semaphore, #tpu.memory_space<semaphore_mem>>) src(%arg16 : memref<128x128xf32, #tpu.memory_space<vmem>>) dst(%dma_wait3A_154 : memref<128x128xf32, #tpu.memory_space<vmem_shared>>)
      tpu.yield
    }) : () -> ()
    %add3A_44 = arith.constant 256 : i32
    %add3A_45 = arith.addi %multiple_of3A, %add3A_44 : i32
    %multiple_of3A_46 = tpu.assume_multiple %add3A_45, 8 : i32
    "tpu.region"() ({
      %run_scoped3A = tpu.sem_alloc : memref<!tpu.dma_semaphore, #tpu.memory_space<semaphore_mem>>
      %dma_start3A = arith.constant 0 : i32
      %dma_start3A_149 = tpu.memref_slice %arg13[%multiple_of3A_46, %dma_start3A] : memref<10240x128xf32, #tpu.memory_space<vmem_shared>> -> memref<128x128xf32, #tpu.memory_space<vmem_shared>>
      %dma_start3A_150 = arith.constant 0 : i32
      %dma_start3A_151 = tpu.memref_slice %arg13[%multiple_of3A_46, %dma_start3A_150] : memref<10240x128xf32, #tpu.memory_space<vmem_shared>> -> memref<128x128xf32, #tpu.memory_space<vmem_shared>>
      tpu.enqueue_dma source(%arg16 : memref<128x128xf32, #tpu.memory_space<vmem>>) target(%dma_start3A_151 : memref<128x128xf32, #tpu.memory_space<vmem_shared>>) target_semaphore(%run_scoped3A : memref<!tpu.dma_semaphore, #tpu.memory_space<semaphore_mem>>)
      %dma_wait3A = arith.constant 0 : i32
      %dma_wait3A_152 = tpu.memref_slice %arg13[%multiple_of3A_46, %dma_wait3A] : memref<10240x128xf32, #tpu.memory_space<vmem_shared>> -> memref<128x128xf32, #tpu.memory_space<vmem_shared>>
      %dma_wait3A_153 = arith.constant 0 : i32
      %dma_wait3A_154 = tpu.memref_slice %arg13[%multiple_of3A_46, %dma_wait3A_153] : memref<10240x128xf32, #tpu.memory_space<vmem_shared>> -> memref<128x128xf32, #tpu.memory_space<vmem_shared>>
      tpu.wait_dma2 semaphore(%run_scoped3A : memref<!tpu.dma_semaphore, #tpu.memory_space<semaphore_mem>>) src(%arg16 : memref<128x128xf32, #tpu.memory_space<vmem>>) dst(%dma_wait3A_154 : memref<128x128xf32, #tpu.memory_space<vmem_shared>>)
      tpu.yield
    }) : () -> ()
    %add3A_47 = arith.constant 384 : i32
    %add3A_48 = arith.addi %multiple_of3A, %add3A_47 : i32
    %multiple_of3A_49 = tpu.assume_multiple %add3A_48, 8 : i32
    "tpu.region"() ({
      %run_scoped3A = tpu.sem_alloc : memref<!tpu.dma_semaphore, #tpu.memory_space<semaphore_mem>>
      %dma_start3A = arith.constant 0 : i32
      %dma_start3A_149 = tpu.memref_slice %arg13[%multiple_of3A_49, %dma_start3A] : memref<10240x128xf32, #tpu.memory_space<vmem_shared>> -> memref<128x128xf32, #tpu.memory_space<vmem_shared>>
      %dma_start3A_150 = arith.constant 0 : i32
      %dma_start3A_151 = tpu.memref_slice %arg13[%multiple_of3A_49, %dma_start3A_150] : memref<10240x128xf32, #tpu.memory_space<vmem_shared>> -> memref<128x128xf32, #tpu.memory_space<vmem_shared>>
      tpu.enqueue_dma source(%arg16 : memref<128x128xf32, #tpu.memory_space<vmem>>) target(%dma_start3A_151 : memref<128x128xf32, #tpu.memory_space<vmem_shared>>) target_semaphore(%run_scoped3A : memref<!tpu.dma_semaphore, #tpu.memory_space<semaphore_mem>>)
      %dma_wait3A = arith.constant 0 : i32
      %dma_wait3A_152 = tpu.memref_slice %arg13[%multiple_of3A_49, %dma_wait3A] : memref<10240x128xf32, #tpu.memory_space<vmem_shared>> -> memref<128x128xf32, #tpu.memory_space<vmem_shared>>
      %dma_wait3A_153 = arith.constant 0 : i32
      %dma_wait3A_154 = tpu.memref_slice %arg13[%multiple_of3A_49, %dma_wait3A_153] : memref<10240x128xf32, #tpu.memory_space<vmem_shared>> -> memref<128x128xf32, #tpu.memory_space<vmem_shared>>
      tpu.wait_dma2 semaphore(%run_scoped3A : memref<!tpu.dma_semaphore, #tpu.memory_space<semaphore_mem>>) src(%arg16 : memref<128x128xf32, #tpu.memory_space<vmem>>) dst(%dma_wait3A_154 : memref<128x128xf32, #tpu.memory_space<vmem_shared>>)
      tpu.yield
    }) : () -> ()
    %add3A_50 = arith.constant 512 : i32
    %add3A_51 = arith.addi %multiple_of3A, %add3A_50 : i32
    %multiple_of3A_52 = tpu.assume_multiple %add3A_51, 8 : i32
    "tpu.region"() ({
      %run_scoped3A = tpu.sem_alloc : memref<!tpu.dma_semaphore, #tpu.memory_space<semaphore_mem>>
      %dma_start3A = arith.constant 0 : i32
      %dma_start3A_149 = tpu.memref_slice %arg13[%multiple_of3A_52, %dma_start3A] : memref<10240x128xf32, #tpu.memory_space<vmem_shared>> -> memref<128x128xf32, #tpu.memory_space<vmem_shared>>
      %dma_start3A_150 = arith.constant 0 : i32
      %dma_start3A_151 = tpu.memref_slice %arg13[%multiple_of3A_52, %dma_start3A_150] : memref<10240x128xf32, #tpu.memory_space<vmem_shared>> -> memref<128x128xf32, #tpu.memory_space<vmem_shared>>
      tpu.enqueue_dma source(%arg16 : memref<128x128xf32, #tpu.memory_space<vmem>>) target(%dma_start3A_151 : memref<128x128xf32, #tpu.memory_space<vmem_shared>>) target_semaphore(%run_scoped3A : memref<!tpu.dma_semaphore, #tpu.memory_space<semaphore_mem>>)
      %dma_wait3A = arith.constant 0 : i32
      %dma_wait3A_152 = tpu.memref_slice %arg13[%multiple_of3A_52, %dma_wait3A] : memref<10240x128xf32, #tpu.memory_space<vmem_shared>> -> memref<128x128xf32, #tpu.memory_space<vmem_shared>>
      %dma_wait3A_153 = arith.constant 0 : i32
      %dma_wait3A_154 = tpu.memref_slice %arg13[%multiple_of3A_52, %dma_wait3A_153] : memref<10240x128xf32, #tpu.memory_space<vmem_shared>> -> memref<128x128xf32, #tpu.memory_space<vmem_shared>>
      tpu.wait_dma2 semaphore(%run_scoped3A : memref<!tpu.dma_semaphore, #tpu.memory_space<semaphore_mem>>) src(%arg16 : memref<128x128xf32, #tpu.memory_space<vmem>>) dst(%dma_wait3A_154 : memref<128x128xf32, #tpu.memory_space<vmem_shared>>)
      tpu.yield
    }) : () -> ()
    %barrier3A_53 = arith.constant 0 : index
    tpu.barrier barrier_id(%barrier3A_53)
    %scan3A_54 = arith.constant 0 : i32
    %scan3A_55 = arith.constant 79 : i32
    %scan3A_56 = arith.addi %scan3A_54, %scan3A_55 : i32
    %scan3A_57 = arith.constant 1 : i32
    scf.for %scan3A_149 = %scan3A_54 to %scan3A_56 step %scan3A_57  : i32 {
      %mul3A_150 = arith.constant 1 : i32
      %mul3A_151 = arith.muli %scan3A_149, %mul3A_150 : i32
      %add3A_152 = arith.constant 0 : i32
      %add3A_153 = arith.addi %add3A_152, %mul3A_151 : i32
      %dma_start3A = arith.constant 0 : i32
      %dma_start3A_154 = tpu.memref_slice %arg14[%add3A_153, %dma_start3A] : memref<79x128xi32, #tpu.memory_space<vmem>> -> memref<1x128xi32, #tpu.memory_space<vmem>>
      %dma_start3A_155 = tpu.memref_squeeze %dma_start3A_154 : memref<1x128xi32, #tpu.memory_space<vmem>> -> memref<128xi32, #tpu.memory_space<vmem>>
      %dma_start3A_156 = arith.constant 0 : i32
      %dma_start3A_157 = arith.constant 0 : i32
      %dma_start3A_158 = tpu.memref_slice %arg3[%dma_start3A_156, %dma_start3A_157] : memref<10240x128xf32, #tpu.memory_space<hbm>> -> memref<10240x128xf32, #tpu.memory_space<hbm>>
      tpu.enqueue_indirect_dma source(%dma_start3A_158 : memref<10240x128xf32, #tpu.memory_space<hbm>>) target(%arg16 : memref<128x128xf32, #tpu.memory_space<vmem>>) offsets(%dma_start3A_155 : memref<128xi32, #tpu.memory_space<vmem>>) semaphore(%arg17 : memref<!tpu.dma_semaphore, #tpu.memory_space<semaphore_mem>>)
      %dma_wait3A = arith.constant 0 : i32
      %dma_wait3A_159 = tpu.memref_slice %arg14[%add3A_153, %dma_wait3A] : memref<79x128xi32, #tpu.memory_space<vmem>> -> memref<1x128xi32, #tpu.memory_space<vmem>>
      %dma_wait3A_160 = tpu.memref_squeeze %dma_wait3A_159 : memref<1x128xi32, #tpu.memory_space<vmem>> -> memref<128xi32, #tpu.memory_space<vmem>>
      %dma_wait3A_161 = arith.constant 0 : i32
      %dma_wait3A_162 = arith.constant 0 : i32
      %dma_wait3A_163 = tpu.memref_slice %arg3[%dma_wait3A_161, %dma_wait3A_162] : memref<10240x128xf32, #tpu.memory_space<hbm>> -> memref<10240x128xf32, #tpu.memory_space<hbm>>
      tpu.wait_indirect_dma semaphore(%arg17 : memref<!tpu.dma_semaphore, #tpu.memory_space<semaphore_mem>>) src(%dma_wait3A_163 : memref<10240x128xf32, #tpu.memory_space<hbm>>) dst(%arg16 : memref<128x128xf32, #tpu.memory_space<vmem>>)
      "tpu.region"() ({
        %run_scoped3A = tpu.sem_alloc : memref<!tpu.dma_semaphore, #tpu.memory_space<semaphore_mem>>
        %dma_start3A_164 = arith.constant 0 : i32
        %dma_start3A_165 = tpu.memref_slice %arg15[%add3A_153, %dma_start3A_164] : memref<79x128xi32, #tpu.memory_space<vmem>> -> memref<1x128xi32, #tpu.memory_space<vmem>>
        %dma_start3A_166 = tpu.memref_squeeze %dma_start3A_165 : memref<1x128xi32, #tpu.memory_space<vmem>> -> memref<128xi32, #tpu.memory_space<vmem>>
        %dma_start3A_167 = arith.constant 0 : i32
        %dma_start3A_168 = arith.constant 0 : i32
        %dma_start3A_169 = tpu.memref_slice %arg13[%dma_start3A_167, %dma_start3A_168] : memref<10240x128xf32, #tpu.memory_space<vmem_shared>> -> memref<10240x128xf32, #tpu.memory_space<vmem_shared>>
        tpu.enqueue_indirect_dma source(%arg16 : memref<128x128xf32, #tpu.memory_space<vmem>>) target(%dma_start3A_169 : memref<10240x128xf32, #tpu.memory_space<vmem_shared>>) offsets(%dma_start3A_166 : memref<128xi32, #tpu.memory_space<vmem>>) semaphore(%run_scoped3A : memref<!tpu.dma_semaphore, #tpu.memory_space<semaphore_mem>>) {add = true}
        %dma_wait3A_170 = arith.constant 0 : i32
        %dma_wait3A_171 = tpu.memref_slice %arg15[%add3A_153, %dma_wait3A_170] : memref<79x128xi32, #tpu.memory_space<vmem>> -> memref<1x128xi32, #tpu.memory_space<vmem>>
        %dma_wait3A_172 = tpu.memref_squeeze %dma_wait3A_171 : memref<1x128xi32, #tpu.memory_space<vmem>> -> memref<128xi32, #tpu.memory_space<vmem>>
        %dma_wait3A_173 = arith.constant 0 : i32
        %dma_wait3A_174 = arith.constant 0 : i32
        %dma_wait3A_175 = tpu.memref_slice %arg13[%dma_wait3A_173, %dma_wait3A_174] : memref<10240x128xf32, #tpu.memory_space<vmem_shared>> -> memref<10240x128xf32, #tpu.memory_space<vmem_shared>>
        tpu.wait_indirect_dma semaphore(%run_scoped3A : memref<!tpu.dma_semaphore, #tpu.memory_space<semaphore_mem>>) src(%arg16 : memref<128x128xf32, #tpu.memory_space<vmem>>) dst(%dma_wait3A_175 : memref<10240x128xf32, #tpu.memory_space<vmem_shared>>)
        tpu.yield
      }) : () -> ()
    }
    %scan3A_58 = arith.constant 79 : i32
    %barrier3A_59 = arith.constant 0 : index
    tpu.barrier barrier_id(%barrier3A_59)
    %add3A_60 = arith.constant 0 : i32
    %add3A_61 = arith.addi %multiple_of3A, %add3A_60 : i32
    %multiple_of3A_62 = tpu.assume_multiple %add3A_61, 8 : i32
    "tpu.region"() ({
      %run_scoped3A = tpu.sem_alloc : memref<!tpu.dma_semaphore, #tpu.memory_space<semaphore_mem>>
      %dma_start3A = arith.constant 0 : i32
      %dma_start3A_149 = tpu.memref_slice %arg13[%multiple_of3A_62, %dma_start3A] : memref<10240x128xf32, #tpu.memory_space<vmem_shared>> -> memref<128x128xf32, #tpu.memory_space<vmem_shared>>
      %dma_start3A_150 = arith.constant 0 : i32
      %dma_start3A_151 = tpu.memref_slice %arg13[%multiple_of3A_62, %dma_start3A_150] : memref<10240x128xf32, #tpu.memory_space<vmem_shared>> -> memref<128x128xf32, #tpu.memory_space<vmem_shared>>
      tpu.enqueue_dma source(%dma_start3A_151 : memref<128x128xf32, #tpu.memory_space<vmem_shared>>) target(%arg16 : memref<128x128xf32, #tpu.memory_space<vmem>>) target_semaphore(%run_scoped3A : memref<!tpu.dma_semaphore, #tpu.memory_space<semaphore_mem>>)
      %dma_wait3A = arith.constant 0 : i32
      %dma_wait3A_152 = tpu.memref_slice %arg13[%multiple_of3A_62, %dma_wait3A] : memref<10240x128xf32, #tpu.memory_space<vmem_shared>> -> memref<128x128xf32, #tpu.memory_space<vmem_shared>>
      %dma_wait3A_153 = arith.constant 0 : i32
      %dma_wait3A_154 = tpu.memref_slice %arg13[%multiple_of3A_62, %dma_wait3A_153] : memref<10240x128xf32, #tpu.memory_space<vmem_shared>> -> memref<128x128xf32, #tpu.memory_space<vmem_shared>>
      tpu.wait_dma2 semaphore(%run_scoped3A : memref<!tpu.dma_semaphore, #tpu.memory_space<semaphore_mem>>) src(%dma_wait3A_154 : memref<128x128xf32, #tpu.memory_space<vmem_shared>>) dst(%arg16 : memref<128x128xf32, #tpu.memory_space<vmem>>)
      tpu.yield
    }) : () -> ()
    "tpu.region"() ({
      %run_scoped3A = tpu.sem_alloc : memref<!tpu.dma_semaphore, #tpu.memory_space<semaphore_mem>>
      %dma_start3A = arith.constant 0 : i32
      %dma_start3A_149 = tpu.memref_slice %arg10[%arg0, %multiple_of3A_62, %dma_start3A] : memref<2x10240x128xf32, #tpu.memory_space<hbm>> -> memref<1x128x128xf32, #tpu.memory_space<hbm>>
      %dma_start3A_150 = tpu.memref_squeeze %dma_start3A_149 : memref<1x128x128xf32, #tpu.memory_space<hbm>> -> memref<128x128xf32, #tpu.memory_space<hbm>>
      %dma_start3A_151 = arith.constant 0 : i32
      %dma_start3A_152 = tpu.memref_slice %arg10[%arg0, %multiple_of3A_62, %dma_start3A_151] : memref<2x10240x128xf32, #tpu.memory_space<hbm>> -> memref<1x128x128xf32, #tpu.memory_space<hbm>>
      %dma_start3A_153 = tpu.memref_squeeze %dma_start3A_152 : memref<1x128x128xf32, #tpu.memory_space<hbm>> -> memref<128x128xf32, #tpu.memory_space<hbm>>
      tpu.enqueue_dma source(%arg16 : memref<128x128xf32, #tpu.memory_space<vmem>>) target(%dma_start3A_153 : memref<128x128xf32, #tpu.memory_space<hbm>>) target_semaphore(%run_scoped3A : memref<!tpu.dma_semaphore, #tpu.memory_space<semaphore_mem>>)
      %dma_wait3A = arith.constant 0 : i32
      %dma_wait3A_154 = tpu.memref_slice %arg10[%arg0, %multiple_of3A_62, %dma_wait3A] : memref<2x10240x128xf32, #tpu.memory_space<hbm>> -> memref<1x128x128xf32, #tpu.memory_space<hbm>>
      %dma_wait3A_155 = tpu.memref_squeeze %dma_wait3A_154 : memref<1x128x128xf32, #tpu.memory_space<hbm>> -> memref<128x128xf32, #tpu.memory_space<hbm>>
      %dma_wait3A_156 = arith.constant 0 : i32
      %dma_wait3A_157 = tpu.memref_slice %arg10[%arg0, %multiple_of3A_62, %dma_wait3A_156] : memref<2x10240x128xf32, #tpu.memory_space<hbm>> -> memref<1x128x128xf32, #tpu.memory_space<hbm>>
      %dma_wait3A_158 = tpu.memref_squeeze %dma_wait3A_157 : memref<1x128x128xf32, #tpu.memory_space<hbm>> -> memref<128x128xf32, #tpu.memory_space<hbm>>
      tpu.wait_dma2 semaphore(%run_scoped3A : memref<!tpu.dma_semaphore, #tpu.memory_space<semaphore_mem>>) src(%arg16 : memref<128x128xf32, #tpu.memory_space<vmem>>) dst(%dma_wait3A_158 : memref<128x128xf32, #tpu.memory_space<hbm>>)
      tpu.yield
    }) : () -> ()
    %add3A_63 = arith.constant 128 : i32
    %add3A_64 = arith.addi %multiple_of3A, %add3A_63 : i32
    %multiple_of3A_65 = tpu.assume_multiple %add3A_64, 8 : i32
    "tpu.region"() ({
      %run_scoped3A = tpu.sem_alloc : memref<!tpu.dma_semaphore, #tpu.memory_space<semaphore_mem>>
      %dma_start3A = arith.constant 0 : i32
      %dma_start3A_149 = tpu.memref_slice %arg13[%multiple_of3A_65, %dma_start3A] : memref<10240x128xf32, #tpu.memory_space<vmem_shared>> -> memref<128x128xf32, #tpu.memory_space<vmem_shared>>
      %dma_start3A_150 = arith.constant 0 : i32
      %dma_start3A_151 = tpu.memref_slice %arg13[%multiple_of3A_65, %dma_start3A_150] : memref<10240x128xf32, #tpu.memory_space<vmem_shared>> -> memref<128x128xf32, #tpu.memory_space<vmem_shared>>
      tpu.enqueue_dma source(%dma_start3A_151 : memref<128x128xf32, #tpu.memory_space<vmem_shared>>) target(%arg16 : memref<128x128xf32, #tpu.memory_space<vmem>>) target_semaphore(%run_scoped3A : memref<!tpu.dma_semaphore, #tpu.memory_space<semaphore_mem>>)
      %dma_wait3A = arith.constant 0 : i32
      %dma_wait3A_152 = tpu.memref_slice %arg13[%multiple_of3A_65, %dma_wait3A] : memref<10240x128xf32, #tpu.memory_space<vmem_shared>> -> memref<128x128xf32, #tpu.memory_space<vmem_shared>>
      %dma_wait3A_153 = arith.constant 0 : i32
      %dma_wait3A_154 = tpu.memref_slice %arg13[%multiple_of3A_65, %dma_wait3A_153] : memref<10240x128xf32, #tpu.memory_space<vmem_shared>> -> memref<128x128xf32, #tpu.memory_space<vmem_shared>>
      tpu.wait_dma2 semaphore(%run_scoped3A : memref<!tpu.dma_semaphore, #tpu.memory_space<semaphore_mem>>) src(%dma_wait3A_154 : memref<128x128xf32, #tpu.memory_space<vmem_shared>>) dst(%arg16 : memref<128x128xf32, #tpu.memory_space<vmem>>)
      tpu.yield
    }) : () -> ()
    "tpu.region"() ({
      %run_scoped3A = tpu.sem_alloc : memref<!tpu.dma_semaphore, #tpu.memory_space<semaphore_mem>>
      %dma_start3A = arith.constant 0 : i32
      %dma_start3A_149 = tpu.memref_slice %arg10[%arg0, %multiple_of3A_65, %dma_start3A] : memref<2x10240x128xf32, #tpu.memory_space<hbm>> -> memref<1x128x128xf32, #tpu.memory_space<hbm>>
      %dma_start3A_150 = tpu.memref_squeeze %dma_start3A_149 : memref<1x128x128xf32, #tpu.memory_space<hbm>> -> memref<128x128xf32, #tpu.memory_space<hbm>>
      %dma_start3A_151 = arith.constant 0 : i32
      %dma_start3A_152 = tpu.memref_slice %arg10[%arg0, %multiple_of3A_65, %dma_start3A_151] : memref<2x10240x128xf32, #tpu.memory_space<hbm>> -> memref<1x128x128xf32, #tpu.memory_space<hbm>>
      %dma_start3A_153 = tpu.memref_squeeze %dma_start3A_152 : memref<1x128x128xf32, #tpu.memory_space<hbm>> -> memref<128x128xf32, #tpu.memory_space<hbm>>
      tpu.enqueue_dma source(%arg16 : memref<128x128xf32, #tpu.memory_space<vmem>>) target(%dma_start3A_153 : memref<128x128xf32, #tpu.memory_space<hbm>>) target_semaphore(%run_scoped3A : memref<!tpu.dma_semaphore, #tpu.memory_space<semaphore_mem>>)
      %dma_wait3A = arith.constant 0 : i32
      %dma_wait3A_154 = tpu.memref_slice %arg10[%arg0, %multiple_of3A_65, %dma_wait3A] : memref<2x10240x128xf32, #tpu.memory_space<hbm>> -> memref<1x128x128xf32, #tpu.memory_space<hbm>>
      %dma_wait3A_155 = tpu.memref_squeeze %dma_wait3A_154 : memref<1x128x128xf32, #tpu.memory_space<hbm>> -> memref<128x128xf32, #tpu.memory_space<hbm>>
      %dma_wait3A_156 = arith.constant 0 : i32
      %dma_wait3A_157 = tpu.memref_slice %arg10[%arg0, %multiple_of3A_65, %dma_wait3A_156] : memref<2x10240x128xf32, #tpu.memory_space<hbm>> -> memref<1x128x128xf32, #tpu.memory_space<hbm>>
      %dma_wait3A_158 = tpu.memref_squeeze %dma_wait3A_157 : memref<1x128x128xf32, #tpu.memory_space<hbm>> -> memref<128x128xf32, #tpu.memory_space<hbm>>
      tpu.wait_dma2 semaphore(%run_scoped3A : memref<!tpu.dma_semaphore, #tpu.memory_space<semaphore_mem>>) src(%arg16 : memref<128x128xf32, #tpu.memory_space<vmem>>) dst(%dma_wait3A_158 : memref<128x128xf32, #tpu.memory_space<hbm>>)
      tpu.yield
    }) : () -> ()
    %add3A_66 = arith.constant 256 : i32
    %add3A_67 = arith.addi %multiple_of3A, %add3A_66 : i32
    %multiple_of3A_68 = tpu.assume_multiple %add3A_67, 8 : i32
    "tpu.region"() ({
      %run_scoped3A = tpu.sem_alloc : memref<!tpu.dma_semaphore, #tpu.memory_space<semaphore_mem>>
      %dma_start3A = arith.constant 0 : i32
      %dma_start3A_149 = tpu.memref_slice %arg13[%multiple_of3A_68, %dma_start3A] : memref<10240x128xf32, #tpu.memory_space<vmem_shared>> -> memref<128x128xf32, #tpu.memory_space<vmem_shared>>
      %dma_start3A_150 = arith.constant 0 : i32
      %dma_start3A_151 = tpu.memref_slice %arg13[%multiple_of3A_68, %dma_start3A_150] : memref<10240x128xf32, #tpu.memory_space<vmem_shared>> -> memref<128x128xf32, #tpu.memory_space<vmem_shared>>
      tpu.enqueue_dma source(%dma_start3A_151 : memref<128x128xf32, #tpu.memory_space<vmem_shared>>) target(%arg16 : memref<128x128xf32, #tpu.memory_space<vmem>>) target_semaphore(%run_scoped3A : memref<!tpu.dma_semaphore, #tpu.memory_space<semaphore_mem>>)
      %dma_wait3A = arith.constant 0 : i32
      %dma_wait3A_152 = tpu.memref_slice %arg13[%multiple_of3A_68, %dma_wait3A] : memref<10240x128xf32, #tpu.memory_space<vmem_shared>> -> memref<128x128xf32, #tpu.memory_space<vmem_shared>>
      %dma_wait3A_153 = arith.constant 0 : i32
      %dma_wait3A_154 = tpu.memref_slice %arg13[%multiple_of3A_68, %dma_wait3A_153] : memref<10240x128xf32, #tpu.memory_space<vmem_shared>> -> memref<128x128xf32, #tpu.memory_space<vmem_shared>>
      tpu.wait_dma2 semaphore(%run_scoped3A : memref<!tpu.dma_semaphore, #tpu.memory_space<semaphore_mem>>) src(%dma_wait3A_154 : memref<128x128xf32, #tpu.memory_space<vmem_shared>>) dst(%arg16 : memref<128x128xf32, #tpu.memory_space<vmem>>)
      tpu.yield
    }) : () -> ()
    "tpu.region"() ({
      %run_scoped3A = tpu.sem_alloc : memref<!tpu.dma_semaphore, #tpu.memory_space<semaphore_mem>>
      %dma_start3A = arith.constant 0 : i32
      %dma_start3A_149 = tpu.memref_slice %arg10[%arg0, %multiple_of3A_68, %dma_start3A] : memref<2x10240x128xf32, #tpu.memory_space<hbm>> -> memref<1x128x128xf32, #tpu.memory_space<hbm>>
      %dma_start3A_150 = tpu.memref_squeeze %dma_start3A_149 : memref<1x128x128xf32, #tpu.memory_space<hbm>> -> memref<128x128xf32, #tpu.memory_space<hbm>>
      %dma_start3A_151 = arith.constant 0 : i32
      %dma_start3A_152 = tpu.memref_slice %arg10[%arg0, %multiple_of3A_68, %dma_start3A_151] : memref<2x10240x128xf32, #tpu.memory_space<hbm>> -> memref<1x128x128xf32, #tpu.memory_space<hbm>>
      %dma_start3A_153 = tpu.memref_squeeze %dma_start3A_152 : memref<1x128x128xf32, #tpu.memory_space<hbm>> -> memref<128x128xf32, #tpu.memory_space<hbm>>
      tpu.enqueue_dma source(%arg16 : memref<128x128xf32, #tpu.memory_space<vmem>>) target(%dma_start3A_153 : memref<128x128xf32, #tpu.memory_space<hbm>>) target_semaphore(%run_scoped3A : memref<!tpu.dma_semaphore, #tpu.memory_space<semaphore_mem>>)
      %dma_wait3A = arith.constant 0 : i32
      %dma_wait3A_154 = tpu.memref_slice %arg10[%arg0, %multiple_of3A_68, %dma_wait3A] : memref<2x10240x128xf32, #tpu.memory_space<hbm>> -> memref<1x128x128xf32, #tpu.memory_space<hbm>>
      %dma_wait3A_155 = tpu.memref_squeeze %dma_wait3A_154 : memref<1x128x128xf32, #tpu.memory_space<hbm>> -> memref<128x128xf32, #tpu.memory_space<hbm>>
      %dma_wait3A_156 = arith.constant 0 : i32
      %dma_wait3A_157 = tpu.memref_slice %arg10[%arg0, %multiple_of3A_68, %dma_wait3A_156] : memref<2x10240x128xf32, #tpu.memory_space<hbm>> -> memref<1x128x128xf32, #tpu.memory_space<hbm>>
      %dma_wait3A_158 = tpu.memref_squeeze %dma_wait3A_157 : memref<1x128x128xf32, #tpu.memory_space<hbm>> -> memref<128x128xf32, #tpu.memory_space<hbm>>
      tpu.wait_dma2 semaphore(%run_scoped3A : memref<!tpu.dma_semaphore, #tpu.memory_space<semaphore_mem>>) src(%arg16 : memref<128x128xf32, #tpu.memory_space<vmem>>) dst(%dma_wait3A_158 : memref<128x128xf32, #tpu.memory_space<hbm>>)
      tpu.yield
    }) : () -> ()
    %add3A_69 = arith.constant 384 : i32
    %add3A_70 = arith.addi %multiple_of3A, %add3A_69 : i32
    %multiple_of3A_71 = tpu.assume_multiple %add3A_70, 8 : i32
    "tpu.region"() ({
      %run_scoped3A = tpu.sem_alloc : memref<!tpu.dma_semaphore, #tpu.memory_space<semaphore_mem>>
      %dma_start3A = arith.constant 0 : i32
      %dma_start3A_149 = tpu.memref_slice %arg13[%multiple_of3A_71, %dma_start3A] : memref<10240x128xf32, #tpu.memory_space<vmem_shared>> -> memref<128x128xf32, #tpu.memory_space<vmem_shared>>
      %dma_start3A_150 = arith.constant 0 : i32
      %dma_start3A_151 = tpu.memref_slice %arg13[%multiple_of3A_71, %dma_start3A_150] : memref<10240x128xf32, #tpu.memory_space<vmem_shared>> -> memref<128x128xf32, #tpu.memory_space<vmem_shared>>
      tpu.enqueue_dma source(%dma_start3A_151 : memref<128x128xf32, #tpu.memory_space<vmem_shared>>) target(%arg16 : memref<128x128xf32, #tpu.memory_space<vmem>>) target_semaphore(%run_scoped3A : memref<!tpu.dma_semaphore, #tpu.memory_space<semaphore_mem>>)
      %dma_wait3A = arith.constant 0 : i32
      %dma_wait3A_152 = tpu.memref_slice %arg13[%multiple_of3A_71, %dma_wait3A] : memref<10240x128xf32, #tpu.memory_space<vmem_shared>> -> memref<128x128xf32, #tpu.memory_space<vmem_shared>>
      %dma_wait3A_153 = arith.constant 0 : i32
      %dma_wait3A_154 = tpu.memref_slice %arg13[%multiple_of3A_71, %dma_wait3A_153] : memref<10240x128xf32, #tpu.memory_space<vmem_shared>> -> memref<128x128xf32, #tpu.memory_space<vmem_shared>>
      tpu.wait_dma2 semaphore(%run_scoped3A : memref<!tpu.dma_semaphore, #tpu.memory_space<semaphore_mem>>) src(%dma_wait3A_154 : memref<128x128xf32, #tpu.memory_space<vmem_shared>>) dst(%arg16 : memref<128x128xf32, #tpu.memory_space<vmem>>)
      tpu.yield
    }) : () -> ()
    "tpu.region"() ({
      %run_scoped3A = tpu.sem_alloc : memref<!tpu.dma_semaphore, #tpu.memory_space<semaphore_mem>>
      %dma_start3A = arith.constant 0 : i32
      %dma_start3A_149 = tpu.memref_slice %arg10[%arg0, %multiple_of3A_71, %dma_start3A] : memref<2x10240x128xf32, #tpu.memory_space<hbm>> -> memref<1x128x128xf32, #tpu.memory_space<hbm>>
      %dma_start3A_150 = tpu.memref_squeeze %dma_start3A_149 : memref<1x128x128xf32, #tpu.memory_space<hbm>> -> memref<128x128xf32, #tpu.memory_space<hbm>>
      %dma_start3A_151 = arith.constant 0 : i32
      %dma_start3A_152 = tpu.memref_slice %arg10[%arg0, %multiple_of3A_71, %dma_start3A_151] : memref<2x10240x128xf32, #tpu.memory_space<hbm>> -> memref<1x128x128xf32, #tpu.memory_space<hbm>>
      %dma_start3A_153 = tpu.memref_squeeze %dma_start3A_152 : memref<1x128x128xf32, #tpu.memory_space<hbm>> -> memref<128x128xf32, #tpu.memory_space<hbm>>
      tpu.enqueue_dma source(%arg16 : memref<128x128xf32, #tpu.memory_space<vmem>>) target(%dma_start3A_153 : memref<128x128xf32, #tpu.memory_space<hbm>>) target_semaphore(%run_scoped3A : memref<!tpu.dma_semaphore, #tpu.memory_space<semaphore_mem>>)
      %dma_wait3A = arith.constant 0 : i32
      %dma_wait3A_154 = tpu.memref_slice %arg10[%arg0, %multiple_of3A_71, %dma_wait3A] : memref<2x10240x128xf32, #tpu.memory_space<hbm>> -> memref<1x128x128xf32, #tpu.memory_space<hbm>>
      %dma_wait3A_155 = tpu.memref_squeeze %dma_wait3A_154 : memref<1x128x128xf32, #tpu.memory_space<hbm>> -> memref<128x128xf32, #tpu.memory_space<hbm>>
      %dma_wait3A_156 = arith.constant 0 : i32
      %dma_wait3A_157 = tpu.memref_slice %arg10[%arg0, %multiple_of3A_71, %dma_wait3A_156] : memref<2x10240x128xf32, #tpu.memory_space<hbm>> -> memref<1x128x128xf32, #tpu.memory_space<hbm>>
      %dma_wait3A_158 = tpu.memref_squeeze %dma_wait3A_157 : memref<1x128x128xf32, #tpu.memory_space<hbm>> -> memref<128x128xf32, #tpu.memory_space<hbm>>
      tpu.wait_dma2 semaphore(%run_scoped3A : memref<!tpu.dma_semaphore, #tpu.memory_space<semaphore_mem>>) src(%arg16 : memref<128x128xf32, #tpu.memory_space<vmem>>) dst(%dma_wait3A_158 : memref<128x128xf32, #tpu.memory_space<hbm>>)
      tpu.yield
    }) : () -> ()
    %add3A_72 = arith.constant 512 : i32
    %add3A_73 = arith.addi %multiple_of3A, %add3A_72 : i32
    %multiple_of3A_74 = tpu.assume_multiple %add3A_73, 8 : i32
    "tpu.region"() ({
      %run_scoped3A = tpu.sem_alloc : memref<!tpu.dma_semaphore, #tpu.memory_space<semaphore_mem>>
      %dma_start3A = arith.constant 0 : i32
      %dma_start3A_149 = tpu.memref_slice %arg13[%multiple_of3A_74, %dma_start3A] : memref<10240x128xf32, #tpu.memory_space<vmem_shared>> -> memref<128x128xf32, #tpu.memory_space<vmem_shared>>
      %dma_start3A_150 = arith.constant 0 : i32
      %dma_start3A_151 = tpu.memref_slice %arg13[%multiple_of3A_74, %dma_start3A_150] : memref<10240x128xf32, #tpu.memory_space<vmem_shared>> -> memref<128x128xf32, #tpu.memory_space<vmem_shared>>
      tpu.enqueue_dma source(%dma_start3A_151 : memref<128x128xf32, #tpu.memory_space<vmem_shared>>) target(%arg16 : memref<128x128xf32, #tpu.memory_space<vmem>>) target_semaphore(%run_scoped3A : memref<!tpu.dma_semaphore, #tpu.memory_space<semaphore_mem>>)
      %dma_wait3A = arith.constant 0 : i32
      %dma_wait3A_152 = tpu.memref_slice %arg13[%multiple_of3A_74, %dma_wait3A] : memref<10240x128xf32, #tpu.memory_space<vmem_shared>> -> memref<128x128xf32, #tpu.memory_space<vmem_shared>>
      %dma_wait3A_153 = arith.constant 0 : i32
      %dma_wait3A_154 = tpu.memref_slice %arg13[%multiple_of3A_74, %dma_wait3A_153] : memref<10240x128xf32, #tpu.memory_space<vmem_shared>> -> memref<128x128xf32, #tpu.memory_space<vmem_shared>>
      tpu.wait_dma2 semaphore(%run_scoped3A : memref<!tpu.dma_semaphore, #tpu.memory_space<semaphore_mem>>) src(%dma_wait3A_154 : memref<128x128xf32, #tpu.memory_space<vmem_shared>>) dst(%arg16 : memref<128x128xf32, #tpu.memory_space<vmem>>)
      tpu.yield
    }) : () -> ()
    "tpu.region"() ({
      %run_scoped3A = tpu.sem_alloc : memref<!tpu.dma_semaphore, #tpu.memory_space<semaphore_mem>>
      %dma_start3A = arith.constant 0 : i32
      %dma_start3A_149 = tpu.memref_slice %arg10[%arg0, %multiple_of3A_74, %dma_start3A] : memref<2x10240x128xf32, #tpu.memory_space<hbm>> -> memref<1x128x128xf32, #tpu.memory_space<hbm>>
      %dma_start3A_150 = tpu.memref_squeeze %dma_start3A_149 : memref<1x128x128xf32, #tpu.memory_space<hbm>> -> memref<128x128xf32, #tpu.memory_space<hbm>>
      %dma_start3A_151 = arith.constant 0 : i32
      %dma_start3A_152 = tpu.memref_slice %arg10[%arg0, %multiple_of3A_74, %dma_start3A_151] : memref<2x10240x128xf32, #tpu.memory_space<hbm>> -> memref<1x128x128xf32, #tpu.memory_space<hbm>>
      %dma_start3A_153 = tpu.memref_squeeze %dma_start3A_152 : memref<1x128x128xf32, #tpu.memory_space<hbm>> -> memref<128x128xf32, #tpu.memory_space<hbm>>
      tpu.enqueue_dma source(%arg16 : memref<128x128xf32, #tpu.memory_space<vmem>>) target(%dma_start3A_153 : memref<128x128xf32, #tpu.memory_space<hbm>>) target_semaphore(%run_scoped3A : memref<!tpu.dma_semaphore, #tpu.memory_space<semaphore_mem>>)
      %dma_wait3A = arith.constant 0 : i32
      %dma_wait3A_154 = tpu.memref_slice %arg10[%arg0, %multiple_of3A_74, %dma_wait3A] : memref<2x10240x128xf32, #tpu.memory_space<hbm>> -> memref<1x128x128xf32, #tpu.memory_space<hbm>>
      %dma_wait3A_155 = tpu.memref_squeeze %dma_wait3A_154 : memref<1x128x128xf32, #tpu.memory_space<hbm>> -> memref<128x128xf32, #tpu.memory_space<hbm>>
      %dma_wait3A_156 = arith.constant 0 : i32
      %dma_wait3A_157 = tpu.memref_slice %arg10[%arg0, %multiple_of3A_74, %dma_wait3A_156] : memref<2x10240x128xf32, #tpu.memory_space<hbm>> -> memref<1x128x128xf32, #tpu.memory_space<hbm>>
      %dma_wait3A_158 = tpu.memref_squeeze %dma_wait3A_157 : memref<1x128x128xf32, #tpu.memory_space<hbm>> -> memref<128x128xf32, #tpu.memory_space<hbm>>
      tpu.wait_dma2 semaphore(%run_scoped3A : memref<!tpu.dma_semaphore, #tpu.memory_space<semaphore_mem>>) src(%arg16 : memref<128x128xf32, #tpu.memory_space<vmem>>) dst(%dma_wait3A_158 : memref<128x128xf32, #tpu.memory_space<hbm>>)
      tpu.yield
    }) : () -> ()
    "tpu.region"() ({
      %run_scoped3A = tpu.sem_alloc : memref<!tpu.dma_semaphore, #tpu.memory_space<semaphore_mem>>
      tpu.enqueue_dma source(%arg8 : memref<128x128xf32, #tpu.memory_space<hbm>>) target(%arg16 : memref<128x128xf32, #tpu.memory_space<vmem>>) target_semaphore(%run_scoped3A : memref<!tpu.dma_semaphore, #tpu.memory_space<semaphore_mem>>)
      tpu.wait_dma2 semaphore(%run_scoped3A : memref<!tpu.dma_semaphore, #tpu.memory_space<semaphore_mem>>) src(%arg8 : memref<128x128xf32, #tpu.memory_space<hbm>>) dst(%arg16 : memref<128x128xf32, #tpu.memory_space<vmem>>)
      tpu.yield
    }) : () -> ()
    %add3A_75 = arith.constant 0 : i32
    %add3A_76 = arith.addi %multiple_of3A, %add3A_75 : i32
    %multiple_of3A_77 = tpu.assume_multiple %add3A_76, 8 : i32
    "tpu.region"() ({
      %run_scoped3A = tpu.sem_alloc : memref<!tpu.dma_semaphore, #tpu.memory_space<semaphore_mem>>
      %dma_start3A = arith.constant 0 : i32
      %dma_start3A_149 = tpu.memref_slice %arg13[%multiple_of3A_77, %dma_start3A] : memref<10240x128xf32, #tpu.memory_space<vmem_shared>> -> memref<128x128xf32, #tpu.memory_space<vmem_shared>>
      %dma_start3A_150 = arith.constant 0 : i32
      %dma_start3A_151 = tpu.memref_slice %arg13[%multiple_of3A_77, %dma_start3A_150] : memref<10240x128xf32, #tpu.memory_space<vmem_shared>> -> memref<128x128xf32, #tpu.memory_space<vmem_shared>>
      tpu.enqueue_dma source(%arg16 : memref<128x128xf32, #tpu.memory_space<vmem>>) target(%dma_start3A_151 : memref<128x128xf32, #tpu.memory_space<vmem_shared>>) target_semaphore(%run_scoped3A : memref<!tpu.dma_semaphore, #tpu.memory_space<semaphore_mem>>)
      %dma_wait3A = arith.constant 0 : i32
      %dma_wait3A_152 = tpu.memref_slice %arg13[%multiple_of3A_77, %dma_wait3A] : memref<10240x128xf32, #tpu.memory_space<vmem_shared>> -> memref<128x128xf32, #tpu.memory_space<vmem_shared>>
      %dma_wait3A_153 = arith.constant 0 : i32
      %dma_wait3A_154 = tpu.memref_slice %arg13[%multiple_of3A_77, %dma_wait3A_153] : memref<10240x128xf32, #tpu.memory_space<vmem_shared>> -> memref<128x128xf32, #tpu.memory_space<vmem_shared>>
      tpu.wait_dma2 semaphore(%run_scoped3A : memref<!tpu.dma_semaphore, #tpu.memory_space<semaphore_mem>>) src(%arg16 : memref<128x128xf32, #tpu.memory_space<vmem>>) dst(%dma_wait3A_154 : memref<128x128xf32, #tpu.memory_space<vmem_shared>>)
      tpu.yield
    }) : () -> ()
    %add3A_78 = arith.constant 128 : i32
    %add3A_79 = arith.addi %multiple_of3A, %add3A_78 : i32
    %multiple_of3A_80 = tpu.assume_multiple %add3A_79, 8 : i32
    "tpu.region"() ({
      %run_scoped3A = tpu.sem_alloc : memref<!tpu.dma_semaphore, #tpu.memory_space<semaphore_mem>>
      %dma_start3A = arith.constant 0 : i32
      %dma_start3A_149 = tpu.memref_slice %arg13[%multiple_of3A_80, %dma_start3A] : memref<10240x128xf32, #tpu.memory_space<vmem_shared>> -> memref<128x128xf32, #tpu.memory_space<vmem_shared>>
      %dma_start3A_150 = arith.constant 0 : i32
      %dma_start3A_151 = tpu.memref_slice %arg13[%multiple_of3A_80, %dma_start3A_150] : memref<10240x128xf32, #tpu.memory_space<vmem_shared>> -> memref<128x128xf32, #tpu.memory_space<vmem_shared>>
      tpu.enqueue_dma source(%arg16 : memref<128x128xf32, #tpu.memory_space<vmem>>) target(%dma_start3A_151 : memref<128x128xf32, #tpu.memory_space<vmem_shared>>) target_semaphore(%run_scoped3A : memref<!tpu.dma_semaphore, #tpu.memory_space<semaphore_mem>>)
      %dma_wait3A = arith.constant 0 : i32
      %dma_wait3A_152 = tpu.memref_slice %arg13[%multiple_of3A_80, %dma_wait3A] : memref<10240x128xf32, #tpu.memory_space<vmem_shared>> -> memref<128x128xf32, #tpu.memory_space<vmem_shared>>
      %dma_wait3A_153 = arith.constant 0 : i32
      %dma_wait3A_154 = tpu.memref_slice %arg13[%multiple_of3A_80, %dma_wait3A_153] : memref<10240x128xf32, #tpu.memory_space<vmem_shared>> -> memref<128x128xf32, #tpu.memory_space<vmem_shared>>
      tpu.wait_dma2 semaphore(%run_scoped3A : memref<!tpu.dma_semaphore, #tpu.memory_space<semaphore_mem>>) src(%arg16 : memref<128x128xf32, #tpu.memory_space<vmem>>) dst(%dma_wait3A_154 : memref<128x128xf32, #tpu.memory_space<vmem_shared>>)
      tpu.yield
    }) : () -> ()
    %add3A_81 = arith.constant 256 : i32
    %add3A_82 = arith.addi %multiple_of3A, %add3A_81 : i32
    %multiple_of3A_83 = tpu.assume_multiple %add3A_82, 8 : i32
    "tpu.region"() ({
      %run_scoped3A = tpu.sem_alloc : memref<!tpu.dma_semaphore, #tpu.memory_space<semaphore_mem>>
      %dma_start3A = arith.constant 0 : i32
      %dma_start3A_149 = tpu.memref_slice %arg13[%multiple_of3A_83, %dma_start3A] : memref<10240x128xf32, #tpu.memory_space<vmem_shared>> -> memref<128x128xf32, #tpu.memory_space<vmem_shared>>
      %dma_start3A_150 = arith.constant 0 : i32
      %dma_start3A_151 = tpu.memref_slice %arg13[%multiple_of3A_83, %dma_start3A_150] : memref<10240x128xf32, #tpu.memory_space<vmem_shared>> -> memref<128x128xf32, #tpu.memory_space<vmem_shared>>
      tpu.enqueue_dma source(%arg16 : memref<128x128xf32, #tpu.memory_space<vmem>>) target(%dma_start3A_151 : memref<128x128xf32, #tpu.memory_space<vmem_shared>>) target_semaphore(%run_scoped3A : memref<!tpu.dma_semaphore, #tpu.memory_space<semaphore_mem>>)
      %dma_wait3A = arith.constant 0 : i32
      %dma_wait3A_152 = tpu.memref_slice %arg13[%multiple_of3A_83, %dma_wait3A] : memref<10240x128xf32, #tpu.memory_space<vmem_shared>> -> memref<128x128xf32, #tpu.memory_space<vmem_shared>>
      %dma_wait3A_153 = arith.constant 0 : i32
      %dma_wait3A_154 = tpu.memref_slice %arg13[%multiple_of3A_83, %dma_wait3A_153] : memref<10240x128xf32, #tpu.memory_space<vmem_shared>> -> memref<128x128xf32, #tpu.memory_space<vmem_shared>>
      tpu.wait_dma2 semaphore(%run_scoped3A : memref<!tpu.dma_semaphore, #tpu.memory_space<semaphore_mem>>) src(%arg16 : memref<128x128xf32, #tpu.memory_space<vmem>>) dst(%dma_wait3A_154 : memref<128x128xf32, #tpu.memory_space<vmem_shared>>)
      tpu.yield
    }) : () -> ()
    %add3A_84 = arith.constant 384 : i32
    %add3A_85 = arith.addi %multiple_of3A, %add3A_84 : i32
    %multiple_of3A_86 = tpu.assume_multiple %add3A_85, 8 : i32
    "tpu.region"() ({
      %run_scoped3A = tpu.sem_alloc : memref<!tpu.dma_semaphore, #tpu.memory_space<semaphore_mem>>
      %dma_start3A = arith.constant 0 : i32
      %dma_start3A_149 = tpu.memref_slice %arg13[%multiple_of3A_86, %dma_start3A] : memref<10240x128xf32, #tpu.memory_space<vmem_shared>> -> memref<128x128xf32, #tpu.memory_space<vmem_shared>>
      %dma_start3A_150 = arith.constant 0 : i32
      %dma_start3A_151 = tpu.memref_slice %arg13[%multiple_of3A_86, %dma_start3A_150] : memref<10240x128xf32, #tpu.memory_space<vmem_shared>> -> memref<128x128xf32, #tpu.memory_space<vmem_shared>>
      tpu.enqueue_dma source(%arg16 : memref<128x128xf32, #tpu.memory_space<vmem>>) target(%dma_start3A_151 : memref<128x128xf32, #tpu.memory_space<vmem_shared>>) target_semaphore(%run_scoped3A : memref<!tpu.dma_semaphore, #tpu.memory_space<semaphore_mem>>)
      %dma_wait3A = arith.constant 0 : i32
      %dma_wait3A_152 = tpu.memref_slice %arg13[%multiple_of3A_86, %dma_wait3A] : memref<10240x128xf32, #tpu.memory_space<vmem_shared>> -> memref<128x128xf32, #tpu.memory_space<vmem_shared>>
      %dma_wait3A_153 = arith.constant 0 : i32
      %dma_wait3A_154 = tpu.memref_slice %arg13[%multiple_of3A_86, %dma_wait3A_153] : memref<10240x128xf32, #tpu.memory_space<vmem_shared>> -> memref<128x128xf32, #tpu.memory_space<vmem_shared>>
      tpu.wait_dma2 semaphore(%run_scoped3A : memref<!tpu.dma_semaphore, #tpu.memory_space<semaphore_mem>>) src(%arg16 : memref<128x128xf32, #tpu.memory_space<vmem>>) dst(%dma_wait3A_154 : memref<128x128xf32, #tpu.memory_space<vmem_shared>>)
      tpu.yield
    }) : () -> ()
    %add3A_87 = arith.constant 512 : i32
    %add3A_88 = arith.addi %multiple_of3A, %add3A_87 : i32
    %multiple_of3A_89 = tpu.assume_multiple %add3A_88, 8 : i32
    "tpu.region"() ({
      %run_scoped3A = tpu.sem_alloc : memref<!tpu.dma_semaphore, #tpu.memory_space<semaphore_mem>>
      %dma_start3A = arith.constant 0 : i32
      %dma_start3A_149 = tpu.memref_slice %arg13[%multiple_of3A_89, %dma_start3A] : memref<10240x128xf32, #tpu.memory_space<vmem_shared>> -> memref<128x128xf32, #tpu.memory_space<vmem_shared>>
      %dma_start3A_150 = arith.constant 0 : i32
      %dma_start3A_151 = tpu.memref_slice %arg13[%multiple_of3A_89, %dma_start3A_150] : memref<10240x128xf32, #tpu.memory_space<vmem_shared>> -> memref<128x128xf32, #tpu.memory_space<vmem_shared>>
      tpu.enqueue_dma source(%arg16 : memref<128x128xf32, #tpu.memory_space<vmem>>) target(%dma_start3A_151 : memref<128x128xf32, #tpu.memory_space<vmem_shared>>) target_semaphore(%run_scoped3A : memref<!tpu.dma_semaphore, #tpu.memory_space<semaphore_mem>>)
      %dma_wait3A = arith.constant 0 : i32
      %dma_wait3A_152 = tpu.memref_slice %arg13[%multiple_of3A_89, %dma_wait3A] : memref<10240x128xf32, #tpu.memory_space<vmem_shared>> -> memref<128x128xf32, #tpu.memory_space<vmem_shared>>
      %dma_wait3A_153 = arith.constant 0 : i32
      %dma_wait3A_154 = tpu.memref_slice %arg13[%multiple_of3A_89, %dma_wait3A_153] : memref<10240x128xf32, #tpu.memory_space<vmem_shared>> -> memref<128x128xf32, #tpu.memory_space<vmem_shared>>
      tpu.wait_dma2 semaphore(%run_scoped3A : memref<!tpu.dma_semaphore, #tpu.memory_space<semaphore_mem>>) src(%arg16 : memref<128x128xf32, #tpu.memory_space<vmem>>) dst(%dma_wait3A_154 : memref<128x128xf32, #tpu.memory_space<vmem_shared>>)
      tpu.yield
    }) : () -> ()
    %barrier3A_90 = arith.constant 0 : index
    tpu.barrier barrier_id(%barrier3A_90)
    %scan3A_91 = arith.constant 0 : i32
    %scan3A_92 = arith.constant 79 : i32
    %scan3A_93 = arith.addi %scan3A_91, %scan3A_92 : i32
    %scan3A_94 = arith.constant 1 : i32
    scf.for %scan3A_149 = %scan3A_91 to %scan3A_93 step %scan3A_94  : i32 {
      %mul3A_150 = arith.constant 1 : i32
      %mul3A_151 = arith.muli %scan3A_149, %mul3A_150 : i32
      %add3A_152 = arith.constant 0 : i32
      %add3A_153 = arith.addi %add3A_152, %mul3A_151 : i32
      %dma_start3A = arith.constant 0 : i32
      %dma_start3A_154 = tpu.memref_slice %arg14[%add3A_153, %dma_start3A] : memref<79x128xi32, #tpu.memory_space<vmem>> -> memref<1x128xi32, #tpu.memory_space<vmem>>
      %dma_start3A_155 = tpu.memref_squeeze %dma_start3A_154 : memref<1x128xi32, #tpu.memory_space<vmem>> -> memref<128xi32, #tpu.memory_space<vmem>>
      %dma_start3A_156 = arith.constant 0 : i32
      %dma_start3A_157 = arith.constant 0 : i32
      %dma_start3A_158 = tpu.memref_slice %arg4[%dma_start3A_156, %dma_start3A_157] : memref<10240x128xf32, #tpu.memory_space<hbm>> -> memref<10240x128xf32, #tpu.memory_space<hbm>>
      tpu.enqueue_indirect_dma source(%dma_start3A_158 : memref<10240x128xf32, #tpu.memory_space<hbm>>) target(%arg16 : memref<128x128xf32, #tpu.memory_space<vmem>>) offsets(%dma_start3A_155 : memref<128xi32, #tpu.memory_space<vmem>>) semaphore(%arg17 : memref<!tpu.dma_semaphore, #tpu.memory_space<semaphore_mem>>)
      %dma_wait3A = arith.constant 0 : i32
      %dma_wait3A_159 = tpu.memref_slice %arg14[%add3A_153, %dma_wait3A] : memref<79x128xi32, #tpu.memory_space<vmem>> -> memref<1x128xi32, #tpu.memory_space<vmem>>
      %dma_wait3A_160 = tpu.memref_squeeze %dma_wait3A_159 : memref<1x128xi32, #tpu.memory_space<vmem>> -> memref<128xi32, #tpu.memory_space<vmem>>
      %dma_wait3A_161 = arith.constant 0 : i32
      %dma_wait3A_162 = arith.constant 0 : i32
      %dma_wait3A_163 = tpu.memref_slice %arg4[%dma_wait3A_161, %dma_wait3A_162] : memref<10240x128xf32, #tpu.memory_space<hbm>> -> memref<10240x128xf32, #tpu.memory_space<hbm>>
      tpu.wait_indirect_dma semaphore(%arg17 : memref<!tpu.dma_semaphore, #tpu.memory_space<semaphore_mem>>) src(%dma_wait3A_163 : memref<10240x128xf32, #tpu.memory_space<hbm>>) dst(%arg16 : memref<128x128xf32, #tpu.memory_space<vmem>>)
      "tpu.region"() ({
        %run_scoped3A = tpu.sem_alloc : memref<!tpu.dma_semaphore, #tpu.memory_space<semaphore_mem>>
        %dma_start3A_164 = arith.constant 0 : i32
        %dma_start3A_165 = tpu.memref_slice %arg15[%add3A_153, %dma_start3A_164] : memref<79x128xi32, #tpu.memory_space<vmem>> -> memref<1x128xi32, #tpu.memory_space<vmem>>
        %dma_start3A_166 = tpu.memref_squeeze %dma_start3A_165 : memref<1x128xi32, #tpu.memory_space<vmem>> -> memref<128xi32, #tpu.memory_space<vmem>>
        %dma_start3A_167 = arith.constant 0 : i32
        %dma_start3A_168 = arith.constant 0 : i32
        %dma_start3A_169 = tpu.memref_slice %arg13[%dma_start3A_167, %dma_start3A_168] : memref<10240x128xf32, #tpu.memory_space<vmem_shared>> -> memref<10240x128xf32, #tpu.memory_space<vmem_shared>>
        tpu.enqueue_indirect_dma source(%arg16 : memref<128x128xf32, #tpu.memory_space<vmem>>) target(%dma_start3A_169 : memref<10240x128xf32, #tpu.memory_space<vmem_shared>>) offsets(%dma_start3A_166 : memref<128xi32, #tpu.memory_space<vmem>>) semaphore(%run_scoped3A : memref<!tpu.dma_semaphore, #tpu.memory_space<semaphore_mem>>) {add = true}
        %dma_wait3A_170 = arith.constant 0 : i32
        %dma_wait3A_171 = tpu.memref_slice %arg15[%add3A_153, %dma_wait3A_170] : memref<79x128xi32, #tpu.memory_space<vmem>> -> memref<1x128xi32, #tpu.memory_space<vmem>>
        %dma_wait3A_172 = tpu.memref_squeeze %dma_wait3A_171 : memref<1x128xi32, #tpu.memory_space<vmem>> -> memref<128xi32, #tpu.memory_space<vmem>>
        %dma_wait3A_173 = arith.constant 0 : i32
        %dma_wait3A_174 = arith.constant 0 : i32
        %dma_wait3A_175 = tpu.memref_slice %arg13[%dma_wait3A_173, %dma_wait3A_174] : memref<10240x128xf32, #tpu.memory_space<vmem_shared>> -> memref<10240x128xf32, #tpu.memory_space<vmem_shared>>
        tpu.wait_indirect_dma semaphore(%run_scoped3A : memref<!tpu.dma_semaphore, #tpu.memory_space<semaphore_mem>>) src(%arg16 : memref<128x128xf32, #tpu.memory_space<vmem>>) dst(%dma_wait3A_175 : memref<10240x128xf32, #tpu.memory_space<vmem_shared>>)
        tpu.yield
      }) : () -> ()
    }
    %scan3A_95 = arith.constant 79 : i32
    %barrier3A_96 = arith.constant 0 : index
    tpu.barrier barrier_id(%barrier3A_96)
    %add3A_97 = arith.constant 0 : i32
    %add3A_98 = arith.addi %multiple_of3A, %add3A_97 : i32
    %multiple_of3A_99 = tpu.assume_multiple %add3A_98, 8 : i32
    "tpu.region"() ({
      %run_scoped3A = tpu.sem_alloc : memref<!tpu.dma_semaphore, #tpu.memory_space<semaphore_mem>>
      %dma_start3A = arith.constant 0 : i32
      %dma_start3A_149 = tpu.memref_slice %arg13[%multiple_of3A_99, %dma_start3A] : memref<10240x128xf32, #tpu.memory_space<vmem_shared>> -> memref<128x128xf32, #tpu.memory_space<vmem_shared>>
      %dma_start3A_150 = arith.constant 0 : i32
      %dma_start3A_151 = tpu.memref_slice %arg13[%multiple_of3A_99, %dma_start3A_150] : memref<10240x128xf32, #tpu.memory_space<vmem_shared>> -> memref<128x128xf32, #tpu.memory_space<vmem_shared>>
      tpu.enqueue_dma source(%dma_start3A_151 : memref<128x128xf32, #tpu.memory_space<vmem_shared>>) target(%arg16 : memref<128x128xf32, #tpu.memory_space<vmem>>) target_semaphore(%run_scoped3A : memref<!tpu.dma_semaphore, #tpu.memory_space<semaphore_mem>>)
      %dma_wait3A = arith.constant 0 : i32
      %dma_wait3A_152 = tpu.memref_slice %arg13[%multiple_of3A_99, %dma_wait3A] : memref<10240x128xf32, #tpu.memory_space<vmem_shared>> -> memref<128x128xf32, #tpu.memory_space<vmem_shared>>
      %dma_wait3A_153 = arith.constant 0 : i32
      %dma_wait3A_154 = tpu.memref_slice %arg13[%multiple_of3A_99, %dma_wait3A_153] : memref<10240x128xf32, #tpu.memory_space<vmem_shared>> -> memref<128x128xf32, #tpu.memory_space<vmem_shared>>
      tpu.wait_dma2 semaphore(%run_scoped3A : memref<!tpu.dma_semaphore, #tpu.memory_space<semaphore_mem>>) src(%dma_wait3A_154 : memref<128x128xf32, #tpu.memory_space<vmem_shared>>) dst(%arg16 : memref<128x128xf32, #tpu.memory_space<vmem>>)
      tpu.yield
    }) : () -> ()
    "tpu.region"() ({
      %run_scoped3A = tpu.sem_alloc : memref<!tpu.dma_semaphore, #tpu.memory_space<semaphore_mem>>
      %dma_start3A = arith.constant 0 : i32
      %dma_start3A_149 = tpu.memref_slice %arg11[%arg0, %multiple_of3A_99, %dma_start3A] : memref<2x10240x128xf32, #tpu.memory_space<hbm>> -> memref<1x128x128xf32, #tpu.memory_space<hbm>>
      %dma_start3A_150 = tpu.memref_squeeze %dma_start3A_149 : memref<1x128x128xf32, #tpu.memory_space<hbm>> -> memref<128x128xf32, #tpu.memory_space<hbm>>
      %dma_start3A_151 = arith.constant 0 : i32
      %dma_start3A_152 = tpu.memref_slice %arg11[%arg0, %multiple_of3A_99, %dma_start3A_151] : memref<2x10240x128xf32, #tpu.memory_space<hbm>> -> memref<1x128x128xf32, #tpu.memory_space<hbm>>
      %dma_start3A_153 = tpu.memref_squeeze %dma_start3A_152 : memref<1x128x128xf32, #tpu.memory_space<hbm>> -> memref<128x128xf32, #tpu.memory_space<hbm>>
      tpu.enqueue_dma source(%arg16 : memref<128x128xf32, #tpu.memory_space<vmem>>) target(%dma_start3A_153 : memref<128x128xf32, #tpu.memory_space<hbm>>) target_semaphore(%run_scoped3A : memref<!tpu.dma_semaphore, #tpu.memory_space<semaphore_mem>>)
      %dma_wait3A = arith.constant 0 : i32
      %dma_wait3A_154 = tpu.memref_slice %arg11[%arg0, %multiple_of3A_99, %dma_wait3A] : memref<2x10240x128xf32, #tpu.memory_space<hbm>> -> memref<1x128x128xf32, #tpu.memory_space<hbm>>
      %dma_wait3A_155 = tpu.memref_squeeze %dma_wait3A_154 : memref<1x128x128xf32, #tpu.memory_space<hbm>> -> memref<128x128xf32, #tpu.memory_space<hbm>>
      %dma_wait3A_156 = arith.constant 0 : i32
      %dma_wait3A_157 = tpu.memref_slice %arg11[%arg0, %multiple_of3A_99, %dma_wait3A_156] : memref<2x10240x128xf32, #tpu.memory_space<hbm>> -> memref<1x128x128xf32, #tpu.memory_space<hbm>>
      %dma_wait3A_158 = tpu.memref_squeeze %dma_wait3A_157 : memref<1x128x128xf32, #tpu.memory_space<hbm>> -> memref<128x128xf32, #tpu.memory_space<hbm>>
      tpu.wait_dma2 semaphore(%run_scoped3A : memref<!tpu.dma_semaphore, #tpu.memory_space<semaphore_mem>>) src(%arg16 : memref<128x128xf32, #tpu.memory_space<vmem>>) dst(%dma_wait3A_158 : memref<128x128xf32, #tpu.memory_space<hbm>>)
      tpu.yield
    }) : () -> ()
    %add3A_100 = arith.constant 128 : i32
    %add3A_101 = arith.addi %multiple_of3A, %add3A_100 : i32
    %multiple_of3A_102 = tpu.assume_multiple %add3A_101, 8 : i32
    "tpu.region"() ({
      %run_scoped3A = tpu.sem_alloc : memref<!tpu.dma_semaphore, #tpu.memory_space<semaphore_mem>>
      %dma_start3A = arith.constant 0 : i32
      %dma_start3A_149 = tpu.memref_slice %arg13[%multiple_of3A_102, %dma_start3A] : memref<10240x128xf32, #tpu.memory_space<vmem_shared>> -> memref<128x128xf32, #tpu.memory_space<vmem_shared>>
      %dma_start3A_150 = arith.constant 0 : i32
      %dma_start3A_151 = tpu.memref_slice %arg13[%multiple_of3A_102, %dma_start3A_150] : memref<10240x128xf32, #tpu.memory_space<vmem_shared>> -> memref<128x128xf32, #tpu.memory_space<vmem_shared>>
      tpu.enqueue_dma source(%dma_start3A_151 : memref<128x128xf32, #tpu.memory_space<vmem_shared>>) target(%arg16 : memref<128x128xf32, #tpu.memory_space<vmem>>) target_semaphore(%run_scoped3A : memref<!tpu.dma_semaphore, #tpu.memory_space<semaphore_mem>>)
      %dma_wait3A = arith.constant 0 : i32
      %dma_wait3A_152 = tpu.memref_slice %arg13[%multiple_of3A_102, %dma_wait3A] : memref<10240x128xf32, #tpu.memory_space<vmem_shared>> -> memref<128x128xf32, #tpu.memory_space<vmem_shared>>
      %dma_wait3A_153 = arith.constant 0 : i32
      %dma_wait3A_154 = tpu.memref_slice %arg13[%multiple_of3A_102, %dma_wait3A_153] : memref<10240x128xf32, #tpu.memory_space<vmem_shared>> -> memref<128x128xf32, #tpu.memory_space<vmem_shared>>
      tpu.wait_dma2 semaphore(%run_scoped3A : memref<!tpu.dma_semaphore, #tpu.memory_space<semaphore_mem>>) src(%dma_wait3A_154 : memref<128x128xf32, #tpu.memory_space<vmem_shared>>) dst(%arg16 : memref<128x128xf32, #tpu.memory_space<vmem>>)
      tpu.yield
    }) : () -> ()
    "tpu.region"() ({
      %run_scoped3A = tpu.sem_alloc : memref<!tpu.dma_semaphore, #tpu.memory_space<semaphore_mem>>
      %dma_start3A = arith.constant 0 : i32
      %dma_start3A_149 = tpu.memref_slice %arg11[%arg0, %multiple_of3A_102, %dma_start3A] : memref<2x10240x128xf32, #tpu.memory_space<hbm>> -> memref<1x128x128xf32, #tpu.memory_space<hbm>>
      %dma_start3A_150 = tpu.memref_squeeze %dma_start3A_149 : memref<1x128x128xf32, #tpu.memory_space<hbm>> -> memref<128x128xf32, #tpu.memory_space<hbm>>
      %dma_start3A_151 = arith.constant 0 : i32
      %dma_start3A_152 = tpu.memref_slice %arg11[%arg0, %multiple_of3A_102, %dma_start3A_151] : memref<2x10240x128xf32, #tpu.memory_space<hbm>> -> memref<1x128x128xf32, #tpu.memory_space<hbm>>
      %dma_start3A_153 = tpu.memref_squeeze %dma_start3A_152 : memref<1x128x128xf32, #tpu.memory_space<hbm>> -> memref<128x128xf32, #tpu.memory_space<hbm>>
      tpu.enqueue_dma source(%arg16 : memref<128x128xf32, #tpu.memory_space<vmem>>) target(%dma_start3A_153 : memref<128x128xf32, #tpu.memory_space<hbm>>) target_semaphore(%run_scoped3A : memref<!tpu.dma_semaphore, #tpu.memory_space<semaphore_mem>>)
      %dma_wait3A = arith.constant 0 : i32
      %dma_wait3A_154 = tpu.memref_slice %arg11[%arg0, %multiple_of3A_102, %dma_wait3A] : memref<2x10240x128xf32, #tpu.memory_space<hbm>> -> memref<1x128x128xf32, #tpu.memory_space<hbm>>
      %dma_wait3A_155 = tpu.memref_squeeze %dma_wait3A_154 : memref<1x128x128xf32, #tpu.memory_space<hbm>> -> memref<128x128xf32, #tpu.memory_space<hbm>>
      %dma_wait3A_156 = arith.constant 0 : i32
      %dma_wait3A_157 = tpu.memref_slice %arg11[%arg0, %multiple_of3A_102, %dma_wait3A_156] : memref<2x10240x128xf32, #tpu.memory_space<hbm>> -> memref<1x128x128xf32, #tpu.memory_space<hbm>>
      %dma_wait3A_158 = tpu.memref_squeeze %dma_wait3A_157 : memref<1x128x128xf32, #tpu.memory_space<hbm>> -> memref<128x128xf32, #tpu.memory_space<hbm>>
      tpu.wait_dma2 semaphore(%run_scoped3A : memref<!tpu.dma_semaphore, #tpu.memory_space<semaphore_mem>>) src(%arg16 : memref<128x128xf32, #tpu.memory_space<vmem>>) dst(%dma_wait3A_158 : memref<128x128xf32, #tpu.memory_space<hbm>>)
      tpu.yield
    }) : () -> ()
    %add3A_103 = arith.constant 256 : i32
    %add3A_104 = arith.addi %multiple_of3A, %add3A_103 : i32
    %multiple_of3A_105 = tpu.assume_multiple %add3A_104, 8 : i32
    "tpu.region"() ({
      %run_scoped3A = tpu.sem_alloc : memref<!tpu.dma_semaphore, #tpu.memory_space<semaphore_mem>>
      %dma_start3A = arith.constant 0 : i32
      %dma_start3A_149 = tpu.memref_slice %arg13[%multiple_of3A_105, %dma_start3A] : memref<10240x128xf32, #tpu.memory_space<vmem_shared>> -> memref<128x128xf32, #tpu.memory_space<vmem_shared>>
      %dma_start3A_150 = arith.constant 0 : i32
      %dma_start3A_151 = tpu.memref_slice %arg13[%multiple_of3A_105, %dma_start3A_150] : memref<10240x128xf32, #tpu.memory_space<vmem_shared>> -> memref<128x128xf32, #tpu.memory_space<vmem_shared>>
      tpu.enqueue_dma source(%dma_start3A_151 : memref<128x128xf32, #tpu.memory_space<vmem_shared>>) target(%arg16 : memref<128x128xf32, #tpu.memory_space<vmem>>) target_semaphore(%run_scoped3A : memref<!tpu.dma_semaphore, #tpu.memory_space<semaphore_mem>>)
      %dma_wait3A = arith.constant 0 : i32
      %dma_wait3A_152 = tpu.memref_slice %arg13[%multiple_of3A_105, %dma_wait3A] : memref<10240x128xf32, #tpu.memory_space<vmem_shared>> -> memref<128x128xf32, #tpu.memory_space<vmem_shared>>
      %dma_wait3A_153 = arith.constant 0 : i32
      %dma_wait3A_154 = tpu.memref_slice %arg13[%multiple_of3A_105, %dma_wait3A_153] : memref<10240x128xf32, #tpu.memory_space<vmem_shared>> -> memref<128x128xf32, #tpu.memory_space<vmem_shared>>
      tpu.wait_dma2 semaphore(%run_scoped3A : memref<!tpu.dma_semaphore, #tpu.memory_space<semaphore_mem>>) src(%dma_wait3A_154 : memref<128x128xf32, #tpu.memory_space<vmem_shared>>) dst(%arg16 : memref<128x128xf32, #tpu.memory_space<vmem>>)
      tpu.yield
    }) : () -> ()
    "tpu.region"() ({
      %run_scoped3A = tpu.sem_alloc : memref<!tpu.dma_semaphore, #tpu.memory_space<semaphore_mem>>
      %dma_start3A = arith.constant 0 : i32
      %dma_start3A_149 = tpu.memref_slice %arg11[%arg0, %multiple_of3A_105, %dma_start3A] : memref<2x10240x128xf32, #tpu.memory_space<hbm>> -> memref<1x128x128xf32, #tpu.memory_space<hbm>>
      %dma_start3A_150 = tpu.memref_squeeze %dma_start3A_149 : memref<1x128x128xf32, #tpu.memory_space<hbm>> -> memref<128x128xf32, #tpu.memory_space<hbm>>
      %dma_start3A_151 = arith.constant 0 : i32
      %dma_start3A_152 = tpu.memref_slice %arg11[%arg0, %multiple_of3A_105, %dma_start3A_151] : memref<2x10240x128xf32, #tpu.memory_space<hbm>> -> memref<1x128x128xf32, #tpu.memory_space<hbm>>
      %dma_start3A_153 = tpu.memref_squeeze %dma_start3A_152 : memref<1x128x128xf32, #tpu.memory_space<hbm>> -> memref<128x128xf32, #tpu.memory_space<hbm>>
      tpu.enqueue_dma source(%arg16 : memref<128x128xf32, #tpu.memory_space<vmem>>) target(%dma_start3A_153 : memref<128x128xf32, #tpu.memory_space<hbm>>) target_semaphore(%run_scoped3A : memref<!tpu.dma_semaphore, #tpu.memory_space<semaphore_mem>>)
      %dma_wait3A = arith.constant 0 : i32
      %dma_wait3A_154 = tpu.memref_slice %arg11[%arg0, %multiple_of3A_105, %dma_wait3A] : memref<2x10240x128xf32, #tpu.memory_space<hbm>> -> memref<1x128x128xf32, #tpu.memory_space<hbm>>
      %dma_wait3A_155 = tpu.memref_squeeze %dma_wait3A_154 : memref<1x128x128xf32, #tpu.memory_space<hbm>> -> memref<128x128xf32, #tpu.memory_space<hbm>>
      %dma_wait3A_156 = arith.constant 0 : i32
      %dma_wait3A_157 = tpu.memref_slice %arg11[%arg0, %multiple_of3A_105, %dma_wait3A_156] : memref<2x10240x128xf32, #tpu.memory_space<hbm>> -> memref<1x128x128xf32, #tpu.memory_space<hbm>>
      %dma_wait3A_158 = tpu.memref_squeeze %dma_wait3A_157 : memref<1x128x128xf32, #tpu.memory_space<hbm>> -> memref<128x128xf32, #tpu.memory_space<hbm>>
      tpu.wait_dma2 semaphore(%run_scoped3A : memref<!tpu.dma_semaphore, #tpu.memory_space<semaphore_mem>>) src(%arg16 : memref<128x128xf32, #tpu.memory_space<vmem>>) dst(%dma_wait3A_158 : memref<128x128xf32, #tpu.memory_space<hbm>>)
      tpu.yield
    }) : () -> ()
    %add3A_106 = arith.constant 384 : i32
    %add3A_107 = arith.addi %multiple_of3A, %add3A_106 : i32
    %multiple_of3A_108 = tpu.assume_multiple %add3A_107, 8 : i32
    "tpu.region"() ({
      %run_scoped3A = tpu.sem_alloc : memref<!tpu.dma_semaphore, #tpu.memory_space<semaphore_mem>>
      %dma_start3A = arith.constant 0 : i32
      %dma_start3A_149 = tpu.memref_slice %arg13[%multiple_of3A_108, %dma_start3A] : memref<10240x128xf32, #tpu.memory_space<vmem_shared>> -> memref<128x128xf32, #tpu.memory_space<vmem_shared>>
      %dma_start3A_150 = arith.constant 0 : i32
      %dma_start3A_151 = tpu.memref_slice %arg13[%multiple_of3A_108, %dma_start3A_150] : memref<10240x128xf32, #tpu.memory_space<vmem_shared>> -> memref<128x128xf32, #tpu.memory_space<vmem_shared>>
      tpu.enqueue_dma source(%dma_start3A_151 : memref<128x128xf32, #tpu.memory_space<vmem_shared>>) target(%arg16 : memref<128x128xf32, #tpu.memory_space<vmem>>) target_semaphore(%run_scoped3A : memref<!tpu.dma_semaphore, #tpu.memory_space<semaphore_mem>>)
      %dma_wait3A = arith.constant 0 : i32
      %dma_wait3A_152 = tpu.memref_slice %arg13[%multiple_of3A_108, %dma_wait3A] : memref<10240x128xf32, #tpu.memory_space<vmem_shared>> -> memref<128x128xf32, #tpu.memory_space<vmem_shared>>
      %dma_wait3A_153 = arith.constant 0 : i32
      %dma_wait3A_154 = tpu.memref_slice %arg13[%multiple_of3A_108, %dma_wait3A_153] : memref<10240x128xf32, #tpu.memory_space<vmem_shared>> -> memref<128x128xf32, #tpu.memory_space<vmem_shared>>
      tpu.wait_dma2 semaphore(%run_scoped3A : memref<!tpu.dma_semaphore, #tpu.memory_space<semaphore_mem>>) src(%dma_wait3A_154 : memref<128x128xf32, #tpu.memory_space<vmem_shared>>) dst(%arg16 : memref<128x128xf32, #tpu.memory_space<vmem>>)
      tpu.yield
    }) : () -> ()
    "tpu.region"() ({
      %run_scoped3A = tpu.sem_alloc : memref<!tpu.dma_semaphore, #tpu.memory_space<semaphore_mem>>
      %dma_start3A = arith.constant 0 : i32
      %dma_start3A_149 = tpu.memref_slice %arg11[%arg0, %multiple_of3A_108, %dma_start3A] : memref<2x10240x128xf32, #tpu.memory_space<hbm>> -> memref<1x128x128xf32, #tpu.memory_space<hbm>>
      %dma_start3A_150 = tpu.memref_squeeze %dma_start3A_149 : memref<1x128x128xf32, #tpu.memory_space<hbm>> -> memref<128x128xf32, #tpu.memory_space<hbm>>
      %dma_start3A_151 = arith.constant 0 : i32
      %dma_start3A_152 = tpu.memref_slice %arg11[%arg0, %multiple_of3A_108, %dma_start3A_151] : memref<2x10240x128xf32, #tpu.memory_space<hbm>> -> memref<1x128x128xf32, #tpu.memory_space<hbm>>
      %dma_start3A_153 = tpu.memref_squeeze %dma_start3A_152 : memref<1x128x128xf32, #tpu.memory_space<hbm>> -> memref<128x128xf32, #tpu.memory_space<hbm>>
      tpu.enqueue_dma source(%arg16 : memref<128x128xf32, #tpu.memory_space<vmem>>) target(%dma_start3A_153 : memref<128x128xf32, #tpu.memory_space<hbm>>) target_semaphore(%run_scoped3A : memref<!tpu.dma_semaphore, #tpu.memory_space<semaphore_mem>>)
      %dma_wait3A = arith.constant 0 : i32
      %dma_wait3A_154 = tpu.memref_slice %arg11[%arg0, %multiple_of3A_108, %dma_wait3A] : memref<2x10240x128xf32, #tpu.memory_space<hbm>> -> memref<1x128x128xf32, #tpu.memory_space<hbm>>
      %dma_wait3A_155 = tpu.memref_squeeze %dma_wait3A_154 : memref<1x128x128xf32, #tpu.memory_space<hbm>> -> memref<128x128xf32, #tpu.memory_space<hbm>>
      %dma_wait3A_156 = arith.constant 0 : i32
      %dma_wait3A_157 = tpu.memref_slice %arg11[%arg0, %multiple_of3A_108, %dma_wait3A_156] : memref<2x10240x128xf32, #tpu.memory_space<hbm>> -> memref<1x128x128xf32, #tpu.memory_space<hbm>>
      %dma_wait3A_158 = tpu.memref_squeeze %dma_wait3A_157 : memref<1x128x128xf32, #tpu.memory_space<hbm>> -> memref<128x128xf32, #tpu.memory_space<hbm>>
      tpu.wait_dma2 semaphore(%run_scoped3A : memref<!tpu.dma_semaphore, #tpu.memory_space<semaphore_mem>>) src(%arg16 : memref<128x128xf32, #tpu.memory_space<vmem>>) dst(%dma_wait3A_158 : memref<128x128xf32, #tpu.memory_space<hbm>>)
      tpu.yield
    }) : () -> ()
    %add3A_109 = arith.constant 512 : i32
    %add3A_110 = arith.addi %multiple_of3A, %add3A_109 : i32
    %multiple_of3A_111 = tpu.assume_multiple %add3A_110, 8 : i32
    "tpu.region"() ({
      %run_scoped3A = tpu.sem_alloc : memref<!tpu.dma_semaphore, #tpu.memory_space<semaphore_mem>>
      %dma_start3A = arith.constant 0 : i32
      %dma_start3A_149 = tpu.memref_slice %arg13[%multiple_of3A_111, %dma_start3A] : memref<10240x128xf32, #tpu.memory_space<vmem_shared>> -> memref<128x128xf32, #tpu.memory_space<vmem_shared>>
      %dma_start3A_150 = arith.constant 0 : i32
      %dma_start3A_151 = tpu.memref_slice %arg13[%multiple_of3A_111, %dma_start3A_150] : memref<10240x128xf32, #tpu.memory_space<vmem_shared>> -> memref<128x128xf32, #tpu.memory_space<vmem_shared>>
      tpu.enqueue_dma source(%dma_start3A_151 : memref<128x128xf32, #tpu.memory_space<vmem_shared>>) target(%arg16 : memref<128x128xf32, #tpu.memory_space<vmem>>) target_semaphore(%run_scoped3A : memref<!tpu.dma_semaphore, #tpu.memory_space<semaphore_mem>>)
      %dma_wait3A = arith.constant 0 : i32
      %dma_wait3A_152 = tpu.memref_slice %arg13[%multiple_of3A_111, %dma_wait3A] : memref<10240x128xf32, #tpu.memory_space<vmem_shared>> -> memref<128x128xf32, #tpu.memory_space<vmem_shared>>
      %dma_wait3A_153 = arith.constant 0 : i32
      %dma_wait3A_154 = tpu.memref_slice %arg13[%multiple_of3A_111, %dma_wait3A_153] : memref<10240x128xf32, #tpu.memory_space<vmem_shared>> -> memref<128x128xf32, #tpu.memory_space<vmem_shared>>
      tpu.wait_dma2 semaphore(%run_scoped3A : memref<!tpu.dma_semaphore, #tpu.memory_space<semaphore_mem>>) src(%dma_wait3A_154 : memref<128x128xf32, #tpu.memory_space<vmem_shared>>) dst(%arg16 : memref<128x128xf32, #tpu.memory_space<vmem>>)
      tpu.yield
    }) : () -> ()
    "tpu.region"() ({
      %run_scoped3A = tpu.sem_alloc : memref<!tpu.dma_semaphore, #tpu.memory_space<semaphore_mem>>
      %dma_start3A = arith.constant 0 : i32
      %dma_start3A_149 = tpu.memref_slice %arg11[%arg0, %multiple_of3A_111, %dma_start3A] : memref<2x10240x128xf32, #tpu.memory_space<hbm>> -> memref<1x128x128xf32, #tpu.memory_space<hbm>>
      %dma_start3A_150 = tpu.memref_squeeze %dma_start3A_149 : memref<1x128x128xf32, #tpu.memory_space<hbm>> -> memref<128x128xf32, #tpu.memory_space<hbm>>
      %dma_start3A_151 = arith.constant 0 : i32
      %dma_start3A_152 = tpu.memref_slice %arg11[%arg0, %multiple_of3A_111, %dma_start3A_151] : memref<2x10240x128xf32, #tpu.memory_space<hbm>> -> memref<1x128x128xf32, #tpu.memory_space<hbm>>
      %dma_start3A_153 = tpu.memref_squeeze %dma_start3A_152 : memref<1x128x128xf32, #tpu.memory_space<hbm>> -> memref<128x128xf32, #tpu.memory_space<hbm>>
      tpu.enqueue_dma source(%arg16 : memref<128x128xf32, #tpu.memory_space<vmem>>) target(%dma_start3A_153 : memref<128x128xf32, #tpu.memory_space<hbm>>) target_semaphore(%run_scoped3A : memref<!tpu.dma_semaphore, #tpu.memory_space<semaphore_mem>>)
      %dma_wait3A = arith.constant 0 : i32
      %dma_wait3A_154 = tpu.memref_slice %arg11[%arg0, %multiple_of3A_111, %dma_wait3A] : memref<2x10240x128xf32, #tpu.memory_space<hbm>> -> memref<1x128x128xf32, #tpu.memory_space<hbm>>
      %dma_wait3A_155 = tpu.memref_squeeze %dma_wait3A_154 : memref<1x128x128xf32, #tpu.memory_space<hbm>> -> memref<128x128xf32, #tpu.memory_space<hbm>>
      %dma_wait3A_156 = arith.constant 0 : i32
      %dma_wait3A_157 = tpu.memref_slice %arg11[%arg0, %multiple_of3A_111, %dma_wait3A_156] : memref<2x10240x128xf32, #tpu.memory_space<hbm>> -> memref<1x128x128xf32, #tpu.memory_space<hbm>>
      %dma_wait3A_158 = tpu.memref_squeeze %dma_wait3A_157 : memref<1x128x128xf32, #tpu.memory_space<hbm>> -> memref<128x128xf32, #tpu.memory_space<hbm>>
      tpu.wait_dma2 semaphore(%run_scoped3A : memref<!tpu.dma_semaphore, #tpu.memory_space<semaphore_mem>>) src(%arg16 : memref<128x128xf32, #tpu.memory_space<vmem>>) dst(%dma_wait3A_158 : memref<128x128xf32, #tpu.memory_space<hbm>>)
      tpu.yield
    }) : () -> ()
    "tpu.region"() ({
      %run_scoped3A = tpu.sem_alloc : memref<!tpu.dma_semaphore, #tpu.memory_space<semaphore_mem>>
      tpu.enqueue_dma source(%arg8 : memref<128x128xf32, #tpu.memory_space<hbm>>) target(%arg16 : memref<128x128xf32, #tpu.memory_space<vmem>>) target_semaphore(%run_scoped3A : memref<!tpu.dma_semaphore, #tpu.memory_space<semaphore_mem>>)
      tpu.wait_dma2 semaphore(%run_scoped3A : memref<!tpu.dma_semaphore, #tpu.memory_space<semaphore_mem>>) src(%arg8 : memref<128x128xf32, #tpu.memory_space<hbm>>) dst(%arg16 : memref<128x128xf32, #tpu.memory_space<vmem>>)
      tpu.yield
    }) : () -> ()
    %add3A_112 = arith.constant 0 : i32
    %add3A_113 = arith.addi %multiple_of3A, %add3A_112 : i32
    %multiple_of3A_114 = tpu.assume_multiple %add3A_113, 8 : i32
    "tpu.region"() ({
      %run_scoped3A = tpu.sem_alloc : memref<!tpu.dma_semaphore, #tpu.memory_space<semaphore_mem>>
      %dma_start3A = arith.constant 0 : i32
      %dma_start3A_149 = tpu.memref_slice %arg13[%multiple_of3A_114, %dma_start3A] : memref<10240x128xf32, #tpu.memory_space<vmem_shared>> -> memref<128x128xf32, #tpu.memory_space<vmem_shared>>
      %dma_start3A_150 = arith.constant 0 : i32
      %dma_start3A_151 = tpu.memref_slice %arg13[%multiple_of3A_114, %dma_start3A_150] : memref<10240x128xf32, #tpu.memory_space<vmem_shared>> -> memref<128x128xf32, #tpu.memory_space<vmem_shared>>
      tpu.enqueue_dma source(%arg16 : memref<128x128xf32, #tpu.memory_space<vmem>>) target(%dma_start3A_151 : memref<128x128xf32, #tpu.memory_space<vmem_shared>>) target_semaphore(%run_scoped3A : memref<!tpu.dma_semaphore, #tpu.memory_space<semaphore_mem>>)
      %dma_wait3A = arith.constant 0 : i32
      %dma_wait3A_152 = tpu.memref_slice %arg13[%multiple_of3A_114, %dma_wait3A] : memref<10240x128xf32, #tpu.memory_space<vmem_shared>> -> memref<128x128xf32, #tpu.memory_space<vmem_shared>>
      %dma_wait3A_153 = arith.constant 0 : i32
      %dma_wait3A_154 = tpu.memref_slice %arg13[%multiple_of3A_114, %dma_wait3A_153] : memref<10240x128xf32, #tpu.memory_space<vmem_shared>> -> memref<128x128xf32, #tpu.memory_space<vmem_shared>>
      tpu.wait_dma2 semaphore(%run_scoped3A : memref<!tpu.dma_semaphore, #tpu.memory_space<semaphore_mem>>) src(%arg16 : memref<128x128xf32, #tpu.memory_space<vmem>>) dst(%dma_wait3A_154 : memref<128x128xf32, #tpu.memory_space<vmem_shared>>)
      tpu.yield
    }) : () -> ()
    %add3A_115 = arith.constant 128 : i32
    %add3A_116 = arith.addi %multiple_of3A, %add3A_115 : i32
    %multiple_of3A_117 = tpu.assume_multiple %add3A_116, 8 : i32
    "tpu.region"() ({
      %run_scoped3A = tpu.sem_alloc : memref<!tpu.dma_semaphore, #tpu.memory_space<semaphore_mem>>
      %dma_start3A = arith.constant 0 : i32
      %dma_start3A_149 = tpu.memref_slice %arg13[%multiple_of3A_117, %dma_start3A] : memref<10240x128xf32, #tpu.memory_space<vmem_shared>> -> memref<128x128xf32, #tpu.memory_space<vmem_shared>>
      %dma_start3A_150 = arith.constant 0 : i32
      %dma_start3A_151 = tpu.memref_slice %arg13[%multiple_of3A_117, %dma_start3A_150] : memref<10240x128xf32, #tpu.memory_space<vmem_shared>> -> memref<128x128xf32, #tpu.memory_space<vmem_shared>>
      tpu.enqueue_dma source(%arg16 : memref<128x128xf32, #tpu.memory_space<vmem>>) target(%dma_start3A_151 : memref<128x128xf32, #tpu.memory_space<vmem_shared>>) target_semaphore(%run_scoped3A : memref<!tpu.dma_semaphore, #tpu.memory_space<semaphore_mem>>)
      %dma_wait3A = arith.constant 0 : i32
      %dma_wait3A_152 = tpu.memref_slice %arg13[%multiple_of3A_117, %dma_wait3A] : memref<10240x128xf32, #tpu.memory_space<vmem_shared>> -> memref<128x128xf32, #tpu.memory_space<vmem_shared>>
      %dma_wait3A_153 = arith.constant 0 : i32
      %dma_wait3A_154 = tpu.memref_slice %arg13[%multiple_of3A_117, %dma_wait3A_153] : memref<10240x128xf32, #tpu.memory_space<vmem_shared>> -> memref<128x128xf32, #tpu.memory_space<vmem_shared>>
      tpu.wait_dma2 semaphore(%run_scoped3A : memref<!tpu.dma_semaphore, #tpu.memory_space<semaphore_mem>>) src(%arg16 : memref<128x128xf32, #tpu.memory_space<vmem>>) dst(%dma_wait3A_154 : memref<128x128xf32, #tpu.memory_space<vmem_shared>>)
      tpu.yield
    }) : () -> ()
    %add3A_118 = arith.constant 256 : i32
    %add3A_119 = arith.addi %multiple_of3A, %add3A_118 : i32
    %multiple_of3A_120 = tpu.assume_multiple %add3A_119, 8 : i32
    "tpu.region"() ({
      %run_scoped3A = tpu.sem_alloc : memref<!tpu.dma_semaphore, #tpu.memory_space<semaphore_mem>>
      %dma_start3A = arith.constant 0 : i32
      %dma_start3A_149 = tpu.memref_slice %arg13[%multiple_of3A_120, %dma_start3A] : memref<10240x128xf32, #tpu.memory_space<vmem_shared>> -> memref<128x128xf32, #tpu.memory_space<vmem_shared>>
      %dma_start3A_150 = arith.constant 0 : i32
      %dma_start3A_151 = tpu.memref_slice %arg13[%multiple_of3A_120, %dma_start3A_150] : memref<10240x128xf32, #tpu.memory_space<vmem_shared>> -> memref<128x128xf32, #tpu.memory_space<vmem_shared>>
      tpu.enqueue_dma source(%arg16 : memref<128x128xf32, #tpu.memory_space<vmem>>) target(%dma_start3A_151 : memref<128x128xf32, #tpu.memory_space<vmem_shared>>) target_semaphore(%run_scoped3A : memref<!tpu.dma_semaphore, #tpu.memory_space<semaphore_mem>>)
      %dma_wait3A = arith.constant 0 : i32
      %dma_wait3A_152 = tpu.memref_slice %arg13[%multiple_of3A_120, %dma_wait3A] : memref<10240x128xf32, #tpu.memory_space<vmem_shared>> -> memref<128x128xf32, #tpu.memory_space<vmem_shared>>
      %dma_wait3A_153 = arith.constant 0 : i32
      %dma_wait3A_154 = tpu.memref_slice %arg13[%multiple_of3A_120, %dma_wait3A_153] : memref<10240x128xf32, #tpu.memory_space<vmem_shared>> -> memref<128x128xf32, #tpu.memory_space<vmem_shared>>
      tpu.wait_dma2 semaphore(%run_scoped3A : memref<!tpu.dma_semaphore, #tpu.memory_space<semaphore_mem>>) src(%arg16 : memref<128x128xf32, #tpu.memory_space<vmem>>) dst(%dma_wait3A_154 : memref<128x128xf32, #tpu.memory_space<vmem_shared>>)
      tpu.yield
    }) : () -> ()
    %add3A_121 = arith.constant 384 : i32
    %add3A_122 = arith.addi %multiple_of3A, %add3A_121 : i32
    %multiple_of3A_123 = tpu.assume_multiple %add3A_122, 8 : i32
    "tpu.region"() ({
      %run_scoped3A = tpu.sem_alloc : memref<!tpu.dma_semaphore, #tpu.memory_space<semaphore_mem>>
      %dma_start3A = arith.constant 0 : i32
      %dma_start3A_149 = tpu.memref_slice %arg13[%multiple_of3A_123, %dma_start3A] : memref<10240x128xf32, #tpu.memory_space<vmem_shared>> -> memref<128x128xf32, #tpu.memory_space<vmem_shared>>
      %dma_start3A_150 = arith.constant 0 : i32
      %dma_start3A_151 = tpu.memref_slice %arg13[%multiple_of3A_123, %dma_start3A_150] : memref<10240x128xf32, #tpu.memory_space<vmem_shared>> -> memref<128x128xf32, #tpu.memory_space<vmem_shared>>
      tpu.enqueue_dma source(%arg16 : memref<128x128xf32, #tpu.memory_space<vmem>>) target(%dma_start3A_151 : memref<128x128xf32, #tpu.memory_space<vmem_shared>>) target_semaphore(%run_scoped3A : memref<!tpu.dma_semaphore, #tpu.memory_space<semaphore_mem>>)
      %dma_wait3A = arith.constant 0 : i32
      %dma_wait3A_152 = tpu.memref_slice %arg13[%multiple_of3A_123, %dma_wait3A] : memref<10240x128xf32, #tpu.memory_space<vmem_shared>> -> memref<128x128xf32, #tpu.memory_space<vmem_shared>>
      %dma_wait3A_153 = arith.constant 0 : i32
      %dma_wait3A_154 = tpu.memref_slice %arg13[%multiple_of3A_123, %dma_wait3A_153] : memref<10240x128xf32, #tpu.memory_space<vmem_shared>> -> memref<128x128xf32, #tpu.memory_space<vmem_shared>>
      tpu.wait_dma2 semaphore(%run_scoped3A : memref<!tpu.dma_semaphore, #tpu.memory_space<semaphore_mem>>) src(%arg16 : memref<128x128xf32, #tpu.memory_space<vmem>>) dst(%dma_wait3A_154 : memref<128x128xf32, #tpu.memory_space<vmem_shared>>)
      tpu.yield
    }) : () -> ()
    %add3A_124 = arith.constant 512 : i32
    %add3A_125 = arith.addi %multiple_of3A, %add3A_124 : i32
    %multiple_of3A_126 = tpu.assume_multiple %add3A_125, 8 : i32
    "tpu.region"() ({
      %run_scoped3A = tpu.sem_alloc : memref<!tpu.dma_semaphore, #tpu.memory_space<semaphore_mem>>
      %dma_start3A = arith.constant 0 : i32
      %dma_start3A_149 = tpu.memref_slice %arg13[%multiple_of3A_126, %dma_start3A] : memref<10240x128xf32, #tpu.memory_space<vmem_shared>> -> memref<128x128xf32, #tpu.memory_space<vmem_shared>>
      %dma_start3A_150 = arith.constant 0 : i32
      %dma_start3A_151 = tpu.memref_slice %arg13[%multiple_of3A_126, %dma_start3A_150] : memref<10240x128xf32, #tpu.memory_space<vmem_shared>> -> memref<128x128xf32, #tpu.memory_space<vmem_shared>>
      tpu.enqueue_dma source(%arg16 : memref<128x128xf32, #tpu.memory_space<vmem>>) target(%dma_start3A_151 : memref<128x128xf32, #tpu.memory_space<vmem_shared>>) target_semaphore(%run_scoped3A : memref<!tpu.dma_semaphore, #tpu.memory_space<semaphore_mem>>)
      %dma_wait3A = arith.constant 0 : i32
      %dma_wait3A_152 = tpu.memref_slice %arg13[%multiple_of3A_126, %dma_wait3A] : memref<10240x128xf32, #tpu.memory_space<vmem_shared>> -> memref<128x128xf32, #tpu.memory_space<vmem_shared>>
      %dma_wait3A_153 = arith.constant 0 : i32
      %dma_wait3A_154 = tpu.memref_slice %arg13[%multiple_of3A_126, %dma_wait3A_153] : memref<10240x128xf32, #tpu.memory_space<vmem_shared>> -> memref<128x128xf32, #tpu.memory_space<vmem_shared>>
      tpu.wait_dma2 semaphore(%run_scoped3A : memref<!tpu.dma_semaphore, #tpu.memory_space<semaphore_mem>>) src(%arg16 : memref<128x128xf32, #tpu.memory_space<vmem>>) dst(%dma_wait3A_154 : memref<128x128xf32, #tpu.memory_space<vmem_shared>>)
      tpu.yield
    }) : () -> ()
    %barrier3A_127 = arith.constant 0 : index
    tpu.barrier barrier_id(%barrier3A_127)
    %scan3A_128 = arith.constant 0 : i32
    %scan3A_129 = arith.constant 79 : i32
    %scan3A_130 = arith.addi %scan3A_128, %scan3A_129 : i32
    %scan3A_131 = arith.constant 1 : i32
    scf.for %scan3A_149 = %scan3A_128 to %scan3A_130 step %scan3A_131  : i32 {
      %mul3A_150 = arith.constant 1 : i32
      %mul3A_151 = arith.muli %scan3A_149, %mul3A_150 : i32
      %add3A_152 = arith.constant 0 : i32
      %add3A_153 = arith.addi %add3A_152, %mul3A_151 : i32
      %dma_start3A = arith.constant 0 : i32
      %dma_start3A_154 = tpu.memref_slice %arg14[%add3A_153, %dma_start3A] : memref<79x128xi32, #tpu.memory_space<vmem>> -> memref<1x128xi32, #tpu.memory_space<vmem>>
      %dma_start3A_155 = tpu.memref_squeeze %dma_start3A_154 : memref<1x128xi32, #tpu.memory_space<vmem>> -> memref<128xi32, #tpu.memory_space<vmem>>
      %dma_start3A_156 = arith.constant 0 : i32
      %dma_start3A_157 = arith.constant 0 : i32
      %dma_start3A_158 = tpu.memref_slice %arg5[%dma_start3A_156, %dma_start3A_157] : memref<10240x128xf32, #tpu.memory_space<hbm>> -> memref<10240x128xf32, #tpu.memory_space<hbm>>
      tpu.enqueue_indirect_dma source(%dma_start3A_158 : memref<10240x128xf32, #tpu.memory_space<hbm>>) target(%arg16 : memref<128x128xf32, #tpu.memory_space<vmem>>) offsets(%dma_start3A_155 : memref<128xi32, #tpu.memory_space<vmem>>) semaphore(%arg17 : memref<!tpu.dma_semaphore, #tpu.memory_space<semaphore_mem>>)
      %dma_wait3A = arith.constant 0 : i32
      %dma_wait3A_159 = tpu.memref_slice %arg14[%add3A_153, %dma_wait3A] : memref<79x128xi32, #tpu.memory_space<vmem>> -> memref<1x128xi32, #tpu.memory_space<vmem>>
      %dma_wait3A_160 = tpu.memref_squeeze %dma_wait3A_159 : memref<1x128xi32, #tpu.memory_space<vmem>> -> memref<128xi32, #tpu.memory_space<vmem>>
      %dma_wait3A_161 = arith.constant 0 : i32
      %dma_wait3A_162 = arith.constant 0 : i32
      %dma_wait3A_163 = tpu.memref_slice %arg5[%dma_wait3A_161, %dma_wait3A_162] : memref<10240x128xf32, #tpu.memory_space<hbm>> -> memref<10240x128xf32, #tpu.memory_space<hbm>>
      tpu.wait_indirect_dma semaphore(%arg17 : memref<!tpu.dma_semaphore, #tpu.memory_space<semaphore_mem>>) src(%dma_wait3A_163 : memref<10240x128xf32, #tpu.memory_space<hbm>>) dst(%arg16 : memref<128x128xf32, #tpu.memory_space<vmem>>)
      "tpu.region"() ({
        %run_scoped3A = tpu.sem_alloc : memref<!tpu.dma_semaphore, #tpu.memory_space<semaphore_mem>>
        %dma_start3A_164 = arith.constant 0 : i32
        %dma_start3A_165 = tpu.memref_slice %arg15[%add3A_153, %dma_start3A_164] : memref<79x128xi32, #tpu.memory_space<vmem>> -> memref<1x128xi32, #tpu.memory_space<vmem>>
        %dma_start3A_166 = tpu.memref_squeeze %dma_start3A_165 : memref<1x128xi32, #tpu.memory_space<vmem>> -> memref<128xi32, #tpu.memory_space<vmem>>
        %dma_start3A_167 = arith.constant 0 : i32
        %dma_start3A_168 = arith.constant 0 : i32
        %dma_start3A_169 = tpu.memref_slice %arg13[%dma_start3A_167, %dma_start3A_168] : memref<10240x128xf32, #tpu.memory_space<vmem_shared>> -> memref<10240x128xf32, #tpu.memory_space<vmem_shared>>
        tpu.enqueue_indirect_dma source(%arg16 : memref<128x128xf32, #tpu.memory_space<vmem>>) target(%dma_start3A_169 : memref<10240x128xf32, #tpu.memory_space<vmem_shared>>) offsets(%dma_start3A_166 : memref<128xi32, #tpu.memory_space<vmem>>) semaphore(%run_scoped3A : memref<!tpu.dma_semaphore, #tpu.memory_space<semaphore_mem>>) {add = true}
        %dma_wait3A_170 = arith.constant 0 : i32
        %dma_wait3A_171 = tpu.memref_slice %arg15[%add3A_153, %dma_wait3A_170] : memref<79x128xi32, #tpu.memory_space<vmem>> -> memref<1x128xi32, #tpu.memory_space<vmem>>
        %dma_wait3A_172 = tpu.memref_squeeze %dma_wait3A_171 : memref<1x128xi32, #tpu.memory_space<vmem>> -> memref<128xi32, #tpu.memory_space<vmem>>
        %dma_wait3A_173 = arith.constant 0 : i32
        %dma_wait3A_174 = arith.constant 0 : i32
        %dma_wait3A_175 = tpu.memref_slice %arg13[%dma_wait3A_173, %dma_wait3A_174] : memref<10240x128xf32, #tpu.memory_space<vmem_shared>> -> memref<10240x128xf32, #tpu.memory_space<vmem_shared>>
        tpu.wait_indirect_dma semaphore(%run_scoped3A : memref<!tpu.dma_semaphore, #tpu.memory_space<semaphore_mem>>) src(%arg16 : memref<128x128xf32, #tpu.memory_space<vmem>>) dst(%dma_wait3A_175 : memref<10240x128xf32, #tpu.memory_space<vmem_shared>>)
        tpu.yield
      }) : () -> ()
    }
    %scan3A_132 = arith.constant 79 : i32
    %barrier3A_133 = arith.constant 0 : index
    tpu.barrier barrier_id(%barrier3A_133)
    %add3A_134 = arith.constant 0 : i32
    %add3A_135 = arith.addi %multiple_of3A, %add3A_134 : i32
    %multiple_of3A_136 = tpu.assume_multiple %add3A_135, 8 : i32
    "tpu.region"() ({
      %run_scoped3A = tpu.sem_alloc : memref<!tpu.dma_semaphore, #tpu.memory_space<semaphore_mem>>
      %dma_start3A = arith.constant 0 : i32
      %dma_start3A_149 = tpu.memref_slice %arg13[%multiple_of3A_136, %dma_start3A] : memref<10240x128xf32, #tpu.memory_space<vmem_shared>> -> memref<128x128xf32, #tpu.memory_space<vmem_shared>>
      %dma_start3A_150 = arith.constant 0 : i32
      %dma_start3A_151 = tpu.memref_slice %arg13[%multiple_of3A_136, %dma_start3A_150] : memref<10240x128xf32, #tpu.memory_space<vmem_shared>> -> memref<128x128xf32, #tpu.memory_space<vmem_shared>>
      tpu.enqueue_dma source(%dma_start3A_151 : memref<128x128xf32, #tpu.memory_space<vmem_shared>>) target(%arg16 : memref<128x128xf32, #tpu.memory_space<vmem>>) target_semaphore(%run_scoped3A : memref<!tpu.dma_semaphore, #tpu.memory_space<semaphore_mem>>)
      %dma_wait3A = arith.constant 0 : i32
      %dma_wait3A_152 = tpu.memref_slice %arg13[%multiple_of3A_136, %dma_wait3A] : memref<10240x128xf32, #tpu.memory_space<vmem_shared>> -> memref<128x128xf32, #tpu.memory_space<vmem_shared>>
      %dma_wait3A_153 = arith.constant 0 : i32
      %dma_wait3A_154 = tpu.memref_slice %arg13[%multiple_of3A_136, %dma_wait3A_153] : memref<10240x128xf32, #tpu.memory_space<vmem_shared>> -> memref<128x128xf32, #tpu.memory_space<vmem_shared>>
      tpu.wait_dma2 semaphore(%run_scoped3A : memref<!tpu.dma_semaphore, #tpu.memory_space<semaphore_mem>>) src(%dma_wait3A_154 : memref<128x128xf32, #tpu.memory_space<vmem_shared>>) dst(%arg16 : memref<128x128xf32, #tpu.memory_space<vmem>>)
      tpu.yield
    }) : () -> ()
    "tpu.region"() ({
      %run_scoped3A = tpu.sem_alloc : memref<!tpu.dma_semaphore, #tpu.memory_space<semaphore_mem>>
      %dma_start3A = arith.constant 0 : i32
      %dma_start3A_149 = tpu.memref_slice %arg12[%arg0, %multiple_of3A_136, %dma_start3A] : memref<2x10240x128xf32, #tpu.memory_space<hbm>> -> memref<1x128x128xf32, #tpu.memory_space<hbm>>
      %dma_start3A_150 = tpu.memref_squeeze %dma_start3A_149 : memref<1x128x128xf32, #tpu.memory_space<hbm>> -> memref<128x128xf32, #tpu.memory_space<hbm>>
      %dma_start3A_151 = arith.constant 0 : i32
      %dma_start3A_152 = tpu.memref_slice %arg12[%arg0, %multiple_of3A_136, %dma_start3A_151] : memref<2x10240x128xf32, #tpu.memory_space<hbm>> -> memref<1x128x128xf32, #tpu.memory_space<hbm>>
      %dma_start3A_153 = tpu.memref_squeeze %dma_start3A_152 : memref<1x128x128xf32, #tpu.memory_space<hbm>> -> memref<128x128xf32, #tpu.memory_space<hbm>>
      tpu.enqueue_dma source(%arg16 : memref<128x128xf32, #tpu.memory_space<vmem>>) target(%dma_start3A_153 : memref<128x128xf32, #tpu.memory_space<hbm>>) target_semaphore(%run_scoped3A : memref<!tpu.dma_semaphore, #tpu.memory_space<semaphore_mem>>)
      %dma_wait3A = arith.constant 0 : i32
      %dma_wait3A_154 = tpu.memref_slice %arg12[%arg0, %multiple_of3A_136, %dma_wait3A] : memref<2x10240x128xf32, #tpu.memory_space<hbm>> -> memref<1x128x128xf32, #tpu.memory_space<hbm>>
      %dma_wait3A_155 = tpu.memref_squeeze %dma_wait3A_154 : memref<1x128x128xf32, #tpu.memory_space<hbm>> -> memref<128x128xf32, #tpu.memory_space<hbm>>
      %dma_wait3A_156 = arith.constant 0 : i32
      %dma_wait3A_157 = tpu.memref_slice %arg12[%arg0, %multiple_of3A_136, %dma_wait3A_156] : memref<2x10240x128xf32, #tpu.memory_space<hbm>> -> memref<1x128x128xf32, #tpu.memory_space<hbm>>
      %dma_wait3A_158 = tpu.memref_squeeze %dma_wait3A_157 : memref<1x128x128xf32, #tpu.memory_space<hbm>> -> memref<128x128xf32, #tpu.memory_space<hbm>>
      tpu.wait_dma2 semaphore(%run_scoped3A : memref<!tpu.dma_semaphore, #tpu.memory_space<semaphore_mem>>) src(%arg16 : memref<128x128xf32, #tpu.memory_space<vmem>>) dst(%dma_wait3A_158 : memref<128x128xf32, #tpu.memory_space<hbm>>)
      tpu.yield
    }) : () -> ()
    %add3A_137 = arith.constant 128 : i32
    %add3A_138 = arith.addi %multiple_of3A, %add3A_137 : i32
    %multiple_of3A_139 = tpu.assume_multiple %add3A_138, 8 : i32
    "tpu.region"() ({
      %run_scoped3A = tpu.sem_alloc : memref<!tpu.dma_semaphore, #tpu.memory_space<semaphore_mem>>
      %dma_start3A = arith.constant 0 : i32
      %dma_start3A_149 = tpu.memref_slice %arg13[%multiple_of3A_139, %dma_start3A] : memref<10240x128xf32, #tpu.memory_space<vmem_shared>> -> memref<128x128xf32, #tpu.memory_space<vmem_shared>>
      %dma_start3A_150 = arith.constant 0 : i32
      %dma_start3A_151 = tpu.memref_slice %arg13[%multiple_of3A_139, %dma_start3A_150] : memref<10240x128xf32, #tpu.memory_space<vmem_shared>> -> memref<128x128xf32, #tpu.memory_space<vmem_shared>>
      tpu.enqueue_dma source(%dma_start3A_151 : memref<128x128xf32, #tpu.memory_space<vmem_shared>>) target(%arg16 : memref<128x128xf32, #tpu.memory_space<vmem>>) target_semaphore(%run_scoped3A : memref<!tpu.dma_semaphore, #tpu.memory_space<semaphore_mem>>)
      %dma_wait3A = arith.constant 0 : i32
      %dma_wait3A_152 = tpu.memref_slice %arg13[%multiple_of3A_139, %dma_wait3A] : memref<10240x128xf32, #tpu.memory_space<vmem_shared>> -> memref<128x128xf32, #tpu.memory_space<vmem_shared>>
      %dma_wait3A_153 = arith.constant 0 : i32
      %dma_wait3A_154 = tpu.memref_slice %arg13[%multiple_of3A_139, %dma_wait3A_153] : memref<10240x128xf32, #tpu.memory_space<vmem_shared>> -> memref<128x128xf32, #tpu.memory_space<vmem_shared>>
      tpu.wait_dma2 semaphore(%run_scoped3A : memref<!tpu.dma_semaphore, #tpu.memory_space<semaphore_mem>>) src(%dma_wait3A_154 : memref<128x128xf32, #tpu.memory_space<vmem_shared>>) dst(%arg16 : memref<128x128xf32, #tpu.memory_space<vmem>>)
      tpu.yield
    }) : () -> ()
    "tpu.region"() ({
      %run_scoped3A = tpu.sem_alloc : memref<!tpu.dma_semaphore, #tpu.memory_space<semaphore_mem>>
      %dma_start3A = arith.constant 0 : i32
      %dma_start3A_149 = tpu.memref_slice %arg12[%arg0, %multiple_of3A_139, %dma_start3A] : memref<2x10240x128xf32, #tpu.memory_space<hbm>> -> memref<1x128x128xf32, #tpu.memory_space<hbm>>
      %dma_start3A_150 = tpu.memref_squeeze %dma_start3A_149 : memref<1x128x128xf32, #tpu.memory_space<hbm>> -> memref<128x128xf32, #tpu.memory_space<hbm>>
      %dma_start3A_151 = arith.constant 0 : i32
      %dma_start3A_152 = tpu.memref_slice %arg12[%arg0, %multiple_of3A_139, %dma_start3A_151] : memref<2x10240x128xf32, #tpu.memory_space<hbm>> -> memref<1x128x128xf32, #tpu.memory_space<hbm>>
      %dma_start3A_153 = tpu.memref_squeeze %dma_start3A_152 : memref<1x128x128xf32, #tpu.memory_space<hbm>> -> memref<128x128xf32, #tpu.memory_space<hbm>>
      tpu.enqueue_dma source(%arg16 : memref<128x128xf32, #tpu.memory_space<vmem>>) target(%dma_start3A_153 : memref<128x128xf32, #tpu.memory_space<hbm>>) target_semaphore(%run_scoped3A : memref<!tpu.dma_semaphore, #tpu.memory_space<semaphore_mem>>)
      %dma_wait3A = arith.constant 0 : i32
      %dma_wait3A_154 = tpu.memref_slice %arg12[%arg0, %multiple_of3A_139, %dma_wait3A] : memref<2x10240x128xf32, #tpu.memory_space<hbm>> -> memref<1x128x128xf32, #tpu.memory_space<hbm>>
      %dma_wait3A_155 = tpu.memref_squeeze %dma_wait3A_154 : memref<1x128x128xf32, #tpu.memory_space<hbm>> -> memref<128x128xf32, #tpu.memory_space<hbm>>
      %dma_wait3A_156 = arith.constant 0 : i32
      %dma_wait3A_157 = tpu.memref_slice %arg12[%arg0, %multiple_of3A_139, %dma_wait3A_156] : memref<2x10240x128xf32, #tpu.memory_space<hbm>> -> memref<1x128x128xf32, #tpu.memory_space<hbm>>
      %dma_wait3A_158 = tpu.memref_squeeze %dma_wait3A_157 : memref<1x128x128xf32, #tpu.memory_space<hbm>> -> memref<128x128xf32, #tpu.memory_space<hbm>>
      tpu.wait_dma2 semaphore(%run_scoped3A : memref<!tpu.dma_semaphore, #tpu.memory_space<semaphore_mem>>) src(%arg16 : memref<128x128xf32, #tpu.memory_space<vmem>>) dst(%dma_wait3A_158 : memref<128x128xf32, #tpu.memory_space<hbm>>)
      tpu.yield
    }) : () -> ()
    %add3A_140 = arith.constant 256 : i32
    %add3A_141 = arith.addi %multiple_of3A, %add3A_140 : i32
    %multiple_of3A_142 = tpu.assume_multiple %add3A_141, 8 : i32
    "tpu.region"() ({
      %run_scoped3A = tpu.sem_alloc : memref<!tpu.dma_semaphore, #tpu.memory_space<semaphore_mem>>
      %dma_start3A = arith.constant 0 : i32
      %dma_start3A_149 = tpu.memref_slice %arg13[%multiple_of3A_142, %dma_start3A] : memref<10240x128xf32, #tpu.memory_space<vmem_shared>> -> memref<128x128xf32, #tpu.memory_space<vmem_shared>>
      %dma_start3A_150 = arith.constant 0 : i32
      %dma_start3A_151 = tpu.memref_slice %arg13[%multiple_of3A_142, %dma_start3A_150] : memref<10240x128xf32, #tpu.memory_space<vmem_shared>> -> memref<128x128xf32, #tpu.memory_space<vmem_shared>>
      tpu.enqueue_dma source(%dma_start3A_151 : memref<128x128xf32, #tpu.memory_space<vmem_shared>>) target(%arg16 : memref<128x128xf32, #tpu.memory_space<vmem>>) target_semaphore(%run_scoped3A : memref<!tpu.dma_semaphore, #tpu.memory_space<semaphore_mem>>)
      %dma_wait3A = arith.constant 0 : i32
      %dma_wait3A_152 = tpu.memref_slice %arg13[%multiple_of3A_142, %dma_wait3A] : memref<10240x128xf32, #tpu.memory_space<vmem_shared>> -> memref<128x128xf32, #tpu.memory_space<vmem_shared>>
      %dma_wait3A_153 = arith.constant 0 : i32
      %dma_wait3A_154 = tpu.memref_slice %arg13[%multiple_of3A_142, %dma_wait3A_153] : memref<10240x128xf32, #tpu.memory_space<vmem_shared>> -> memref<128x128xf32, #tpu.memory_space<vmem_shared>>
      tpu.wait_dma2 semaphore(%run_scoped3A : memref<!tpu.dma_semaphore, #tpu.memory_space<semaphore_mem>>) src(%dma_wait3A_154 : memref<128x128xf32, #tpu.memory_space<vmem_shared>>) dst(%arg16 : memref<128x128xf32, #tpu.memory_space<vmem>>)
      tpu.yield
    }) : () -> ()
    "tpu.region"() ({
      %run_scoped3A = tpu.sem_alloc : memref<!tpu.dma_semaphore, #tpu.memory_space<semaphore_mem>>
      %dma_start3A = arith.constant 0 : i32
      %dma_start3A_149 = tpu.memref_slice %arg12[%arg0, %multiple_of3A_142, %dma_start3A] : memref<2x10240x128xf32, #tpu.memory_space<hbm>> -> memref<1x128x128xf32, #tpu.memory_space<hbm>>
      %dma_start3A_150 = tpu.memref_squeeze %dma_start3A_149 : memref<1x128x128xf32, #tpu.memory_space<hbm>> -> memref<128x128xf32, #tpu.memory_space<hbm>>
      %dma_start3A_151 = arith.constant 0 : i32
      %dma_start3A_152 = tpu.memref_slice %arg12[%arg0, %multiple_of3A_142, %dma_start3A_151] : memref<2x10240x128xf32, #tpu.memory_space<hbm>> -> memref<1x128x128xf32, #tpu.memory_space<hbm>>
      %dma_start3A_153 = tpu.memref_squeeze %dma_start3A_152 : memref<1x128x128xf32, #tpu.memory_space<hbm>> -> memref<128x128xf32, #tpu.memory_space<hbm>>
      tpu.enqueue_dma source(%arg16 : memref<128x128xf32, #tpu.memory_space<vmem>>) target(%dma_start3A_153 : memref<128x128xf32, #tpu.memory_space<hbm>>) target_semaphore(%run_scoped3A : memref<!tpu.dma_semaphore, #tpu.memory_space<semaphore_mem>>)
      %dma_wait3A = arith.constant 0 : i32
      %dma_wait3A_154 = tpu.memref_slice %arg12[%arg0, %multiple_of3A_142, %dma_wait3A] : memref<2x10240x128xf32, #tpu.memory_space<hbm>> -> memref<1x128x128xf32, #tpu.memory_space<hbm>>
      %dma_wait3A_155 = tpu.memref_squeeze %dma_wait3A_154 : memref<1x128x128xf32, #tpu.memory_space<hbm>> -> memref<128x128xf32, #tpu.memory_space<hbm>>
      %dma_wait3A_156 = arith.constant 0 : i32
      %dma_wait3A_157 = tpu.memref_slice %arg12[%arg0, %multiple_of3A_142, %dma_wait3A_156] : memref<2x10240x128xf32, #tpu.memory_space<hbm>> -> memref<1x128x128xf32, #tpu.memory_space<hbm>>
      %dma_wait3A_158 = tpu.memref_squeeze %dma_wait3A_157 : memref<1x128x128xf32, #tpu.memory_space<hbm>> -> memref<128x128xf32, #tpu.memory_space<hbm>>
      tpu.wait_dma2 semaphore(%run_scoped3A : memref<!tpu.dma_semaphore, #tpu.memory_space<semaphore_mem>>) src(%arg16 : memref<128x128xf32, #tpu.memory_space<vmem>>) dst(%dma_wait3A_158 : memref<128x128xf32, #tpu.memory_space<hbm>>)
      tpu.yield
    }) : () -> ()
    %add3A_143 = arith.constant 384 : i32
    %add3A_144 = arith.addi %multiple_of3A, %add3A_143 : i32
    %multiple_of3A_145 = tpu.assume_multiple %add3A_144, 8 : i32
    "tpu.region"() ({
      %run_scoped3A = tpu.sem_alloc : memref<!tpu.dma_semaphore, #tpu.memory_space<semaphore_mem>>
      %dma_start3A = arith.constant 0 : i32
      %dma_start3A_149 = tpu.memref_slice %arg13[%multiple_of3A_145, %dma_start3A] : memref<10240x128xf32, #tpu.memory_space<vmem_shared>> -> memref<128x128xf32, #tpu.memory_space<vmem_shared>>
      %dma_start3A_150 = arith.constant 0 : i32
      %dma_start3A_151 = tpu.memref_slice %arg13[%multiple_of3A_145, %dma_start3A_150] : memref<10240x128xf32, #tpu.memory_space<vmem_shared>> -> memref<128x128xf32, #tpu.memory_space<vmem_shared>>
      tpu.enqueue_dma source(%dma_start3A_151 : memref<128x128xf32, #tpu.memory_space<vmem_shared>>) target(%arg16 : memref<128x128xf32, #tpu.memory_space<vmem>>) target_semaphore(%run_scoped3A : memref<!tpu.dma_semaphore, #tpu.memory_space<semaphore_mem>>)
      %dma_wait3A = arith.constant 0 : i32
      %dma_wait3A_152 = tpu.memref_slice %arg13[%multiple_of3A_145, %dma_wait3A] : memref<10240x128xf32, #tpu.memory_space<vmem_shared>> -> memref<128x128xf32, #tpu.memory_space<vmem_shared>>
      %dma_wait3A_153 = arith.constant 0 : i32
      %dma_wait3A_154 = tpu.memref_slice %arg13[%multiple_of3A_145, %dma_wait3A_153] : memref<10240x128xf32, #tpu.memory_space<vmem_shared>> -> memref<128x128xf32, #tpu.memory_space<vmem_shared>>
      tpu.wait_dma2 semaphore(%run_scoped3A : memref<!tpu.dma_semaphore, #tpu.memory_space<semaphore_mem>>) src(%dma_wait3A_154 : memref<128x128xf32, #tpu.memory_space<vmem_shared>>) dst(%arg16 : memref<128x128xf32, #tpu.memory_space<vmem>>)
      tpu.yield
    }) : () -> ()
    "tpu.region"() ({
      %run_scoped3A = tpu.sem_alloc : memref<!tpu.dma_semaphore, #tpu.memory_space<semaphore_mem>>
      %dma_start3A = arith.constant 0 : i32
      %dma_start3A_149 = tpu.memref_slice %arg12[%arg0, %multiple_of3A_145, %dma_start3A] : memref<2x10240x128xf32, #tpu.memory_space<hbm>> -> memref<1x128x128xf32, #tpu.memory_space<hbm>>
      %dma_start3A_150 = tpu.memref_squeeze %dma_start3A_149 : memref<1x128x128xf32, #tpu.memory_space<hbm>> -> memref<128x128xf32, #tpu.memory_space<hbm>>
      %dma_start3A_151 = arith.constant 0 : i32
      %dma_start3A_152 = tpu.memref_slice %arg12[%arg0, %multiple_of3A_145, %dma_start3A_151] : memref<2x10240x128xf32, #tpu.memory_space<hbm>> -> memref<1x128x128xf32, #tpu.memory_space<hbm>>
      %dma_start3A_153 = tpu.memref_squeeze %dma_start3A_152 : memref<1x128x128xf32, #tpu.memory_space<hbm>> -> memref<128x128xf32, #tpu.memory_space<hbm>>
      tpu.enqueue_dma source(%arg16 : memref<128x128xf32, #tpu.memory_space<vmem>>) target(%dma_start3A_153 : memref<128x128xf32, #tpu.memory_space<hbm>>) target_semaphore(%run_scoped3A : memref<!tpu.dma_semaphore, #tpu.memory_space<semaphore_mem>>)
      %dma_wait3A = arith.constant 0 : i32
      %dma_wait3A_154 = tpu.memref_slice %arg12[%arg0, %multiple_of3A_145, %dma_wait3A] : memref<2x10240x128xf32, #tpu.memory_space<hbm>> -> memref<1x128x128xf32, #tpu.memory_space<hbm>>
      %dma_wait3A_155 = tpu.memref_squeeze %dma_wait3A_154 : memref<1x128x128xf32, #tpu.memory_space<hbm>> -> memref<128x128xf32, #tpu.memory_space<hbm>>
      %dma_wait3A_156 = arith.constant 0 : i32
      %dma_wait3A_157 = tpu.memref_slice %arg12[%arg0, %multiple_of3A_145, %dma_wait3A_156] : memref<2x10240x128xf32, #tpu.memory_space<hbm>> -> memref<1x128x128xf32, #tpu.memory_space<hbm>>
      %dma_wait3A_158 = tpu.memref_squeeze %dma_wait3A_157 : memref<1x128x128xf32, #tpu.memory_space<hbm>> -> memref<128x128xf32, #tpu.memory_space<hbm>>
      tpu.wait_dma2 semaphore(%run_scoped3A : memref<!tpu.dma_semaphore, #tpu.memory_space<semaphore_mem>>) src(%arg16 : memref<128x128xf32, #tpu.memory_space<vmem>>) dst(%dma_wait3A_158 : memref<128x128xf32, #tpu.memory_space<hbm>>)
      tpu.yield
    }) : () -> ()
    %add3A_146 = arith.constant 512 : i32
    %add3A_147 = arith.addi %multiple_of3A, %add3A_146 : i32
    %multiple_of3A_148 = tpu.assume_multiple %add3A_147, 8 : i32
    "tpu.region"() ({
      %run_scoped3A = tpu.sem_alloc : memref<!tpu.dma_semaphore, #tpu.memory_space<semaphore_mem>>
      %dma_start3A = arith.constant 0 : i32
      %dma_start3A_149 = tpu.memref_slice %arg13[%multiple_of3A_148, %dma_start3A] : memref<10240x128xf32, #tpu.memory_space<vmem_shared>> -> memref<128x128xf32, #tpu.memory_space<vmem_shared>>
      %dma_start3A_150 = arith.constant 0 : i32
      %dma_start3A_151 = tpu.memref_slice %arg13[%multiple_of3A_148, %dma_start3A_150] : memref<10240x128xf32, #tpu.memory_space<vmem_shared>> -> memref<128x128xf32, #tpu.memory_space<vmem_shared>>
      tpu.enqueue_dma source(%dma_start3A_151 : memref<128x128xf32, #tpu.memory_space<vmem_shared>>) target(%arg16 : memref<128x128xf32, #tpu.memory_space<vmem>>) target_semaphore(%run_scoped3A : memref<!tpu.dma_semaphore, #tpu.memory_space<semaphore_mem>>)
      %dma_wait3A = arith.constant 0 : i32
      %dma_wait3A_152 = tpu.memref_slice %arg13[%multiple_of3A_148, %dma_wait3A] : memref<10240x128xf32, #tpu.memory_space<vmem_shared>> -> memref<128x128xf32, #tpu.memory_space<vmem_shared>>
      %dma_wait3A_153 = arith.constant 0 : i32
      %dma_wait3A_154 = tpu.memref_slice %arg13[%multiple_of3A_148, %dma_wait3A_153] : memref<10240x128xf32, #tpu.memory_space<vmem_shared>> -> memref<128x128xf32, #tpu.memory_space<vmem_shared>>
      tpu.wait_dma2 semaphore(%run_scoped3A : memref<!tpu.dma_semaphore, #tpu.memory_space<semaphore_mem>>) src(%dma_wait3A_154 : memref<128x128xf32, #tpu.memory_space<vmem_shared>>) dst(%arg16 : memref<128x128xf32, #tpu.memory_space<vmem>>)
      tpu.yield
    }) : () -> ()
    "tpu.region"() ({
      %run_scoped3A = tpu.sem_alloc : memref<!tpu.dma_semaphore, #tpu.memory_space<semaphore_mem>>
      %dma_start3A = arith.constant 0 : i32
      %dma_start3A_149 = tpu.memref_slice %arg12[%arg0, %multiple_of3A_148, %dma_start3A] : memref<2x10240x128xf32, #tpu.memory_space<hbm>> -> memref<1x128x128xf32, #tpu.memory_space<hbm>>
      %dma_start3A_150 = tpu.memref_squeeze %dma_start3A_149 : memref<1x128x128xf32, #tpu.memory_space<hbm>> -> memref<128x128xf32, #tpu.memory_space<hbm>>
      %dma_start3A_151 = arith.constant 0 : i32
      %dma_start3A_152 = tpu.memref_slice %arg12[%arg0, %multiple_of3A_148, %dma_start3A_151] : memref<2x10240x128xf32, #tpu.memory_space<hbm>> -> memref<1x128x128xf32, #tpu.memory_space<hbm>>
      %dma_start3A_153 = tpu.memref_squeeze %dma_start3A_152 : memref<1x128x128xf32, #tpu.memory_space<hbm>> -> memref<128x128xf32, #tpu.memory_space<hbm>>
      tpu.enqueue_dma source(%arg16 : memref<128x128xf32, #tpu.memory_space<vmem>>) target(%dma_start3A_153 : memref<128x128xf32, #tpu.memory_space<hbm>>) target_semaphore(%run_scoped3A : memref<!tpu.dma_semaphore, #tpu.memory_space<semaphore_mem>>)
      %dma_wait3A = arith.constant 0 : i32
      %dma_wait3A_154 = tpu.memref_slice %arg12[%arg0, %multiple_of3A_148, %dma_wait3A] : memref<2x10240x128xf32, #tpu.memory_space<hbm>> -> memref<1x128x128xf32, #tpu.memory_space<hbm>>
      %dma_wait3A_155 = tpu.memref_squeeze %dma_wait3A_154 : memref<1x128x128xf32, #tpu.memory_space<hbm>> -> memref<128x128xf32, #tpu.memory_space<hbm>>
      %dma_wait3A_156 = arith.constant 0 : i32
      %dma_wait3A_157 = tpu.memref_slice %arg12[%arg0, %multiple_of3A_148, %dma_wait3A_156] : memref<2x10240x128xf32, #tpu.memory_space<hbm>> -> memref<1x128x128xf32, #tpu.memory_space<hbm>>
      %dma_wait3A_158 = tpu.memref_squeeze %dma_wait3A_157 : memref<1x128x128xf32, #tpu.memory_space<hbm>> -> memref<128x128xf32, #tpu.memory_space<hbm>>
      tpu.wait_dma2 semaphore(%run_scoped3A : memref<!tpu.dma_semaphore, #tpu.memory_space<semaphore_mem>>) src(%arg16 : memref<128x128xf32, #tpu.memory_space<vmem>>) dst(%dma_wait3A_158 : memref<128x128xf32, #tpu.memory_space<hbm>>)
      tpu.yield
    }) : () -> ()
    return
  }
}

#map = affine_map<(d0, d1) -> (0, 0)>
#map1 = affine_map<(d0, d1) -> (0, 0, 0)>
module attributes {stable_mosaic.version = 14 : i64} {
  func.func @_agg_body(%arg0: i32, %arg1: i32, %arg2: memref<10240x128xf32, #tpu.memory_space<hbm>>, %arg3: memref<32x79x128xi32, #tpu.memory_space<hbm>>, %arg4: memref<32x79x128xi32, #tpu.memory_space<hbm>>, %arg5: memref<128x128xf32, #tpu.memory_space<hbm>>, %arg6: memref<2x10240x128xf32, #tpu.memory_space<hbm>>, %arg7: memref<10240x128xf32, #tpu.memory_space<vmem_shared>>, %arg8: memref<79x128xi32, #tpu.memory_space<vmem>>, %arg9: memref<79x128xi32, #tpu.memory_space<vmem>>, %arg10: memref<128x128xf32, #tpu.memory_space<vmem>>, %arg11: memref<!tpu.dma_semaphore, #tpu.memory_space<semaphore_mem>>) attributes {dimension_semantics = [#tpu.dimension_semantics<core_parallel>, #tpu.dimension_semantics<subcore_parallel>], iteration_bounds = array<i64: 2, 16>, scalar_prefetch = 0 : i64, scratch_operands = 5 : i64, tpu.core_type = #tpu.core_type<sc_vector_subcore>, window_params = [{transform_indices = #map}, {transform_indices = #map1}, {transform_indices = #map1}, {transform_indices = #map}, {transform_indices = #map1}]} {
    %mul3A = arith.constant 2 : i32
    %mul3A_0 = arith.muli %arg1, %mul3A : i32
    %add3A = arith.addi %mul3A_0, %arg0 : i32
    %mul3A_1 = arith.constant 640 : i32
    %mul3A_2 = arith.muli %arg1, %mul3A_1 : i32
    %multiple_of3A = tpu.assume_multiple %mul3A_2, 8 : i32
    "tpu.region"() ({
      %run_scoped3A = tpu.sem_alloc : memref<!tpu.dma_semaphore, #tpu.memory_space<semaphore_mem>>
      %dma_start3A = arith.constant 0 : i32
      %dma_start3A_38 = arith.constant 0 : i32
      %dma_start3A_39 = tpu.memref_slice %arg3[%add3A, %dma_start3A, %dma_start3A_38] : memref<32x79x128xi32, #tpu.memory_space<hbm>> -> memref<1x79x128xi32, #tpu.memory_space<hbm>>
      %dma_start3A_40 = tpu.memref_squeeze %dma_start3A_39 : memref<1x79x128xi32, #tpu.memory_space<hbm>> -> memref<79x128xi32, #tpu.memory_space<hbm>>
      %dma_start3A_41 = arith.constant 0 : i32
      %dma_start3A_42 = arith.constant 0 : i32
      %dma_start3A_43 = tpu.memref_slice %arg3[%add3A, %dma_start3A_41, %dma_start3A_42] : memref<32x79x128xi32, #tpu.memory_space<hbm>> -> memref<1x79x128xi32, #tpu.memory_space<hbm>>
      %dma_start3A_44 = tpu.memref_squeeze %dma_start3A_43 : memref<1x79x128xi32, #tpu.memory_space<hbm>> -> memref<79x128xi32, #tpu.memory_space<hbm>>
      tpu.enqueue_dma source(%dma_start3A_44 : memref<79x128xi32, #tpu.memory_space<hbm>>) target(%arg8 : memref<79x128xi32, #tpu.memory_space<vmem>>) target_semaphore(%run_scoped3A : memref<!tpu.dma_semaphore, #tpu.memory_space<semaphore_mem>>)
      %dma_wait3A = arith.constant 0 : i32
      %dma_wait3A_45 = arith.constant 0 : i32
      %dma_wait3A_46 = tpu.memref_slice %arg3[%add3A, %dma_wait3A, %dma_wait3A_45] : memref<32x79x128xi32, #tpu.memory_space<hbm>> -> memref<1x79x128xi32, #tpu.memory_space<hbm>>
      %dma_wait3A_47 = tpu.memref_squeeze %dma_wait3A_46 : memref<1x79x128xi32, #tpu.memory_space<hbm>> -> memref<79x128xi32, #tpu.memory_space<hbm>>
      %dma_wait3A_48 = arith.constant 0 : i32
      %dma_wait3A_49 = arith.constant 0 : i32
      %dma_wait3A_50 = tpu.memref_slice %arg3[%add3A, %dma_wait3A_48, %dma_wait3A_49] : memref<32x79x128xi32, #tpu.memory_space<hbm>> -> memref<1x79x128xi32, #tpu.memory_space<hbm>>
      %dma_wait3A_51 = tpu.memref_squeeze %dma_wait3A_50 : memref<1x79x128xi32, #tpu.memory_space<hbm>> -> memref<79x128xi32, #tpu.memory_space<hbm>>
      tpu.wait_dma2 semaphore(%run_scoped3A : memref<!tpu.dma_semaphore, #tpu.memory_space<semaphore_mem>>) src(%dma_wait3A_51 : memref<79x128xi32, #tpu.memory_space<hbm>>) dst(%arg8 : memref<79x128xi32, #tpu.memory_space<vmem>>)
      tpu.yield
    }) : () -> ()
    "tpu.region"() ({
      %run_scoped3A = tpu.sem_alloc : memref<!tpu.dma_semaphore, #tpu.memory_space<semaphore_mem>>
      %dma_start3A = arith.constant 0 : i32
      %dma_start3A_38 = arith.constant 0 : i32
      %dma_start3A_39 = tpu.memref_slice %arg4[%add3A, %dma_start3A, %dma_start3A_38] : memref<32x79x128xi32, #tpu.memory_space<hbm>> -> memref<1x79x128xi32, #tpu.memory_space<hbm>>
      %dma_start3A_40 = tpu.memref_squeeze %dma_start3A_39 : memref<1x79x128xi32, #tpu.memory_space<hbm>> -> memref<79x128xi32, #tpu.memory_space<hbm>>
      %dma_start3A_41 = arith.constant 0 : i32
      %dma_start3A_42 = arith.constant 0 : i32
      %dma_start3A_43 = tpu.memref_slice %arg4[%add3A, %dma_start3A_41, %dma_start3A_42] : memref<32x79x128xi32, #tpu.memory_space<hbm>> -> memref<1x79x128xi32, #tpu.memory_space<hbm>>
      %dma_start3A_44 = tpu.memref_squeeze %dma_start3A_43 : memref<1x79x128xi32, #tpu.memory_space<hbm>> -> memref<79x128xi32, #tpu.memory_space<hbm>>
      tpu.enqueue_dma source(%dma_start3A_44 : memref<79x128xi32, #tpu.memory_space<hbm>>) target(%arg9 : memref<79x128xi32, #tpu.memory_space<vmem>>) target_semaphore(%run_scoped3A : memref<!tpu.dma_semaphore, #tpu.memory_space<semaphore_mem>>)
      %dma_wait3A = arith.constant 0 : i32
      %dma_wait3A_45 = arith.constant 0 : i32
      %dma_wait3A_46 = tpu.memref_slice %arg4[%add3A, %dma_wait3A, %dma_wait3A_45] : memref<32x79x128xi32, #tpu.memory_space<hbm>> -> memref<1x79x128xi32, #tpu.memory_space<hbm>>
      %dma_wait3A_47 = tpu.memref_squeeze %dma_wait3A_46 : memref<1x79x128xi32, #tpu.memory_space<hbm>> -> memref<79x128xi32, #tpu.memory_space<hbm>>
      %dma_wait3A_48 = arith.constant 0 : i32
      %dma_wait3A_49 = arith.constant 0 : i32
      %dma_wait3A_50 = tpu.memref_slice %arg4[%add3A, %dma_wait3A_48, %dma_wait3A_49] : memref<32x79x128xi32, #tpu.memory_space<hbm>> -> memref<1x79x128xi32, #tpu.memory_space<hbm>>
      %dma_wait3A_51 = tpu.memref_squeeze %dma_wait3A_50 : memref<1x79x128xi32, #tpu.memory_space<hbm>> -> memref<79x128xi32, #tpu.memory_space<hbm>>
      tpu.wait_dma2 semaphore(%run_scoped3A : memref<!tpu.dma_semaphore, #tpu.memory_space<semaphore_mem>>) src(%dma_wait3A_51 : memref<79x128xi32, #tpu.memory_space<hbm>>) dst(%arg9 : memref<79x128xi32, #tpu.memory_space<vmem>>)
      tpu.yield
    }) : () -> ()
    "tpu.region"() ({
      %run_scoped3A = tpu.sem_alloc : memref<!tpu.dma_semaphore, #tpu.memory_space<semaphore_mem>>
      tpu.enqueue_dma source(%arg5 : memref<128x128xf32, #tpu.memory_space<hbm>>) target(%arg10 : memref<128x128xf32, #tpu.memory_space<vmem>>) target_semaphore(%run_scoped3A : memref<!tpu.dma_semaphore, #tpu.memory_space<semaphore_mem>>)
      tpu.wait_dma2 semaphore(%run_scoped3A : memref<!tpu.dma_semaphore, #tpu.memory_space<semaphore_mem>>) src(%arg5 : memref<128x128xf32, #tpu.memory_space<hbm>>) dst(%arg10 : memref<128x128xf32, #tpu.memory_space<vmem>>)
      tpu.yield
    }) : () -> ()
    %add3A_3 = arith.constant 0 : i32
    %add3A_4 = arith.addi %multiple_of3A, %add3A_3 : i32
    %multiple_of3A_5 = tpu.assume_multiple %add3A_4, 8 : i32
    "tpu.region"() ({
      %run_scoped3A = tpu.sem_alloc : memref<!tpu.dma_semaphore, #tpu.memory_space<semaphore_mem>>
      %dma_start3A = arith.constant 0 : i32
      %dma_start3A_38 = tpu.memref_slice %arg7[%multiple_of3A_5, %dma_start3A] : memref<10240x128xf32, #tpu.memory_space<vmem_shared>> -> memref<128x128xf32, #tpu.memory_space<vmem_shared>>
      %dma_start3A_39 = arith.constant 0 : i32
      %dma_start3A_40 = tpu.memref_slice %arg7[%multiple_of3A_5, %dma_start3A_39] : memref<10240x128xf32, #tpu.memory_space<vmem_shared>> -> memref<128x128xf32, #tpu.memory_space<vmem_shared>>
      tpu.enqueue_dma source(%arg10 : memref<128x128xf32, #tpu.memory_space<vmem>>) target(%dma_start3A_40 : memref<128x128xf32, #tpu.memory_space<vmem_shared>>) target_semaphore(%run_scoped3A : memref<!tpu.dma_semaphore, #tpu.memory_space<semaphore_mem>>)
      %dma_wait3A = arith.constant 0 : i32
      %dma_wait3A_41 = tpu.memref_slice %arg7[%multiple_of3A_5, %dma_wait3A] : memref<10240x128xf32, #tpu.memory_space<vmem_shared>> -> memref<128x128xf32, #tpu.memory_space<vmem_shared>>
      %dma_wait3A_42 = arith.constant 0 : i32
      %dma_wait3A_43 = tpu.memref_slice %arg7[%multiple_of3A_5, %dma_wait3A_42] : memref<10240x128xf32, #tpu.memory_space<vmem_shared>> -> memref<128x128xf32, #tpu.memory_space<vmem_shared>>
      tpu.wait_dma2 semaphore(%run_scoped3A : memref<!tpu.dma_semaphore, #tpu.memory_space<semaphore_mem>>) src(%arg10 : memref<128x128xf32, #tpu.memory_space<vmem>>) dst(%dma_wait3A_43 : memref<128x128xf32, #tpu.memory_space<vmem_shared>>)
      tpu.yield
    }) : () -> ()
    %add3A_6 = arith.constant 128 : i32
    %add3A_7 = arith.addi %multiple_of3A, %add3A_6 : i32
    %multiple_of3A_8 = tpu.assume_multiple %add3A_7, 8 : i32
    "tpu.region"() ({
      %run_scoped3A = tpu.sem_alloc : memref<!tpu.dma_semaphore, #tpu.memory_space<semaphore_mem>>
      %dma_start3A = arith.constant 0 : i32
      %dma_start3A_38 = tpu.memref_slice %arg7[%multiple_of3A_8, %dma_start3A] : memref<10240x128xf32, #tpu.memory_space<vmem_shared>> -> memref<128x128xf32, #tpu.memory_space<vmem_shared>>
      %dma_start3A_39 = arith.constant 0 : i32
      %dma_start3A_40 = tpu.memref_slice %arg7[%multiple_of3A_8, %dma_start3A_39] : memref<10240x128xf32, #tpu.memory_space<vmem_shared>> -> memref<128x128xf32, #tpu.memory_space<vmem_shared>>
      tpu.enqueue_dma source(%arg10 : memref<128x128xf32, #tpu.memory_space<vmem>>) target(%dma_start3A_40 : memref<128x128xf32, #tpu.memory_space<vmem_shared>>) target_semaphore(%run_scoped3A : memref<!tpu.dma_semaphore, #tpu.memory_space<semaphore_mem>>)
      %dma_wait3A = arith.constant 0 : i32
      %dma_wait3A_41 = tpu.memref_slice %arg7[%multiple_of3A_8, %dma_wait3A] : memref<10240x128xf32, #tpu.memory_space<vmem_shared>> -> memref<128x128xf32, #tpu.memory_space<vmem_shared>>
      %dma_wait3A_42 = arith.constant 0 : i32
      %dma_wait3A_43 = tpu.memref_slice %arg7[%multiple_of3A_8, %dma_wait3A_42] : memref<10240x128xf32, #tpu.memory_space<vmem_shared>> -> memref<128x128xf32, #tpu.memory_space<vmem_shared>>
      tpu.wait_dma2 semaphore(%run_scoped3A : memref<!tpu.dma_semaphore, #tpu.memory_space<semaphore_mem>>) src(%arg10 : memref<128x128xf32, #tpu.memory_space<vmem>>) dst(%dma_wait3A_43 : memref<128x128xf32, #tpu.memory_space<vmem_shared>>)
      tpu.yield
    }) : () -> ()
    %add3A_9 = arith.constant 256 : i32
    %add3A_10 = arith.addi %multiple_of3A, %add3A_9 : i32
    %multiple_of3A_11 = tpu.assume_multiple %add3A_10, 8 : i32
    "tpu.region"() ({
      %run_scoped3A = tpu.sem_alloc : memref<!tpu.dma_semaphore, #tpu.memory_space<semaphore_mem>>
      %dma_start3A = arith.constant 0 : i32
      %dma_start3A_38 = tpu.memref_slice %arg7[%multiple_of3A_11, %dma_start3A] : memref<10240x128xf32, #tpu.memory_space<vmem_shared>> -> memref<128x128xf32, #tpu.memory_space<vmem_shared>>
      %dma_start3A_39 = arith.constant 0 : i32
      %dma_start3A_40 = tpu.memref_slice %arg7[%multiple_of3A_11, %dma_start3A_39] : memref<10240x128xf32, #tpu.memory_space<vmem_shared>> -> memref<128x128xf32, #tpu.memory_space<vmem_shared>>
      tpu.enqueue_dma source(%arg10 : memref<128x128xf32, #tpu.memory_space<vmem>>) target(%dma_start3A_40 : memref<128x128xf32, #tpu.memory_space<vmem_shared>>) target_semaphore(%run_scoped3A : memref<!tpu.dma_semaphore, #tpu.memory_space<semaphore_mem>>)
      %dma_wait3A = arith.constant 0 : i32
      %dma_wait3A_41 = tpu.memref_slice %arg7[%multiple_of3A_11, %dma_wait3A] : memref<10240x128xf32, #tpu.memory_space<vmem_shared>> -> memref<128x128xf32, #tpu.memory_space<vmem_shared>>
      %dma_wait3A_42 = arith.constant 0 : i32
      %dma_wait3A_43 = tpu.memref_slice %arg7[%multiple_of3A_11, %dma_wait3A_42] : memref<10240x128xf32, #tpu.memory_space<vmem_shared>> -> memref<128x128xf32, #tpu.memory_space<vmem_shared>>
      tpu.wait_dma2 semaphore(%run_scoped3A : memref<!tpu.dma_semaphore, #tpu.memory_space<semaphore_mem>>) src(%arg10 : memref<128x128xf32, #tpu.memory_space<vmem>>) dst(%dma_wait3A_43 : memref<128x128xf32, #tpu.memory_space<vmem_shared>>)
      tpu.yield
    }) : () -> ()
    %add3A_12 = arith.constant 384 : i32
    %add3A_13 = arith.addi %multiple_of3A, %add3A_12 : i32
    %multiple_of3A_14 = tpu.assume_multiple %add3A_13, 8 : i32
    "tpu.region"() ({
      %run_scoped3A = tpu.sem_alloc : memref<!tpu.dma_semaphore, #tpu.memory_space<semaphore_mem>>
      %dma_start3A = arith.constant 0 : i32
      %dma_start3A_38 = tpu.memref_slice %arg7[%multiple_of3A_14, %dma_start3A] : memref<10240x128xf32, #tpu.memory_space<vmem_shared>> -> memref<128x128xf32, #tpu.memory_space<vmem_shared>>
      %dma_start3A_39 = arith.constant 0 : i32
      %dma_start3A_40 = tpu.memref_slice %arg7[%multiple_of3A_14, %dma_start3A_39] : memref<10240x128xf32, #tpu.memory_space<vmem_shared>> -> memref<128x128xf32, #tpu.memory_space<vmem_shared>>
      tpu.enqueue_dma source(%arg10 : memref<128x128xf32, #tpu.memory_space<vmem>>) target(%dma_start3A_40 : memref<128x128xf32, #tpu.memory_space<vmem_shared>>) target_semaphore(%run_scoped3A : memref<!tpu.dma_semaphore, #tpu.memory_space<semaphore_mem>>)
      %dma_wait3A = arith.constant 0 : i32
      %dma_wait3A_41 = tpu.memref_slice %arg7[%multiple_of3A_14, %dma_wait3A] : memref<10240x128xf32, #tpu.memory_space<vmem_shared>> -> memref<128x128xf32, #tpu.memory_space<vmem_shared>>
      %dma_wait3A_42 = arith.constant 0 : i32
      %dma_wait3A_43 = tpu.memref_slice %arg7[%multiple_of3A_14, %dma_wait3A_42] : memref<10240x128xf32, #tpu.memory_space<vmem_shared>> -> memref<128x128xf32, #tpu.memory_space<vmem_shared>>
      tpu.wait_dma2 semaphore(%run_scoped3A : memref<!tpu.dma_semaphore, #tpu.memory_space<semaphore_mem>>) src(%arg10 : memref<128x128xf32, #tpu.memory_space<vmem>>) dst(%dma_wait3A_43 : memref<128x128xf32, #tpu.memory_space<vmem_shared>>)
      tpu.yield
    }) : () -> ()
    %add3A_15 = arith.constant 512 : i32
    %add3A_16 = arith.addi %multiple_of3A, %add3A_15 : i32
    %multiple_of3A_17 = tpu.assume_multiple %add3A_16, 8 : i32
    "tpu.region"() ({
      %run_scoped3A = tpu.sem_alloc : memref<!tpu.dma_semaphore, #tpu.memory_space<semaphore_mem>>
      %dma_start3A = arith.constant 0 : i32
      %dma_start3A_38 = tpu.memref_slice %arg7[%multiple_of3A_17, %dma_start3A] : memref<10240x128xf32, #tpu.memory_space<vmem_shared>> -> memref<128x128xf32, #tpu.memory_space<vmem_shared>>
      %dma_start3A_39 = arith.constant 0 : i32
      %dma_start3A_40 = tpu.memref_slice %arg7[%multiple_of3A_17, %dma_start3A_39] : memref<10240x128xf32, #tpu.memory_space<vmem_shared>> -> memref<128x128xf32, #tpu.memory_space<vmem_shared>>
      tpu.enqueue_dma source(%arg10 : memref<128x128xf32, #tpu.memory_space<vmem>>) target(%dma_start3A_40 : memref<128x128xf32, #tpu.memory_space<vmem_shared>>) target_semaphore(%run_scoped3A : memref<!tpu.dma_semaphore, #tpu.memory_space<semaphore_mem>>)
      %dma_wait3A = arith.constant 0 : i32
      %dma_wait3A_41 = tpu.memref_slice %arg7[%multiple_of3A_17, %dma_wait3A] : memref<10240x128xf32, #tpu.memory_space<vmem_shared>> -> memref<128x128xf32, #tpu.memory_space<vmem_shared>>
      %dma_wait3A_42 = arith.constant 0 : i32
      %dma_wait3A_43 = tpu.memref_slice %arg7[%multiple_of3A_17, %dma_wait3A_42] : memref<10240x128xf32, #tpu.memory_space<vmem_shared>> -> memref<128x128xf32, #tpu.memory_space<vmem_shared>>
      tpu.wait_dma2 semaphore(%run_scoped3A : memref<!tpu.dma_semaphore, #tpu.memory_space<semaphore_mem>>) src(%arg10 : memref<128x128xf32, #tpu.memory_space<vmem>>) dst(%dma_wait3A_43 : memref<128x128xf32, #tpu.memory_space<vmem_shared>>)
      tpu.yield
    }) : () -> ()
    %barrier3A = arith.constant 0 : index
    tpu.barrier barrier_id(%barrier3A)
    %scan3A = arith.constant 0 : i32
    %scan3A_18 = arith.constant 79 : i32
    %scan3A_19 = arith.addi %scan3A, %scan3A_18 : i32
    %scan3A_20 = arith.constant 1 : i32
    scf.for %scan3A_38 = %scan3A to %scan3A_19 step %scan3A_20  : i32 {
      %mul3A_39 = arith.constant 1 : i32
      %mul3A_40 = arith.muli %scan3A_38, %mul3A_39 : i32
      %add3A_41 = arith.constant 0 : i32
      %add3A_42 = arith.addi %add3A_41, %mul3A_40 : i32
      %dma_start3A = arith.constant 0 : i32
      %dma_start3A_43 = tpu.memref_slice %arg8[%add3A_42, %dma_start3A] : memref<79x128xi32, #tpu.memory_space<vmem>> -> memref<1x128xi32, #tpu.memory_space<vmem>>
      %dma_start3A_44 = tpu.memref_squeeze %dma_start3A_43 : memref<1x128xi32, #tpu.memory_space<vmem>> -> memref<128xi32, #tpu.memory_space<vmem>>
      %dma_start3A_45 = arith.constant 0 : i32
      %dma_start3A_46 = arith.constant 0 : i32
      %dma_start3A_47 = tpu.memref_slice %arg2[%dma_start3A_45, %dma_start3A_46] : memref<10240x128xf32, #tpu.memory_space<hbm>> -> memref<10240x128xf32, #tpu.memory_space<hbm>>
      tpu.enqueue_indirect_dma source(%dma_start3A_47 : memref<10240x128xf32, #tpu.memory_space<hbm>>) target(%arg10 : memref<128x128xf32, #tpu.memory_space<vmem>>) offsets(%dma_start3A_44 : memref<128xi32, #tpu.memory_space<vmem>>) semaphore(%arg11 : memref<!tpu.dma_semaphore, #tpu.memory_space<semaphore_mem>>)
      %dma_wait3A = arith.constant 0 : i32
      %dma_wait3A_48 = tpu.memref_slice %arg8[%add3A_42, %dma_wait3A] : memref<79x128xi32, #tpu.memory_space<vmem>> -> memref<1x128xi32, #tpu.memory_space<vmem>>
      %dma_wait3A_49 = tpu.memref_squeeze %dma_wait3A_48 : memref<1x128xi32, #tpu.memory_space<vmem>> -> memref<128xi32, #tpu.memory_space<vmem>>
      %dma_wait3A_50 = arith.constant 0 : i32
      %dma_wait3A_51 = arith.constant 0 : i32
      %dma_wait3A_52 = tpu.memref_slice %arg2[%dma_wait3A_50, %dma_wait3A_51] : memref<10240x128xf32, #tpu.memory_space<hbm>> -> memref<10240x128xf32, #tpu.memory_space<hbm>>
      tpu.wait_indirect_dma semaphore(%arg11 : memref<!tpu.dma_semaphore, #tpu.memory_space<semaphore_mem>>) src(%dma_wait3A_52 : memref<10240x128xf32, #tpu.memory_space<hbm>>) dst(%arg10 : memref<128x128xf32, #tpu.memory_space<vmem>>)
      "tpu.region"() ({
        %run_scoped3A = tpu.sem_alloc : memref<!tpu.dma_semaphore, #tpu.memory_space<semaphore_mem>>
        %dma_start3A_53 = arith.constant 0 : i32
        %dma_start3A_54 = tpu.memref_slice %arg9[%add3A_42, %dma_start3A_53] : memref<79x128xi32, #tpu.memory_space<vmem>> -> memref<1x128xi32, #tpu.memory_space<vmem>>
        %dma_start3A_55 = tpu.memref_squeeze %dma_start3A_54 : memref<1x128xi32, #tpu.memory_space<vmem>> -> memref<128xi32, #tpu.memory_space<vmem>>
        %dma_start3A_56 = arith.constant 0 : i32
        %dma_start3A_57 = arith.constant 0 : i32
        %dma_start3A_58 = tpu.memref_slice %arg7[%dma_start3A_56, %dma_start3A_57] : memref<10240x128xf32, #tpu.memory_space<vmem_shared>> -> memref<10240x128xf32, #tpu.memory_space<vmem_shared>>
        tpu.enqueue_indirect_dma source(%arg10 : memref<128x128xf32, #tpu.memory_space<vmem>>) target(%dma_start3A_58 : memref<10240x128xf32, #tpu.memory_space<vmem_shared>>) offsets(%dma_start3A_55 : memref<128xi32, #tpu.memory_space<vmem>>) semaphore(%run_scoped3A : memref<!tpu.dma_semaphore, #tpu.memory_space<semaphore_mem>>) {add = true}
        %dma_wait3A_59 = arith.constant 0 : i32
        %dma_wait3A_60 = tpu.memref_slice %arg9[%add3A_42, %dma_wait3A_59] : memref<79x128xi32, #tpu.memory_space<vmem>> -> memref<1x128xi32, #tpu.memory_space<vmem>>
        %dma_wait3A_61 = tpu.memref_squeeze %dma_wait3A_60 : memref<1x128xi32, #tpu.memory_space<vmem>> -> memref<128xi32, #tpu.memory_space<vmem>>
        %dma_wait3A_62 = arith.constant 0 : i32
        %dma_wait3A_63 = arith.constant 0 : i32
        %dma_wait3A_64 = tpu.memref_slice %arg7[%dma_wait3A_62, %dma_wait3A_63] : memref<10240x128xf32, #tpu.memory_space<vmem_shared>> -> memref<10240x128xf32, #tpu.memory_space<vmem_shared>>
        tpu.wait_indirect_dma semaphore(%run_scoped3A : memref<!tpu.dma_semaphore, #tpu.memory_space<semaphore_mem>>) src(%arg10 : memref<128x128xf32, #tpu.memory_space<vmem>>) dst(%dma_wait3A_64 : memref<10240x128xf32, #tpu.memory_space<vmem_shared>>)
        tpu.yield
      }) : () -> ()
    }
    %scan3A_21 = arith.constant 79 : i32
    %barrier3A_22 = arith.constant 0 : index
    tpu.barrier barrier_id(%barrier3A_22)
    %add3A_23 = arith.constant 0 : i32
    %add3A_24 = arith.addi %multiple_of3A, %add3A_23 : i32
    %multiple_of3A_25 = tpu.assume_multiple %add3A_24, 8 : i32
    "tpu.region"() ({
      %run_scoped3A = tpu.sem_alloc : memref<!tpu.dma_semaphore, #tpu.memory_space<semaphore_mem>>
      %dma_start3A = arith.constant 0 : i32
      %dma_start3A_38 = tpu.memref_slice %arg7[%multiple_of3A_25, %dma_start3A] : memref<10240x128xf32, #tpu.memory_space<vmem_shared>> -> memref<128x128xf32, #tpu.memory_space<vmem_shared>>
      %dma_start3A_39 = arith.constant 0 : i32
      %dma_start3A_40 = tpu.memref_slice %arg7[%multiple_of3A_25, %dma_start3A_39] : memref<10240x128xf32, #tpu.memory_space<vmem_shared>> -> memref<128x128xf32, #tpu.memory_space<vmem_shared>>
      tpu.enqueue_dma source(%dma_start3A_40 : memref<128x128xf32, #tpu.memory_space<vmem_shared>>) target(%arg10 : memref<128x128xf32, #tpu.memory_space<vmem>>) target_semaphore(%run_scoped3A : memref<!tpu.dma_semaphore, #tpu.memory_space<semaphore_mem>>)
      %dma_wait3A = arith.constant 0 : i32
      %dma_wait3A_41 = tpu.memref_slice %arg7[%multiple_of3A_25, %dma_wait3A] : memref<10240x128xf32, #tpu.memory_space<vmem_shared>> -> memref<128x128xf32, #tpu.memory_space<vmem_shared>>
      %dma_wait3A_42 = arith.constant 0 : i32
      %dma_wait3A_43 = tpu.memref_slice %arg7[%multiple_of3A_25, %dma_wait3A_42] : memref<10240x128xf32, #tpu.memory_space<vmem_shared>> -> memref<128x128xf32, #tpu.memory_space<vmem_shared>>
      tpu.wait_dma2 semaphore(%run_scoped3A : memref<!tpu.dma_semaphore, #tpu.memory_space<semaphore_mem>>) src(%dma_wait3A_43 : memref<128x128xf32, #tpu.memory_space<vmem_shared>>) dst(%arg10 : memref<128x128xf32, #tpu.memory_space<vmem>>)
      tpu.yield
    }) : () -> ()
    "tpu.region"() ({
      %run_scoped3A = tpu.sem_alloc : memref<!tpu.dma_semaphore, #tpu.memory_space<semaphore_mem>>
      %dma_start3A = arith.constant 0 : i32
      %dma_start3A_38 = tpu.memref_slice %arg6[%arg0, %multiple_of3A_25, %dma_start3A] : memref<2x10240x128xf32, #tpu.memory_space<hbm>> -> memref<1x128x128xf32, #tpu.memory_space<hbm>>
      %dma_start3A_39 = tpu.memref_squeeze %dma_start3A_38 : memref<1x128x128xf32, #tpu.memory_space<hbm>> -> memref<128x128xf32, #tpu.memory_space<hbm>>
      %dma_start3A_40 = arith.constant 0 : i32
      %dma_start3A_41 = tpu.memref_slice %arg6[%arg0, %multiple_of3A_25, %dma_start3A_40] : memref<2x10240x128xf32, #tpu.memory_space<hbm>> -> memref<1x128x128xf32, #tpu.memory_space<hbm>>
      %dma_start3A_42 = tpu.memref_squeeze %dma_start3A_41 : memref<1x128x128xf32, #tpu.memory_space<hbm>> -> memref<128x128xf32, #tpu.memory_space<hbm>>
      tpu.enqueue_dma source(%arg10 : memref<128x128xf32, #tpu.memory_space<vmem>>) target(%dma_start3A_42 : memref<128x128xf32, #tpu.memory_space<hbm>>) target_semaphore(%run_scoped3A : memref<!tpu.dma_semaphore, #tpu.memory_space<semaphore_mem>>)
      %dma_wait3A = arith.constant 0 : i32
      %dma_wait3A_43 = tpu.memref_slice %arg6[%arg0, %multiple_of3A_25, %dma_wait3A] : memref<2x10240x128xf32, #tpu.memory_space<hbm>> -> memref<1x128x128xf32, #tpu.memory_space<hbm>>
      %dma_wait3A_44 = tpu.memref_squeeze %dma_wait3A_43 : memref<1x128x128xf32, #tpu.memory_space<hbm>> -> memref<128x128xf32, #tpu.memory_space<hbm>>
      %dma_wait3A_45 = arith.constant 0 : i32
      %dma_wait3A_46 = tpu.memref_slice %arg6[%arg0, %multiple_of3A_25, %dma_wait3A_45] : memref<2x10240x128xf32, #tpu.memory_space<hbm>> -> memref<1x128x128xf32, #tpu.memory_space<hbm>>
      %dma_wait3A_47 = tpu.memref_squeeze %dma_wait3A_46 : memref<1x128x128xf32, #tpu.memory_space<hbm>> -> memref<128x128xf32, #tpu.memory_space<hbm>>
      tpu.wait_dma2 semaphore(%run_scoped3A : memref<!tpu.dma_semaphore, #tpu.memory_space<semaphore_mem>>) src(%arg10 : memref<128x128xf32, #tpu.memory_space<vmem>>) dst(%dma_wait3A_47 : memref<128x128xf32, #tpu.memory_space<hbm>>)
      tpu.yield
    }) : () -> ()
    %add3A_26 = arith.constant 128 : i32
    %add3A_27 = arith.addi %multiple_of3A, %add3A_26 : i32
    %multiple_of3A_28 = tpu.assume_multiple %add3A_27, 8 : i32
    "tpu.region"() ({
      %run_scoped3A = tpu.sem_alloc : memref<!tpu.dma_semaphore, #tpu.memory_space<semaphore_mem>>
      %dma_start3A = arith.constant 0 : i32
      %dma_start3A_38 = tpu.memref_slice %arg7[%multiple_of3A_28, %dma_start3A] : memref<10240x128xf32, #tpu.memory_space<vmem_shared>> -> memref<128x128xf32, #tpu.memory_space<vmem_shared>>
      %dma_start3A_39 = arith.constant 0 : i32
      %dma_start3A_40 = tpu.memref_slice %arg7[%multiple_of3A_28, %dma_start3A_39] : memref<10240x128xf32, #tpu.memory_space<vmem_shared>> -> memref<128x128xf32, #tpu.memory_space<vmem_shared>>
      tpu.enqueue_dma source(%dma_start3A_40 : memref<128x128xf32, #tpu.memory_space<vmem_shared>>) target(%arg10 : memref<128x128xf32, #tpu.memory_space<vmem>>) target_semaphore(%run_scoped3A : memref<!tpu.dma_semaphore, #tpu.memory_space<semaphore_mem>>)
      %dma_wait3A = arith.constant 0 : i32
      %dma_wait3A_41 = tpu.memref_slice %arg7[%multiple_of3A_28, %dma_wait3A] : memref<10240x128xf32, #tpu.memory_space<vmem_shared>> -> memref<128x128xf32, #tpu.memory_space<vmem_shared>>
      %dma_wait3A_42 = arith.constant 0 : i32
      %dma_wait3A_43 = tpu.memref_slice %arg7[%multiple_of3A_28, %dma_wait3A_42] : memref<10240x128xf32, #tpu.memory_space<vmem_shared>> -> memref<128x128xf32, #tpu.memory_space<vmem_shared>>
      tpu.wait_dma2 semaphore(%run_scoped3A : memref<!tpu.dma_semaphore, #tpu.memory_space<semaphore_mem>>) src(%dma_wait3A_43 : memref<128x128xf32, #tpu.memory_space<vmem_shared>>) dst(%arg10 : memref<128x128xf32, #tpu.memory_space<vmem>>)
      tpu.yield
    }) : () -> ()
    "tpu.region"() ({
      %run_scoped3A = tpu.sem_alloc : memref<!tpu.dma_semaphore, #tpu.memory_space<semaphore_mem>>
      %dma_start3A = arith.constant 0 : i32
      %dma_start3A_38 = tpu.memref_slice %arg6[%arg0, %multiple_of3A_28, %dma_start3A] : memref<2x10240x128xf32, #tpu.memory_space<hbm>> -> memref<1x128x128xf32, #tpu.memory_space<hbm>>
      %dma_start3A_39 = tpu.memref_squeeze %dma_start3A_38 : memref<1x128x128xf32, #tpu.memory_space<hbm>> -> memref<128x128xf32, #tpu.memory_space<hbm>>
      %dma_start3A_40 = arith.constant 0 : i32
      %dma_start3A_41 = tpu.memref_slice %arg6[%arg0, %multiple_of3A_28, %dma_start3A_40] : memref<2x10240x128xf32, #tpu.memory_space<hbm>> -> memref<1x128x128xf32, #tpu.memory_space<hbm>>
      %dma_start3A_42 = tpu.memref_squeeze %dma_start3A_41 : memref<1x128x128xf32, #tpu.memory_space<hbm>> -> memref<128x128xf32, #tpu.memory_space<hbm>>
      tpu.enqueue_dma source(%arg10 : memref<128x128xf32, #tpu.memory_space<vmem>>) target(%dma_start3A_42 : memref<128x128xf32, #tpu.memory_space<hbm>>) target_semaphore(%run_scoped3A : memref<!tpu.dma_semaphore, #tpu.memory_space<semaphore_mem>>)
      %dma_wait3A = arith.constant 0 : i32
      %dma_wait3A_43 = tpu.memref_slice %arg6[%arg0, %multiple_of3A_28, %dma_wait3A] : memref<2x10240x128xf32, #tpu.memory_space<hbm>> -> memref<1x128x128xf32, #tpu.memory_space<hbm>>
      %dma_wait3A_44 = tpu.memref_squeeze %dma_wait3A_43 : memref<1x128x128xf32, #tpu.memory_space<hbm>> -> memref<128x128xf32, #tpu.memory_space<hbm>>
      %dma_wait3A_45 = arith.constant 0 : i32
      %dma_wait3A_46 = tpu.memref_slice %arg6[%arg0, %multiple_of3A_28, %dma_wait3A_45] : memref<2x10240x128xf32, #tpu.memory_space<hbm>> -> memref<1x128x128xf32, #tpu.memory_space<hbm>>
      %dma_wait3A_47 = tpu.memref_squeeze %dma_wait3A_46 : memref<1x128x128xf32, #tpu.memory_space<hbm>> -> memref<128x128xf32, #tpu.memory_space<hbm>>
      tpu.wait_dma2 semaphore(%run_scoped3A : memref<!tpu.dma_semaphore, #tpu.memory_space<semaphore_mem>>) src(%arg10 : memref<128x128xf32, #tpu.memory_space<vmem>>) dst(%dma_wait3A_47 : memref<128x128xf32, #tpu.memory_space<hbm>>)
      tpu.yield
    }) : () -> ()
    %add3A_29 = arith.constant 256 : i32
    %add3A_30 = arith.addi %multiple_of3A, %add3A_29 : i32
    %multiple_of3A_31 = tpu.assume_multiple %add3A_30, 8 : i32
    "tpu.region"() ({
      %run_scoped3A = tpu.sem_alloc : memref<!tpu.dma_semaphore, #tpu.memory_space<semaphore_mem>>
      %dma_start3A = arith.constant 0 : i32
      %dma_start3A_38 = tpu.memref_slice %arg7[%multiple_of3A_31, %dma_start3A] : memref<10240x128xf32, #tpu.memory_space<vmem_shared>> -> memref<128x128xf32, #tpu.memory_space<vmem_shared>>
      %dma_start3A_39 = arith.constant 0 : i32
      %dma_start3A_40 = tpu.memref_slice %arg7[%multiple_of3A_31, %dma_start3A_39] : memref<10240x128xf32, #tpu.memory_space<vmem_shared>> -> memref<128x128xf32, #tpu.memory_space<vmem_shared>>
      tpu.enqueue_dma source(%dma_start3A_40 : memref<128x128xf32, #tpu.memory_space<vmem_shared>>) target(%arg10 : memref<128x128xf32, #tpu.memory_space<vmem>>) target_semaphore(%run_scoped3A : memref<!tpu.dma_semaphore, #tpu.memory_space<semaphore_mem>>)
      %dma_wait3A = arith.constant 0 : i32
      %dma_wait3A_41 = tpu.memref_slice %arg7[%multiple_of3A_31, %dma_wait3A] : memref<10240x128xf32, #tpu.memory_space<vmem_shared>> -> memref<128x128xf32, #tpu.memory_space<vmem_shared>>
      %dma_wait3A_42 = arith.constant 0 : i32
      %dma_wait3A_43 = tpu.memref_slice %arg7[%multiple_of3A_31, %dma_wait3A_42] : memref<10240x128xf32, #tpu.memory_space<vmem_shared>> -> memref<128x128xf32, #tpu.memory_space<vmem_shared>>
      tpu.wait_dma2 semaphore(%run_scoped3A : memref<!tpu.dma_semaphore, #tpu.memory_space<semaphore_mem>>) src(%dma_wait3A_43 : memref<128x128xf32, #tpu.memory_space<vmem_shared>>) dst(%arg10 : memref<128x128xf32, #tpu.memory_space<vmem>>)
      tpu.yield
    }) : () -> ()
    "tpu.region"() ({
      %run_scoped3A = tpu.sem_alloc : memref<!tpu.dma_semaphore, #tpu.memory_space<semaphore_mem>>
      %dma_start3A = arith.constant 0 : i32
      %dma_start3A_38 = tpu.memref_slice %arg6[%arg0, %multiple_of3A_31, %dma_start3A] : memref<2x10240x128xf32, #tpu.memory_space<hbm>> -> memref<1x128x128xf32, #tpu.memory_space<hbm>>
      %dma_start3A_39 = tpu.memref_squeeze %dma_start3A_38 : memref<1x128x128xf32, #tpu.memory_space<hbm>> -> memref<128x128xf32, #tpu.memory_space<hbm>>
      %dma_start3A_40 = arith.constant 0 : i32
      %dma_start3A_41 = tpu.memref_slice %arg6[%arg0, %multiple_of3A_31, %dma_start3A_40] : memref<2x10240x128xf32, #tpu.memory_space<hbm>> -> memref<1x128x128xf32, #tpu.memory_space<hbm>>
      %dma_start3A_42 = tpu.memref_squeeze %dma_start3A_41 : memref<1x128x128xf32, #tpu.memory_space<hbm>> -> memref<128x128xf32, #tpu.memory_space<hbm>>
      tpu.enqueue_dma source(%arg10 : memref<128x128xf32, #tpu.memory_space<vmem>>) target(%dma_start3A_42 : memref<128x128xf32, #tpu.memory_space<hbm>>) target_semaphore(%run_scoped3A : memref<!tpu.dma_semaphore, #tpu.memory_space<semaphore_mem>>)
      %dma_wait3A = arith.constant 0 : i32
      %dma_wait3A_43 = tpu.memref_slice %arg6[%arg0, %multiple_of3A_31, %dma_wait3A] : memref<2x10240x128xf32, #tpu.memory_space<hbm>> -> memref<1x128x128xf32, #tpu.memory_space<hbm>>
      %dma_wait3A_44 = tpu.memref_squeeze %dma_wait3A_43 : memref<1x128x128xf32, #tpu.memory_space<hbm>> -> memref<128x128xf32, #tpu.memory_space<hbm>>
      %dma_wait3A_45 = arith.constant 0 : i32
      %dma_wait3A_46 = tpu.memref_slice %arg6[%arg0, %multiple_of3A_31, %dma_wait3A_45] : memref<2x10240x128xf32, #tpu.memory_space<hbm>> -> memref<1x128x128xf32, #tpu.memory_space<hbm>>
      %dma_wait3A_47 = tpu.memref_squeeze %dma_wait3A_46 : memref<1x128x128xf32, #tpu.memory_space<hbm>> -> memref<128x128xf32, #tpu.memory_space<hbm>>
      tpu.wait_dma2 semaphore(%run_scoped3A : memref<!tpu.dma_semaphore, #tpu.memory_space<semaphore_mem>>) src(%arg10 : memref<128x128xf32, #tpu.memory_space<vmem>>) dst(%dma_wait3A_47 : memref<128x128xf32, #tpu.memory_space<hbm>>)
      tpu.yield
    }) : () -> ()
    %add3A_32 = arith.constant 384 : i32
    %add3A_33 = arith.addi %multiple_of3A, %add3A_32 : i32
    %multiple_of3A_34 = tpu.assume_multiple %add3A_33, 8 : i32
    "tpu.region"() ({
      %run_scoped3A = tpu.sem_alloc : memref<!tpu.dma_semaphore, #tpu.memory_space<semaphore_mem>>
      %dma_start3A = arith.constant 0 : i32
      %dma_start3A_38 = tpu.memref_slice %arg7[%multiple_of3A_34, %dma_start3A] : memref<10240x128xf32, #tpu.memory_space<vmem_shared>> -> memref<128x128xf32, #tpu.memory_space<vmem_shared>>
      %dma_start3A_39 = arith.constant 0 : i32
      %dma_start3A_40 = tpu.memref_slice %arg7[%multiple_of3A_34, %dma_start3A_39] : memref<10240x128xf32, #tpu.memory_space<vmem_shared>> -> memref<128x128xf32, #tpu.memory_space<vmem_shared>>
      tpu.enqueue_dma source(%dma_start3A_40 : memref<128x128xf32, #tpu.memory_space<vmem_shared>>) target(%arg10 : memref<128x128xf32, #tpu.memory_space<vmem>>) target_semaphore(%run_scoped3A : memref<!tpu.dma_semaphore, #tpu.memory_space<semaphore_mem>>)
      %dma_wait3A = arith.constant 0 : i32
      %dma_wait3A_41 = tpu.memref_slice %arg7[%multiple_of3A_34, %dma_wait3A] : memref<10240x128xf32, #tpu.memory_space<vmem_shared>> -> memref<128x128xf32, #tpu.memory_space<vmem_shared>>
      %dma_wait3A_42 = arith.constant 0 : i32
      %dma_wait3A_43 = tpu.memref_slice %arg7[%multiple_of3A_34, %dma_wait3A_42] : memref<10240x128xf32, #tpu.memory_space<vmem_shared>> -> memref<128x128xf32, #tpu.memory_space<vmem_shared>>
      tpu.wait_dma2 semaphore(%run_scoped3A : memref<!tpu.dma_semaphore, #tpu.memory_space<semaphore_mem>>) src(%dma_wait3A_43 : memref<128x128xf32, #tpu.memory_space<vmem_shared>>) dst(%arg10 : memref<128x128xf32, #tpu.memory_space<vmem>>)
      tpu.yield
    }) : () -> ()
    "tpu.region"() ({
      %run_scoped3A = tpu.sem_alloc : memref<!tpu.dma_semaphore, #tpu.memory_space<semaphore_mem>>
      %dma_start3A = arith.constant 0 : i32
      %dma_start3A_38 = tpu.memref_slice %arg6[%arg0, %multiple_of3A_34, %dma_start3A] : memref<2x10240x128xf32, #tpu.memory_space<hbm>> -> memref<1x128x128xf32, #tpu.memory_space<hbm>>
      %dma_start3A_39 = tpu.memref_squeeze %dma_start3A_38 : memref<1x128x128xf32, #tpu.memory_space<hbm>> -> memref<128x128xf32, #tpu.memory_space<hbm>>
      %dma_start3A_40 = arith.constant 0 : i32
      %dma_start3A_41 = tpu.memref_slice %arg6[%arg0, %multiple_of3A_34, %dma_start3A_40] : memref<2x10240x128xf32, #tpu.memory_space<hbm>> -> memref<1x128x128xf32, #tpu.memory_space<hbm>>
      %dma_start3A_42 = tpu.memref_squeeze %dma_start3A_41 : memref<1x128x128xf32, #tpu.memory_space<hbm>> -> memref<128x128xf32, #tpu.memory_space<hbm>>
      tpu.enqueue_dma source(%arg10 : memref<128x128xf32, #tpu.memory_space<vmem>>) target(%dma_start3A_42 : memref<128x128xf32, #tpu.memory_space<hbm>>) target_semaphore(%run_scoped3A : memref<!tpu.dma_semaphore, #tpu.memory_space<semaphore_mem>>)
      %dma_wait3A = arith.constant 0 : i32
      %dma_wait3A_43 = tpu.memref_slice %arg6[%arg0, %multiple_of3A_34, %dma_wait3A] : memref<2x10240x128xf32, #tpu.memory_space<hbm>> -> memref<1x128x128xf32, #tpu.memory_space<hbm>>
      %dma_wait3A_44 = tpu.memref_squeeze %dma_wait3A_43 : memref<1x128x128xf32, #tpu.memory_space<hbm>> -> memref<128x128xf32, #tpu.memory_space<hbm>>
      %dma_wait3A_45 = arith.constant 0 : i32
      %dma_wait3A_46 = tpu.memref_slice %arg6[%arg0, %multiple_of3A_34, %dma_wait3A_45] : memref<2x10240x128xf32, #tpu.memory_space<hbm>> -> memref<1x128x128xf32, #tpu.memory_space<hbm>>
      %dma_wait3A_47 = tpu.memref_squeeze %dma_wait3A_46 : memref<1x128x128xf32, #tpu.memory_space<hbm>> -> memref<128x128xf32, #tpu.memory_space<hbm>>
      tpu.wait_dma2 semaphore(%run_scoped3A : memref<!tpu.dma_semaphore, #tpu.memory_space<semaphore_mem>>) src(%arg10 : memref<128x128xf32, #tpu.memory_space<vmem>>) dst(%dma_wait3A_47 : memref<128x128xf32, #tpu.memory_space<hbm>>)
      tpu.yield
    }) : () -> ()
    %add3A_35 = arith.constant 512 : i32
    %add3A_36 = arith.addi %multiple_of3A, %add3A_35 : i32
    %multiple_of3A_37 = tpu.assume_multiple %add3A_36, 8 : i32
    "tpu.region"() ({
      %run_scoped3A = tpu.sem_alloc : memref<!tpu.dma_semaphore, #tpu.memory_space<semaphore_mem>>
      %dma_start3A = arith.constant 0 : i32
      %dma_start3A_38 = tpu.memref_slice %arg7[%multiple_of3A_37, %dma_start3A] : memref<10240x128xf32, #tpu.memory_space<vmem_shared>> -> memref<128x128xf32, #tpu.memory_space<vmem_shared>>
      %dma_start3A_39 = arith.constant 0 : i32
      %dma_start3A_40 = tpu.memref_slice %arg7[%multiple_of3A_37, %dma_start3A_39] : memref<10240x128xf32, #tpu.memory_space<vmem_shared>> -> memref<128x128xf32, #tpu.memory_space<vmem_shared>>
      tpu.enqueue_dma source(%dma_start3A_40 : memref<128x128xf32, #tpu.memory_space<vmem_shared>>) target(%arg10 : memref<128x128xf32, #tpu.memory_space<vmem>>) target_semaphore(%run_scoped3A : memref<!tpu.dma_semaphore, #tpu.memory_space<semaphore_mem>>)
      %dma_wait3A = arith.constant 0 : i32
      %dma_wait3A_41 = tpu.memref_slice %arg7[%multiple_of3A_37, %dma_wait3A] : memref<10240x128xf32, #tpu.memory_space<vmem_shared>> -> memref<128x128xf32, #tpu.memory_space<vmem_shared>>
      %dma_wait3A_42 = arith.constant 0 : i32
      %dma_wait3A_43 = tpu.memref_slice %arg7[%multiple_of3A_37, %dma_wait3A_42] : memref<10240x128xf32, #tpu.memory_space<vmem_shared>> -> memref<128x128xf32, #tpu.memory_space<vmem_shared>>
      tpu.wait_dma2 semaphore(%run_scoped3A : memref<!tpu.dma_semaphore, #tpu.memory_space<semaphore_mem>>) src(%dma_wait3A_43 : memref<128x128xf32, #tpu.memory_space<vmem_shared>>) dst(%arg10 : memref<128x128xf32, #tpu.memory_space<vmem>>)
      tpu.yield
    }) : () -> ()
    "tpu.region"() ({
      %run_scoped3A = tpu.sem_alloc : memref<!tpu.dma_semaphore, #tpu.memory_space<semaphore_mem>>
      %dma_start3A = arith.constant 0 : i32
      %dma_start3A_38 = tpu.memref_slice %arg6[%arg0, %multiple_of3A_37, %dma_start3A] : memref<2x10240x128xf32, #tpu.memory_space<hbm>> -> memref<1x128x128xf32, #tpu.memory_space<hbm>>
      %dma_start3A_39 = tpu.memref_squeeze %dma_start3A_38 : memref<1x128x128xf32, #tpu.memory_space<hbm>> -> memref<128x128xf32, #tpu.memory_space<hbm>>
      %dma_start3A_40 = arith.constant 0 : i32
      %dma_start3A_41 = tpu.memref_slice %arg6[%arg0, %multiple_of3A_37, %dma_start3A_40] : memref<2x10240x128xf32, #tpu.memory_space<hbm>> -> memref<1x128x128xf32, #tpu.memory_space<hbm>>
      %dma_start3A_42 = tpu.memref_squeeze %dma_start3A_41 : memref<1x128x128xf32, #tpu.memory_space<hbm>> -> memref<128x128xf32, #tpu.memory_space<hbm>>
      tpu.enqueue_dma source(%arg10 : memref<128x128xf32, #tpu.memory_space<vmem>>) target(%dma_start3A_42 : memref<128x128xf32, #tpu.memory_space<hbm>>) target_semaphore(%run_scoped3A : memref<!tpu.dma_semaphore, #tpu.memory_space<semaphore_mem>>)
      %dma_wait3A = arith.constant 0 : i32
      %dma_wait3A_43 = tpu.memref_slice %arg6[%arg0, %multiple_of3A_37, %dma_wait3A] : memref<2x10240x128xf32, #tpu.memory_space<hbm>> -> memref<1x128x128xf32, #tpu.memory_space<hbm>>
      %dma_wait3A_44 = tpu.memref_squeeze %dma_wait3A_43 : memref<1x128x128xf32, #tpu.memory_space<hbm>> -> memref<128x128xf32, #tpu.memory_space<hbm>>
      %dma_wait3A_45 = arith.constant 0 : i32
      %dma_wait3A_46 = tpu.memref_slice %arg6[%arg0, %multiple_of3A_37, %dma_wait3A_45] : memref<2x10240x128xf32, #tpu.memory_space<hbm>> -> memref<1x128x128xf32, #tpu.memory_space<hbm>>
      %dma_wait3A_47 = tpu.memref_squeeze %dma_wait3A_46 : memref<1x128x128xf32, #tpu.memory_space<hbm>> -> memref<128x128xf32, #tpu.memory_space<hbm>>
      tpu.wait_dma2 semaphore(%run_scoped3A : memref<!tpu.dma_semaphore, #tpu.memory_space<semaphore_mem>>) src(%arg10 : memref<128x128xf32, #tpu.memory_space<vmem>>) dst(%dma_wait3A_47 : memref<128x128xf32, #tpu.memory_space<hbm>>)
      tpu.yield
    }) : () -> ()
    return
  }
}

module attributes {stable_mosaic.version = 14 : i64} {
  func.func @_tc1_body(%arg0: i32, %arg1: memref<128x2xf32, #tpu.memory_space<vmem>>, %arg2: memref<128x128xf32, #tpu.memory_space<vmem>>, %arg3: memref<128x128xf32, #tpu.memory_space<vmem>>) attributes {dimension_semantics = [#tpu.dimension_semantics<arbitrary>], iteration_bounds = array<i64: 80>, scalar_prefetch = 0 : i64, scratch_operands = 0 : i64, tpu.core_type = #tpu.core_type<tc>, window_params = [{transform_indices = @transform_0, window_bounds = array<i64: 128, 2>}, {transform_indices = @transform_1, window_bounds = array<i64: 128, 128>}, {transform_indices = @transform_2, window_bounds = array<i64: 128, 128>}]} {
    %get3A = arith.constant 0 : index
    %get3A_0 = arith.constant 0 : index
    %get3A_1 = vector.load %arg2[%get3A, %get3A_0] : memref<128x128xf32, #tpu.memory_space<vmem>>, vector<128x128xf32>
    %get3A_2 = arith.constant 0 : index
    %get3A_3 = arith.constant 0 : index
    %get3A_4 = vector.load %arg1[%get3A_2, %get3A_3] : memref<128x2xf32, #tpu.memory_space<vmem>>, vector<128x1xf32>
    %get3A_5 = arith.constant 0 : index
    %get3A_6 = arith.constant 1 : index
    %get3A_7 = vector.load %arg1[%get3A_5, %get3A_6] : memref<128x2xf32, #tpu.memory_space<vmem>>, vector<128x1xf32>
    %add3A = arith.addf %get3A_4, %get3A_7 : vector<128x1xf32>
    %add3A_8 = arith.constant 1.000000e+00 : f32
    %add3A_9 = vector.broadcast %add3A_8 : f32 to vector<128x1xf32>
    %add3A_10 = arith.addf %add3A, %add3A_9 : vector<128x1xf32>
    %rsqrt3A = math.rsqrt %add3A_10 : vector<128x1xf32>
    %mul3A = vector.broadcast %rsqrt3A : vector<128x1xf32> to vector<128x128xf32>
    %mul3A_11 = arith.mulf %get3A_1, %mul3A : vector<128x128xf32>
    %swap3A = arith.constant 0 : index
    %swap3A_12 = arith.constant 0 : index
    %swap3A_13 = vector.load %arg3[%swap3A, %swap3A_12] : memref<128x128xf32, #tpu.memory_space<vmem>>, vector<128x128xf32>
    tpu.vector_store %arg3[%swap3A, %swap3A_12], %mul3A_11 {strides = array<i32>} : memref<128x128xf32, #tpu.memory_space<vmem>>, vector<128x128xf32>,
    return
  }
  func.func @transform_0(%arg0: i32) -> (i32, i32) {
    %c0_i32 = arith.constant 0 : i32
    %c0_i32_0 = arith.constant 0 : i32
    return %arg0, %c0_i32 : i32, i32
  }
  func.func @transform_1(%arg0: i32) -> (i32, i32) {
    %c0_i32 = arith.constant 0 : i32
    %c0_i32_0 = arith.constant 0 : i32
    return %arg0, %c0_i32 : i32, i32
  }
  func.func @transform_2(%arg0: i32) -> (i32, i32) {
    %c0_i32 = arith.constant 0 : i32
    %c0_i32_0 = arith.constant 0 : i32
    return %arg0, %c0_i32 : i32, i32
  }
}

module attributes {stable_mosaic.version = 14 : i64} {
  func.func @_tc2_body(%arg0: i32, %arg1: memref<128x2xf32, #tpu.memory_space<vmem>>, %arg2: memref<2x128x128xf32, #tpu.memory_space<vmem>>, %arg3: memref<128x128xf32, #tpu.memory_space<vmem>>, %arg4: memref<128x512xf32, #tpu.memory_space<vmem>>, %arg5: memref<1x512xf32, #tpu.memory_space<vmem>>, %arg6: memref<128x128xf32, #tpu.memory_space<vmem>>, %arg7: memref<128x128xf32, #tpu.memory_space<vmem>>, %arg8: memref<128x128xf32, #tpu.memory_space<vmem>>, %arg9: memref<128x128xf32, #tpu.memory_space<vmem>>) attributes {dimension_semantics = [#tpu.dimension_semantics<arbitrary>], iteration_bounds = array<i64: 80>, scalar_prefetch = 0 : i64, scratch_operands = 0 : i64, tpu.core_type = #tpu.core_type<tc>, window_params = [{transform_indices = @transform_0, window_bounds = array<i64: 128, 2>}, {transform_indices = @transform_1, window_bounds = array<i64: 2, 128, 128>}, {transform_indices = @transform_2, window_bounds = array<i64: 128, 128>}, {pipeline_mode = #tpu.pipeline_mode<synchronous>, transform_indices = @transform_3, window_bounds = array<i64: 128, 512>}, {pipeline_mode = #tpu.pipeline_mode<synchronous>, transform_indices = @transform_4, window_bounds = array<i64: 1, 512>}, {transform_indices = @transform_5, window_bounds = array<i64: 128, 128>}, {transform_indices = @transform_6, window_bounds = array<i64: 128, 128>}, {transform_indices = @transform_7, window_bounds = array<i64: 128, 128>}, {transform_indices = @transform_8, window_bounds = array<i64: 128, 128>}]} {
    %get3A = arith.constant 0 : index
    %get3A_0 = arith.constant 0 : index
    %get3A_1 = vector.load %arg1[%get3A, %get3A_0] : memref<128x2xf32, #tpu.memory_space<vmem>>, vector<128x1xf32>
    %get3A_2 = arith.constant 0 : index
    %get3A_3 = arith.constant 1 : index
    %get3A_4 = vector.load %arg1[%get3A_2, %get3A_3] : memref<128x2xf32, #tpu.memory_space<vmem>>, vector<128x1xf32>
    %add3A = arith.addf %get3A_1, %get3A_4 : vector<128x1xf32>
    %add3A_5 = arith.constant 1.000000e+00 : f32
    %add3A_6 = vector.broadcast %add3A_5 : f32 to vector<128x1xf32>
    %add3A_7 = arith.addf %add3A, %add3A_6 : vector<128x1xf32>
    %rsqrt3A = math.rsqrt %add3A_7 : vector<128x1xf32>
    %get3A_8 = arith.constant 0 : index
    %get3A_9 = arith.constant 0 : index
    %get3A_10 = arith.constant 0 : index
    %get3A_11 = vector.load %arg2[%get3A_8, %get3A_9, %get3A_10] : memref<2x128x128xf32, #tpu.memory_space<vmem>>, vector<1x128x128xf32>
    %get3A_12 = vector.shape_cast %get3A_11 : vector<1x128x128xf32> to vector<128x128xf32>
    %get3A_13 = arith.constant 1 : index
    %get3A_14 = arith.constant 0 : index
    %get3A_15 = arith.constant 0 : index
    %get3A_16 = vector.load %arg2[%get3A_13, %get3A_14, %get3A_15] : memref<2x128x128xf32, #tpu.memory_space<vmem>>, vector<1x128x128xf32>
    %get3A_17 = vector.shape_cast %get3A_16 : vector<1x128x128xf32> to vector<128x128xf32>
    %add3A_18 = arith.addf %get3A_12, %get3A_17 : vector<128x128xf32>
    %get3A_19 = arith.constant 0 : index
    %get3A_20 = arith.constant 0 : index
    %get3A_21 = vector.load %arg3[%get3A_19, %get3A_20] : memref<128x128xf32, #tpu.memory_space<vmem>>, vector<128x128xf32>
    %add3A_22 = arith.addf %add3A_18, %get3A_21 : vector<128x128xf32>
    %mul3A = vector.broadcast %rsqrt3A : vector<128x1xf32> to vector<128x128xf32>
    %mul3A_23 = arith.mulf %add3A_22, %mul3A : vector<128x128xf32>
    %get3A_24 = arith.constant 0 : index
    %get3A_25 = arith.constant 0 : index
    %get3A_26 = vector.load %arg4[%get3A_24, %get3A_25] : memref<128x512xf32, #tpu.memory_space<vmem>>, vector<128x512xf32>
    %dot_general3A = arith.constant dense<0.000000e+00> : vector<128x512xf32>
    %dot_general3A_27 = tpu.matmul %mul3A_23, %get3A_26, %dot_general3A {dimension_numbers = #tpu.dot_dimension_numbers<[1], [0], [0], [1], [0, 0, 1, 1], [], []>, transpose_lhs_hint = false} : vector<128x128xf32>, vector<128x512xf32>, vector<128x512xf32> -> vector<128x512xf32>
    %get3A_28 = arith.constant 0 : index
    %get3A_29 = arith.constant 0 : index
    %get3A_30 = vector.load %arg5[%get3A_28, %get3A_29] : memref<1x512xf32, #tpu.memory_space<vmem>>, vector<1x512xf32>
    %add3A_31 = vector.broadcast %get3A_30 : vector<1x512xf32> to vector<128x512xf32>
    %add3A_32 = arith.addf %dot_general3A_27, %add3A_31 : vector<128x512xf32>
    %max3A = arith.constant 0.000000e+00 : f32
    %max3A_33 = vector.broadcast %max3A : f32 to vector<128x512xf32>
    %max3A_34 = arith.maximumf %add3A_32, %max3A_33 : vector<128x512xf32>
    %mul3A_35 = vector.broadcast %rsqrt3A : vector<128x1xf32> to vector<128x512xf32>
    %mul3A_36 = arith.mulf %max3A_34, %mul3A_35 : vector<128x512xf32>
    %slice3A = vector.extract_strided_slice %mul3A_36 {offsets = [0, 0], sizes = [128, 128], strides = [1, 1]} : vector<128x512xf32> to vector<128x128xf32>
    %swap3A = arith.constant 0 : index
    %swap3A_37 = arith.constant 0 : index
    %swap3A_38 = vector.load %arg6[%swap3A, %swap3A_37] : memref<128x128xf32, #tpu.memory_space<vmem>>, vector<128x128xf32>
    tpu.vector_store %arg6[%swap3A, %swap3A_37], %slice3A {strides = array<i32>} : memref<128x128xf32, #tpu.memory_space<vmem>>, vector<128x128xf32>,
    %slice3A_39 = vector.extract_strided_slice %mul3A_36 {offsets = [0, 128], sizes = [128, 128], strides = [1, 1]} : vector<128x512xf32> to vector<128x128xf32>
    %swap3A_40 = arith.constant 0 : index
    %swap3A_41 = arith.constant 0 : index
    %swap3A_42 = vector.load %arg7[%swap3A_40, %swap3A_41] : memref<128x128xf32, #tpu.memory_space<vmem>>, vector<128x128xf32>
    tpu.vector_store %arg7[%swap3A_40, %swap3A_41], %slice3A_39 {strides = array<i32>} : memref<128x128xf32, #tpu.memory_space<vmem>>, vector<128x128xf32>,
    %slice3A_43 = vector.extract_strided_slice %mul3A_36 {offsets = [0, 256], sizes = [128, 128], strides = [1, 1]} : vector<128x512xf32> to vector<128x128xf32>
    %swap3A_44 = arith.constant 0 : index
    %swap3A_45 = arith.constant 0 : index
    %swap3A_46 = vector.load %arg8[%swap3A_44, %swap3A_45] : memref<128x128xf32, #tpu.memory_space<vmem>>, vector<128x128xf32>
    tpu.vector_store %arg8[%swap3A_44, %swap3A_45], %slice3A_43 {strides = array<i32>} : memref<128x128xf32, #tpu.memory_space<vmem>>, vector<128x128xf32>,
    %slice3A_47 = vector.extract_strided_slice %mul3A_36 {offsets = [0, 384], sizes = [128, 128], strides = [1, 1]} : vector<128x512xf32> to vector<128x128xf32>
    %swap3A_48 = arith.constant 0 : index
    %swap3A_49 = arith.constant 0 : index
    %swap3A_50 = vector.load %arg9[%swap3A_48, %swap3A_49] : memref<128x128xf32, #tpu.memory_space<vmem>>, vector<128x128xf32>
    tpu.vector_store %arg9[%swap3A_48, %swap3A_49], %slice3A_47 {strides = array<i32>} : memref<128x128xf32, #tpu.memory_space<vmem>>, vector<128x128xf32>,
    return
  }
  func.func @transform_0(%arg0: i32) -> (i32, i32) {
    %c0_i32 = arith.constant 0 : i32
    %c0_i32_0 = arith.constant 0 : i32
    return %arg0, %c0_i32 : i32, i32
  }
  func.func @transform_1(%arg0: i32) -> (i32, i32, i32) {
    %c0_i32 = arith.constant 0 : i32
    %c0_i32_0 = arith.constant 0 : i32
    %c0_i32_1 = arith.constant 0 : i32
    return %c0_i32, %arg0, %c0_i32_0 : i32, i32, i32
  }
  func.func @transform_2(%arg0: i32) -> (i32, i32) {
    %c0_i32 = arith.constant 0 : i32
    %c0_i32_0 = arith.constant 0 : i32
    return %arg0, %c0_i32 : i32, i32
  }
  func.func @transform_3(%arg0: i32) -> (i32, i32) {
    %c0_i32 = arith.constant 0 : i32
    %c0_i32_0 = arith.constant 0 : i32
    %c0_i32_1 = arith.constant 0 : i32
    return %c0_i32, %c0_i32_0 : i32, i32
  }
  func.func @transform_4(%arg0: i32) -> (i32, i32) {
    %c0_i32 = arith.constant 0 : i32
    %c0_i32_0 = arith.constant 0 : i32
    %c0_i32_1 = arith.constant 0 : i32
    return %c0_i32, %c0_i32_0 : i32, i32
  }
  func.func @transform_5(%arg0: i32) -> (i32, i32) {
    %c0_i32 = arith.constant 0 : i32
    %c0_i32_0 = arith.constant 0 : i32
    return %arg0, %c0_i32 : i32, i32
  }
  func.func @transform_6(%arg0: i32) -> (i32, i32) {
    %c0_i32 = arith.constant 0 : i32
    %c0_i32_0 = arith.constant 0 : i32
    return %arg0, %c0_i32 : i32, i32
  }
  func.func @transform_7(%arg0: i32) -> (i32, i32) {
    %c0_i32 = arith.constant 0 : i32
    %c0_i32_0 = arith.constant 0 : i32
    return %arg0, %c0_i32 : i32, i32
  }
  func.func @transform_8(%arg0: i32) -> (i32, i32) {
    %c0_i32 = arith.constant 0 : i32
    %c0_i32_0 = arith.constant 0 : i32
    return %arg0, %c0_i32 : i32, i32
  }
}

module attributes {stable_mosaic.version = 14 : i64} {
  func.func @_tc3_body(%arg0: i32, %arg1: memref<128x2xf32, #tpu.memory_space<vmem>>, %arg2: memref<2x128x128xf32, #tpu.memory_space<vmem>>, %arg3: memref<2x128x128xf32, #tpu.memory_space<vmem>>, %arg4: memref<2x128x128xf32, #tpu.memory_space<vmem>>, %arg5: memref<2x128x128xf32, #tpu.memory_space<vmem>>, %arg6: memref<128x128xf32, #tpu.memory_space<vmem>>, %arg7: memref<128x128xf32, #tpu.memory_space<vmem>>, %arg8: memref<128x128xf32, #tpu.memory_space<vmem>>, %arg9: memref<128x128xf32, #tpu.memory_space<vmem>>, %arg10: memref<512x512xf32, #tpu.memory_space<vmem>>, %arg11: memref<1x512xf32, #tpu.memory_space<vmem>>, %arg12: memref<512x128xf32, #tpu.memory_space<vmem>>, %arg13: memref<128x128xf32, #tpu.memory_space<vmem>>) attributes {dimension_semantics = [#tpu.dimension_semantics<arbitrary>], iteration_bounds = array<i64: 80>, scalar_prefetch = 0 : i64, scratch_operands = 0 : i64, tpu.core_type = #tpu.core_type<tc>, window_params = [{transform_indices = @transform_0, window_bounds = array<i64: 128, 2>}, {transform_indices = @transform_1, window_bounds = array<i64: 2, 128, 128>}, {transform_indices = @transform_2, window_bounds = array<i64: 2, 128, 128>}, {transform_indices = @transform_3, window_bounds = array<i64: 2, 128, 128>}, {transform_indices = @transform_4, window_bounds = array<i64: 2, 128, 128>}, {transform_indices = @transform_5, window_bounds = array<i64: 128, 128>}, {transform_indices = @transform_6, window_bounds = array<i64: 128, 128>}, {transform_indices = @transform_7, window_bounds = array<i64: 128, 128>}, {transform_indices = @transform_8, window_bounds = array<i64: 128, 128>}, {pipeline_mode = #tpu.pipeline_mode<synchronous>, transform_indices = @transform_9, window_bounds = array<i64: 512, 512>}, {pipeline_mode = #tpu.pipeline_mode<synchronous>, transform_indices = @transform_10, window_bounds = array<i64: 1, 512>}, {pipeline_mode = #tpu.pipeline_mode<synchronous>, transform_indices = @transform_11, window_bounds = array<i64: 512, 128>}, {transform_indices = @transform_12, window_bounds = array<i64: 128, 128>}]} {
    %get3A = arith.constant 0 : index
    %get3A_0 = arith.constant 0 : index
    %get3A_1 = vector.load %arg1[%get3A, %get3A_0] : memref<128x2xf32, #tpu.memory_space<vmem>>, vector<128x1xf32>
    %get3A_2 = arith.constant 0 : index
    %get3A_3 = arith.constant 1 : index
    %get3A_4 = vector.load %arg1[%get3A_2, %get3A_3] : memref<128x2xf32, #tpu.memory_space<vmem>>, vector<128x1xf32>
    %add3A = arith.addf %get3A_1, %get3A_4 : vector<128x1xf32>
    %add3A_5 = arith.constant 1.000000e+00 : f32
    %add3A_6 = vector.broadcast %add3A_5 : f32 to vector<128x1xf32>
    %add3A_7 = arith.addf %add3A, %add3A_6 : vector<128x1xf32>
    %rsqrt3A = math.rsqrt %add3A_7 : vector<128x1xf32>
    %get3A_8 = arith.constant 0 : index
    %get3A_9 = arith.constant 0 : index
    %get3A_10 = arith.constant 0 : index
    %get3A_11 = vector.load %arg2[%get3A_8, %get3A_9, %get3A_10] : memref<2x128x128xf32, #tpu.memory_space<vmem>>, vector<1x128x128xf32>
    %get3A_12 = vector.shape_cast %get3A_11 : vector<1x128x128xf32> to vector<128x128xf32>
    %get3A_13 = arith.constant 1 : index
    %get3A_14 = arith.constant 0 : index
    %get3A_15 = arith.constant 0 : index
    %get3A_16 = vector.load %arg2[%get3A_13, %get3A_14, %get3A_15] : memref<2x128x128xf32, #tpu.memory_space<vmem>>, vector<1x128x128xf32>
    %get3A_17 = vector.shape_cast %get3A_16 : vector<1x128x128xf32> to vector<128x128xf32>
    %add3A_18 = arith.addf %get3A_12, %get3A_17 : vector<128x128xf32>
    %get3A_19 = arith.constant 0 : index
    %get3A_20 = arith.constant 0 : index
    %get3A_21 = vector.load %arg6[%get3A_19, %get3A_20] : memref<128x128xf32, #tpu.memory_space<vmem>>, vector<128x128xf32>
    %add3A_22 = arith.addf %add3A_18, %get3A_21 : vector<128x128xf32>
    %mul3A = vector.broadcast %rsqrt3A : vector<128x1xf32> to vector<128x128xf32>
    %mul3A_23 = arith.mulf %add3A_22, %mul3A : vector<128x128xf32>
    %get3A_24 = arith.constant 0 : index
    %get3A_25 = arith.constant 0 : index
    %get3A_26 = arith.constant 0 : index
    %get3A_27 = vector.load %arg3[%get3A_24, %get3A_25, %get3A_26] : memref<2x128x128xf32, #tpu.memory_space<vmem>>, vector<1x128x128xf32>
    %get3A_28 = vector.shape_cast %get3A_27 : vector<1x128x128xf32> to vector<128x128xf32>
    %get3A_29 = arith.constant 1 : index
    %get3A_30 = arith.constant 0 : index
    %get3A_31 = arith.constant 0 : index
    %get3A_32 = vector.load %arg3[%get3A_29, %get3A_30, %get3A_31] : memref<2x128x128xf32, #tpu.memory_space<vmem>>, vector<1x128x128xf32>
    %get3A_33 = vector.shape_cast %get3A_32 : vector<1x128x128xf32> to vector<128x128xf32>
    %add3A_34 = arith.addf %get3A_28, %get3A_33 : vector<128x128xf32>
    %get3A_35 = arith.constant 0 : index
    %get3A_36 = arith.constant 0 : index
    %get3A_37 = vector.load %arg7[%get3A_35, %get3A_36] : memref<128x128xf32, #tpu.memory_space<vmem>>, vector<128x128xf32>
    %add3A_38 = arith.addf %add3A_34, %get3A_37 : vector<128x128xf32>
    %mul3A_39 = vector.broadcast %rsqrt3A : vector<128x1xf32> to vector<128x128xf32>
    %mul3A_40 = arith.mulf %add3A_38, %mul3A_39 : vector<128x128xf32>
    %get3A_41 = arith.constant 0 : index
    %get3A_42 = arith.constant 0 : index
    %get3A_43 = arith.constant 0 : index
    %get3A_44 = vector.load %arg4[%get3A_41, %get3A_42, %get3A_43] : memref<2x128x128xf32, #tpu.memory_space<vmem>>, vector<1x128x128xf32>
    %get3A_45 = vector.shape_cast %get3A_44 : vector<1x128x128xf32> to vector<128x128xf32>
    %get3A_46 = arith.constant 1 : index
    %get3A_47 = arith.constant 0 : index
    %get3A_48 = arith.constant 0 : index
    %get3A_49 = vector.load %arg4[%get3A_46, %get3A_47, %get3A_48] : memref<2x128x128xf32, #tpu.memory_space<vmem>>, vector<1x128x128xf32>
    %get3A_50 = vector.shape_cast %get3A_49 : vector<1x128x128xf32> to vector<128x128xf32>
    %add3A_51 = arith.addf %get3A_45, %get3A_50 : vector<128x128xf32>
    %get3A_52 = arith.constant 0 : index
    %get3A_53 = arith.constant 0 : index
    %get3A_54 = vector.load %arg8[%get3A_52, %get3A_53] : memref<128x128xf32, #tpu.memory_space<vmem>>, vector<128x128xf32>
    %add3A_55 = arith.addf %add3A_51, %get3A_54 : vector<128x128xf32>
    %mul3A_56 = vector.broadcast %rsqrt3A : vector<128x1xf32> to vector<128x128xf32>
    %mul3A_57 = arith.mulf %add3A_55, %mul3A_56 : vector<128x128xf32>
    %get3A_58 = arith.constant 0 : index
    %get3A_59 = arith.constant 0 : index
    %get3A_60 = arith.constant 0 : index
    %get3A_61 = vector.load %arg5[%get3A_58, %get3A_59, %get3A_60] : memref<2x128x128xf32, #tpu.memory_space<vmem>>, vector<1x128x128xf32>
    %get3A_62 = vector.shape_cast %get3A_61 : vector<1x128x128xf32> to vector<128x128xf32>
    %get3A_63 = arith.constant 1 : index
    %get3A_64 = arith.constant 0 : index
    %get3A_65 = arith.constant 0 : index
    %get3A_66 = vector.load %arg5[%get3A_63, %get3A_64, %get3A_65] : memref<2x128x128xf32, #tpu.memory_space<vmem>>, vector<1x128x128xf32>
    %get3A_67 = vector.shape_cast %get3A_66 : vector<1x128x128xf32> to vector<128x128xf32>
    %add3A_68 = arith.addf %get3A_62, %get3A_67 : vector<128x128xf32>
    %get3A_69 = arith.constant 0 : index
    %get3A_70 = arith.constant 0 : index
    %get3A_71 = vector.load %arg9[%get3A_69, %get3A_70] : memref<128x128xf32, #tpu.memory_space<vmem>>, vector<128x128xf32>
    %add3A_72 = arith.addf %add3A_68, %get3A_71 : vector<128x128xf32>
    %mul3A_73 = vector.broadcast %rsqrt3A : vector<128x1xf32> to vector<128x128xf32>
    %mul3A_74 = arith.mulf %add3A_72, %mul3A_73 : vector<128x128xf32>
    %concatenate3A = tpu.concatenate %mul3A_23, %mul3A_40, %mul3A_57, %mul3A_74 in 1 : vector<128x128xf32>, vector<128x128xf32>, vector<128x128xf32>, vector<128x128xf32> -> vector<128x512xf32>
    %get3A_75 = arith.constant 0 : index
    %get3A_76 = arith.constant 0 : index
    %get3A_77 = vector.load %arg10[%get3A_75, %get3A_76] : memref<512x512xf32, #tpu.memory_space<vmem>>, vector<512x512xf32>
    %dot_general3A = arith.constant dense<0.000000e+00> : vector<128x512xf32>
    %dot_general3A_78 = tpu.matmul %concatenate3A, %get3A_77, %dot_general3A {dimension_numbers = #tpu.dot_dimension_numbers<[1], [0], [0], [1], [0, 0, 1, 1], [], []>, transpose_lhs_hint = false} : vector<128x512xf32>, vector<512x512xf32>, vector<128x512xf32> -> vector<128x512xf32>
    %get3A_79 = arith.constant 0 : index
    %get3A_80 = arith.constant 0 : index
    %get3A_81 = vector.load %arg11[%get3A_79, %get3A_80] : memref<1x512xf32, #tpu.memory_space<vmem>>, vector<1x512xf32>
    %add3A_82 = vector.broadcast %get3A_81 : vector<1x512xf32> to vector<128x512xf32>
    %add3A_83 = arith.addf %dot_general3A_78, %add3A_82 : vector<128x512xf32>
    %max3A = arith.constant 0.000000e+00 : f32
    %max3A_84 = vector.broadcast %max3A : f32 to vector<128x512xf32>
    %max3A_85 = arith.maximumf %add3A_83, %max3A_84 : vector<128x512xf32>
    %get3A_86 = arith.constant 0 : index
    %get3A_87 = arith.constant 0 : index
    %get3A_88 = vector.load %arg12[%get3A_86, %get3A_87] : memref<512x128xf32, #tpu.memory_space<vmem>>, vector<512x128xf32>
    %dot_general3A_89 = arith.constant dense<0.000000e+00> : vector<128x128xf32>
    %dot_general3A_90 = tpu.matmul %max3A_85, %get3A_88, %dot_general3A_89 {dimension_numbers = #tpu.dot_dimension_numbers<[1], [0], [0], [1], [0, 0, 1, 1], [], []>, transpose_lhs_hint = false} : vector<128x512xf32>, vector<512x128xf32>, vector<128x128xf32> -> vector<128x128xf32>
    %mul3A_91 = vector.broadcast %rsqrt3A : vector<128x1xf32> to vector<128x128xf32>
    %mul3A_92 = arith.mulf %dot_general3A_90, %mul3A_91 : vector<128x128xf32>
    %swap3A = arith.constant 0 : index
    %swap3A_93 = arith.constant 0 : index
    %swap3A_94 = vector.load %arg13[%swap3A, %swap3A_93] : memref<128x128xf32, #tpu.memory_space<vmem>>, vector<128x128xf32>
    tpu.vector_store %arg13[%swap3A, %swap3A_93], %mul3A_92 {strides = array<i32>} : memref<128x128xf32, #tpu.memory_space<vmem>>, vector<128x128xf32>,
    return
  }
  func.func @transform_0(%arg0: i32) -> (i32, i32) {
    %c0_i32 = arith.constant 0 : i32
    %c0_i32_0 = arith.constant 0 : i32
    return %arg0, %c0_i32 : i32, i32
  }
  func.func @transform_1(%arg0: i32) -> (i32, i32, i32) {
    %c0_i32 = arith.constant 0 : i32
    %c0_i32_0 = arith.constant 0 : i32
    %c0_i32_1 = arith.constant 0 : i32
    return %c0_i32, %arg0, %c0_i32_0 : i32, i32, i32
  }
  func.func @transform_2(%arg0: i32) -> (i32, i32, i32) {
    %c0_i32 = arith.constant 0 : i32
    %c0_i32_0 = arith.constant 0 : i32
    %c0_i32_1 = arith.constant 0 : i32
    return %c0_i32, %arg0, %c0_i32_0 : i32, i32, i32
  }
  func.func @transform_3(%arg0: i32) -> (i32, i32, i32) {
    %c0_i32 = arith.constant 0 : i32
    %c0_i32_0 = arith.constant 0 : i32
    %c0_i32_1 = arith.constant 0 : i32
    return %c0_i32, %arg0, %c0_i32_0 : i32, i32, i32
  }
  func.func @transform_4(%arg0: i32) -> (i32, i32, i32) {
    %c0_i32 = arith.constant 0 : i32
    %c0_i32_0 = arith.constant 0 : i32
    %c0_i32_1 = arith.constant 0 : i32
    return %c0_i32, %arg0, %c0_i32_0 : i32, i32, i32
  }
  func.func @transform_5(%arg0: i32) -> (i32, i32) {
    %c0_i32 = arith.constant 0 : i32
    %c0_i32_0 = arith.constant 0 : i32
    return %arg0, %c0_i32 : i32, i32
  }
  func.func @transform_6(%arg0: i32) -> (i32, i32) {
    %c0_i32 = arith.constant 0 : i32
    %c0_i32_0 = arith.constant 0 : i32
    return %arg0, %c0_i32 : i32, i32
  }
  func.func @transform_7(%arg0: i32) -> (i32, i32) {
    %c0_i32 = arith.constant 0 : i32
    %c0_i32_0 = arith.constant 0 : i32
    return %arg0, %c0_i32 : i32, i32
  }
  func.func @transform_8(%arg0: i32) -> (i32, i32) {
    %c0_i32 = arith.constant 0 : i32
    %c0_i32_0 = arith.constant 0 : i32
    return %arg0, %c0_i32 : i32, i32
  }
  func.func @transform_9(%arg0: i32) -> (i32, i32) {
    %c0_i32 = arith.constant 0 : i32
    %c0_i32_0 = arith.constant 0 : i32
    %c0_i32_1 = arith.constant 0 : i32
    return %c0_i32, %c0_i32_0 : i32, i32
  }
  func.func @transform_10(%arg0: i32) -> (i32, i32) {
    %c0_i32 = arith.constant 0 : i32
    %c0_i32_0 = arith.constant 0 : i32
    %c0_i32_1 = arith.constant 0 : i32
    return %c0_i32, %c0_i32_0 : i32, i32
  }
  func.func @transform_11(%arg0: i32) -> (i32, i32) {
    %c0_i32 = arith.constant 0 : i32
    %c0_i32_0 = arith.constant 0 : i32
    %c0_i32_1 = arith.constant 0 : i32
    return %c0_i32, %c0_i32_0 : i32, i32
  }
  func.func @transform_12(%arg0: i32) -> (i32, i32) {
    %c0_i32 = arith.constant 0 : i32
    %c0_i32_0 = arith.constant 0 : i32
    return %arg0, %c0_i32 : i32, i32
  }
}

module attributes {stable_mosaic.version = 14 : i64} {
  func.func @_tc4_body(%arg0: i32, %arg1: memref<128x2xf32, #tpu.memory_space<vmem>>, %arg2: memref<2x128x128xf32, #tpu.memory_space<vmem>>, %arg3: memref<128x128xf32, #tpu.memory_space<vmem>>, %arg4: memref<1x128xf32, #tpu.memory_space<vmem>>, %arg5: memref<128x128xf32, #tpu.memory_space<vmem>>) attributes {dimension_semantics = [#tpu.dimension_semantics<arbitrary>], iteration_bounds = array<i64: 79>, scalar_prefetch = 0 : i64, scratch_operands = 0 : i64, tpu.core_type = #tpu.core_type<tc>, window_params = [{transform_indices = @transform_0, window_bounds = array<i64: 128, 2>}, {transform_indices = @transform_1, window_bounds = array<i64: 2, 128, 128>}, {transform_indices = @transform_2, window_bounds = array<i64: 128, 128>}, {pipeline_mode = #tpu.pipeline_mode<synchronous>, transform_indices = @transform_3, window_bounds = array<i64: 1, 128>}, {transform_indices = @transform_4, window_bounds = array<i64: 128, 128>}]} {
    %get3A = arith.constant 0 : index
    %get3A_0 = arith.constant 0 : index
    %get3A_1 = vector.load %arg1[%get3A, %get3A_0] : memref<128x2xf32, #tpu.memory_space<vmem>>, vector<128x1xf32>
    %get3A_2 = arith.constant 0 : index
    %get3A_3 = arith.constant 1 : index
    %get3A_4 = vector.load %arg1[%get3A_2, %get3A_3] : memref<128x2xf32, #tpu.memory_space<vmem>>, vector<128x1xf32>
    %add3A = arith.addf %get3A_1, %get3A_4 : vector<128x1xf32>
    %add3A_5 = arith.constant 1.000000e+00 : f32
    %add3A_6 = vector.broadcast %add3A_5 : f32 to vector<128x1xf32>
    %add3A_7 = arith.addf %add3A, %add3A_6 : vector<128x1xf32>
    %rsqrt3A = math.rsqrt %add3A_7 : vector<128x1xf32>
    %get3A_8 = arith.constant 0 : index
    %get3A_9 = arith.constant 0 : index
    %get3A_10 = arith.constant 0 : index
    %get3A_11 = vector.load %arg2[%get3A_8, %get3A_9, %get3A_10] : memref<2x128x128xf32, #tpu.memory_space<vmem>>, vector<1x128x128xf32>
    %get3A_12 = vector.shape_cast %get3A_11 : vector<1x128x128xf32> to vector<128x128xf32>
    %get3A_13 = arith.constant 1 : index
    %get3A_14 = arith.constant 0 : index
    %get3A_15 = arith.constant 0 : index
    %get3A_16 = vector.load %arg2[%get3A_13, %get3A_14, %get3A_15] : memref<2x128x128xf32, #tpu.memory_space<vmem>>, vector<1x128x128xf32>
    %get3A_17 = vector.shape_cast %get3A_16 : vector<1x128x128xf32> to vector<128x128xf32>
    %add3A_18 = arith.addf %get3A_12, %get3A_17 : vector<128x128xf32>
    %get3A_19 = arith.constant 0 : index
    %get3A_20 = arith.constant 0 : index
    %get3A_21 = vector.load %arg3[%get3A_19, %get3A_20] : memref<128x128xf32, #tpu.memory_space<vmem>>, vector<128x128xf32>
    %add3A_22 = arith.addf %add3A_18, %get3A_21 : vector<128x128xf32>
    %mul3A = vector.broadcast %rsqrt3A : vector<128x1xf32> to vector<128x128xf32>
    %mul3A_23 = arith.mulf %add3A_22, %mul3A : vector<128x128xf32>
    %get3A_24 = arith.constant 0 : index
    %get3A_25 = arith.constant 0 : index
    %get3A_26 = vector.load %arg4[%get3A_24, %get3A_25] : memref<1x128xf32, #tpu.memory_space<vmem>>, vector<1x128xf32>
    %add3A_27 = vector.broadcast %get3A_26 : vector<1x128xf32> to vector<128x128xf32>
    %add3A_28 = arith.addf %mul3A_23, %add3A_27 : vector<128x128xf32>
    %swap3A = arith.constant 0 : index
    %swap3A_29 = arith.constant 0 : index
    %swap3A_30 = vector.load %arg5[%swap3A, %swap3A_29] : memref<128x128xf32, #tpu.memory_space<vmem>>, vector<128x128xf32>
    tpu.vector_store %arg5[%swap3A, %swap3A_29], %add3A_28 {strides = array<i32>} : memref<128x128xf32, #tpu.memory_space<vmem>>, vector<128x128xf32>,
    return
  }
  func.func @transform_0(%arg0: i32) -> (i32, i32) {
    %c0_i32 = arith.constant 0 : i32
    %c0_i32_0 = arith.constant 0 : i32
    return %arg0, %c0_i32 : i32, i32
  }
  func.func @transform_1(%arg0: i32) -> (i32, i32, i32) {
    %c0_i32 = arith.constant 0 : i32
    %c0_i32_0 = arith.constant 0 : i32
    %c0_i32_1 = arith.constant 0 : i32
    return %c0_i32, %arg0, %c0_i32_0 : i32, i32, i32
  }
  func.func @transform_2(%arg0: i32) -> (i32, i32) {
    %c0_i32 = arith.constant 0 : i32
    %c0_i32_0 = arith.constant 0 : i32
    return %arg0, %c0_i32 : i32, i32
  }
  func.func @transform_3(%arg0: i32) -> (i32, i32) {
    %c0_i32 = arith.constant 0 : i32
    %c0_i32_0 = arith.constant 0 : i32
    %c0_i32_1 = arith.constant 0 : i32
    return %c0_i32, %c0_i32_0 : i32, i32
  }
  func.func @transform_4(%arg0: i32) -> (i32, i32) {
    %c0_i32 = arith.constant 0 : i32
    %c0_i32_0 = arith.constant 0 : i32
    return %arg0, %c0_i32 : i32, i32
  }
}

</mosaic_0001>

<sc_bundles>
// kernel: kernel.10.cloned.1.call-start
scs
__scs_entry_jumppad:
0x0: {  	(pc) =	sbr.rel $0x88, $3  }
0x1: {  	(tag) =	ssettag $0x0;
	lr =	simm.s32 $0x1  }
0x2: {  	[smem:$0x3F99] =	sst lr;
	_ =	strace $0xD0000000  }
0x3: {  	_ = 	snop  }
0x4: {  	_ = 	snop  }
0x5: {  	_ = 	snop  }
0x6: {  	_ = 	snop  }
0x7: {  	_ = 	snop  }
__scs_overlays_trampoline_lowered:
0x8: {  	[smem:$0x3FA8] =	sst s0  }
0x9: {  	[smem:$0x3FA9] =	sst s1  }
0xa: {  	[smem:$0x3FAA] =	sst s2  }
0xb: {  	[smem:$0x3FAB] =	sst s3  }
0xc: {  	[smem:$0x3FAC] =	sst s4  }
0xd: {  	[smem:$0x3FAD] =	sst s5  }
0xe: {  	[smem:$0x3FAE] =	sst s6  }
0xf: {  	[smem:$0x3FAF] =	sst s7  }
0x10: {  	[smem:$0x3FB0] =	sst s8  }
0x11: {  	[smem:$0x3FB1] =	sst s9;
	s0 =	simm.s32 @!p0 $0x0  }
0x12: {  	s1 =	sld [smem:$0x3F97];
	s0 =	simm.s32 @p0 $0x1  }
0x13: {  	[smem:$0x3FB2] =	sst s0;
	s0 =	simm.s32 @!p1 $0x0  }
0x14: {  	s2 =	sld [smem:$0x3F96];
	s0 =	simm.s32 @p1 $0x1  }
0x15: {  	[smem:$0x3FB3] =	sst s0;
	s0 =	simm.s32 @!p2 $0x0  }
0x16: {  	s3 =	sld [smem:$0x3FDB];
	s0 =	simm.s32 @p2 $0x1  }
0x17: {  	s4 =	simm.s32 $0x1BF5;
	[smem:$0x3FB5] =	sst s0  }
0x18: {  	s0 =	sld [smem:$0x3F98];
	_ =	swait.ge [sflag:s4], $0x0  }
0x19: {  	s7 =	sld [smem:$0x3F99]  }
0x1a: {  	s8 =	sadd.s32 $0xFFFFE003, lr  }
0x1b: {  	s9 =	sadd.s32 $0xFFFFFEF7, lr;
	s5 =	simm.s32 $0xFFFFFFFF;
	p2 =	slt.u32 s8, $0xFFFFF086  }
0x1c: {  	p1 =	slt.u32 s9, $0xF7A;
	s5 =	simm.s32 @!p2 $0x0  }
0x1d: {  	s5 =	simm.s32 @p1 $0x1;
	p0 =	seq.s32 s7, s2  }
0x1e: {  	s7 =	smul.u32 @!p0 $0xF7A, s2;
	p2 =	seq.s32 @!p0 s5, $0x0  }
0x1f: {  	s9 =	smul.u32 $0xF7A, s1;
	s8 =	simm.s32 @!p0 $0x1BF5;
	p2 =	por !p2, p0  }
0x20: {  	[sflag:s8] =	ssyncset.s32 @!p0 $0xFFFFF086;
	s6 =	sadd.s32 @!p0 s3, s7;
	s7 =	simm.s32 @!p0 $0x108  }
0x21: {  	s3 =	sadd.s32 s3, s9;
	s6 =	sadd.s32 @!p0 $0x88, s6;
	s7 =	simm.s32 @p2 $0x1082  }
0x22: {  	[simem:s7], [sflag:s8] =	dma.local @!p0 [hbm:s6], $0xF7A  }
0x23: {  	s9 =	sor.u32 $0xD0000000, s2;
	s6 =	simm.s32 $0x108;
	_ =	swait.ge @!p0 [sflag:s8], $0x0  }
0x24: {  	s3 =	sadd.s32 $0x88, s3;
	s6 =	simm.s32 @!p1 $0x1082;
	[sflag:s4] =	ssyncset.s32 $0xFFFFF086  }
0x25: {  	[simem:s6], [sflag:s4] =	dma.local [hbm:s3], $0xF7A  }
0x26: {  	[smem:$0x3F99] =	sst s1;
	(tag) =	ssettag s2;
	_ =	strace s9  }
0x27: {  	s1 =	sld [smem:$0x3FA9]  }
0x28: {  	s2 =	sld [smem:$0x3FAA]  }
0x29: {  	s4 =	sld [smem:$0x3FAC]  }
0x2a: {  	p0 =	seq.s32 s5, $0x0;
	s5 =	sld [smem:$0x3FAD]  }
0x2b: {  	s6 =	sld [smem:$0x3FAE]  }
0x2c: {  	s7 =	sld [smem:$0x3FAF]  }
0x2d: {  	s3 =	simm.s32 $0x108;
	s8 =	sld [smem:$0x3FB0]  }
0x2e: {  	s3 =	simm.s32 @!p0 $0x1082;
	s9 =	sld [smem:$0x3FB1]  }
0x2f: {  	lr =	sadd.s32 s0, s3;
	s0 =	sld [smem:$0x3FA8]  }
0x30: {  	s3 =	sld [smem:$0x3FAB]  }
0x31: {  	[smem:$0x3FB4] =	sst s10  }
0x32: {  	s10 =	sld [smem:$0x3FB2];
	_ =	sdelay $0x3  }
0x33: {  	p0 =	seq.s32 s10, $0x1;
	s10 =	sld [smem:$0x3FB4];
	_ =	sdelay $0x3  }
0x34: {  	[smem:$0x3FB4] =	sst s10  }
0x35: {  	s10 =	sld [smem:$0x3FB3];
	_ =	sdelay $0x3  }
0x36: {  	p1 =	seq.s32 s10, $0x1;
	s10 =	sld [smem:$0x3FB4];
	_ =	sdelay $0x3  }
0x37: {  	[smem:$0x3FB4] =	sst s10  }
0x38: {  	s10 =	sld [smem:$0x3FB5]  }
0x39: {  	_ = 	snop;
	(pc) =	sbr.ind lr, $3  }
0x3a: {  	_ = 	snop  }
0x3b: {  	_ = 	snop  }
0x3c: {  	p2 =	seq.s32 s10, $0x1;
	s10 =	sld [smem:$0x3FB4]  }
0x3d: {  	_ =	shalt  }
0x3e: {  	_ =	shalt  }
0x3f: {  	_ =	shalt  }
0x40: {  	_ =	shalt  }
0x41: {  	_ =	shalt  }
0x42: {  	_ =	shalt  }
0x43: {  	_ =	shalt  }
0x44: {  	_ =	shalt  }
0x45: {  	_ =	shalt  }
0x46: {  	_ =	shalt  }
0x47: {  	_ =	shalt  }
0x48: {  	_ =	shalt  }
0x49: {  	_ =	shalt  }
0x4a: {  	_ =	shalt  }
0x4b: {  	_ =	shalt  }
0x4c: {  	_ =	shalt  }
0x4d: {  	_ =	shalt  }
0x4e: {  	_ =	shalt  }
0x4f: {  	_ =	shalt  }
0x50: {  	_ =	shalt  }
0x51: {  	_ =	shalt  }
0x52: {  	_ =	shalt  }
0x53: {  	_ =	shalt  }
0x54: {  	_ =	shalt  }
0x55: {  	_ =	shalt  }
0x56: {  	_ =	shalt  }
0x57: {  	_ =	shalt  }
0x58: {  	_ =	shalt  }
0x59: {  	_ =	shalt  }
0x5a: {  	_ =	shalt  }
0x5b: {  	_ =	shalt  }
0x5c: {  	_ =	shalt  }
0x5d: {  	_ =	shalt  }
0x5e: {  	_ =	shalt  }
0x5f: {  	_ =	shalt  }
0x60: {  	_ =	shalt  }
0x61: {  	_ =	shalt  }
0x62: {  	_ =	shalt  }
0x63: {  	_ =	shalt  }
0x64: {  	_ =	shalt  }
0x65: {  	_ =	shalt  }
0x66: {  	_ =	shalt  }
0x67: {  	_ =	shalt  }
0x68: {  	_ =	shalt  }
0x69: {  	_ =	shalt  }
0x6a: {  	_ =	shalt  }
0x6b: {  	_ =	shalt  }
0x6c: {  	_ =	shalt  }
0x6d: {  	_ =	shalt  }
0x6e: {  	_ =	shalt  }
0x6f: {  	_ =	shalt  }
0x70: {  	_ =	shalt  }
0x71: {  	_ =	shalt  }
0x72: {  	_ =	shalt  }
0x73: {  	_ =	shalt  }
0x74: {  	_ =	shalt  }
0x75: {  	_ =	shalt  }
0x76: {  	_ =	shalt  }
0x77: {  	_ =	shalt  }
0x78: {  	_ =	shalt  }
0x79: {  	_ =	shalt  }
0x7a: {  	_ =	shalt  }
0x7b: {  	_ =	shalt  }
0x7c: {  	_ =	shalt  }
0x7d: {  	_ =	shalt  }
0x7e: {  	_ =	shalt  }
0x7f: {  	_ =	shalt  }
0x80: {  	_ =	shalt  }
0x81: {  	_ =	shalt  }
0x82: {  	_ =	shalt  }
0x83: {  	_ =	shalt  }
0x84: {  	_ =	shalt  }
0x85: {  	_ =	shalt  }
0x86: {  	_ =	shalt  }
0x87: {  	_ =	shalt  }
.Lfunc_end0:
.L_simem_size_0:
called_computation_lowered:
.L_overlay_start_0:
0x88: {  	s2 =	sld [smem:$0x3FD9]  }
0x89: {  	s3 =	sld [smem:$0x3FFE];
	_ =	sdelay $0x1  }
0x8a: {  	s1 =	srdreg.scid  }
0x8b: {  	s0 =	sand.u32 $0x1, s1  }
0x8c: {  	s17 =	sshll.u32 s0, $0xA;
	s2 =	sadd.s32 s3, s2  }
0x8d: {  	s2 =	sadd.s32 s2, s17  }
0x8e: {  	[smem:$0x3FC0] =	sst s2  }
0x8f: {  	_ = 	snop  }
0x90: {  	s2 =	sld [smem:$0x3FD0];
	(tm) =	ssettm $0x1  }
0x91: {  	s18 =	sld [smem:$0x3FFB];
	_ =	sdelay $0x3  }
0x92: {  	_ =	strace s18  }
0x93: {  	s3 =	sld [smem:$0x3FFC];
	_ =	sdelay $0x3  }
0x94: {  	_ =	strace s3  }
0x95: {  	s3 =	sld [smem:$0x3FFD];
	_ =	sdelay $0x3  }
0x96: {  	_ =	strace s3  }
0x97: {  	_ =	strace $0x8FFFFFFF  }
0x98: {  	s19 =	sld [smem:$0x3FDB];
	_ =	sdelay $0x1  }
0x99: {  	s4 =	simm.s32 $_scs_section_size  }
0x9a: {  	s5 =	simm.s32 $_size__tile_overlayer_lowered;
	s6 =	simm.s32 $_tile_overlayer_lowered  }
0x9b: {  	s22 =	simm.s32 $0x1BFF;
	s21 =	sshll.u32 s6, $0x1;
	s3 =	sadd.s32 s4, s19  }
0x9c: {  	s7 =	simm.s32 $0x0;
	s20 =	sshll.u32 s5, $0x1;
	s5 =	sadd.s32 s21, s3  }
0x9d: {  	[timem:s7], [sflag:s22] =	dma.local [hbm:s5], s20  }
0x9e: {  	_ =	swait.ge [sflag:s22], s20  }
0x9f: {  	s4 =	ssub.s32 $0x0, s20;
	[sflag:s22] =	ssyncset.done $0x0  }
0xa0: {  	[sflag:s22] =	ssyncadd.s32 s4;
	_ =	sdelay $0x1  }
0xa1: {  	s23 =	simm.s32 $0x1B8B  }
0xa2: {  	_ =	swait.ge [sflag:s23], $0x1  }
0xa3: {  	[sflag:s23] =	ssyncset.done $0x0  }
0xa4: {  	s25 =	simm.s32 $0x1B8E;
	s24 =	sld [smem:$0x3FFE];
	[sflag:s23] =	ssyncadd.s32 $0xFFFFFFFF  }
0xa5: {  	s26 =	simm.s32 $execute0_lowered;
	[smem:$0x3FD2] =	sst s25  }
0xa6: {  	s5 =	sshll.u32 s26, $0x1;
	_ =	strace $0x80000046;
	[dreg:$0x1] =	wrdreg $0xFFFFFFFF  }
0xa7: {  	s28 =	simm.s32 $_size_execute0_lowered;
	s3 =	sadd.s32 s3, s5;
	[dreg:$0x0] =	wrdreg $0x0  }
0xa8: {  	s5 =	sshll.u32 s28, $0x1;
	[dreg:$0x2] =	wrdreg s3  }
0xa9: {  	[dreg:$0x3] =	wrdreg s5  }
0xaa: {  	[dreg:$0x4] =	wrdreg $0xC0  }
0xab: {  	_ =	task [dreg:s7], $0x5FFFF  }
0xac: {  	[dreg:$0x1] =	wrdreg $0xFFFFFFFF  }
0xad: {  	[dreg:$0x0] =	wrdreg $0x60  }
0xae: {  	[dreg:$0x2] =	wrdreg s2  }
0xaf: {  	[dreg:$0x3] =	wrdreg s24  }
0xb0: {  	[dreg:$0x4] =	wrdreg $0x0  }
0xb1: {  	[dreg:$0x5] =	wrdreg $0x9  }
0xb2: {  	_ =	task.clear_ibuf [dreg:s7], $0x6FFFF;
	_ =	strace $0x90000046  }
0xb3: {  	s29 =	simm.s32 $0x9;
	_ =	strace $0x80000048  }
0xb4: {  	_ =	swait.ge [sflag:s29], $0x1  }
0xb5: {  	[sflag:s29] =	ssyncadd.s32 $0xFFFFFFFF  }
0xb6: {  	_ =	strace $0x90000048  }
0xb7: {  	_ =	sfence  }
0xb8: {  	s30 =	sld [smem:$0x0];
	_ =	sdelay $0x2  }
0xb9: {  	s31 =	sshll.u32 s1, $0xD;
	s1 =	sshrl.u32 s1, $0x2  }
0xba: {  	s3 =	sand.u32 $0x4000, s31;
	s1 =	sadd.s32 s1, s30  }
0xbb: {  	s0 =	sor.u32 s3, s0;
	s1 =	sshll.u32 s1, $0x11  }
0xbc: {  	s0 =	sor.u32 s1, s0  }
0xbd: {  	s0 =	sadd.s32 $0x8F2B, s0  }
0xbe: {  	[sflag:s0] =	ssyncadd.remote.s32 $0x1  }
0xbf: {  	_ =	sfence.sel $0xFFFF  }
0xc0: {  	[dreg:$0x0] =	wrdreg $0xFFFFFFFF;
	(pc) =	sbr.abs _section_cstart, $3  }
0xc1: {  	[dreg:$0x1] =	wrdreg $0xFFFFFFFF  }
0xc2: {  	_ =	task.clear_ibuf [dreg:s7], $0x2FFFF;
	_ =	strace $0x9FFFFFFF  }
0xc3: {  	(tm) =	ssettm $0x7FFFFFFF  }
tec
execute0_lowered:
.L_overlay_start_1:
0x0: {  	(tag) =	ssettag $0x1  }
0x1: {  	s6 =	rddreg [dreg:$0x0]  }
0x2: {  	s7 =	rddreg [dreg:$0x1]  }
0x3: {  	s2 =	rddreg [dreg:$0x2]  }
0x4: {  	s0 =	rddreg [dreg:$0x3]  }
0x5: {  	s4 =	srdreg.scid;
	s1 =	stileid.u32  }
0x6: {  	s3 =	simm.s32 $0x0;
	s13 =	simm.s32 $0x2B00;
	s14 =	simm.s32 $0x80  }
0x7: {  	s15 =	simm.s32 $0x0;
	s5 =	sand.u32 $0x1, s4;
	s8 =	smul.u32 $0x280, s1  }
0x8: {  	[smem:$0x7FF] =	sst s3;
	s10 =	sshll.u32 s1, $0x1;
	s4 =	sadd.s32 $0x4000, s7  }
0x9: {  	s9 =	smul.u32 $0x2800, s5;
	s10 =	sor.u32 s5, s10;
	s11 =	ssub.s32 $0x2, s5  }
0xa: {  	_ =	strace $0x80000047;
	s10 =	smul.u32 $0x500, s10;
	s12 =	sshrl.u32 s11, $0x1  }
0xb: {  	s5 =	sadd.s32 $0x4200, s7;
	s9 =	sadd.s32 s8, s9;
	s11 =	ssub.s32 s11, s12  }
0xc: {  	s12 =	simm.s32 $0x2A80;
	s9 =	sshrl.u32 s9, $0x3;
	s6 =	sadd.s32 s6, s10  }
0xd: {  	s10 =	simm.s32 $0x280;
	s9 =	sadd.s32 s9, s7;
	s7 =	sadd.s32 s8, s2  }
0xe: {  	s8 =	sadd.s32 $0x4400, s9;
	s9 =	smax.u32 s11, $0x1;
	s11 =	simm.s32 $0x1  }
.LBB2_1:
0xf: {  	[tilespmem:s10], [sflag:$0x1] =	stream.linear.gather [hbm4b:s6+s3], $0x2780, $0x38;
	[tilespmem:$0x2D80] =	vst v63  }
0x10: {  	_ =	swait.ge [sflag:s11], $0x2780  }
0x11: {  	[sflag:s11] =	ssyncset.done $0x0  }
0x12: {  	[sflag:s11] =	ssyncadd.s32 $0xFFFFD880  }
0x13: {  	[tilespmem:s12], [sflag:$0x1] =	stream.linear.gather [hbm4b:s4+s3], $0x80, $0x38;
	[tilespmem:$0x2D80] =	vst v63  }
0x14: {  	_ =	swait.ge [sflag:s11], $0x80  }
0x15: {  	[sflag:s11] =	ssyncset.done $0x0  }
0x16: {  	[sflag:s11] =	ssyncadd.s32 $0xFFFFFF80  }
0x17: {  	[tilespmem:s13], [sflag:$0x1] =	stream.linear.gather [hbm4b:s5+s3], $0x280, $0x38;
	[tilespmem:$0x2D80] =	vst v63  }
0x18: {  	_ =	swait.ge [sflag:s11], $0x280  }
0x19: {  	[sflag:s11] =	ssyncset.done $0x0  }
0x1a: {  	[sflag:s11] =	ssyncadd.s32 $0xFFFFFD80  }
0x1b: {  	[spmem:s7] =	stream.linear.scatter [tilespmem:s13], [sflag:$0x1], $0x280, $0x38;
	[tilespmem:$0x2D80] =	vst v63  }
0x1c: {  	_ =	swait.ge [sflag:s11], $0x280  }
0x1d: {  	[sflag:s11] =	ssyncset.done $0x0  }
0x1e: {  	[sflag:s11] =	ssyncadd.s32 $0xFFFFFD80  }
0x1f: {  	s16 =	simm.s32 $0x280;
	[bflag:$0x0] =	sbarrier.arrive $0xFFFF  }
0x20: {  	[spmem:s2] =	stream.indirect.scatter.add.f32 [tilespmem:s12], [sflag:$0x1], $0x1, s16, s14, $0xb8;
	[tilespmem:$0x2D80] =	vst v63  }
0x21: {  	s16 =	simm.s32 $0x200;
	_ =	swait.ge [sflag:s11], $0x80  }
.LBB2_2:
0x22: {  	s17 =	sshra.s32 s16, $0x2;
	[sflag:s11] =	ssyncset.done $0x0;
	p0 =	sne.s32 s16, $0x9C00  }
.Ltmp0:
0x23: {  	s17 =	sadd.s32 $0x280, s17;
	[sflag:s11] =	ssyncadd.s32 $0xFFFFFF80;
	(pc) =	sbr.rel @p0 .LBB2_2-.Ltmp0, $3  }
0x24: {  	[spmem:s2] =	stream.indirect.scatter.add.f32 [tilespmem:s12], [sflag:$0x1], $0x1, s17, s14, $0xb8;
	[tilespmem:$0x2D80] =	vst v63  }
0x25: {  	s16 =	sadd.s32 $0x200, s16;
	_ =	sdelay $0x1  }
0x26: {  	_ =	swait.ge [sflag:s11], $0x80  }
0x27: {  	[sflag:s11] =	ssyncset.done $0x0  }
0x28: {  	[sflag:s11] =	ssyncadd.s32 $0xFFFFFF80  }
0x29: {  	[bflag:$0x0] =	sbarrier.arrive $0xFFFF  }
0x2a: {  	[tilespmem:s13], [sflag:$0x1] =	stream.linear.gather [spmem:s7], $0x280, $0x38;
	[tilespmem:$0x2D80] =	vst v63  }
0x2b: {  	s15 =	sadd.s32 $0x1, s15;
	_ =	swait.ge [sflag:s11], $0x280  }
0x2c: {  	p0 =	sne.s32 s15, s9;
	[sflag:s11] =	ssyncset.done $0x0  }
.Ltmp1:
0x2d: {  	[sflag:s11] =	ssyncadd.s32 $0xFFFFFD80;
	(pc) =	sbr.rel @p0 .LBB2_1-.Ltmp1, $4  }
0x2e: {  	[hbm4b:s8+s3] =	stream.linear.scatter [tilespmem:s13], [sflag:$0x1], $0x280, $0x38;
	[tilespmem:$0x2D80] =	vst v63  }
0x2f: {  	_ =	swait.ge [sflag:s11], $0x280  }
0x30: {  	[sflag:s11] =	ssyncset.done $0x0  }
0x31: {  	[sflag:s11] =	ssyncadd.s32 $0xFFFFFD80  }
0x32: {  	_ =	sfence.sel $0x180000  }
0x33: {  	[bflag:$0x0] =	sbarrier.arrive $0xFFFF  }
0x34: {  	p0 =	sne.s32 s1, $0x0;
	_ =	strace $0x90000047  }
0x35: {  	s0 =	sadd.s32 @!p0 $0x100000, s0;
	[bflag:$0x2] =	sbarrier.arrive $0xFFFF  }
0x36: {  	[sflag:s0] =	ssyncadd.tile.s32 @!p0 $0x1;
	_ =	shalt  }
.Lfunc_end2:
_tile_overlayer_lowered:
.L_overlay_start_2:
0x37: {  	(tag) =	ssettag $0x2  }
0x38: {  	s0 =	rddreg [dreg:$0x0];
	s2 =	stileid.u32  }
0x39: {  	s1 =	rddreg [dreg:$0x1];
	p0 =	sne.s32 s2, $0x0  }
0x3a: {  	s3 =	rddreg [dreg:$0x2];
	[bflag:$0x3] =	sbarrier.arrive $0xFFFF;
	s2 =	simm.s32 @!p0 $0x1C01  }
0x3b: {  	[timem:s3], [sflag:s2] =	dma.local @!p0 [hbm:s0], s1  }
0x3c: {  	s0 =	simm.s32 @!p0 $0x1  }
0x3d: {  	_ =	swait.ge @!p0 [sflag:s0], s1  }
0x3e: {  	s1 =	ssub.s32 @!p0 $0x0, s1;
	[sflag:s0] =	ssyncset.done @!p0 $0x0  }
0x3f: {  	[sflag:s0] =	ssyncadd.s32 @!p0 s1  }
0x40: {  	[bflag:$0x3] =	sbarrier.arrive $0xFFFF  }
0x41: {  	_ =	shalt  }

// kernel: kernel.13.cloned.1.call-start
scs
__scs_entry_jumppad:
0x0: {  	(pc) =	sbr.rel $0x88, $3  }
0x1: {  	(tag) =	ssettag $0x0;
	lr =	simm.s32 $0x1  }
0x2: {  	[smem:$0x3F99] =	sst lr;
	_ =	strace $0xD0000000  }
0x3: {  	_ = 	snop  }
0x4: {  	_ = 	snop  }
0x5: {  	_ = 	snop  }
0x6: {  	_ = 	snop  }
0x7: {  	_ = 	snop  }
__scs_overlays_trampoline_lowered:
0x8: {  	[smem:$0x3FA8] =	sst s0  }
0x9: {  	[smem:$0x3FA9] =	sst s1  }
0xa: {  	[smem:$0x3FAA] =	sst s2  }
0xb: {  	[smem:$0x3FAB] =	sst s3  }
0xc: {  	[smem:$0x3FAC] =	sst s4  }
0xd: {  	[smem:$0x3FAD] =	sst s5  }
0xe: {  	[smem:$0x3FAE] =	sst s6  }
0xf: {  	[smem:$0x3FAF] =	sst s7  }
0x10: {  	[smem:$0x3FB0] =	sst s8  }
0x11: {  	[smem:$0x3FB1] =	sst s9;
	s0 =	simm.s32 @!p0 $0x0  }
0x12: {  	s1 =	sld [smem:$0x3F97];
	s0 =	simm.s32 @p0 $0x1  }
0x13: {  	[smem:$0x3FB2] =	sst s0;
	s0 =	simm.s32 @!p1 $0x0  }
0x14: {  	s2 =	sld [smem:$0x3F96];
	s0 =	simm.s32 @p1 $0x1  }
0x15: {  	[smem:$0x3FB3] =	sst s0;
	s0 =	simm.s32 @!p2 $0x0  }
0x16: {  	s3 =	sld [smem:$0x3FDB];
	s0 =	simm.s32 @p2 $0x1  }
0x17: {  	s4 =	simm.s32 $0x1BF5;
	[smem:$0x3FB5] =	sst s0  }
0x18: {  	s0 =	sld [smem:$0x3F98];
	_ =	swait.ge [sflag:s4], $0x0  }
0x19: {  	s7 =	sld [smem:$0x3F99]  }
0x1a: {  	s8 =	sadd.s32 $0xFFFFE003, lr  }
0x1b: {  	s9 =	sadd.s32 $0xFFFFFEF7, lr;
	s5 =	simm.s32 $0xFFFFFFFF;
	p2 =	slt.u32 s8, $0xFFFFF086  }
0x1c: {  	p1 =	slt.u32 s9, $0xF7A;
	s5 =	simm.s32 @!p2 $0x0  }
0x1d: {  	s5 =	simm.s32 @p1 $0x1;
	p0 =	seq.s32 s7, s2  }
0x1e: {  	s7 =	smul.u32 @!p0 $0xF7A, s2;
	p2 =	seq.s32 @!p0 s5, $0x0  }
0x1f: {  	s9 =	smul.u32 $0xF7A, s1;
	s8 =	simm.s32 @!p0 $0x1BF5;
	p2 =	por !p2, p0  }
0x20: {  	[sflag:s8] =	ssyncset.s32 @!p0 $0xFFFFF086;
	s6 =	sadd.s32 @!p0 s3, s7;
	s7 =	simm.s32 @!p0 $0x108  }
0x21: {  	s3 =	sadd.s32 s3, s9;
	s6 =	sadd.s32 @!p0 $0x88, s6;
	s7 =	simm.s32 @p2 $0x1082  }
0x22: {  	[simem:s7], [sflag:s8] =	dma.local @!p0 [hbm:s6], $0xF7A  }
0x23: {  	s9 =	sor.u32 $0xD0000000, s2;
	s6 =	simm.s32 $0x108;
	_ =	swait.ge @!p0 [sflag:s8], $0x0  }
0x24: {  	s3 =	sadd.s32 $0x88, s3;
	s6 =	simm.s32 @!p1 $0x1082;
	[sflag:s4] =	ssyncset.s32 $0xFFFFF086  }
0x25: {  	[simem:s6], [sflag:s4] =	dma.local [hbm:s3], $0xF7A  }
0x26: {  	[smem:$0x3F99] =	sst s1;
	(tag) =	ssettag s2;
	_ =	strace s9  }
0x27: {  	s1 =	sld [smem:$0x3FA9]  }
0x28: {  	s2 =	sld [smem:$0x3FAA]  }
0x29: {  	s4 =	sld [smem:$0x3FAC]  }
0x2a: {  	p0 =	seq.s32 s5, $0x0;
	s5 =	sld [smem:$0x3FAD]  }
0x2b: {  	s6 =	sld [smem:$0x3FAE]  }
0x2c: {  	s7 =	sld [smem:$0x3FAF]  }
0x2d: {  	s3 =	simm.s32 $0x108;
	s8 =	sld [smem:$0x3FB0]  }
0x2e: {  	s3 =	simm.s32 @!p0 $0x1082;
	s9 =	sld [smem:$0x3FB1]  }
0x2f: {  	lr =	sadd.s32 s0, s3;
	s0 =	sld [smem:$0x3FA8]  }
0x30: {  	s3 =	sld [smem:$0x3FAB]  }
0x31: {  	[smem:$0x3FB4] =	sst s10  }
0x32: {  	s10 =	sld [smem:$0x3FB2];
	_ =	sdelay $0x3  }
0x33: {  	p0 =	seq.s32 s10, $0x1;
	s10 =	sld [smem:$0x3FB4];
	_ =	sdelay $0x3  }
0x34: {  	[smem:$0x3FB4] =	sst s10  }
0x35: {  	s10 =	sld [smem:$0x3FB3];
	_ =	sdelay $0x3  }
0x36: {  	p1 =	seq.s32 s10, $0x1;
	s10 =	sld [smem:$0x3FB4];
	_ =	sdelay $0x3  }
0x37: {  	[smem:$0x3FB4] =	sst s10  }
0x38: {  	s10 =	sld [smem:$0x3FB5]  }
0x39: {  	_ = 	snop;
	(pc) =	sbr.ind lr, $3  }
0x3a: {  	_ = 	snop  }
0x3b: {  	_ = 	snop  }
0x3c: {  	p2 =	seq.s32 s10, $0x1;
	s10 =	sld [smem:$0x3FB4]  }
0x3d: {  	_ =	shalt  }
0x3e: {  	_ =	shalt  }
0x3f: {  	_ =	shalt  }
0x40: {  	_ =	shalt  }
0x41: {  	_ =	shalt  }
0x42: {  	_ =	shalt  }
0x43: {  	_ =	shalt  }
0x44: {  	_ =	shalt  }
0x45: {  	_ =	shalt  }
0x46: {  	_ =	shalt  }
0x47: {  	_ =	shalt  }
0x48: {  	_ =	shalt  }
0x49: {  	_ =	shalt  }
0x4a: {  	_ =	shalt  }
0x4b: {  	_ =	shalt  }
0x4c: {  	_ =	shalt  }
0x4d: {  	_ =	shalt  }
0x4e: {  	_ =	shalt  }
0x4f: {  	_ =	shalt  }
0x50: {  	_ =	shalt  }
0x51: {  	_ =	shalt  }
0x52: {  	_ =	shalt  }
0x53: {  	_ =	shalt  }
0x54: {  	_ =	shalt  }
0x55: {  	_ =	shalt  }
0x56: {  	_ =	shalt  }
0x57: {  	_ =	shalt  }
0x58: {  	_ =	shalt  }
0x59: {  	_ =	shalt  }
0x5a: {  	_ =	shalt  }
0x5b: {  	_ =	shalt  }
0x5c: {  	_ =	shalt  }
0x5d: {  	_ =	shalt  }
0x5e: {  	_ =	shalt  }
0x5f: {  	_ =	shalt  }
0x60: {  	_ =	shalt  }
0x61: {  	_ =	shalt  }
0x62: {  	_ =	shalt  }
0x63: {  	_ =	shalt  }
0x64: {  	_ =	shalt  }
0x65: {  	_ =	shalt  }
0x66: {  	_ =	shalt  }
0x67: {  	_ =	shalt  }
0x68: {  	_ =	shalt  }
0x69: {  	_ =	shalt  }
0x6a: {  	_ =	shalt  }
0x6b: {  	_ =	shalt  }
0x6c: {  	_ =	shalt  }
0x6d: {  	_ =	shalt  }
0x6e: {  	_ =	shalt  }
0x6f: {  	_ =	shalt  }
0x70: {  	_ =	shalt  }
0x71: {  	_ =	shalt  }
0x72: {  	_ =	shalt  }
0x73: {  	_ =	shalt  }
0x74: {  	_ =	shalt  }
0x75: {  	_ =	shalt  }
0x76: {  	_ =	shalt  }
0x77: {  	_ =	shalt  }
0x78: {  	_ =	shalt  }
0x79: {  	_ =	shalt  }
0x7a: {  	_ =	shalt  }
0x7b: {  	_ =	shalt  }
0x7c: {  	_ =	shalt  }
0x7d: {  	_ =	shalt  }
0x7e: {  	_ =	shalt  }
0x7f: {  	_ =	shalt  }
0x80: {  	_ =	shalt  }
0x81: {  	_ =	shalt  }
0x82: {  	_ =	shalt  }
0x83: {  	_ =	shalt  }
0x84: {  	_ =	shalt  }
0x85: {  	_ =	shalt  }
0x86: {  	_ =	shalt  }
0x87: {  	_ =	shalt  }
.Lfunc_end0:
.L_simem_size_0:
called_computation.1_lowered:
.L_overlay_start_0:
0x88: {  	s2 =	sld [smem:$0x3FD9]  }
0x89: {  	s3 =	sld [smem:$0x3FFE];
	_ =	sdelay $0x1  }
0x8a: {  	s1 =	srdreg.scid  }
0x8b: {  	s0 =	sand.u32 $0x1, s1  }
0x8c: {  	s17 =	sshll.u32 s0, $0xA;
	s2 =	sadd.s32 s3, s2  }
0x8d: {  	s2 =	sadd.s32 s2, s17  }
0x8e: {  	[smem:$0x3FC0] =	sst s2  }
0x8f: {  	_ = 	snop  }
0x90: {  	s2 =	sld [smem:$0x3FD0];
	(tm) =	ssettm $0x1  }
0x91: {  	s18 =	sld [smem:$0x3FFB];
	_ =	sdelay $0x3  }
0x92: {  	_ =	strace s18  }
0x93: {  	s3 =	sld [smem:$0x3FFC];
	_ =	sdelay $0x3  }
0x94: {  	_ =	strace s3  }
0x95: {  	s3 =	sld [smem:$0x3FFD];
	_ =	sdelay $0x3  }
0x96: {  	_ =	strace s3  }
0x97: {  	_ =	strace $0x8FFFFFFF  }
0x98: {  	s19 =	sld [smem:$0x3FDB];
	_ =	sdelay $0x1  }
0x99: {  	s4 =	simm.s32 $_scs_section_size  }
0x9a: {  	s5 =	simm.s32 $_size__tile_overlayer_lowered;
	s6 =	simm.s32 $_tile_overlayer_lowered  }
0x9b: {  	s22 =	simm.s32 $0x1BFF;
	s21 =	sshll.u32 s6, $0x1;
	s3 =	sadd.s32 s4, s19  }
0x9c: {  	s7 =	simm.s32 $0x0;
	s20 =	sshll.u32 s5, $0x1;
	s5 =	sadd.s32 s21, s3  }
0x9d: {  	[timem:s7], [sflag:s22] =	dma.local [hbm:s5], s20  }
0x9e: {  	_ =	swait.ge [sflag:s22], s20  }
0x9f: {  	s4 =	ssub.s32 $0x0, s20;
	[sflag:s22] =	ssyncset.done $0x0  }
0xa0: {  	[sflag:s22] =	ssyncadd.s32 s4;
	_ =	sdelay $0x1  }
0xa1: {  	s23 =	simm.s32 $0x1B8B  }
0xa2: {  	_ =	swait.ge [sflag:s23], $0x1  }
0xa3: {  	[sflag:s23] =	ssyncset.done $0x0  }
0xa4: {  	s25 =	simm.s32 $0x1B8E;
	s24 =	sld [smem:$0x3FFE];
	[sflag:s23] =	ssyncadd.s32 $0xFFFFFFFF  }
0xa5: {  	s26 =	simm.s32 $execute0_lowered;
	[smem:$0x3FD2] =	sst s25  }
0xa6: {  	s5 =	sshll.u32 s26, $0x1;
	_ =	strace $0x80000049;
	[dreg:$0x1] =	wrdreg $0xFFFFFFFF  }
0xa7: {  	s28 =	simm.s32 $_size_execute0_lowered;
	s3 =	sadd.s32 s3, s5;
	[dreg:$0x0] =	wrdreg $0x0  }
0xa8: {  	s5 =	sshll.u32 s28, $0x1;
	[dreg:$0x2] =	wrdreg s3  }
0xa9: {  	[dreg:$0x3] =	wrdreg s5  }
0xaa: {  	[dreg:$0x4] =	wrdreg $0xC0  }
0xab: {  	_ =	task [dreg:s7], $0x5FFFF  }
0xac: {  	[dreg:$0x1] =	wrdreg $0xFFFFFFFF  }
0xad: {  	[dreg:$0x0] =	wrdreg $0x60  }
0xae: {  	[dreg:$0x2] =	wrdreg s24  }
0xaf: {  	[dreg:$0x3] =	wrdreg s2  }
0xb0: {  	[dreg:$0x4] =	wrdreg $0x0  }
0xb1: {  	[dreg:$0x5] =	wrdreg $0x9  }
0xb2: {  	_ =	task.clear_ibuf [dreg:s7], $0x6FFFF;
	_ =	strace $0x90000049  }
0xb3: {  	s29 =	simm.s32 $0x9;
	_ =	strace $0x8000004B  }
0xb4: {  	_ =	swait.ge [sflag:s29], $0x1  }
0xb5: {  	[sflag:s29] =	ssyncadd.s32 $0xFFFFFFFF  }
0xb6: {  	_ =	strace $0x9000004B  }
0xb7: {  	_ =	sfence  }
0xb8: {  	s30 =	sld [smem:$0x0];
	_ =	sdelay $0x2  }
0xb9: {  	s31 =	sshll.u32 s1, $0xD;
	s1 =	sshrl.u32 s1, $0x2  }
0xba: {  	s3 =	sand.u32 $0x4000, s31;
	s1 =	sadd.s32 s1, s30  }
0xbb: {  	s0 =	sor.u32 s3, s0;
	s1 =	sshll.u32 s1, $0x11  }
0xbc: {  	s0 =	sor.u32 s1, s0  }
0xbd: {  	s0 =	sadd.s32 $0x8F2B, s0  }
0xbe: {  	[sflag:s0] =	ssyncadd.remote.s32 $0x1  }
0xbf: {  	_ =	sfence.sel $0xFFFF  }
0xc0: {  	[dreg:$0x0] =	wrdreg $0xFFFFFFFF;
	(pc) =	sbr.abs _section_cstart, $3  }
0xc1: {  	[dreg:$0x1] =	wrdreg $0xFFFFFFFF  }
0xc2: {  	_ =	task.clear_ibuf [dreg:s7], $0x2FFFF;
	_ =	strace $0x9FFFFFFF  }
0xc3: {  	(tm) =	ssettm $0x7FFFFFFF  }
tec
execute0_lowered:
.L_overlay_start_1:
0x0: {  	(tag) =	ssettag $0x1  }
0x1: {  	s6 =	rddreg [dreg:$0x0]  }
0x2: {  	s7 =	rddreg [dreg:$0x1]  }
0x3: {  	s1 =	srdreg.scid;
	s0 =	stileid.u32  }
0x4: {  	s2 =	rddreg [dreg:$0x2];
	s3 =	simm.s32 $0x0;
	s22 =	simm.s32 $0x19000  }
0x5: {  	s23 =	simm.s32 $0x80;
	s24 =	simm.s32 $0x1;
	s25 =	simm.s32 $0x0  }
0x6: {  	s9 =	sand.u32 $0x1, s1;
	s4 =	sshll.u32 s0, $0x1;
	s1 =	rddreg [dreg:$0x3]  }
0x7: {  	[smem:$0x7FF] =	sst s3;
	s5 =	sadd.s32 $0x4000, s6;
	s13 =	smul.u32 $0x50000, s0  }
0x8: {  	s17 =	sadd.s32 $0x5EE00, s6;
	s26 =	smul.u32 $0x14000, s0;
	s4 =	sor.u32 s9, s4  }
0x9: {  	_ =	strace $0x8000004A;
	s11 =	ssub.s32 $0x2, s9;
	s15 =	smul.u32 $0x140000, s9  }
0xa: {  	s8 =	smul.u32 $0x500, s4;
	s4 =	sadd.s32 $0x36E00, s6;
	s12 =	sshrl.u32 s11, $0x1  }
0xb: {  	s28 =	sshrl.u32 s13, $0x2;
	s29 =	sadd.s32 $0x4000, s26;
	s16 =	sadd.s32 $0x8000, s26  }
0xc: {  	s19 =	sadd.s32 $0xC000, s26;
	s20 =	sadd.s32 $0x10000, s26;
	s18 =	ssub.s32 s11, s12  }
0xd: {  	s9 =	sadd.s32 s29, s2;
	s11 =	sadd.s32 s19, s2;
	s14 =	sadd.s32 s26, s15  }
0xe: {  	s21 =	sadd.s32 s15, s29;
	s12 =	sadd.s32 s20, s2;
	s19 =	sadd.s32 s15, s19  }
0xf: {  	s20 =	sadd.s32 s15, s20;
	s10 =	sadd.s32 s8, s6;
	s7 =	sadd.s32 s7, s8  }
0x10: {  	s8 =	sadd.s32 s28, s2;
	s14 =	sshrl.u32 s14, $0x3;
	s30 =	sshrl.u32 s21, $0x3  }
0x11: {  	s19 =	sshrl.u32 s19, $0x3;
	s31 =	sshrl.u32 s20, $0x3;
	s18 =	smax.u32 s18, $0x1  }
0x12: {  	s6 =	sadd.s32 $0x4E00, s10;
	s10 =	sadd.s32 s16, s2;
	s16 =	sadd.s32 s15, s16  }
0x13: {  	s20 =	simm.s32 $0x2;
	s21 =	simm.s32 $0x16800;
	s16 =	sshrl.u32 s16, $0x3  }
0x14: {  	s13 =	sadd.s32 s17, s14;
	s14 =	sadd.s32 s17, s30;
	s15 =	sadd.s32 s17, s16  }
0x15: {  	s16 =	sadd.s32 s17, s19;
	s17 =	sadd.s32 s17, s31;
	s19 =	simm.s32 $0x14000  }
.LBB2_1:
0x16: {  	[tilespmem:s19], [sflag:$0x2] =	stream.linear.gather [hbm4b:s6+s3], $0x2780, $0x38;
	[tilespmem:$0x1D000] =	vst v63  }
0x17: {  	_ =	swait.ge [sflag:s20], $0x2780  }
0x18: {  	[sflag:s20] =	ssyncset.done $0x0  }
0x19: {  	[sflag:s20] =	ssyncadd.s32 $0xFFFFD880  }
0x1a: {  	[tilespmem:s21], [sflag:$0x2] =	stream.linear.gather [hbm4b:s7+s3], $0x2780, $0x38;
	[tilespmem:$0x1D000] =	vst v63  }
0x1b: {  	_ =	swait.ge [sflag:s20], $0x2780  }
0x1c: {  	[sflag:s20] =	ssyncset.done $0x0  }
0x1d: {  	[sflag:s20] =	ssyncadd.s32 $0xFFFFD880  }
0x1e: {  	[tilespmem:s22], [sflag:$0x2] =	stream.linear.gather [hbm4b:s5+s3], $0x4000, $0x38;
	[tilespmem:$0x1D000] =	vst v63  }
0x1f: {  	_ =	swait.ge [sflag:s20], $0x4000  }
0x20: {  	[sflag:s20] =	ssyncset.done $0x0  }
0x21: {  	[sflag:s20] =	ssyncadd.s32 $0xFFFFC000  }
0x22: {  	[spmem:s8] =	stream.linear.scatter [tilespmem:s22], [sflag:$0x2], $0x4000, $0x38;
	[tilespmem:$0x1D000] =	vst v63  }
0x23: {  	_ =	swait.ge [sflag:s20], $0x4000  }
0x24: {  	[sflag:s20] =	ssyncset.done $0x0  }
0x25: {  	[sflag:s20] =	ssyncadd.s32 $0xFFFFC000  }
0x26: {  	[spmem:s9] =	stream.linear.scatter [tilespmem:s22], [sflag:$0x2], $0x4000, $0x38;
	[tilespmem:$0x1D000] =	vst v63  }
0x27: {  	_ =	swait.ge [sflag:s20], $0x4000  }
0x28: {  	[sflag:s20] =	ssyncset.done $0x0  }
0x29: {  	[sflag:s20] =	ssyncadd.s32 $0xFFFFC000  }
0x2a: {  	[spmem:s10] =	stream.linear.scatter [tilespmem:s22], [sflag:$0x2], $0x4000, $0x38;
	[tilespmem:$0x1D000] =	vst v63  }
0x2b: {  	_ =	swait.ge [sflag:s20], $0x4000  }
0x2c: {  	[sflag:s20] =	ssyncset.done $0x0  }
0x2d: {  	[sflag:s20] =	ssyncadd.s32 $0xFFFFC000  }
0x2e: {  	[spmem:s11] =	stream.linear.scatter [tilespmem:s22], [sflag:$0x2], $0x4000, $0x38;
	[tilespmem:$0x1D000] =	vst v63  }
0x2f: {  	_ =	swait.ge [sflag:s20], $0x4000  }
0x30: {  	[sflag:s20] =	ssyncset.done $0x0  }
0x31: {  	[sflag:s20] =	ssyncadd.s32 $0xFFFFC000  }
0x32: {  	[spmem:s12] =	stream.linear.scatter [tilespmem:s22], [sflag:$0x2], $0x4000, $0x38;
	[tilespmem:$0x1D000] =	vst v63  }
0x33: {  	_ =	swait.ge [sflag:s20], $0x4000  }
0x34: {  	[sflag:s20] =	ssyncset.done $0x0  }
0x35: {  	[sflag:s20] =	ssyncadd.s32 $0xFFFFC000  }
0x36: {  	s26 =	simm.s32 $0x14000;
	[bflag:$0x0] =	sbarrier.arrive $0xFFFF  }
0x37: {  	[tilespmem:s22], [sflag:$0x1] =	stream.indirect.gather [hbm4b:s4+s23], $0x80, s26, s23, $0xb8;
	[tilespmem:$0x1D000] =	vst v63  }
0x38: {  	_ =	swait.ge [sflag:s24], $0x4000  }
0x39: {  	[sflag:s24] =	ssyncset.done $0x0  }
0x3a: {  	s31 =	simm.s32 $0x16800;
	[sflag:s24] =	ssyncadd.s32 $0xFFFFC000  }
0x3b: {  	[spmem:s2] =	stream.indirect.scatter.add.f32 [tilespmem:s22], [sflag:$0x2], $0x80, s31, s23, $0xb8;
	[tilespmem:$0x1D000] =	vst v63  }
0x3c: {  	_ =	swait.ge [sflag:s20], $0x4000  }
0x3d: {  	s28 =	simm.s32 $0x400;
	s26 =	simm.s32 $0x80;
	[sflag:s20] =	ssyncset.done $0x0  }
.LBB2_2:
0x3e: {  	s29 =	sadd.s32 $0x14000, s26  }
0x3f: {  	[sflag:s20] =	ssyncadd.s32 $0xFFFFC000;
	s30 =	smov.u32 s28;
	s31 =	sadd.s32 $0x200, s28  }
0x40: {  	[tilespmem:s22], [sflag:$0x1] =	stream.indirect.gather [hbm4b:s4+s23], $0x80, s29, s23, $0xb8;
	[tilespmem:$0x1D000] =	vst v63  }
0x41: {  	p0 =	sne.s32 s28, $0x9C00;
	_ =	swait.ge [sflag:s24], $0x4000  }
.Ltmp0:
0x42: {  	[sflag:s24] =	ssyncset.done $0x0;
	(pc) =	sbr.rel @p0 .LBB2_2-.Ltmp0, $4  }
0x43: {  	s26 =	sadd.s32 $0x16800, s26;
	[sflag:s24] =	ssyncadd.s32 $0xFFFFC000  }
0x44: {  	[spmem:s2] =	stream.indirect.scatter.add.f32 [tilespmem:s22], [sflag:$0x2], $0x80, s26, s23, $0xb8;
	[tilespmem:$0x1D000] =	vst v63  }
0x45: {  	_ =	swait.ge [sflag:s20], $0x4000  }
0x46: {  	s28 =	smov.u32 s31;
	s26 =	sshra.s32 s30, $0x2;
	[sflag:s20] =	ssyncset.done $0x0  }
0x47: {  	s28 =	sadd.s32 $0x14000, s26;
	[sflag:s20] =	ssyncadd.s32 $0xFFFFC000  }
0x48: {  	[tilespmem:s22], [sflag:$0x1] =	stream.indirect.gather [hbm4b:s4+s23], $0x80, s28, s23, $0xb8;
	[tilespmem:$0x1D000] =	vst v63  }
0x49: {  	_ =	swait.ge [sflag:s24], $0x4000  }
0x4a: {  	[sflag:s24] =	ssyncset.done $0x0  }
0x4b: {  	s31 =	sadd.s32 $0x16800, s26;
	[sflag:s24] =	ssyncadd.s32 $0xFFFFC000  }
0x4c: {  	[spmem:s2] =	stream.indirect.scatter.add.f32 [tilespmem:s22], [sflag:$0x2], $0x80, s31, s23, $0xb8;
	[tilespmem:$0x1D000] =	vst v63  }
0x4d: {  	_ =	swait.ge [sflag:s20], $0x4000  }
0x4e: {  	[sflag:s20] =	ssyncset.done $0x0  }
0x4f: {  	[sflag:s20] =	ssyncadd.s32 $0xFFFFC000  }
0x50: {  	[bflag:$0x0] =	sbarrier.arrive $0xFFFF  }
0x51: {  	[tilespmem:s22], [sflag:$0x2] =	stream.linear.gather [spmem:s8], $0x4000, $0x38;
	[tilespmem:$0x1D000] =	vst v63  }
0x52: {  	_ =	swait.ge [sflag:s20], $0x4000  }
0x53: {  	[sflag:s20] =	ssyncset.done $0x0  }
0x54: {  	[sflag:s20] =	ssyncadd.s32 $0xFFFFC000  }
0x55: {  	[hbm4b:s13+s3] =	stream.linear.scatter [tilespmem:s22], [sflag:$0x2], $0x4000, $0x38;
	[tilespmem:$0x1D000] =	vst v63  }
0x56: {  	_ =	swait.ge [sflag:s20], $0x4000  }
0x57: {  	[sflag:s20] =	ssyncset.done $0x0  }
0x58: {  	[sflag:s20] =	ssyncadd.s32 $0xFFFFC000  }
0x59: {  	[tilespmem:s22], [sflag:$0x2] =	stream.linear.gather [spmem:s9], $0x4000, $0x38;
	[tilespmem:$0x1D000] =	vst v63  }
0x5a: {  	_ =	swait.ge [sflag:s20], $0x4000  }
0x5b: {  	[sflag:s20] =	ssyncset.done $0x0  }
0x5c: {  	[sflag:s20] =	ssyncadd.s32 $0xFFFFC000  }
0x5d: {  	[hbm4b:s14+s3] =	stream.linear.scatter [tilespmem:s22], [sflag:$0x2], $0x4000, $0x38;
	[tilespmem:$0x1D000] =	vst v63  }
0x5e: {  	_ =	swait.ge [sflag:s20], $0x4000  }
0x5f: {  	[sflag:s20] =	ssyncset.done $0x0  }
0x60: {  	[sflag:s20] =	ssyncadd.s32 $0xFFFFC000  }
0x61: {  	[tilespmem:s22], [sflag:$0x2] =	stream.linear.gather [spmem:s10], $0x4000, $0x38;
	[tilespmem:$0x1D000] =	vst v63  }
0x62: {  	_ =	swait.ge [sflag:s20], $0x4000  }
0x63: {  	[sflag:s20] =	ssyncset.done $0x0  }
0x64: {  	[sflag:s20] =	ssyncadd.s32 $0xFFFFC000  }
0x65: {  	[hbm4b:s15+s3] =	stream.linear.scatter [tilespmem:s22], [sflag:$0x2], $0x4000, $0x38;
	[tilespmem:$0x1D000] =	vst v63  }
0x66: {  	_ =	swait.ge [sflag:s20], $0x4000  }
0x67: {  	[sflag:s20] =	ssyncset.done $0x0  }
0x68: {  	[sflag:s20] =	ssyncadd.s32 $0xFFFFC000  }
0x69: {  	[tilespmem:s22], [sflag:$0x2] =	stream.linear.gather [spmem:s11], $0x4000, $0x38;
	[tilespmem:$0x1D000] =	vst v63  }
0x6a: {  	_ =	swait.ge [sflag:s20], $0x4000  }
0x6b: {  	[sflag:s20] =	ssyncset.done $0x0  }
0x6c: {  	[sflag:s20] =	ssyncadd.s32 $0xFFFFC000  }
0x6d: {  	[hbm4b:s16+s3] =	stream.linear.scatter [tilespmem:s22], [sflag:$0x2], $0x4000, $0x38;
	[tilespmem:$0x1D000] =	vst v63  }
0x6e: {  	_ =	swait.ge [sflag:s20], $0x4000  }
0x6f: {  	[sflag:s20] =	ssyncset.done $0x0  }
0x70: {  	[sflag:s20] =	ssyncadd.s32 $0xFFFFC000  }
0x71: {  	[tilespmem:s22], [sflag:$0x2] =	stream.linear.gather [spmem:s12], $0x4000, $0x38;
	[tilespmem:$0x1D000] =	vst v63  }
0x72: {  	s25 =	sadd.s32 $0x1, s25;
	_ =	swait.ge [sflag:s20], $0x4000  }
0x73: {  	p0 =	sne.s32 s25, s18;
	[sflag:s20] =	ssyncset.done $0x0  }
.Ltmp1:
0x74: {  	[sflag:s20] =	ssyncadd.s32 $0xFFFFC000;
	(pc) =	sbr.rel @p0 .LBB2_1-.Ltmp1, $4  }
0x75: {  	[hbm4b:s17+s3] =	stream.linear.scatter [tilespmem:s22], [sflag:$0x2], $0x4000, $0x38;
	[tilespmem:$0x1D000] =	vst v63  }
0x76: {  	_ =	swait.ge [sflag:s20], $0x4000  }
0x77: {  	[sflag:s20] =	ssyncset.done $0x0  }
0x78: {  	[sflag:s20] =	ssyncadd.s32 $0xFFFFC000  }
0x79: {  	_ =	sfence.sel $0x180000  }
0x7a: {  	[bflag:$0x0] =	sbarrier.arrive $0xFFFF  }
0x7b: {  	p0 =	sne.s32 s0, $0x0;
	_ =	strace $0x9000004A  }
0x7c: {  	s0 =	sadd.s32 @!p0 $0x100000, s1;
	[bflag:$0x2] =	sbarrier.arrive $0xFFFF  }
0x7d: {  	[sflag:s0] =	ssyncadd.tile.s32 @!p0 $0x1;
	_ =	shalt  }
.Lfunc_end2:
_tile_overlayer_lowered:
.L_overlay_start_2:
0x7e: {  	(tag) =	ssettag $0x2  }
0x7f: {  	s0 =	rddreg [dreg:$0x0];
	s2 =	stileid.u32  }
0x80: {  	s1 =	rddreg [dreg:$0x1];
	p0 =	sne.s32 s2, $0x0  }
0x81: {  	s3 =	rddreg [dreg:$0x2];
	[bflag:$0x3] =	sbarrier.arrive $0xFFFF;
	s2 =	simm.s32 @!p0 $0x1C02  }
0x82: {  	[timem:s3], [sflag:s2] =	dma.local @!p0 [hbm:s0], s1  }
0x83: {  	s0 =	simm.s32 @!p0 $0x2  }
0x84: {  	_ =	swait.ge @!p0 [sflag:s0], s1  }
0x85: {  	s1 =	ssub.s32 @!p0 $0x0, s1;
	[sflag:s0] =	ssyncset.done @!p0 $0x0  }
0x86: {  	[sflag:s0] =	ssyncadd.s32 @!p0 s1  }
0x87: {  	[bflag:$0x3] =	sbarrier.arrive $0xFFFF  }
0x88: {  	_ =	shalt  }

// kernel: kernel.16.cloned.1.call-start
scs
__scs_entry_jumppad:
0x0: {  	(pc) =	sbr.rel $0x88, $3  }
0x1: {  	(tag) =	ssettag $0x0;
	lr =	simm.s32 $0x1  }
0x2: {  	[smem:$0x3F99] =	sst lr;
	_ =	strace $0xD0000000  }
0x3: {  	_ = 	snop  }
0x4: {  	_ = 	snop  }
0x5: {  	_ = 	snop  }
0x6: {  	_ = 	snop  }
0x7: {  	_ = 	snop  }
__scs_overlays_trampoline_lowered:
0x8: {  	[smem:$0x3FA8] =	sst s0  }
0x9: {  	[smem:$0x3FA9] =	sst s1  }
0xa: {  	[smem:$0x3FAA] =	sst s2  }
0xb: {  	[smem:$0x3FAB] =	sst s3  }
0xc: {  	[smem:$0x3FAC] =	sst s4  }
0xd: {  	[smem:$0x3FAD] =	sst s5  }
0xe: {  	[smem:$0x3FAE] =	sst s6  }
0xf: {  	[smem:$0x3FAF] =	sst s7  }
0x10: {  	[smem:$0x3FB0] =	sst s8  }
0x11: {  	[smem:$0x3FB1] =	sst s9;
	s0 =	simm.s32 @!p0 $0x0  }
0x12: {  	s1 =	sld [smem:$0x3F97];
	s0 =	simm.s32 @p0 $0x1  }
0x13: {  	[smem:$0x3FB2] =	sst s0;
	s0 =	simm.s32 @!p1 $0x0  }
0x14: {  	s2 =	sld [smem:$0x3F96];
	s0 =	simm.s32 @p1 $0x1  }
0x15: {  	[smem:$0x3FB3] =	sst s0;
	s0 =	simm.s32 @!p2 $0x0  }
0x16: {  	s3 =	sld [smem:$0x3FDB];
	s0 =	simm.s32 @p2 $0x1  }
0x17: {  	s4 =	simm.s32 $0x1BF5;
	[smem:$0x3FB5] =	sst s0  }
0x18: {  	s0 =	sld [smem:$0x3F98];
	_ =	swait.ge [sflag:s4], $0x0  }
0x19: {  	s7 =	sld [smem:$0x3F99]  }
0x1a: {  	s8 =	sadd.s32 $0xFFFFE003, lr  }
0x1b: {  	s9 =	sadd.s32 $0xFFFFFEF7, lr;
	s5 =	simm.s32 $0xFFFFFFFF;
	p2 =	slt.u32 s8, $0xFFFFF086  }
0x1c: {  	p1 =	slt.u32 s9, $0xF7A;
	s5 =	simm.s32 @!p2 $0x0  }
0x1d: {  	s5 =	simm.s32 @p1 $0x1;
	p0 =	seq.s32 s7, s2  }
0x1e: {  	s7 =	smul.u32 @!p0 $0xF7A, s2;
	p2 =	seq.s32 @!p0 s5, $0x0  }
0x1f: {  	s9 =	smul.u32 $0xF7A, s1;
	s8 =	simm.s32 @!p0 $0x1BF5;
	p2 =	por !p2, p0  }
0x20: {  	[sflag:s8] =	ssyncset.s32 @!p0 $0xFFFFF086;
	s6 =	sadd.s32 @!p0 s3, s7;
	s7 =	simm.s32 @!p0 $0x108  }
0x21: {  	s3 =	sadd.s32 s3, s9;
	s6 =	sadd.s32 @!p0 $0x88, s6;
	s7 =	simm.s32 @p2 $0x1082  }
0x22: {  	[simem:s7], [sflag:s8] =	dma.local @!p0 [hbm:s6], $0xF7A  }
0x23: {  	s9 =	sor.u32 $0xD0000000, s2;
	s6 =	simm.s32 $0x108;
	_ =	swait.ge @!p0 [sflag:s8], $0x0  }
0x24: {  	s3 =	sadd.s32 $0x88, s3;
	s6 =	simm.s32 @!p1 $0x1082;
	[sflag:s4] =	ssyncset.s32 $0xFFFFF086  }
0x25: {  	[simem:s6], [sflag:s4] =	dma.local [hbm:s3], $0xF7A  }
0x26: {  	[smem:$0x3F99] =	sst s1;
	(tag) =	ssettag s2;
	_ =	strace s9  }
0x27: {  	s1 =	sld [smem:$0x3FA9]  }
0x28: {  	s2 =	sld [smem:$0x3FAA]  }
0x29: {  	s4 =	sld [smem:$0x3FAC]  }
0x2a: {  	p0 =	seq.s32 s5, $0x0;
	s5 =	sld [smem:$0x3FAD]  }
0x2b: {  	s6 =	sld [smem:$0x3FAE]  }
0x2c: {  	s7 =	sld [smem:$0x3FAF]  }
0x2d: {  	s3 =	simm.s32 $0x108;
	s8 =	sld [smem:$0x3FB0]  }
0x2e: {  	s3 =	simm.s32 @!p0 $0x1082;
	s9 =	sld [smem:$0x3FB1]  }
0x2f: {  	lr =	sadd.s32 s0, s3;
	s0 =	sld [smem:$0x3FA8]  }
0x30: {  	s3 =	sld [smem:$0x3FAB]  }
0x31: {  	[smem:$0x3FB4] =	sst s10  }
0x32: {  	s10 =	sld [smem:$0x3FB2];
	_ =	sdelay $0x3  }
0x33: {  	p0 =	seq.s32 s10, $0x1;
	s10 =	sld [smem:$0x3FB4];
	_ =	sdelay $0x3  }
0x34: {  	[smem:$0x3FB4] =	sst s10  }
0x35: {  	s10 =	sld [smem:$0x3FB3];
	_ =	sdelay $0x3  }
0x36: {  	p1 =	seq.s32 s10, $0x1;
	s10 =	sld [smem:$0x3FB4];
	_ =	sdelay $0x3  }
0x37: {  	[smem:$0x3FB4] =	sst s10  }
0x38: {  	s10 =	sld [smem:$0x3FB5]  }
0x39: {  	_ = 	snop;
	(pc) =	sbr.ind lr, $3  }
0x3a: {  	_ = 	snop  }
0x3b: {  	_ = 	snop  }
0x3c: {  	p2 =	seq.s32 s10, $0x1;
	s10 =	sld [smem:$0x3FB4]  }
0x3d: {  	_ =	shalt  }
0x3e: {  	_ =	shalt  }
0x3f: {  	_ =	shalt  }
0x40: {  	_ =	shalt  }
0x41: {  	_ =	shalt  }
0x42: {  	_ =	shalt  }
0x43: {  	_ =	shalt  }
0x44: {  	_ =	shalt  }
0x45: {  	_ =	shalt  }
0x46: {  	_ =	shalt  }
0x47: {  	_ =	shalt  }
0x48: {  	_ =	shalt  }
0x49: {  	_ =	shalt  }
0x4a: {  	_ =	shalt  }
0x4b: {  	_ =	shalt  }
0x4c: {  	_ =	shalt  }
0x4d: {  	_ =	shalt  }
0x4e: {  	_ =	shalt  }
0x4f: {  	_ =	shalt  }
0x50: {  	_ =	shalt  }
0x51: {  	_ =	shalt  }
0x52: {  	_ =	shalt  }
0x53: {  	_ =	shalt  }
0x54: {  	_ =	shalt  }
0x55: {  	_ =	shalt  }
0x56: {  	_ =	shalt  }
0x57: {  	_ =	shalt  }
0x58: {  	_ =	shalt  }
0x59: {  	_ =	shalt  }
0x5a: {  	_ =	shalt  }
0x5b: {  	_ =	shalt  }
0x5c: {  	_ =	shalt  }
0x5d: {  	_ =	shalt  }
0x5e: {  	_ =	shalt  }
0x5f: {  	_ =	shalt  }
0x60: {  	_ =	shalt  }
0x61: {  	_ =	shalt  }
0x62: {  	_ =	shalt  }
0x63: {  	_ =	shalt  }
0x64: {  	_ =	shalt  }
0x65: {  	_ =	shalt  }
0x66: {  	_ =	shalt  }
0x67: {  	_ =	shalt  }
0x68: {  	_ =	shalt  }
0x69: {  	_ =	shalt  }
0x6a: {  	_ =	shalt  }
0x6b: {  	_ =	shalt  }
0x6c: {  	_ =	shalt  }
0x6d: {  	_ =	shalt  }
0x6e: {  	_ =	shalt  }
0x6f: {  	_ =	shalt  }
0x70: {  	_ =	shalt  }
0x71: {  	_ =	shalt  }
0x72: {  	_ =	shalt  }
0x73: {  	_ =	shalt  }
0x74: {  	_ =	shalt  }
0x75: {  	_ =	shalt  }
0x76: {  	_ =	shalt  }
0x77: {  	_ =	shalt  }
0x78: {  	_ =	shalt  }
0x79: {  	_ =	shalt  }
0x7a: {  	_ =	shalt  }
0x7b: {  	_ =	shalt  }
0x7c: {  	_ =	shalt  }
0x7d: {  	_ =	shalt  }
0x7e: {  	_ =	shalt  }
0x7f: {  	_ =	shalt  }
0x80: {  	_ =	shalt  }
0x81: {  	_ =	shalt  }
0x82: {  	_ =	shalt  }
0x83: {  	_ =	shalt  }
0x84: {  	_ =	shalt  }
0x85: {  	_ =	shalt  }
0x86: {  	_ =	shalt  }
0x87: {  	_ =	shalt  }
.Lfunc_end0:
.L_simem_size_0:
called_computation.2_lowered:
.L_overlay_start_0:
0x88: {  	s2 =	sld [smem:$0x3FD9]  }
0x89: {  	s3 =	sld [smem:$0x3FFE];
	_ =	sdelay $0x1  }
0x8a: {  	s1 =	srdreg.scid  }
0x8b: {  	s0 =	sand.u32 $0x1, s1  }
0x8c: {  	s17 =	sshll.u32 s0, $0xA;
	s2 =	sadd.s32 s3, s2  }
0x8d: {  	s2 =	sadd.s32 s2, s17  }
0x8e: {  	[smem:$0x3FC0] =	sst s2  }
0x8f: {  	_ = 	snop  }
0x90: {  	s2 =	sld [smem:$0x3FD0];
	(tm) =	ssettm $0x1  }
0x91: {  	s18 =	sld [smem:$0x3FFB];
	_ =	sdelay $0x3  }
0x92: {  	_ =	strace s18  }
0x93: {  	s3 =	sld [smem:$0x3FFC];
	_ =	sdelay $0x3  }
0x94: {  	_ =	strace s3  }
0x95: {  	s3 =	sld [smem:$0x3FFD];
	_ =	sdelay $0x3  }
0x96: {  	_ =	strace s3  }
0x97: {  	_ =	strace $0x8FFFFFFF  }
0x98: {  	s19 =	sld [smem:$0x3FDB];
	_ =	sdelay $0x1  }
0x99: {  	s4 =	simm.s32 $_scs_section_size  }
0x9a: {  	s5 =	simm.s32 $_size__tile_overlayer_lowered;
	s6 =	simm.s32 $_tile_overlayer_lowered  }
0x9b: {  	s22 =	simm.s32 $0x1BFF;
	s21 =	sshll.u32 s6, $0x1;
	s3 =	sadd.s32 s4, s19  }
0x9c: {  	s7 =	simm.s32 $0x0;
	s20 =	sshll.u32 s5, $0x1;
	s5 =	sadd.s32 s21, s3  }
0x9d: {  	[timem:s7], [sflag:s22] =	dma.local [hbm:s5], s20  }
0x9e: {  	_ =	swait.ge [sflag:s22], s20  }
0x9f: {  	s4 =	ssub.s32 $0x0, s20;
	[sflag:s22] =	ssyncset.done $0x0  }
0xa0: {  	[sflag:s22] =	ssyncadd.s32 s4;
	_ =	sdelay $0x1  }
0xa1: {  	s23 =	simm.s32 $0x1B8B  }
0xa2: {  	_ =	swait.ge [sflag:s23], $0x1  }
0xa3: {  	[sflag:s23] =	ssyncset.done $0x0  }
0xa4: {  	s25 =	simm.s32 $0x1B8E;
	s24 =	sld [smem:$0x3FFE];
	[sflag:s23] =	ssyncadd.s32 $0xFFFFFFFF  }
0xa5: {  	s26 =	simm.s32 $execute0_lowered;
	[smem:$0x3FD2] =	sst s25  }
0xa6: {  	s5 =	sshll.u32 s26, $0x1;
	_ =	strace $0x8000004C;
	[dreg:$0x1] =	wrdreg $0xFFFFFFFF  }
0xa7: {  	s28 =	simm.s32 $_size_execute0_lowered;
	s3 =	sadd.s32 s3, s5;
	[dreg:$0x0] =	wrdreg $0x0  }
0xa8: {  	s5 =	sshll.u32 s28, $0x1;
	[dreg:$0x2] =	wrdreg s3  }
0xa9: {  	[dreg:$0x3] =	wrdreg s5  }
0xaa: {  	[dreg:$0x4] =	wrdreg $0xC0  }
0xab: {  	_ =	task [dreg:s7], $0x5FFFF  }
0xac: {  	[dreg:$0x1] =	wrdreg $0xFFFFFFFF  }
0xad: {  	[dreg:$0x0] =	wrdreg $0x60  }
0xae: {  	[dreg:$0x2] =	wrdreg s24  }
0xaf: {  	[dreg:$0x3] =	wrdreg s2  }
0xb0: {  	[dreg:$0x4] =	wrdreg $0x0  }
0xb1: {  	[dreg:$0x5] =	wrdreg $0x9  }
0xb2: {  	_ =	task.clear_ibuf [dreg:s7], $0x6FFFF;
	_ =	strace $0x9000004C  }
0xb3: {  	s29 =	simm.s32 $0x9;
	_ =	strace $0x8000004E  }
0xb4: {  	_ =	swait.ge [sflag:s29], $0x1  }
0xb5: {  	[sflag:s29] =	ssyncadd.s32 $0xFFFFFFFF  }
0xb6: {  	_ =	strace $0x9000004E  }
0xb7: {  	_ =	sfence  }
0xb8: {  	s30 =	sld [smem:$0x0];
	_ =	sdelay $0x2  }
0xb9: {  	s31 =	sshll.u32 s1, $0xD;
	s1 =	sshrl.u32 s1, $0x2  }
0xba: {  	s3 =	sand.u32 $0x4000, s31;
	s1 =	sadd.s32 s1, s30  }
0xbb: {  	s0 =	sor.u32 s3, s0;
	s1 =	sshll.u32 s1, $0x11  }
0xbc: {  	s0 =	sor.u32 s1, s0  }
0xbd: {  	s0 =	sadd.s32 $0x8F2B, s0  }
0xbe: {  	[sflag:s0] =	ssyncadd.remote.s32 $0x1  }
0xbf: {  	_ =	sfence.sel $0xFFFF  }
0xc0: {  	[dreg:$0x0] =	wrdreg $0xFFFFFFFF;
	(pc) =	sbr.abs _section_cstart, $3  }
0xc1: {  	[dreg:$0x1] =	wrdreg $0xFFFFFFFF  }
0xc2: {  	_ =	task.clear_ibuf [dreg:s7], $0x2FFFF;
	_ =	strace $0x9FFFFFFF  }
0xc3: {  	(tm) =	ssettm $0x7FFFFFFF  }
tec
execute0_lowered:
.L_overlay_start_1:
0x0: {  	(tag) =	ssettag $0x1  }
0x1: {  	s0 =	srdreg.scid;
	s15 =	stileid.u32  }
0x2: {  	s3 =	rddreg [dreg:$0x0];
	s1 =	simm.s32 $0x0;
	s0 =	sand.u32 $0x1, s0  }
0x3: {  	s2 =	sshll.u32 s15, $0x1;
	[smem:$0x7FF] =	sst s1;
	s5 =	sadd.s32 $0x126E00, s3  }
0x4: {  	s4 =	sadd.s32 $0xD6E00, s3;
	s7 =	smul.u32 $0x14000, s15;
	s8 =	sadd.s32 $0x176E00, s3  }
0x5: {  	s10 =	sadd.s32 $0x1C6E00, s3;
	s28 =	sadd.s32 $0x86E00, s3;
	s6 =	ssub.s32 $0x2, s0  }
0x6: {  	s2 =	sor.u32 s0, s2;
	s0 =	smul.u32 $0x140000, s0;
	s9 =	sshrl.u32 s6, $0x1  }
0x7: {  	s11 =	sadd.s32 $0x8000, s7;
	s6 =	ssub.s32 s6, s9;
	s9 =	sadd.s32 $0x4000, s7  }
0x8: {  	s12 =	sadd.s32 s7, s0;
	s26 =	sadd.s32 s0, s11;
	[dreg:$0x12] =	wrdreg s6  }
0x9: {  	s13 =	sadd.s32 s0, s9;
	s6 =	sadd.s32 $0xC000, s7;
	s12 =	sshrl.u32 s12, $0x3  }
0xa: {  	s7 =	sadd.s32 $0x10000, s7;
	s20 =	sshrl.u32 s26, $0x3;
	s24 =	sadd.s32 s4, s12  }
0xb: {  	s17 =	sshrl.u32 s13, $0x3;
	s13 =	sadd.s32 s4, s20;
	[dreg:$0x4] =	wrdreg s24  }
0xc: {  	s14 =	sadd.s32 s0, s6;
	s16 =	sadd.s32 s5, s12;
	[dreg:$0x6] =	wrdreg s13  }
0xd: {  	s0 =	sadd.s32 s0, s7;
	s19 =	sadd.s32 s5, s20;
	[dreg:$0x9] =	wrdreg s16  }
0xe: {  	s26 =	sadd.s32 s8, s20;
	s25 =	sadd.s32 s4, s17;
	[dreg:$0xb] =	wrdreg s19  }
0xf: {  	s22 =	sshrl.u32 s14, $0x3;
	s0 =	sshrl.u32 s0, $0x3;
	[dreg:$0x10] =	wrdreg s26  }
0x10: {  	s18 =	sadd.s32 s5, s17;
	s24 =	sadd.s32 s8, s12;
	[dreg:$0x5] =	wrdreg s25  }
0x11: {  	s14 =	sadd.s32 s4, s22;
	[dreg:$0xa] =	wrdreg s18;
	s21 =	sadd.s32 s5, s22  }
0x12: {  	s23 =	sadd.s32 s5, s0;
	[dreg:$0xe] =	wrdreg s24;
	s25 =	sadd.s32 s8, s17  }
0x13: {  	s5 =	sadd.s32 s8, s22;
	s16 =	sadd.s32 s8, s0;
	s8 =	rddreg [dreg:$0x1]  }
0x14: {  	s29 =	sadd.s32 $0xAEE00, s3;
	s4 =	sadd.s32 s4, s0;
	[dreg:$0x7] =	wrdreg s14  }
0x15: {  	s30 =	sadd.s32 $0x4000, s3;
	s2 =	smul.u32 $0x500, s2;
	[dreg:$0x8] =	wrdreg s4  }
0x16: {  	s20 =	sadd.s32 s10, s20;
	s19 =	sadd.s32 s10, s17;
	[dreg:$0xc] =	wrdreg s21  }
0x17: {  	s13 =	sadd.s32 s2, s3;
	s26 =	sadd.s32 $0x5EE00, s3;
	[dreg:$0xd] =	wrdreg s23  }
0x18: {  	s18 =	sadd.s32 s10, s12;
	s22 =	sadd.s32 s10, s22;
	[dreg:$0xf] =	wrdreg s25  }
0x19: {  	s12 =	smul.u32 $0x50000, s15;
	s31 =	sadd.s32 $0x4E00, s13;
	[dreg:$0x11] =	wrdreg s5  }
0x1a: {  	s21 =	rddreg [dreg:$0x2];
	s23 =	sadd.s32 s10, s0;
	s24 =	sadd.s32 s8, s2  }
0x1b: {  	s25 =	sadd.s32 $0x36E00, s3;
	s8 =	simm.s32 $0x80;
	s10 =	simm.s32 $0x0  }
0x1c: {  	_ =	strace $0x8000004D;
	s14 =	sshrl.u32 s12, $0x2;
	s0 =	sadd.s32 s9, s21  }
0x1d: {  	s2 =	sadd.s32 s11, s21;
	s3 =	sadd.s32 s6, s21;
	s4 =	sadd.s32 s7, s21  }
0x1e: {  	s6 =	simm.s32 $0x2;
	s7 =	simm.s32 $0x19000;
	s15 =	rddreg [dreg:$0x12]  }
0x1f: {  	s9 =	simm.s32 $0x1;
	s17 =	sadd.s32 s14, s21;
	s5 =	smax.u32 s15, $0x1  }
.LBB2_1:
0x20: {  	s11 =	simm.s32 $0x14000  }
0x21: {  	[tilespmem:s11], [sflag:$0x2] =	stream.linear.gather [hbm4b:s31+s1], $0x2780, $0x38;
	[tilespmem:$0x1D000] =	vst v63  }
0x22: {  	_ =	swait.ge [sflag:s6], $0x2780  }
0x23: {  	[sflag:s6] =	ssyncset.done $0x0  }
0x24: {  	s13 =	simm.s32 $0x16800;
	[sflag:s6] =	ssyncadd.s32 $0xFFFFD880  }
0x25: {  	[tilespmem:s13], [sflag:$0x2] =	stream.linear.gather [hbm4b:s24+s1], $0x2780, $0x38;
	[tilespmem:$0x1D000] =	vst v63  }
0x26: {  	_ =	swait.ge [sflag:s6], $0x2780  }
0x27: {  	[sflag:s6] =	ssyncset.done $0x0  }
0x28: {  	[sflag:s6] =	ssyncadd.s32 $0xFFFFD880  }
0x29: {  	[tilespmem:s7], [sflag:$0x2] =	stream.linear.gather [hbm4b:s30+s1], $0x4000, $0x38;
	[tilespmem:$0x1D000] =	vst v63  }
0x2a: {  	_ =	swait.ge [sflag:s6], $0x4000  }
0x2b: {  	[sflag:s6] =	ssyncset.done $0x0  }
0x2c: {  	[sflag:s6] =	ssyncadd.s32 $0xFFFFC000  }
0x2d: {  	[spmem:s17] =	stream.linear.scatter [tilespmem:s7], [sflag:$0x2], $0x4000, $0x38;
	[tilespmem:$0x1D000] =	vst v63  }
0x2e: {  	_ =	swait.ge [sflag:s6], $0x4000  }
0x2f: {  	[sflag:s6] =	ssyncset.done $0x0  }
0x30: {  	[sflag:s6] =	ssyncadd.s32 $0xFFFFC000  }
0x31: {  	[spmem:s0] =	stream.linear.scatter [tilespmem:s7], [sflag:$0x2], $0x4000, $0x38;
	[tilespmem:$0x1D000] =	vst v63  }
0x32: {  	_ =	swait.ge [sflag:s6], $0x4000  }
0x33: {  	[sflag:s6] =	ssyncset.done $0x0  }
0x34: {  	[sflag:s6] =	ssyncadd.s32 $0xFFFFC000  }
0x35: {  	[spmem:s2] =	stream.linear.scatter [tilespmem:s7], [sflag:$0x2], $0x4000, $0x38;
	[tilespmem:$0x1D000] =	vst v63  }
0x36: {  	_ =	swait.ge [sflag:s6], $0x4000  }
0x37: {  	[sflag:s6] =	ssyncset.done $0x0  }
0x38: {  	[sflag:s6] =	ssyncadd.s32 $0xFFFFC000  }
0x39: {  	[spmem:s3] =	stream.linear.scatter [tilespmem:s7], [sflag:$0x2], $0x4000, $0x38;
	[tilespmem:$0x1D000] =	vst v63  }
0x3a: {  	_ =	swait.ge [sflag:s6], $0x4000  }
0x3b: {  	[sflag:s6] =	ssyncset.done $0x0  }
0x3c: {  	[sflag:s6] =	ssyncadd.s32 $0xFFFFC000  }
0x3d: {  	[spmem:s4] =	stream.linear.scatter [tilespmem:s7], [sflag:$0x2], $0x4000, $0x38;
	[tilespmem:$0x1D000] =	vst v63  }
0x3e: {  	_ =	swait.ge [sflag:s6], $0x4000  }
0x3f: {  	[sflag:s6] =	ssyncset.done $0x0  }
0x40: {  	[sflag:s6] =	ssyncadd.s32 $0xFFFFC000  }
0x41: {  	s14 =	simm.s32 $0x14000;
	[bflag:$0x0] =	sbarrier.arrive $0xFFFF  }
0x42: {  	[tilespmem:s7], [sflag:$0x1] =	stream.indirect.gather [hbm4b:s25+s8], $0x80, s14, s8, $0xb8;
	[tilespmem:$0x1D000] =	vst v63  }
0x43: {  	_ =	swait.ge [sflag:s9], $0x4000  }
0x44: {  	[sflag:s9] =	ssyncset.done $0x0  }
0x45: {  	s15 =	simm.s32 $0x16800;
	[sflag:s9] =	ssyncadd.s32 $0xFFFFC000  }
0x46: {  	[spmem:s21] =	stream.indirect.scatter.add.f32 [tilespmem:s7], [sflag:$0x2], $0x80, s15, s8, $0xb8;
	[tilespmem:$0x1D000] =	vst v63  }
0x47: {  	_ =	swait.ge [sflag:s6], $0x4000  }
0x48: {  	s12 =	simm.s32 $0x400;
	s11 =	simm.s32 $0x80;
	[sflag:s6] =	ssyncset.done $0x0  }
.LBB2_2:
0x49: {  	s13 =	sadd.s32 $0x14000, s11  }
0x4a: {  	[sflag:s6] =	ssyncadd.s32 $0xFFFFC000;
	s14 =	smov.u32 s12;
	s15 =	sadd.s32 $0x200, s12  }
0x4b: {  	[tilespmem:s7], [sflag:$0x1] =	stream.indirect.gather [hbm4b:s25+s8], $0x80, s13, s8, $0xb8;
	[tilespmem:$0x1D000] =	vst v63  }
0x4c: {  	p0 =	sne.s32 s12, $0x9C00;
	_ =	swait.ge [sflag:s9], $0x4000  }
.Ltmp0:
0x4d: {  	[sflag:s9] =	ssyncset.done $0x0;
	(pc) =	sbr.rel @p0 .LBB2_2-.Ltmp0, $4  }
0x4e: {  	s11 =	sadd.s32 $0x16800, s11;
	[sflag:s9] =	ssyncadd.s32 $0xFFFFC000  }
0x4f: {  	[spmem:s21] =	stream.indirect.scatter.add.f32 [tilespmem:s7], [sflag:$0x2], $0x80, s11, s8, $0xb8;
	[tilespmem:$0x1D000] =	vst v63  }
0x50: {  	_ =	swait.ge [sflag:s6], $0x4000  }
0x51: {  	s12 =	smov.u32 s15;
	s11 =	sshra.s32 s14, $0x2;
	[sflag:s6] =	ssyncset.done $0x0  }
0x52: {  	s12 =	sadd.s32 $0x14000, s11;
	[sflag:s6] =	ssyncadd.s32 $0xFFFFC000  }
0x53: {  	[tilespmem:s7], [sflag:$0x1] =	stream.indirect.gather [hbm4b:s25+s8], $0x80, s12, s8, $0xb8;
	[tilespmem:$0x1D000] =	vst v63  }
0x54: {  	_ =	swait.ge [sflag:s9], $0x4000  }
0x55: {  	[sflag:s9] =	ssyncset.done $0x0  }
0x56: {  	s14 =	sadd.s32 $0x16800, s11;
	[sflag:s9] =	ssyncadd.s32 $0xFFFFC000  }
0x57: {  	[spmem:s21] =	stream.indirect.scatter.add.f32 [tilespmem:s7], [sflag:$0x2], $0x80, s14, s8, $0xb8;
	[tilespmem:$0x1D000] =	vst v63  }
0x58: {  	_ =	swait.ge [sflag:s6], $0x4000  }
0x59: {  	[sflag:s6] =	ssyncset.done $0x0  }
0x5a: {  	[sflag:s6] =	ssyncadd.s32 $0xFFFFC000  }
0x5b: {  	[bflag:$0x0] =	sbarrier.arrive $0xFFFF  }
0x5c: {  	[tilespmem:s7], [sflag:$0x2] =	stream.linear.gather [spmem:s17], $0x4000, $0x38;
	[tilespmem:$0x1D000] =	vst v63  }
0x5d: {  	_ =	swait.ge [sflag:s6], $0x4000  }
0x5e: {  	[sflag:s6] =	ssyncset.done $0x0  }
0x5f: {  	s11 =	simm.s32 $0x0;
	s15 =	rddreg [dreg:$0x4];
	[sflag:s6] =	ssyncadd.s32 $0xFFFFC000  }
0x60: {  	[hbm4b:s15+s11] =	stream.linear.scatter [tilespmem:s7], [sflag:$0x2], $0x4000, $0x38;
	[tilespmem:$0x1D000] =	vst v63  }
0x61: {  	_ =	swait.ge [sflag:s6], $0x4000  }
0x62: {  	[sflag:s6] =	ssyncset.done $0x0  }
0x63: {  	[sflag:s6] =	ssyncadd.s32 $0xFFFFC000  }
0x64: {  	[tilespmem:s7], [sflag:$0x2] =	stream.linear.gather [spmem:s0], $0x4000, $0x38;
	[tilespmem:$0x1D000] =	vst v63  }
0x65: {  	_ =	swait.ge [sflag:s6], $0x4000  }
0x66: {  	[sflag:s6] =	ssyncset.done $0x0  }
0x67: {  	s13 =	rddreg [dreg:$0x5];
	[sflag:s6] =	ssyncadd.s32 $0xFFFFC000  }
0x68: {  	[hbm4b:s13+s11] =	stream.linear.scatter [tilespmem:s7], [sflag:$0x2], $0x4000, $0x38;
	[tilespmem:$0x1D000] =	vst v63  }
0x69: {  	_ =	swait.ge [sflag:s6], $0x4000  }
0x6a: {  	[sflag:s6] =	ssyncset.done $0x0  }
0x6b: {  	[sflag:s6] =	ssyncadd.s32 $0xFFFFC000  }
0x6c: {  	[tilespmem:s7], [sflag:$0x2] =	stream.linear.gather [spmem:s2], $0x4000, $0x38;
	[tilespmem:$0x1D000] =	vst v63  }
0x6d: {  	_ =	swait.ge [sflag:s6], $0x4000  }
0x6e: {  	[sflag:s6] =	ssyncset.done $0x0  }
0x6f: {  	s14 =	rddreg [dreg:$0x6];
	[sflag:s6] =	ssyncadd.s32 $0xFFFFC000  }
0x70: {  	[hbm4b:s14+s11] =	stream.linear.scatter [tilespmem:s7], [sflag:$0x2], $0x4000, $0x38;
	[tilespmem:$0x1D000] =	vst v63  }
0x71: {  	_ =	swait.ge [sflag:s6], $0x4000  }
0x72: {  	[sflag:s6] =	ssyncset.done $0x0  }
0x73: {  	[sflag:s6] =	ssyncadd.s32 $0xFFFFC000  }
0x74: {  	[tilespmem:s7], [sflag:$0x2] =	stream.linear.gather [spmem:s3], $0x4000, $0x38;
	[tilespmem:$0x1D000] =	vst v63  }
0x75: {  	_ =	swait.ge [sflag:s6], $0x4000  }
0x76: {  	[sflag:s6] =	ssyncset.done $0x0  }
0x77: {  	s15 =	rddreg [dreg:$0x7];
	[sflag:s6] =	ssyncadd.s32 $0xFFFFC000  }
0x78: {  	[hbm4b:s15+s11] =	stream.linear.scatter [tilespmem:s7], [sflag:$0x2], $0x4000, $0x38;
	[tilespmem:$0x1D000] =	vst v63  }
0x79: {  	_ =	swait.ge [sflag:s6], $0x4000  }
0x7a: {  	[sflag:s6] =	ssyncset.done $0x0  }
0x7b: {  	[sflag:s6] =	ssyncadd.s32 $0xFFFFC000  }
0x7c: {  	[tilespmem:s7], [sflag:$0x2] =	stream.linear.gather [spmem:s4], $0x4000, $0x38;
	[tilespmem:$0x1D000] =	vst v63  }
0x7d: {  	_ =	swait.ge [sflag:s6], $0x4000  }
0x7e: {  	[sflag:s6] =	ssyncset.done $0x0  }
0x7f: {  	s13 =	rddreg [dreg:$0x8];
	[sflag:s6] =	ssyncadd.s32 $0xFFFFC000  }
0x80: {  	[hbm4b:s13+s11] =	stream.linear.scatter [tilespmem:s7], [sflag:$0x2], $0x4000, $0x38;
	[tilespmem:$0x1D000] =	vst v63  }
0x81: {  	_ =	swait.ge [sflag:s6], $0x4000  }
0x82: {  	[sflag:s6] =	ssyncset.done $0x0  }
0x83: {  	[sflag:s6] =	ssyncadd.s32 $0xFFFFC000  }
0x84: {  	[tilespmem:s7], [sflag:$0x2] =	stream.linear.gather [hbm4b:s30+s11], $0x4000, $0x38;
	[tilespmem:$0x1D000] =	vst v63  }
0x85: {  	_ =	swait.ge [sflag:s6], $0x4000  }
0x86: {  	[sflag:s6] =	ssyncset.done $0x0  }
0x87: {  	[sflag:s6] =	ssyncadd.s32 $0xFFFFC000  }
0x88: {  	[spmem:s17] =	stream.linear.scatter [tilespmem:s7], [sflag:$0x2], $0x4000, $0x38;
	[tilespmem:$0x1D000] =	vst v63  }
0x89: {  	_ =	swait.ge [sflag:s6], $0x4000  }
0x8a: {  	[sflag:s6] =	ssyncset.done $0x0  }
0x8b: {  	[sflag:s6] =	ssyncadd.s32 $0xFFFFC000  }
0x8c: {  	[spmem:s0] =	stream.linear.scatter [tilespmem:s7], [sflag:$0x2], $0x4000, $0x38;
	[tilespmem:$0x1D000] =	vst v63  }
0x8d: {  	_ =	swait.ge [sflag:s6], $0x4000  }
0x8e: {  	[sflag:s6] =	ssyncset.done $0x0  }
0x8f: {  	[sflag:s6] =	ssyncadd.s32 $0xFFFFC000  }
0x90: {  	[spmem:s2] =	stream.linear.scatter [tilespmem:s7], [sflag:$0x2], $0x4000, $0x38;
	[tilespmem:$0x1D000] =	vst v63  }
0x91: {  	_ =	swait.ge [sflag:s6], $0x4000  }
0x92: {  	[sflag:s6] =	ssyncset.done $0x0  }
0x93: {  	[sflag:s6] =	ssyncadd.s32 $0xFFFFC000  }
0x94: {  	[spmem:s3] =	stream.linear.scatter [tilespmem:s7], [sflag:$0x2], $0x4000, $0x38;
	[tilespmem:$0x1D000] =	vst v63  }
0x95: {  	_ =	swait.ge [sflag:s6], $0x4000  }
0x96: {  	[sflag:s6] =	ssyncset.done $0x0  }
0x97: {  	[sflag:s6] =	ssyncadd.s32 $0xFFFFC000  }
0x98: {  	[spmem:s4] =	stream.linear.scatter [tilespmem:s7], [sflag:$0x2], $0x4000, $0x38;
	[tilespmem:$0x1D000] =	vst v63  }
0x99: {  	_ =	swait.ge [sflag:s6], $0x4000  }
0x9a: {  	[sflag:s6] =	ssyncset.done $0x0  }
0x9b: {  	[sflag:s6] =	ssyncadd.s32 $0xFFFFC000  }
0x9c: {  	s14 =	simm.s32 $0x14000;
	[bflag:$0x0] =	sbarrier.arrive $0xFFFF  }
0x9d: {  	[tilespmem:s7], [sflag:$0x1] =	stream.indirect.gather [hbm4b:s26+s8], $0x80, s14, s8, $0xb8;
	[tilespmem:$0x1D000] =	vst v63  }
0x9e: {  	_ =	swait.ge [sflag:s9], $0x4000  }
0x9f: {  	[sflag:s9] =	ssyncset.done $0x0  }
0xa0: {  	s15 =	simm.s32 $0x16800;
	[sflag:s9] =	ssyncadd.s32 $0xFFFFC000  }
0xa1: {  	[spmem:s21] =	stream.indirect.scatter.add.f32 [tilespmem:s7], [sflag:$0x2], $0x80, s15, s8, $0xb8;
	[tilespmem:$0x1D000] =	vst v63  }
0xa2: {  	_ =	swait.ge [sflag:s6], $0x4000  }
0xa3: {  	s12 =	simm.s32 $0x400;
	s11 =	simm.s32 $0x80;
	[sflag:s6] =	ssyncset.done $0x0  }
.LBB2_4:
0xa4: {  	s13 =	sadd.s32 $0x14000, s11  }
0xa5: {  	[sflag:s6] =	ssyncadd.s32 $0xFFFFC000;
	s14 =	smov.u32 s12;
	s15 =	sadd.s32 $0x200, s12  }
0xa6: {  	[tilespmem:s7], [sflag:$0x1] =	stream.indirect.gather [hbm4b:s26+s8], $0x80, s13, s8, $0xb8;
	[tilespmem:$0x1D000] =	vst v63  }
0xa7: {  	p0 =	sne.s32 s12, $0x9C00;
	_ =	swait.ge [sflag:s9], $0x4000  }
.Ltmp1:
0xa8: {  	[sflag:s9] =	ssyncset.done $0x0;
	(pc) =	sbr.rel @p0 .LBB2_4-.Ltmp1, $4  }
0xa9: {  	s11 =	sadd.s32 $0x16800, s11;
	[sflag:s9] =	ssyncadd.s32 $0xFFFFC000  }
0xaa: {  	[spmem:s21] =	stream.indirect.scatter.add.f32 [tilespmem:s7], [sflag:$0x2], $0x80, s11, s8, $0xb8;
	[tilespmem:$0x1D000] =	vst v63  }
0xab: {  	_ =	swait.ge [sflag:s6], $0x4000  }
0xac: {  	s12 =	smov.u32 s15;
	s11 =	sshra.s32 s14, $0x2;
	[sflag:s6] =	ssyncset.done $0x0  }
0xad: {  	s12 =	sadd.s32 $0x14000, s11;
	[sflag:s6] =	ssyncadd.s32 $0xFFFFC000  }
0xae: {  	[tilespmem:s7], [sflag:$0x1] =	stream.indirect.gather [hbm4b:s26+s8], $0x80, s12, s8, $0xb8;
	[tilespmem:$0x1D000] =	vst v63  }
0xaf: {  	_ =	swait.ge [sflag:s9], $0x4000  }
0xb0: {  	[sflag:s9] =	ssyncset.done $0x0  }
0xb1: {  	s14 =	sadd.s32 $0x16800, s11;
	[sflag:s9] =	ssyncadd.s32 $0xFFFFC000  }
0xb2: {  	[spmem:s21] =	stream.indirect.scatter.add.f32 [tilespmem:s7], [sflag:$0x2], $0x80, s14, s8, $0xb8;
	[tilespmem:$0x1D000] =	vst v63  }
0xb3: {  	_ =	swait.ge [sflag:s6], $0x4000  }
0xb4: {  	[sflag:s6] =	ssyncset.done $0x0  }
0xb5: {  	[sflag:s6] =	ssyncadd.s32 $0xFFFFC000  }
0xb6: {  	[bflag:$0x0] =	sbarrier.arrive $0xFFFF  }
0xb7: {  	[tilespmem:s7], [sflag:$0x2] =	stream.linear.gather [spmem:s17], $0x4000, $0x38;
	[tilespmem:$0x1D000] =	vst v63  }
0xb8: {  	_ =	swait.ge [sflag:s6], $0x4000  }
0xb9: {  	[sflag:s6] =	ssyncset.done $0x0  }
0xba: {  	s11 =	simm.s32 $0x0;
	s15 =	rddreg [dreg:$0x9];
	[sflag:s6] =	ssyncadd.s32 $0xFFFFC000  }
0xbb: {  	[hbm4b:s15+s11] =	stream.linear.scatter [tilespmem:s7], [sflag:$0x2], $0x4000, $0x38;
	[tilespmem:$0x1D000] =	vst v63  }
0xbc: {  	_ =	swait.ge [sflag:s6], $0x4000  }
0xbd: {  	[sflag:s6] =	ssyncset.done $0x0  }
0xbe: {  	[sflag:s6] =	ssyncadd.s32 $0xFFFFC000  }
0xbf: {  	[tilespmem:s7], [sflag:$0x2] =	stream.linear.gather [spmem:s0], $0x4000, $0x38;
	[tilespmem:$0x1D000] =	vst v63  }
0xc0: {  	_ =	swait.ge [sflag:s6], $0x4000  }
0xc1: {  	[sflag:s6] =	ssyncset.done $0x0  }
0xc2: {  	s13 =	rddreg [dreg:$0xa];
	[sflag:s6] =	ssyncadd.s32 $0xFFFFC000  }
0xc3: {  	[hbm4b:s13+s11] =	stream.linear.scatter [tilespmem:s7], [sflag:$0x2], $0x4000, $0x38;
	[tilespmem:$0x1D000] =	vst v63  }
0xc4: {  	_ =	swait.ge [sflag:s6], $0x4000  }
0xc5: {  	[sflag:s6] =	ssyncset.done $0x0  }
0xc6: {  	[sflag:s6] =	ssyncadd.s32 $0xFFFFC000  }
0xc7: {  	[tilespmem:s7], [sflag:$0x2] =	stream.linear.gather [spmem:s2], $0x4000, $0x38;
	[tilespmem:$0x1D000] =	vst v63  }
0xc8: {  	_ =	swait.ge [sflag:s6], $0x4000  }
0xc9: {  	[sflag:s6] =	ssyncset.done $0x0  }
0xca: {  	s14 =	rddreg [dreg:$0xb];
	[sflag:s6] =	ssyncadd.s32 $0xFFFFC000  }
0xcb: {  	[hbm4b:s14+s11] =	stream.linear.scatter [tilespmem:s7], [sflag:$0x2], $0x4000, $0x38;
	[tilespmem:$0x1D000] =	vst v63  }
0xcc: {  	_ =	swait.ge [sflag:s6], $0x4000  }
0xcd: {  	[sflag:s6] =	ssyncset.done $0x0  }
0xce: {  	[sflag:s6] =	ssyncadd.s32 $0xFFFFC000  }
0xcf: {  	[tilespmem:s7], [sflag:$0x2] =	stream.linear.gather [spmem:s3], $0x4000, $0x38;
	[tilespmem:$0x1D000] =	vst v63  }
0xd0: {  	_ =	swait.ge [sflag:s6], $0x4000  }
0xd1: {  	[sflag:s6] =	ssyncset.done $0x0  }
0xd2: {  	s15 =	rddreg [dreg:$0xc];
	[sflag:s6] =	ssyncadd.s32 $0xFFFFC000  }
0xd3: {  	[hbm4b:s15+s11] =	stream.linear.scatter [tilespmem:s7], [sflag:$0x2], $0x4000, $0x38;
	[tilespmem:$0x1D000] =	vst v63  }
0xd4: {  	_ =	swait.ge [sflag:s6], $0x4000  }
0xd5: {  	[sflag:s6] =	ssyncset.done $0x0  }
0xd6: {  	[sflag:s6] =	ssyncadd.s32 $0xFFFFC000  }
0xd7: {  	[tilespmem:s7], [sflag:$0x2] =	stream.linear.gather [spmem:s4], $0x4000, $0x38;
	[tilespmem:$0x1D000] =	vst v63  }
0xd8: {  	_ =	swait.ge [sflag:s6], $0x4000  }
0xd9: {  	[sflag:s6] =	ssyncset.done $0x0  }
0xda: {  	s13 =	rddreg [dreg:$0xd];
	[sflag:s6] =	ssyncadd.s32 $0xFFFFC000  }
0xdb: {  	[hbm4b:s13+s11] =	stream.linear.scatter [tilespmem:s7], [sflag:$0x2], $0x4000, $0x38;
	[tilespmem:$0x1D000] =	vst v63  }
0xdc: {  	_ =	swait.ge [sflag:s6], $0x4000  }
0xdd: {  	[sflag:s6] =	ssyncset.done $0x0  }
0xde: {  	[sflag:s6] =	ssyncadd.s32 $0xFFFFC000  }
0xdf: {  	[tilespmem:s7], [sflag:$0x2] =	stream.linear.gather [hbm4b:s30+s11], $0x4000, $0x38;
	[tilespmem:$0x1D000] =	vst v63  }
0xe0: {  	_ =	swait.ge [sflag:s6], $0x4000  }
0xe1: {  	[sflag:s6] =	ssyncset.done $0x0  }
0xe2: {  	[sflag:s6] =	ssyncadd.s32 $0xFFFFC000  }
0xe3: {  	[spmem:s17] =	stream.linear.scatter [tilespmem:s7], [sflag:$0x2], $0x4000, $0x38;
	[tilespmem:$0x1D000] =	vst v63  }
0xe4: {  	_ =	swait.ge [sflag:s6], $0x4000  }
0xe5: {  	[sflag:s6] =	ssyncset.done $0x0  }
0xe6: {  	[sflag:s6] =	ssyncadd.s32 $0xFFFFC000  }
0xe7: {  	[spmem:s0] =	stream.linear.scatter [tilespmem:s7], [sflag:$0x2], $0x4000, $0x38;
	[tilespmem:$0x1D000] =	vst v63  }
0xe8: {  	_ =	swait.ge [sflag:s6], $0x4000  }
0xe9: {  	[sflag:s6] =	ssyncset.done $0x0  }
0xea: {  	[sflag:s6] =	ssyncadd.s32 $0xFFFFC000  }
0xeb: {  	[spmem:s2] =	stream.linear.scatter [tilespmem:s7], [sflag:$0x2], $0x4000, $0x38;
	[tilespmem:$0x1D000] =	vst v63  }
0xec: {  	_ =	swait.ge [sflag:s6], $0x4000  }
0xed: {  	[sflag:s6] =	ssyncset.done $0x0  }
0xee: {  	[sflag:s6] =	ssyncadd.s32 $0xFFFFC000  }
0xef: {  	[spmem:s3] =	stream.linear.scatter [tilespmem:s7], [sflag:$0x2], $0x4000, $0x38;
	[tilespmem:$0x1D000] =	vst v63  }
0xf0: {  	_ =	swait.ge [sflag:s6], $0x4000  }
0xf1: {  	[sflag:s6] =	ssyncset.done $0x0  }
0xf2: {  	[sflag:s6] =	ssyncadd.s32 $0xFFFFC000  }
0xf3: {  	[spmem:s4] =	stream.linear.scatter [tilespmem:s7], [sflag:$0x2], $0x4000, $0x38;
	[tilespmem:$0x1D000] =	vst v63  }
0xf4: {  	_ =	swait.ge [sflag:s6], $0x4000  }
0xf5: {  	[sflag:s6] =	ssyncset.done $0x0  }
0xf6: {  	[sflag:s6] =	ssyncadd.s32 $0xFFFFC000  }
0xf7: {  	s14 =	simm.s32 $0x14000;
	[bflag:$0x0] =	sbarrier.arrive $0xFFFF  }
0xf8: {  	[tilespmem:s7], [sflag:$0x1] =	stream.indirect.gather [hbm4b:s28+s8], $0x80, s14, s8, $0xb8;
	[tilespmem:$0x1D000] =	vst v63  }
0xf9: {  	_ =	swait.ge [sflag:s9], $0x4000  }
0xfa: {  	[sflag:s9] =	ssyncset.done $0x0  }
0xfb: {  	s15 =	simm.s32 $0x16800;
	[sflag:s9] =	ssyncadd.s32 $0xFFFFC000  }
0xfc: {  	[spmem:s21] =	stream.indirect.scatter.add.f32 [tilespmem:s7], [sflag:$0x2], $0x80, s15, s8, $0xb8;
	[tilespmem:$0x1D000] =	vst v63  }
0xfd: {  	_ =	swait.ge [sflag:s6], $0x4000  }
0xfe: {  	s12 =	simm.s32 $0x400;
	s11 =	simm.s32 $0x80;
	[sflag:s6] =	ssyncset.done $0x0  }
.LBB2_6:
0xff: {  	s13 =	sadd.s32 $0x14000, s11  }
0x100: {  	[sflag:s6] =	ssyncadd.s32 $0xFFFFC000;
	s14 =	smov.u32 s12;
	s15 =	sadd.s32 $0x200, s12  }
0x101: {  	[tilespmem:s7], [sflag:$0x1] =	stream.indirect.gather [hbm4b:s28+s8], $0x80, s13, s8, $0xb8;
	[tilespmem:$0x1D000] =	vst v63  }
0x102: {  	p0 =	sne.s32 s12, $0x9C00;
	_ =	swait.ge [sflag:s9], $0x4000  }
.Ltmp2:
0x103: {  	[sflag:s9] =	ssyncset.done $0x0;
	(pc) =	sbr.rel @p0 .LBB2_6-.Ltmp2, $4  }
0x104: {  	s11 =	sadd.s32 $0x16800, s11;
	[sflag:s9] =	ssyncadd.s32 $0xFFFFC000  }
0x105: {  	[spmem:s21] =	stream.indirect.scatter.add.f32 [tilespmem:s7], [sflag:$0x2], $0x80, s11, s8, $0xb8;
	[tilespmem:$0x1D000] =	vst v63  }
0x106: {  	_ =	swait.ge [sflag:s6], $0x4000  }
0x107: {  	s12 =	smov.u32 s15;
	s11 =	sshra.s32 s14, $0x2;
	[sflag:s6] =	ssyncset.done $0x0  }
0x108: {  	s12 =	sadd.s32 $0x14000, s11;
	[sflag:s6] =	ssyncadd.s32 $0xFFFFC000  }
0x109: {  	[tilespmem:s7], [sflag:$0x1] =	stream.indirect.gather [hbm4b:s28+s8], $0x80, s12, s8, $0xb8;
	[tilespmem:$0x1D000] =	vst v63  }
0x10a: {  	_ =	swait.ge [sflag:s9], $0x4000  }
0x10b: {  	[sflag:s9] =	ssyncset.done $0x0  }
0x10c: {  	s12 =	sadd.s32 $0x16800, s11;
	[sflag:s9] =	ssyncadd.s32 $0xFFFFC000  }
0x10d: {  	[spmem:s21] =	stream.indirect.scatter.add.f32 [tilespmem:s7], [sflag:$0x2], $0x80, s12, s8, $0xb8;
	[tilespmem:$0x1D000] =	vst v63  }
0x10e: {  	_ =	swait.ge [sflag:s6], $0x4000  }
0x10f: {  	[sflag:s6] =	ssyncset.done $0x0  }
0x110: {  	[sflag:s6] =	ssyncadd.s32 $0xFFFFC000  }
0x111: {  	[bflag:$0x0] =	sbarrier.arrive $0xFFFF  }
0x112: {  	[tilespmem:s7], [sflag:$0x2] =	stream.linear.gather [spmem:s17], $0x4000, $0x38;
	[tilespmem:$0x1D000] =	vst v63  }
0x113: {  	_ =	swait.ge [sflag:s6], $0x4000  }
0x114: {  	[sflag:s6] =	ssyncset.done $0x0  }
0x115: {  	s11 =	simm.s32 $0x0;
	s13 =	rddreg [dreg:$0xe];
	[sflag:s6] =	ssyncadd.s32 $0xFFFFC000  }
0x116: {  	[hbm4b:s13+s11] =	stream.linear.scatter [tilespmem:s7], [sflag:$0x2], $0x4000, $0x38;
	[tilespmem:$0x1D000] =	vst v63  }
0x117: {  	_ =	swait.ge [sflag:s6], $0x4000  }
0x118: {  	[sflag:s6] =	ssyncset.done $0x0  }
0x119: {  	[sflag:s6] =	ssyncadd.s32 $0xFFFFC000  }
0x11a: {  	[tilespmem:s7], [sflag:$0x2] =	stream.linear.gather [spmem:s0], $0x4000, $0x38;
	[tilespmem:$0x1D000] =	vst v63  }
0x11b: {  	_ =	swait.ge [sflag:s6], $0x4000  }
0x11c: {  	[sflag:s6] =	ssyncset.done $0x0  }
0x11d: {  	s14 =	rddreg [dreg:$0xf];
	[sflag:s6] =	ssyncadd.s32 $0xFFFFC000  }
0x11e: {  	[hbm4b:s14+s11] =	stream.linear.scatter [tilespmem:s7], [sflag:$0x2], $0x4000, $0x38;
	[tilespmem:$0x1D000] =	vst v63  }
0x11f: {  	_ =	swait.ge [sflag:s6], $0x4000  }
0x120: {  	[sflag:s6] =	ssyncset.done $0x0  }
0x121: {  	[sflag:s6] =	ssyncadd.s32 $0xFFFFC000  }
0x122: {  	[tilespmem:s7], [sflag:$0x2] =	stream.linear.gather [spmem:s2], $0x4000, $0x38;
	[tilespmem:$0x1D000] =	vst v63  }
0x123: {  	_ =	swait.ge [sflag:s6], $0x4000  }
0x124: {  	[sflag:s6] =	ssyncset.done $0x0  }
0x125: {  	s15 =	rddreg [dreg:$0x10];
	[sflag:s6] =	ssyncadd.s32 $0xFFFFC000  }
0x126: {  	[hbm4b:s15+s11] =	stream.linear.scatter [tilespmem:s7], [sflag:$0x2], $0x4000, $0x38;
	[tilespmem:$0x1D000] =	vst v63  }
0x127: {  	_ =	swait.ge [sflag:s6], $0x4000  }
0x128: {  	[sflag:s6] =	ssyncset.done $0x0  }
0x129: {  	[sflag:s6] =	ssyncadd.s32 $0xFFFFC000  }
0x12a: {  	[tilespmem:s7], [sflag:$0x2] =	stream.linear.gather [spmem:s3], $0x4000, $0x38;
	[tilespmem:$0x1D000] =	vst v63  }
0x12b: {  	_ =	swait.ge [sflag:s6], $0x4000  }
0x12c: {  	[sflag:s6] =	ssyncset.done $0x0  }
0x12d: {  	s13 =	rddreg [dreg:$0x11];
	[sflag:s6] =	ssyncadd.s32 $0xFFFFC000  }
0x12e: {  	[hbm4b:s13+s11] =	stream.linear.scatter [tilespmem:s7], [sflag:$0x2], $0x4000, $0x38;
	[tilespmem:$0x1D000] =	vst v63  }
0x12f: {  	_ =	swait.ge [sflag:s6], $0x4000  }
0x130: {  	[sflag:s6] =	ssyncset.done $0x0  }
0x131: {  	[sflag:s6] =	ssyncadd.s32 $0xFFFFC000  }
0x132: {  	[tilespmem:s7], [sflag:$0x2] =	stream.linear.gather [spmem:s4], $0x4000, $0x38;
	[tilespmem:$0x1D000] =	vst v63  }
0x133: {  	_ =	swait.ge [sflag:s6], $0x4000  }
0x134: {  	[sflag:s6] =	ssyncset.done $0x0  }
0x135: {  	[sflag:s6] =	ssyncadd.s32 $0xFFFFC000  }
0x136: {  	[hbm4b:s16+s11] =	stream.linear.scatter [tilespmem:s7], [sflag:$0x2], $0x4000, $0x38;
	[tilespmem:$0x1D000] =	vst v63  }
0x137: {  	_ =	swait.ge [sflag:s6], $0x4000  }
0x138: {  	[sflag:s6] =	ssyncset.done $0x0  }
0x139: {  	[sflag:s6] =	ssyncadd.s32 $0xFFFFC000  }
0x13a: {  	[tilespmem:s7], [sflag:$0x2] =	stream.linear.gather [hbm4b:s30+s11], $0x4000, $0x38;
	[tilespmem:$0x1D000] =	vst v63  }
0x13b: {  	_ =	swait.ge [sflag:s6], $0x4000  }
0x13c: {  	[sflag:s6] =	ssyncset.done $0x0  }
0x13d: {  	[sflag:s6] =	ssyncadd.s32 $0xFFFFC000  }
0x13e: {  	[spmem:s17] =	stream.linear.scatter [tilespmem:s7], [sflag:$0x2], $0x4000, $0x38;
	[tilespmem:$0x1D000] =	vst v63  }
0x13f: {  	_ =	swait.ge [sflag:s6], $0x4000  }
0x140: {  	[sflag:s6] =	ssyncset.done $0x0  }
0x141: {  	[sflag:s6] =	ssyncadd.s32 $0xFFFFC000  }
0x142: {  	[spmem:s0] =	stream.linear.scatter [tilespmem:s7], [sflag:$0x2], $0x4000, $0x38;
	[tilespmem:$0x1D000] =	vst v63  }
0x143: {  	_ =	swait.ge [sflag:s6], $0x4000  }
0x144: {  	[sflag:s6] =	ssyncset.done $0x0  }
0x145: {  	[sflag:s6] =	ssyncadd.s32 $0xFFFFC000  }
0x146: {  	[spmem:s2] =	stream.linear.scatter [tilespmem:s7], [sflag:$0x2], $0x4000, $0x38;
	[tilespmem:$0x1D000] =	vst v63  }
0x147: {  	_ =	swait.ge [sflag:s6], $0x4000  }
0x148: {  	[sflag:s6] =	ssyncset.done $0x0  }
0x149: {  	[sflag:s6] =	ssyncadd.s32 $0xFFFFC000  }
0x14a: {  	[spmem:s3] =	stream.linear.scatter [tilespmem:s7], [sflag:$0x2], $0x4000, $0x38;
	[tilespmem:$0x1D000] =	vst v63  }
0x14b: {  	_ =	swait.ge [sflag:s6], $0x4000  }
0x14c: {  	[sflag:s6] =	ssyncset.done $0x0  }
0x14d: {  	[sflag:s6] =	ssyncadd.s32 $0xFFFFC000  }
0x14e: {  	[spmem:s4] =	stream.linear.scatter [tilespmem:s7], [sflag:$0x2], $0x4000, $0x38;
	[tilespmem:$0x1D000] =	vst v63  }
0x14f: {  	_ =	swait.ge [sflag:s6], $0x4000  }
0x150: {  	[sflag:s6] =	ssyncset.done $0x0  }
0x151: {  	[sflag:s6] =	ssyncadd.s32 $0xFFFFC000  }
0x152: {  	s14 =	simm.s32 $0x14000;
	[bflag:$0x0] =	sbarrier.arrive $0xFFFF  }
0x153: {  	[tilespmem:s7], [sflag:$0x1] =	stream.indirect.gather [hbm4b:s29+s8], $0x80, s14, s8, $0xb8;
	[tilespmem:$0x1D000] =	vst v63  }
0x154: {  	_ =	swait.ge [sflag:s9], $0x4000  }
0x155: {  	[sflag:s9] =	ssyncset.done $0x0  }
0x156: {  	s15 =	simm.s32 $0x16800;
	[sflag:s9] =	ssyncadd.s32 $0xFFFFC000  }
0x157: {  	[spmem:s21] =	stream.indirect.scatter.add.f32 [tilespmem:s7], [sflag:$0x2], $0x80, s15, s8, $0xb8;
	[tilespmem:$0x1D000] =	vst v63  }
0x158: {  	_ =	swait.ge [sflag:s6], $0x4000  }
0x159: {  	s12 =	simm.s32 $0x400;
	s11 =	simm.s32 $0x80;
	[sflag:s6] =	ssyncset.done $0x0  }
.LBB2_8:
0x15a: {  	s13 =	sadd.s32 $0x14000, s11  }
0x15b: {  	[sflag:s6] =	ssyncadd.s32 $0xFFFFC000;
	s14 =	smov.u32 s12;
	s15 =	sadd.s32 $0x200, s12  }
0x15c: {  	[tilespmem:s7], [sflag:$0x1] =	stream.indirect.gather [hbm4b:s29+s8], $0x80, s13, s8, $0xb8;
	[tilespmem:$0x1D000] =	vst v63  }
0x15d: {  	p0 =	sne.s32 s12, $0x9C00;
	_ =	swait.ge [sflag:s9], $0x4000  }
.Ltmp3:
0x15e: {  	[sflag:s9] =	ssyncset.done $0x0;
	(pc) =	sbr.rel @p0 .LBB2_8-.Ltmp3, $4  }
0x15f: {  	s11 =	sadd.s32 $0x16800, s11;
	[sflag:s9] =	ssyncadd.s32 $0xFFFFC000  }
0x160: {  	[spmem:s21] =	stream.indirect.scatter.add.f32 [tilespmem:s7], [sflag:$0x2], $0x80, s11, s8, $0xb8;
	[tilespmem:$0x1D000] =	vst v63  }
0x161: {  	_ =	swait.ge [sflag:s6], $0x4000  }
0x162: {  	s12 =	smov.u32 s15;
	s11 =	sshra.s32 s14, $0x2;
	[sflag:s6] =	ssyncset.done $0x0  }
0x163: {  	s12 =	sadd.s32 $0x14000, s11;
	[sflag:s6] =	ssyncadd.s32 $0xFFFFC000  }
0x164: {  	[tilespmem:s7], [sflag:$0x1] =	stream.indirect.gather [hbm4b:s29+s8], $0x80, s12, s8, $0xb8;
	[tilespmem:$0x1D000] =	vst v63  }
0x165: {  	_ =	swait.ge [sflag:s9], $0x4000  }
0x166: {  	[sflag:s9] =	ssyncset.done $0x0  }
0x167: {  	s15 =	sadd.s32 $0x16800, s11;
	[sflag:s9] =	ssyncadd.s32 $0xFFFFC000  }
0x168: {  	[spmem:s21] =	stream.indirect.scatter.add.f32 [tilespmem:s7], [sflag:$0x2], $0x80, s15, s8, $0xb8;
	[tilespmem:$0x1D000] =	vst v63  }
0x169: {  	_ =	swait.ge [sflag:s6], $0x4000  }
0x16a: {  	[sflag:s6] =	ssyncset.done $0x0  }
0x16b: {  	[sflag:s6] =	ssyncadd.s32 $0xFFFFC000  }
0x16c: {  	[bflag:$0x0] =	sbarrier.arrive $0xFFFF  }
0x16d: {  	[tilespmem:s7], [sflag:$0x2] =	stream.linear.gather [spmem:s17], $0x4000, $0x38;
	[tilespmem:$0x1D000] =	vst v63  }
0x16e: {  	_ =	swait.ge [sflag:s6], $0x4000  }
0x16f: {  	[sflag:s6] =	ssyncset.done $0x0  }
0x170: {  	[sflag:s6] =	ssyncadd.s32 $0xFFFFC000  }
0x171: {  	[hbm4b:s18+s1] =	stream.linear.scatter [tilespmem:s7], [sflag:$0x2], $0x4000, $0x38;
	[tilespmem:$0x1D000] =	vst v63  }
0x172: {  	_ =	swait.ge [sflag:s6], $0x4000  }
0x173: {  	[sflag:s6] =	ssyncset.done $0x0  }
0x174: {  	[sflag:s6] =	ssyncadd.s32 $0xFFFFC000  }
0x175: {  	[tilespmem:s7], [sflag:$0x2] =	stream.linear.gather [spmem:s0], $0x4000, $0x38;
	[tilespmem:$0x1D000] =	vst v63  }
0x176: {  	_ =	swait.ge [sflag:s6], $0x4000  }
0x177: {  	[sflag:s6] =	ssyncset.done $0x0  }
0x178: {  	[sflag:s6] =	ssyncadd.s32 $0xFFFFC000  }
0x179: {  	[hbm4b:s19+s1] =	stream.linear.scatter [tilespmem:s7], [sflag:$0x2], $0x4000, $0x38;
	[tilespmem:$0x1D000] =	vst v63  }
0x17a: {  	_ =	swait.ge [sflag:s6], $0x4000  }
0x17b: {  	[sflag:s6] =	ssyncset.done $0x0  }
0x17c: {  	[sflag:s6] =	ssyncadd.s32 $0xFFFFC000  }
0x17d: {  	[tilespmem:s7], [sflag:$0x2] =	stream.linear.gather [spmem:s2], $0x4000, $0x38;
	[tilespmem:$0x1D000] =	vst v63  }
0x17e: {  	_ =	swait.ge [sflag:s6], $0x4000  }
0x17f: {  	[sflag:s6] =	ssyncset.done $0x0  }
0x180: {  	[sflag:s6] =	ssyncadd.s32 $0xFFFFC000  }
0x181: {  	[hbm4b:s20+s1] =	stream.linear.scatter [tilespmem:s7], [sflag:$0x2], $0x4000, $0x38;
	[tilespmem:$0x1D000] =	vst v63  }
0x182: {  	_ =	swait.ge [sflag:s6], $0x4000  }
0x183: {  	[sflag:s6] =	ssyncset.done $0x0  }
0x184: {  	[sflag:s6] =	ssyncadd.s32 $0xFFFFC000  }
0x185: {  	[tilespmem:s7], [sflag:$0x2] =	stream.linear.gather [spmem:s3], $0x4000, $0x38;
	[tilespmem:$0x1D000] =	vst v63  }
0x186: {  	_ =	swait.ge [sflag:s6], $0x4000  }
0x187: {  	[sflag:s6] =	ssyncset.done $0x0  }
0x188: {  	[sflag:s6] =	ssyncadd.s32 $0xFFFFC000  }
0x189: {  	[hbm4b:s22+s1] =	stream.linear.scatter [tilespmem:s7], [sflag:$0x2], $0x4000, $0x38;
	[tilespmem:$0x1D000] =	vst v63  }
0x18a: {  	_ =	swait.ge [sflag:s6], $0x4000  }
0x18b: {  	[sflag:s6] =	ssyncset.done $0x0  }
0x18c: {  	[sflag:s6] =	ssyncadd.s32 $0xFFFFC000  }
0x18d: {  	[tilespmem:s7], [sflag:$0x2] =	stream.linear.gather [spmem:s4], $0x4000, $0x38;
	[tilespmem:$0x1D000] =	vst v63  }
0x18e: {  	s10 =	sadd.s32 $0x1, s10;
	_ =	swait.ge [sflag:s6], $0x4000  }
0x18f: {  	p0 =	sne.s32 s10, s5;
	[sflag:s6] =	ssyncset.done $0x0  }
.Ltmp4:
0x190: {  	[sflag:s6] =	ssyncadd.s32 $0xFFFFC000;
	(pc) =	sbr.rel @p0 .LBB2_1-.Ltmp4, $4  }
0x191: {  	[hbm4b:s23+s1] =	stream.linear.scatter [tilespmem:s7], [sflag:$0x2], $0x4000, $0x38;
	[tilespmem:$0x1D000] =	vst v63  }
0x192: {  	_ =	swait.ge [sflag:s6], $0x4000  }
0x193: {  	[sflag:s6] =	ssyncset.done $0x0  }
0x194: {  	[sflag:s6] =	ssyncadd.s32 $0xFFFFC000  }
0x195: {  	_ =	sfence.sel $0x180000  }
0x196: {  	[bflag:$0x0] =	sbarrier.arrive $0xFFFF  }
0x197: {  	_ =	strace $0x9000004D  }
0x198: {  	s0 =	stileid.u32;
	[bflag:$0x2] =	sbarrier.arrive $0xFFFF  }
0x199: {  	p0 =	sne.s32 s0, $0x0;
	s0 =	rddreg [dreg:$0x3]  }
0x19a: {  	s0 =	sadd.s32 @!p0 $0x100000, s0  }
0x19b: {  	[sflag:s0] =	ssyncadd.tile.s32 @!p0 $0x1;
	_ =	shalt  }
.Lfunc_end2:
_tile_overlayer_lowered:
.L_overlay_start_2:
0x19c: {  	(tag) =	ssettag $0x2  }
0x19d: {  	s0 =	rddreg [dreg:$0x0];
	s2 =	stileid.u32  }
0x19e: {  	s1 =	rddreg [dreg:$0x1];
	p0 =	sne.s32 s2, $0x0  }
0x19f: {  	s3 =	rddreg [dreg:$0x2];
	[bflag:$0x3] =	sbarrier.arrive $0xFFFF;
	s2 =	simm.s32 @!p0 $0x1C02  }
0x1a0: {  	[timem:s3], [sflag:s2] =	dma.local @!p0 [hbm:s0], s1  }
0x1a1: {  	s0 =	simm.s32 @!p0 $0x2  }
0x1a2: {  	_ =	swait.ge @!p0 [sflag:s0], s1  }
0x1a3: {  	s1 =	ssub.s32 @!p0 $0x0, s1;
	[sflag:s0] =	ssyncset.done @!p0 $0x0  }
0x1a4: {  	[sflag:s0] =	ssyncadd.s32 @!p0 s1  }
0x1a5: {  	[bflag:$0x3] =	sbarrier.arrive $0xFFFF  }
0x1a6: {  	_ =	shalt  }

// kernel: kernel.19.cloned.1.call-start
scs
__scs_entry_jumppad:
0x0: {  	(pc) =	sbr.rel $0x88, $3  }
0x1: {  	(tag) =	ssettag $0x0;
	lr =	simm.s32 $0x1  }
0x2: {  	[smem:$0x3F99] =	sst lr;
	_ =	strace $0xD0000000  }
0x3: {  	_ = 	snop  }
0x4: {  	_ = 	snop  }
0x5: {  	_ = 	snop  }
0x6: {  	_ = 	snop  }
0x7: {  	_ = 	snop  }
__scs_overlays_trampoline_lowered:
0x8: {  	[smem:$0x3FA8] =	sst s0  }
0x9: {  	[smem:$0x3FA9] =	sst s1  }
0xa: {  	[smem:$0x3FAA] =	sst s2  }
0xb: {  	[smem:$0x3FAB] =	sst s3  }
0xc: {  	[smem:$0x3FAC] =	sst s4  }
0xd: {  	[smem:$0x3FAD] =	sst s5  }
0xe: {  	[smem:$0x3FAE] =	sst s6  }
0xf: {  	[smem:$0x3FAF] =	sst s7  }
0x10: {  	[smem:$0x3FB0] =	sst s8  }
0x11: {  	[smem:$0x3FB1] =	sst s9;
	s0 =	simm.s32 @!p0 $0x0  }
0x12: {  	s1 =	sld [smem:$0x3F97];
	s0 =	simm.s32 @p0 $0x1  }
0x13: {  	[smem:$0x3FB2] =	sst s0;
	s0 =	simm.s32 @!p1 $0x0  }
0x14: {  	s2 =	sld [smem:$0x3F96];
	s0 =	simm.s32 @p1 $0x1  }
0x15: {  	[smem:$0x3FB3] =	sst s0;
	s0 =	simm.s32 @!p2 $0x0  }
0x16: {  	s3 =	sld [smem:$0x3FDB];
	s0 =	simm.s32 @p2 $0x1  }
0x17: {  	s4 =	simm.s32 $0x1BF5;
	[smem:$0x3FB5] =	sst s0  }
0x18: {  	s0 =	sld [smem:$0x3F98];
	_ =	swait.ge [sflag:s4], $0x0  }
0x19: {  	s7 =	sld [smem:$0x3F99]  }
0x1a: {  	s8 =	sadd.s32 $0xFFFFE003, lr  }
0x1b: {  	s9 =	sadd.s32 $0xFFFFFEF7, lr;
	s5 =	simm.s32 $0xFFFFFFFF;
	p2 =	slt.u32 s8, $0xFFFFF086  }
0x1c: {  	p1 =	slt.u32 s9, $0xF7A;
	s5 =	simm.s32 @!p2 $0x0  }
0x1d: {  	s5 =	simm.s32 @p1 $0x1;
	p0 =	seq.s32 s7, s2  }
0x1e: {  	s7 =	smul.u32 @!p0 $0xF7A, s2;
	p2 =	seq.s32 @!p0 s5, $0x0  }
0x1f: {  	s9 =	smul.u32 $0xF7A, s1;
	s8 =	simm.s32 @!p0 $0x1BF5;
	p2 =	por !p2, p0  }
0x20: {  	[sflag:s8] =	ssyncset.s32 @!p0 $0xFFFFF086;
	s6 =	sadd.s32 @!p0 s3, s7;
	s7 =	simm.s32 @!p0 $0x108  }
0x21: {  	s3 =	sadd.s32 s3, s9;
	s6 =	sadd.s32 @!p0 $0x88, s6;
	s7 =	simm.s32 @p2 $0x1082  }
0x22: {  	[simem:s7], [sflag:s8] =	dma.local @!p0 [hbm:s6], $0xF7A  }
0x23: {  	s9 =	sor.u32 $0xD0000000, s2;
	s6 =	simm.s32 $0x108;
	_ =	swait.ge @!p0 [sflag:s8], $0x0  }
0x24: {  	s3 =	sadd.s32 $0x88, s3;
	s6 =	simm.s32 @!p1 $0x1082;
	[sflag:s4] =	ssyncset.s32 $0xFFFFF086  }
0x25: {  	[simem:s6], [sflag:s4] =	dma.local [hbm:s3], $0xF7A  }
0x26: {  	[smem:$0x3F99] =	sst s1;
	(tag) =	ssettag s2;
	_ =	strace s9  }
0x27: {  	s1 =	sld [smem:$0x3FA9]  }
0x28: {  	s2 =	sld [smem:$0x3FAA]  }
0x29: {  	s4 =	sld [smem:$0x3FAC]  }
0x2a: {  	p0 =	seq.s32 s5, $0x0;
	s5 =	sld [smem:$0x3FAD]  }
0x2b: {  	s6 =	sld [smem:$0x3FAE]  }
0x2c: {  	s7 =	sld [smem:$0x3FAF]  }
0x2d: {  	s3 =	simm.s32 $0x108;
	s8 =	sld [smem:$0x3FB0]  }
0x2e: {  	s3 =	simm.s32 @!p0 $0x1082;
	s9 =	sld [smem:$0x3FB1]  }
0x2f: {  	lr =	sadd.s32 s0, s3;
	s0 =	sld [smem:$0x3FA8]  }
0x30: {  	s3 =	sld [smem:$0x3FAB]  }
0x31: {  	[smem:$0x3FB4] =	sst s10  }
0x32: {  	s10 =	sld [smem:$0x3FB2];
	_ =	sdelay $0x3  }
0x33: {  	p0 =	seq.s32 s10, $0x1;
	s10 =	sld [smem:$0x3FB4];
	_ =	sdelay $0x3  }
0x34: {  	[smem:$0x3FB4] =	sst s10  }
0x35: {  	s10 =	sld [smem:$0x3FB3];
	_ =	sdelay $0x3  }
0x36: {  	p1 =	seq.s32 s10, $0x1;
	s10 =	sld [smem:$0x3FB4];
	_ =	sdelay $0x3  }
0x37: {  	[smem:$0x3FB4] =	sst s10  }
0x38: {  	s10 =	sld [smem:$0x3FB5]  }
0x39: {  	_ = 	snop;
	(pc) =	sbr.ind lr, $3  }
0x3a: {  	_ = 	snop  }
0x3b: {  	_ = 	snop  }
0x3c: {  	p2 =	seq.s32 s10, $0x1;
	s10 =	sld [smem:$0x3FB4]  }
0x3d: {  	_ =	shalt  }
0x3e: {  	_ =	shalt  }
0x3f: {  	_ =	shalt  }
0x40: {  	_ =	shalt  }
0x41: {  	_ =	shalt  }
0x42: {  	_ =	shalt  }
0x43: {  	_ =	shalt  }
0x44: {  	_ =	shalt  }
0x45: {  	_ =	shalt  }
0x46: {  	_ =	shalt  }
0x47: {  	_ =	shalt  }
0x48: {  	_ =	shalt  }
0x49: {  	_ =	shalt  }
0x4a: {  	_ =	shalt  }
0x4b: {  	_ =	shalt  }
0x4c: {  	_ =	shalt  }
0x4d: {  	_ =	shalt  }
0x4e: {  	_ =	shalt  }
0x4f: {  	_ =	shalt  }
0x50: {  	_ =	shalt  }
0x51: {  	_ =	shalt  }
0x52: {  	_ =	shalt  }
0x53: {  	_ =	shalt  }
0x54: {  	_ =	shalt  }
0x55: {  	_ =	shalt  }
0x56: {  	_ =	shalt  }
0x57: {  	_ =	shalt  }
0x58: {  	_ =	shalt  }
0x59: {  	_ =	shalt  }
0x5a: {  	_ =	shalt  }
0x5b: {  	_ =	shalt  }
0x5c: {  	_ =	shalt  }
0x5d: {  	_ =	shalt  }
0x5e: {  	_ =	shalt  }
0x5f: {  	_ =	shalt  }
0x60: {  	_ =	shalt  }
0x61: {  	_ =	shalt  }
0x62: {  	_ =	shalt  }
0x63: {  	_ =	shalt  }
0x64: {  	_ =	shalt  }
0x65: {  	_ =	shalt  }
0x66: {  	_ =	shalt  }
0x67: {  	_ =	shalt  }
0x68: {  	_ =	shalt  }
0x69: {  	_ =	shalt  }
0x6a: {  	_ =	shalt  }
0x6b: {  	_ =	shalt  }
0x6c: {  	_ =	shalt  }
0x6d: {  	_ =	shalt  }
0x6e: {  	_ =	shalt  }
0x6f: {  	_ =	shalt  }
0x70: {  	_ =	shalt  }
0x71: {  	_ =	shalt  }
0x72: {  	_ =	shalt  }
0x73: {  	_ =	shalt  }
0x74: {  	_ =	shalt  }
0x75: {  	_ =	shalt  }
0x76: {  	_ =	shalt  }
0x77: {  	_ =	shalt  }
0x78: {  	_ =	shalt  }
0x79: {  	_ =	shalt  }
0x7a: {  	_ =	shalt  }
0x7b: {  	_ =	shalt  }
0x7c: {  	_ =	shalt  }
0x7d: {  	_ =	shalt  }
0x7e: {  	_ =	shalt  }
0x7f: {  	_ =	shalt  }
0x80: {  	_ =	shalt  }
0x81: {  	_ =	shalt  }
0x82: {  	_ =	shalt  }
0x83: {  	_ =	shalt  }
0x84: {  	_ =	shalt  }
0x85: {  	_ =	shalt  }
0x86: {  	_ =	shalt  }
0x87: {  	_ =	shalt  }
.Lfunc_end0:
.L_simem_size_0:
called_computation.3_lowered:
.L_overlay_start_0:
0x88: {  	s2 =	sld [smem:$0x3FD9]  }
0x89: {  	s3 =	sld [smem:$0x3FFE];
	_ =	sdelay $0x1  }
0x8a: {  	s1 =	srdreg.scid  }
0x8b: {  	s0 =	sand.u32 $0x1, s1  }
0x8c: {  	s17 =	sshll.u32 s0, $0xA;
	s2 =	sadd.s32 s3, s2  }
0x8d: {  	s2 =	sadd.s32 s2, s17  }
0x8e: {  	[smem:$0x3FC0] =	sst s2  }
0x8f: {  	_ = 	snop  }
0x90: {  	s2 =	sld [smem:$0x3FD0];
	(tm) =	ssettm $0x1  }
0x91: {  	s18 =	sld [smem:$0x3FFB];
	_ =	sdelay $0x3  }
0x92: {  	_ =	strace s18  }
0x93: {  	s3 =	sld [smem:$0x3FFC];
	_ =	sdelay $0x3  }
0x94: {  	_ =	strace s3  }
0x95: {  	s3 =	sld [smem:$0x3FFD];
	_ =	sdelay $0x3  }
0x96: {  	_ =	strace s3  }
0x97: {  	_ =	strace $0x8FFFFFFF  }
0x98: {  	s19 =	sld [smem:$0x3FDB];
	_ =	sdelay $0x1  }
0x99: {  	s4 =	simm.s32 $_scs_section_size  }
0x9a: {  	s5 =	simm.s32 $_size__tile_overlayer_lowered;
	s6 =	simm.s32 $_tile_overlayer_lowered  }
0x9b: {  	s22 =	simm.s32 $0x1BFF;
	s21 =	sshll.u32 s6, $0x1;
	s3 =	sadd.s32 s4, s19  }
0x9c: {  	s7 =	simm.s32 $0x0;
	s20 =	sshll.u32 s5, $0x1;
	s5 =	sadd.s32 s21, s3  }
0x9d: {  	[timem:s7], [sflag:s22] =	dma.local [hbm:s5], s20  }
0x9e: {  	_ =	swait.ge [sflag:s22], s20  }
0x9f: {  	s4 =	ssub.s32 $0x0, s20;
	[sflag:s22] =	ssyncset.done $0x0  }
0xa0: {  	[sflag:s22] =	ssyncadd.s32 s4;
	_ =	sdelay $0x1  }
0xa1: {  	s23 =	simm.s32 $0x1B8B  }
0xa2: {  	_ =	swait.ge [sflag:s23], $0x1  }
0xa3: {  	[sflag:s23] =	ssyncset.done $0x0  }
0xa4: {  	s25 =	simm.s32 $0x1B8E;
	s24 =	sld [smem:$0x3FFE];
	[sflag:s23] =	ssyncadd.s32 $0xFFFFFFFF  }
0xa5: {  	s26 =	simm.s32 $execute0_lowered;
	[smem:$0x3FD2] =	sst s25  }
0xa6: {  	s5 =	sshll.u32 s26, $0x1;
	_ =	strace $0x8000004F;
	[dreg:$0x1] =	wrdreg $0xFFFFFFFF  }
0xa7: {  	s28 =	simm.s32 $_size_execute0_lowered;
	s3 =	sadd.s32 s3, s5;
	[dreg:$0x0] =	wrdreg $0x0  }
0xa8: {  	s5 =	sshll.u32 s28, $0x1;
	[dreg:$0x2] =	wrdreg s3  }
0xa9: {  	[dreg:$0x3] =	wrdreg s5  }
0xaa: {  	[dreg:$0x4] =	wrdreg $0xC0  }
0xab: {  	_ =	task [dreg:s7], $0x5FFFF  }
0xac: {  	[dreg:$0x1] =	wrdreg $0xFFFFFFFF  }
0xad: {  	[dreg:$0x0] =	wrdreg $0x60  }
0xae: {  	[dreg:$0x2] =	wrdreg s24  }
0xaf: {  	[dreg:$0x3] =	wrdreg s2  }
0xb0: {  	[dreg:$0x4] =	wrdreg $0x0  }
0xb1: {  	[dreg:$0x5] =	wrdreg $0x9  }
0xb2: {  	_ =	task.clear_ibuf [dreg:s7], $0x6FFFF;
	_ =	strace $0x9000004F  }
0xb3: {  	s29 =	simm.s32 $0x9;
	_ =	strace $0x80000051  }
0xb4: {  	_ =	swait.ge [sflag:s29], $0x1  }
0xb5: {  	[sflag:s29] =	ssyncadd.s32 $0xFFFFFFFF  }
0xb6: {  	_ =	strace $0x90000051  }
0xb7: {  	_ =	sfence  }
0xb8: {  	s30 =	sld [smem:$0x0];
	_ =	sdelay $0x2  }
0xb9: {  	s31 =	sshll.u32 s1, $0xD;
	s1 =	sshrl.u32 s1, $0x2  }
0xba: {  	s3 =	sand.u32 $0x4000, s31;
	s1 =	sadd.s32 s1, s30  }
0xbb: {  	s0 =	sor.u32 s3, s0;
	s1 =	sshll.u32 s1, $0x11  }
0xbc: {  	s0 =	sor.u32 s1, s0  }
0xbd: {  	s0 =	sadd.s32 $0x8F2B, s0  }
0xbe: {  	[sflag:s0] =	ssyncadd.remote.s32 $0x1  }
0xbf: {  	_ =	sfence.sel $0xFFFF  }
0xc0: {  	[dreg:$0x0] =	wrdreg $0xFFFFFFFF;
	(pc) =	sbr.abs _section_cstart, $3  }
0xc1: {  	[dreg:$0x1] =	wrdreg $0xFFFFFFFF  }
0xc2: {  	_ =	task.clear_ibuf [dreg:s7], $0x2FFFF;
	_ =	strace $0x9FFFFFFF  }
0xc3: {  	(tm) =	ssettm $0x7FFFFFFF  }
tec
execute0_lowered:
.L_overlay_start_1:
0x0: {  	(tag) =	ssettag $0x1  }
0x1: {  	s6 =	rddreg [dreg:$0x0]  }
0x2: {  	s7 =	rddreg [dreg:$0x1]  }
0x3: {  	s1 =	srdreg.scid;
	s0 =	stileid.u32  }
0x4: {  	s2 =	rddreg [dreg:$0x2];
	s3 =	simm.s32 $0x0;
	s22 =	simm.s32 $0x19000  }
0x5: {  	s23 =	simm.s32 $0x80;
	s24 =	simm.s32 $0x1;
	s25 =	simm.s32 $0x0  }
0x6: {  	s9 =	sand.u32 $0x1, s1;
	s4 =	sshll.u32 s0, $0x1;
	s1 =	rddreg [dreg:$0x3]  }
0x7: {  	[smem:$0x7FF] =	sst s3;
	s5 =	sadd.s32 $0x4000, s6;
	s13 =	smul.u32 $0x50000, s0  }
0x8: {  	s17 =	sadd.s32 $0x36E00, s6;
	s26 =	smul.u32 $0x14000, s0;
	s4 =	sor.u32 s9, s4  }
0x9: {  	_ =	strace $0x80000050;
	s11 =	ssub.s32 $0x2, s9;
	s15 =	smul.u32 $0x140000, s9  }
0xa: {  	s8 =	smul.u32 $0x500, s4;
	s4 =	sadd.s32 $0xEE00, s6;
	s12 =	sshrl.u32 s11, $0x1  }
0xb: {  	s28 =	sshrl.u32 s13, $0x2;
	s29 =	sadd.s32 $0x4000, s26;
	s16 =	sadd.s32 $0x8000, s26  }
0xc: {  	s19 =	sadd.s32 $0xC000, s26;
	s20 =	sadd.s32 $0x10000, s26;
	s18 =	ssub.s32 s11, s12  }
0xd: {  	s9 =	sadd.s32 s29, s2;
	s11 =	sadd.s32 s19, s2;
	s14 =	sadd.s32 s26, s15  }
0xe: {  	s21 =	sadd.s32 s15, s29;
	s12 =	sadd.s32 s20, s2;
	s19 =	sadd.s32 s15, s19  }
0xf: {  	s20 =	sadd.s32 s15, s20;
	s10 =	sadd.s32 s8, s6;
	s7 =	sadd.s32 s7, s8  }
0x10: {  	s8 =	sadd.s32 s28, s2;
	s14 =	sshrl.u32 s14, $0x3;
	s30 =	sshrl.u32 s21, $0x3  }
0x11: {  	s19 =	sshrl.u32 s19, $0x3;
	s31 =	sshrl.u32 s20, $0x3;
	s18 =	smax.u32 s18, $0x1  }
0x12: {  	s6 =	sadd.s32 $0x4E00, s10;
	s10 =	sadd.s32 s16, s2;
	s16 =	sadd.s32 s15, s16  }
0x13: {  	s20 =	simm.s32 $0x2;
	s21 =	simm.s32 $0x16800;
	s16 =	sshrl.u32 s16, $0x3  }
0x14: {  	s13 =	sadd.s32 s17, s14;
	s14 =	sadd.s32 s17, s30;
	s15 =	sadd.s32 s17, s16  }
0x15: {  	s16 =	sadd.s32 s17, s19;
	s17 =	sadd.s32 s17, s31;
	s19 =	simm.s32 $0x14000  }
.LBB2_1:
0x16: {  	[tilespmem:s19], [sflag:$0x2] =	stream.linear.gather [hbm4b:s6+s3], $0x2780, $0x38;
	[tilespmem:$0x1D000] =	vst v63  }
0x17: {  	_ =	swait.ge [sflag:s20], $0x2780  }
0x18: {  	[sflag:s20] =	ssyncset.done $0x0  }
0x19: {  	[sflag:s20] =	ssyncadd.s32 $0xFFFFD880  }
0x1a: {  	[tilespmem:s21], [sflag:$0x2] =	stream.linear.gather [hbm4b:s7+s3], $0x2780, $0x38;
	[tilespmem:$0x1D000] =	vst v63  }
0x1b: {  	_ =	swait.ge [sflag:s20], $0x2780  }
0x1c: {  	[sflag:s20] =	ssyncset.done $0x0  }
0x1d: {  	[sflag:s20] =	ssyncadd.s32 $0xFFFFD880  }
0x1e: {  	[tilespmem:s22], [sflag:$0x2] =	stream.linear.gather [hbm4b:s5+s3], $0x4000, $0x38;
	[tilespmem:$0x1D000] =	vst v63  }
0x1f: {  	_ =	swait.ge [sflag:s20], $0x4000  }
0x20: {  	[sflag:s20] =	ssyncset.done $0x0  }
0x21: {  	[sflag:s20] =	ssyncadd.s32 $0xFFFFC000  }
0x22: {  	[spmem:s8] =	stream.linear.scatter [tilespmem:s22], [sflag:$0x2], $0x4000, $0x38;
	[tilespmem:$0x1D000] =	vst v63  }
0x23: {  	_ =	swait.ge [sflag:s20], $0x4000  }
0x24: {  	[sflag:s20] =	ssyncset.done $0x0  }
0x25: {  	[sflag:s20] =	ssyncadd.s32 $0xFFFFC000  }
0x26: {  	[spmem:s9] =	stream.linear.scatter [tilespmem:s22], [sflag:$0x2], $0x4000, $0x38;
	[tilespmem:$0x1D000] =	vst v63  }
0x27: {  	_ =	swait.ge [sflag:s20], $0x4000  }
0x28: {  	[sflag:s20] =	ssyncset.done $0x0  }
0x29: {  	[sflag:s20] =	ssyncadd.s32 $0xFFFFC000  }
0x2a: {  	[spmem:s10] =	stream.linear.scatter [tilespmem:s22], [sflag:$0x2], $0x4000, $0x38;
	[tilespmem:$0x1D000] =	vst v63  }
0x2b: {  	_ =	swait.ge [sflag:s20], $0x4000  }
0x2c: {  	[sflag:s20] =	ssyncset.done $0x0  }
0x2d: {  	[sflag:s20] =	ssyncadd.s32 $0xFFFFC000  }
0x2e: {  	[spmem:s11] =	stream.linear.scatter [tilespmem:s22], [sflag:$0x2], $0x4000, $0x38;
	[tilespmem:$0x1D000] =	vst v63  }
0x2f: {  	_ =	swait.ge [sflag:s20], $0x4000  }
0x30: {  	[sflag:s20] =	ssyncset.done $0x0  }
0x31: {  	[sflag:s20] =	ssyncadd.s32 $0xFFFFC000  }
0x32: {  	[spmem:s12] =	stream.linear.scatter [tilespmem:s22], [sflag:$0x2], $0x4000, $0x38;
	[tilespmem:$0x1D000] =	vst v63  }
0x33: {  	_ =	swait.ge [sflag:s20], $0x4000  }
0x34: {  	[sflag:s20] =	ssyncset.done $0x0  }
0x35: {  	[sflag:s20] =	ssyncadd.s32 $0xFFFFC000  }
0x36: {  	s26 =	simm.s32 $0x14000;
	[bflag:$0x0] =	sbarrier.arrive $0xFFFF  }
0x37: {  	[tilespmem:s22], [sflag:$0x1] =	stream.indirect.gather [hbm4b:s4+s23], $0x80, s26, s23, $0xb8;
	[tilespmem:$0x1D000] =	vst v63  }
0x38: {  	_ =	swait.ge [sflag:s24], $0x4000  }
0x39: {  	[sflag:s24] =	ssyncset.done $0x0  }
0x3a: {  	s31 =	simm.s32 $0x16800;
	[sflag:s24] =	ssyncadd.s32 $0xFFFFC000  }
0x3b: {  	[spmem:s2] =	stream.indirect.scatter.add.f32 [tilespmem:s22], [sflag:$0x2], $0x80, s31, s23, $0xb8;
	[tilespmem:$0x1D000] =	vst v63  }
0x3c: {  	_ =	swait.ge [sflag:s20], $0x4000  }
0x3d: {  	s28 =	simm.s32 $0x400;
	s26 =	simm.s32 $0x80;
	[sflag:s20] =	ssyncset.done $0x0  }
.LBB2_2:
0x3e: {  	s29 =	sadd.s32 $0x14000, s26  }
0x3f: {  	[sflag:s20] =	ssyncadd.s32 $0xFFFFC000;
	s30 =	smov.u32 s28;
	s31 =	sadd.s32 $0x200, s28  }
0x40: {  	[tilespmem:s22], [sflag:$0x1] =	stream.indirect.gather [hbm4b:s4+s23], $0x80, s29, s23, $0xb8;
	[tilespmem:$0x1D000] =	vst v63  }
0x41: {  	p0 =	sne.s32 s28, $0x9C00;
	_ =	swait.ge [sflag:s24], $0x4000  }
.Ltmp0:
0x42: {  	[sflag:s24] =	ssyncset.done $0x0;
	(pc) =	sbr.rel @p0 .LBB2_2-.Ltmp0, $4  }
0x43: {  	s26 =	sadd.s32 $0x16800, s26;
	[sflag:s24] =	ssyncadd.s32 $0xFFFFC000  }
0x44: {  	[spmem:s2] =	stream.indirect.scatter.add.f32 [tilespmem:s22], [sflag:$0x2], $0x80, s26, s23, $0xb8;
	[tilespmem:$0x1D000] =	vst v63  }
0x45: {  	_ =	swait.ge [sflag:s20], $0x4000  }
0x46: {  	s28 =	smov.u32 s31;
	s26 =	sshra.s32 s30, $0x2;
	[sflag:s20] =	ssyncset.done $0x0  }
0x47: {  	s28 =	sadd.s32 $0x14000, s26;
	[sflag:s20] =	ssyncadd.s32 $0xFFFFC000  }
0x48: {  	[tilespmem:s22], [sflag:$0x1] =	stream.indirect.gather [hbm4b:s4+s23], $0x80, s28, s23, $0xb8;
	[tilespmem:$0x1D000] =	vst v63  }
0x49: {  	_ =	swait.ge [sflag:s24], $0x4000  }
0x4a: {  	[sflag:s24] =	ssyncset.done $0x0  }
0x4b: {  	s31 =	sadd.s32 $0x16800, s26;
	[sflag:s24] =	ssyncadd.s32 $0xFFFFC000  }
0x4c: {  	[spmem:s2] =	stream.indirect.scatter.add.f32 [tilespmem:s22], [sflag:$0x2], $0x80, s31, s23, $0xb8;
	[tilespmem:$0x1D000] =	vst v63  }
0x4d: {  	_ =	swait.ge [sflag:s20], $0x4000  }
0x4e: {  	[sflag:s20] =	ssyncset.done $0x0  }
0x4f: {  	[sflag:s20] =	ssyncadd.s32 $0xFFFFC000  }
0x50: {  	[bflag:$0x0] =	sbarrier.arrive $0xFFFF  }
0x51: {  	[tilespmem:s22], [sflag:$0x2] =	stream.linear.gather [spmem:s8], $0x4000, $0x38;
	[tilespmem:$0x1D000] =	vst v63  }
0x52: {  	_ =	swait.ge [sflag:s20], $0x4000  }
0x53: {  	[sflag:s20] =	ssyncset.done $0x0  }
0x54: {  	[sflag:s20] =	ssyncadd.s32 $0xFFFFC000  }
0x55: {  	[hbm4b:s13+s3] =	stream.linear.scatter [tilespmem:s22], [sflag:$0x2], $0x4000, $0x38;
	[tilespmem:$0x1D000] =	vst v63  }
0x56: {  	_ =	swait.ge [sflag:s20], $0x4000  }
0x57: {  	[sflag:s20] =	ssyncset.done $0x0  }
0x58: {  	[sflag:s20] =	ssyncadd.s32 $0xFFFFC000  }
0x59: {  	[tilespmem:s22], [sflag:$0x2] =	stream.linear.gather [spmem:s9], $0x4000, $0x38;
	[tilespmem:$0x1D000] =	vst v63  }
0x5a: {  	_ =	swait.ge [sflag:s20], $0x4000  }
0x5b: {  	[sflag:s20] =	ssyncset.done $0x0  }
0x5c: {  	[sflag:s20] =	ssyncadd.s32 $0xFFFFC000  }
0x5d: {  	[hbm4b:s14+s3] =	stream.linear.scatter [tilespmem:s22], [sflag:$0x2], $0x4000, $0x38;
	[tilespmem:$0x1D000] =	vst v63  }
0x5e: {  	_ =	swait.ge [sflag:s20], $0x4000  }
0x5f: {  	[sflag:s20] =	ssyncset.done $0x0  }
0x60: {  	[sflag:s20] =	ssyncadd.s32 $0xFFFFC000  }
0x61: {  	[tilespmem:s22], [sflag:$0x2] =	stream.linear.gather [spmem:s10], $0x4000, $0x38;
	[tilespmem:$0x1D000] =	vst v63  }
0x62: {  	_ =	swait.ge [sflag:s20], $0x4000  }
0x63: {  	[sflag:s20] =	ssyncset.done $0x0  }
0x64: {  	[sflag:s20] =	ssyncadd.s32 $0xFFFFC000  }
0x65: {  	[hbm4b:s15+s3] =	stream.linear.scatter [tilespmem:s22], [sflag:$0x2], $0x4000, $0x38;
	[tilespmem:$0x1D000] =	vst v63  }
0x66: {  	_ =	swait.ge [sflag:s20], $0x4000  }
0x67: {  	[sflag:s20] =	ssyncset.done $0x0  }
0x68: {  	[sflag:s20] =	ssyncadd.s32 $0xFFFFC000  }
0x69: {  	[tilespmem:s22], [sflag:$0x2] =	stream.linear.gather [spmem:s11], $0x4000, $0x38;
	[tilespmem:$0x1D000] =	vst v63  }
0x6a: {  	_ =	swait.ge [sflag:s20], $0x4000  }
0x6b: {  	[sflag:s20] =	ssyncset.done $0x0  }
0x6c: {  	[sflag:s20] =	ssyncadd.s32 $0xFFFFC000  }
0x6d: {  	[hbm4b:s16+s3] =	stream.linear.scatter [tilespmem:s22], [sflag:$0x2], $0x4000, $0x38;
	[tilespmem:$0x1D000] =	vst v63  }
0x6e: {  	_ =	swait.ge [sflag:s20], $0x4000  }
0x6f: {  	[sflag:s20] =	ssyncset.done $0x0  }
0x70: {  	[sflag:s20] =	ssyncadd.s32 $0xFFFFC000  }
0x71: {  	[tilespmem:s22], [sflag:$0x2] =	stream.linear.gather [spmem:s12], $0x4000, $0x38;
	[tilespmem:$0x1D000] =	vst v63  }
0x72: {  	s25 =	sadd.s32 $0x1, s25;
	_ =	swait.ge [sflag:s20], $0x4000  }
0x73: {  	p0 =	sne.s32 s25, s18;
	[sflag:s20] =	ssyncset.done $0x0  }
.Ltmp1:
0x74: {  	[sflag:s20] =	ssyncadd.s32 $0xFFFFC000;
	(pc) =	sbr.rel @p0 .LBB2_1-.Ltmp1, $4  }
0x75: {  	[hbm4b:s17+s3] =	stream.linear.scatter [tilespmem:s22], [sflag:$0x2], $0x4000, $0x38;
	[tilespmem:$0x1D000] =	vst v63  }
0x76: {  	_ =	swait.ge [sflag:s20], $0x4000  }
0x77: {  	[sflag:s20] =	ssyncset.done $0x0  }
0x78: {  	[sflag:s20] =	ssyncadd.s32 $0xFFFFC000  }
0x79: {  	_ =	sfence.sel $0x180000  }
0x7a: {  	[bflag:$0x0] =	sbarrier.arrive $0xFFFF  }
0x7b: {  	p0 =	sne.s32 s0, $0x0;
	_ =	strace $0x90000050  }
0x7c: {  	s0 =	sadd.s32 @!p0 $0x100000, s1;
	[bflag:$0x2] =	sbarrier.arrive $0xFFFF  }
0x7d: {  	[sflag:s0] =	ssyncadd.tile.s32 @!p0 $0x1;
	_ =	shalt  }
.Lfunc_end2:
_tile_overlayer_lowered:
.L_overlay_start_2:
0x7e: {  	(tag) =	ssettag $0x2  }
0x7f: {  	s0 =	rddreg [dreg:$0x0];
	s2 =	stileid.u32  }
0x80: {  	s1 =	rddreg [dreg:$0x1];
	p0 =	sne.s32 s2, $0x0  }
0x81: {  	s3 =	rddreg [dreg:$0x2];
	[bflag:$0x3] =	sbarrier.arrive $0xFFFF;
	s2 =	simm.s32 @!p0 $0x1C02  }
0x82: {  	[timem:s3], [sflag:s2] =	dma.local @!p0 [hbm:s0], s1  }
0x83: {  	s0 =	simm.s32 @!p0 $0x2  }
0x84: {  	_ =	swait.ge @!p0 [sflag:s0], s1  }
0x85: {  	s1 =	ssub.s32 @!p0 $0x0, s1;
	[sflag:s0] =	ssyncset.done @!p0 $0x0  }
0x86: {  	[sflag:s0] =	ssyncadd.s32 @!p0 s1  }
0x87: {  	[bflag:$0x3] =	sbarrier.arrive $0xFFFF  }
0x88: {  	_ =	shalt  }

</sc_bundles>
